<compile_context>
chip_gen: v7x
topology: tpu7x:2x2x1
jax: 0.10.2.dev20260603
libtpu: 0.0.44.dev20260713+nightly
codegen_flags: <defaults>
</compile_context>

<pallas_src>
import jax
import jax.numpy as jnp
from jax import lax
from jax.experimental import pallas as pl
from jax.experimental.pallas import tpu as pltpu
from jax.experimental.pallas import tpu_sc as plsc

B = 4096
O = 10
Q = 50
S = 62
V = 100000
H = 128
E = 32
P = 100012
EPS = 1e-12

UR = 128
NU = (B * S) // UR
NWORK = 32
UPW = NU // NWORK
NSLOT = 3



def _tc_body(types_ref, objpos_ref, attrs_ref, scene_ref,
             cemb_ref, semb_ref, memb_ref, zemb_ref,
             Wp_ref, bp_ref, Ws_ref, bs_ref, Wr_ref, br_ref,
             dense_ref, mask_ref, omask_ref):
    t = types_ref[...]
    mask_ref[...] = jnp.where(t >= 1, 0.0, -10000.0).reshape(
        t.shape[0], 1, 1, S).astype(jnp.float32)
    omask_ref[...] = (t == 1).astype(jnp.float32)

    x = objpos_ref[...]
    op = jnp.tanh(jnp.dot(x, Wp_ref[...],
                          preferred_element_type=jnp.float32) + bp_ref[...])

    a = attrs_ref[...]
    iota4 = lax.broadcasted_iota(jnp.int32, (1, 4), 1)
    oc = jnp.dot((a[:, 0:1] == iota4).astype(jnp.float32), cemb_ref[...],
                 preferred_element_type=jnp.float32)
    osh = jnp.dot((a[:, 1:2] == iota4).astype(jnp.float32), semb_ref[...],
                  preferred_element_type=jnp.float32)
    om = jnp.dot((a[:, 2:3] == iota4).astype(jnp.float32), memb_ref[...],
                 preferred_element_type=jnp.float32)
    oz = jnp.dot((a[:, 3:4] == iota4).astype(jnp.float32), zemb_ref[...],
                 preferred_element_type=jnp.float32)

    ore_in = jnp.concatenate([op, oc, osh, om, oz], axis=1)
    ore = jnp.dot(ore_in, Wr_ref[...],
                  preferred_element_type=jnp.float32) + br_ref[...]

    ss = jnp.tanh(jnp.dot(scene_ref[...], Ws_ref[...],
                          preferred_element_type=jnp.float32) + bs_ref[...])

    bb = t.shape[0]
    dense_ref[:, 0:1, :] = jnp.zeros((bb, 1, H), jnp.float32)
    dense_ref[:, 1:11, :] = ore.reshape(bb, O, H)
    dense_ref[:, 11:12, :] = ss.reshape(bb, 1, H)


def _tc_dense(types_i, objpos, attrs, scene, cemb, semb, memb, zemb,
              Wp, bp, Ws, bs, Wr, br):
    BB = 512
    NBLK = BB * O
    grid = (B // BB,)
    full2 = lambda shape: pl.BlockSpec(shape, lambda i: (0, 0))
    return pl.pallas_call(
        _tc_body,
        grid=grid,
        in_specs=[
            pl.BlockSpec((BB, S), lambda i: (i, 0)),
            pl.BlockSpec((NBLK, 3), lambda i: (i, 0)),
            pl.BlockSpec((NBLK, 4), lambda i: (i, 0)),
            pl.BlockSpec((BB, 3), lambda i: (i, 0)),
            full2((4, E)), full2((4, E)), full2((4, E)), full2((4, E)),
            full2((3, E)), full2((1, E)),
            full2((3, H)), full2((1, H)),
            full2((5 * E, H)), full2((1, H)),
        ],
        out_specs=[
            pl.BlockSpec((BB, 12, H), lambda i: (i, 0, 0)),
            pl.BlockSpec((BB, 1, 1, S), lambda i: (i, 0, 0, 0)),
            pl.BlockSpec((BB, S), lambda i: (i, 0)),
        ],
        out_shape=[
            jax.ShapeDtypeStruct((B, 12, H), jnp.float32),
            jax.ShapeDtypeStruct((B, 1, 1, S), jnp.float32),
            jax.ShapeDtypeStruct((B, S), jnp.float32),
        ],
    )(types_i, objpos, attrs, scene, cemb, semb, memb, zemb,
      Wp, bp, Ws, bs, Wr, br)



def _group_ln(A, Bs, it_ref, ttab, gv, bv, g):
    lane = lax.broadcasted_iota(jnp.int32, (16,), 0)
    rows = g * 16 + lane
    t16 = it_ref[2, pl.ds(g * 16, 16)]
    zero = jnp.zeros((16,), jnp.float32)

    @plsc.parallel_loop(0, H, unroll=4, carry=(zero, zero))
    def pass1(h, carry):
        sm, sq = carry
        hv = jnp.bitwise_and(h + lane, H - 1)
        v = (plsc.load_gather(A, [rows, hv])
             + plsc.load_gather(Bs, [rows, hv])
             + plsc.load_gather(ttab, [t16, hv]))
        plsc.store_scatter(A, [rows, hv], v)
        return (sm + v, sq + v * v)

    sm, sq = pass1
    mean = sm * (1.0 / H)
    var = sq * (1.0 / H) - mean * mean
    x = var + EPS
    i = plsc.bitcast(x, jnp.int32)
    y = plsc.bitcast(jnp.int32(0x5F3759DF) - (i >> 1), jnp.float32)
    for _ in range(3):
        y = y * (1.5 - 0.5 * x * y * y)

    @plsc.parallel_loop(0, H, unroll=4)
    def pass2(h):
        hv = jnp.bitwise_and(h + lane, H - 1)
        v = plsc.load_gather(A, [rows, hv])
        o = ((v - mean) * y * plsc.load_gather(gv, [hv])
             + plsc.load_gather(bv, [hv]))
        plsc.store_scatter(A, [rows, hv], o)


def _sc_body(idx_hbm, pos_hbm, u_hbm, temb_hbm, gb_hbm, bb_hbm,
             out_hbm,
             A0, A1, A2, B0, B1, B2, I0, I1, I2, ttab, gv, bv,
             gs0, gs1, gs2, is0, is1, is2, ss0, ss1, ss2):
    A = (A0, A1, A2)
    Bs = (B0, B1, B2)
    I = (I0, I1, I2)
    gsem = (gs0, gs1, gs2)
    isem = (is0, is1, is2)
    ssem = (ss0, ss1, ss2)

    wid = lax.axis_index("s") * 2 + lax.axis_index("c")
    base = wid * UPW
    pltpu.sync_copy(temb_hbm, ttab)
    pltpu.sync_copy(gb_hbm, gv)
    pltpu.sync_copy(bb_hbm, bv)

    def issue_idx(u, s):
        pltpu.async_copy(idx_hbm.at[u], I[s], isem[s])

    def drain_idx(u, s):
        pltpu.make_async_copy(idx_hbm.at[u], I[s], isem[s]).wait()

    def issue_gathers(s):
        pltpu.async_copy(pos_hbm.at[I[s].at[0]], A[s], gsem[s])
        pltpu.async_copy(u_hbm.at[I[s].at[1]], Bs[s], gsem[s])

    def drain_gathers(s):
        pltpu.make_async_copy(pos_hbm.at[I[s].at[0]], A[s], gsem[s]).wait()
        pltpu.make_async_copy(u_hbm.at[I[s].at[1]], Bs[s], gsem[s]).wait()

    def issue_store(u, s):
        pltpu.async_copy(A[s], out_hbm.at[pl.ds(u * UR, UR)], ssem[s])

    def drain_store(u, s):
        pltpu.make_async_copy(A[s], out_hbm.at[pl.ds(u * UR, UR)],
                              ssem[s]).wait()

    def compute(s):
        lax.fori_loop(
            0, UR // 16,
            lambda g, _: (_group_ln(A[s], Bs[s], I[s], ttab, gv, bv, g), 0)[1],
            0)

    def position(u, s, first=False, last=False, idx3=True):
        if not last:
            sn = (s + 1) % 3
            drain_idx(u + 1, sn)
            if not first:
                drain_store(u - 2, sn)
            issue_gathers(sn)
        drain_gathers(s)
        compute(s)
        issue_store(u, s)
        if idx3:
            issue_idx(u + 3, s)

    issue_idx(base + 0, 0)
    issue_idx(base + 1, 1)
    issue_idx(base + 2, 2)
    drain_idx(base + 0, 0)
    issue_gathers(0)

    position(base + 0, 0, first=True)
    position(base + 1, 1, first=True)

    def body(k, _):
        u = base + 2 + 3 * k
        position(u, 2)
        position(u + 1, 0)
        position(u + 2, 1)
        return 0

    lax.fori_loop(0, (UPW - 5) // 3, body, 0)

    position(base + UPW - 3, 2, idx3=False)
    position(base + UPW - 2, 0, idx3=False)
    position(base + UPW - 1, 1, idx3=False, last=True)
    drain_store(base + UPW - 3, 2)
    drain_store(base + UPW - 2, 0)
    drain_store(base + UPW - 1, 1)


def _sc_embed(idx_all, pos_emb, u_table, type_emb, gammav, betav):
    mesh = plsc.VectorSubcoreMesh(core_axis_name="c", subcore_axis_name="s",
                                  num_cores=2, num_subcores=16)
    fn = pl.kernel(
        _sc_body,
        out_type=jax.ShapeDtypeStruct((B * S, H), jnp.float32),
        mesh=mesh,
        scratch_types=(
            [pltpu.VMEM((UR, H), jnp.float32) for _ in range(NSLOT)]
            + [pltpu.VMEM((UR, H), jnp.float32) for _ in range(NSLOT)]
            + [pltpu.VMEM((3, UR), jnp.int32) for _ in range(NSLOT)]
            + [pltpu.VMEM((4, H), jnp.float32),
               pltpu.VMEM((H,), jnp.float32),
               pltpu.VMEM((H,), jnp.float32)]
            + [pltpu.SemaphoreType.DMA] * (3 * NSLOT)
        ),
        compiler_params=pltpu.CompilerParams(needs_layout_passes=False),
    )
    return fn(idx_all, pos_emb, u_table, type_emb, gammav, betav)



def kernel(positions, types, object_positions, object_colors, object_shapes,
           object_materials, object_sizes, scene_state, questions,
           q_emb, pos_emb, type_emb, color_emb, shape_emb, mat_emb, size_emb,
           Wp, bp, Ws, bs, Wr, br, gamma, beta):
    positions = positions.astype(jnp.int32)
    types_i = types.astype(jnp.int32)
    questions_i = questions.astype(jnp.int32)

    objpos = object_positions.reshape(B * O, 3)
    attrs = jnp.stack([object_colors, object_shapes, object_materials,
                       object_sizes], axis=-1).reshape(B * O, 4).astype(jnp.int32)
    scene = scene_state.reshape(B, 3)

    dense, mask, omask = _tc_dense(
        types_i, objpos, attrs, scene,
        color_emb, shape_emb, mat_emb, size_emb,
        Wp, bp.reshape(1, E), Ws, bs.reshape(1, H), Wr, br.reshape(1, H))

    u_table = jnp.concatenate([dense.reshape(B * 12, H), q_emb], axis=0)
    src_d = (jnp.arange(B, dtype=jnp.int32)[:, None] * 12
             + jnp.arange(12, dtype=jnp.int32)[None, :])
    src_idx = jnp.concatenate([src_d, B * 12 + questions_i], axis=1)

    idx_all = jnp.stack(
        [positions.reshape(NU, UR), src_idx.reshape(NU, UR),
         types_i.reshape(NU, UR)], axis=1)

    emb_flat = _sc_embed(idx_all, pos_emb, u_table, type_emb, gamma, beta)
    return (emb_flat.reshape(B, S, H), mask, omask)

# --- scband reference (transcript-rebuilt; emitter-appended) ---
"""Pipeline reference for scband-multi-modal-embedder-88038239634133 (READ-ONLY COPY).

The authoritative reference and input builder live on the scoring server;
editing this copy changes nothing except your own understanding.
"""

import jax, jax.numpy as jnp
import numpy as np

B = 4096
O = 10
Q = 50
S = 1 + O + 1 + Q  # 62
V = 100000
H = 128
E = 32
P = 1 + 10 + V + 1  # position embedding rows = 100012
EPS = 1e-12


def setup_inputs(seed: int = 0) -> dict:
    key = jax.random.key(seed)
    ks = jax.random.split(key, 24)
    positions = jax.random.randint(ks[0], (B, S), 0, P, dtype=jnp.int64 if jax.config.jax_enable_x64 else jnp.int32)
    types = jax.random.randint(ks[1], (B, S), 0, 4)
    object_positions = jax.random.normal(ks[2], (B, O, 3), dtype=jnp.float32)
    object_colors = jax.random.randint(ks[3], (B, O), 0, 4)
    object_shapes = jax.random.randint(ks[4], (B, O), 0, 4)
    object_materials = jax.random.randint(ks[5], (B, O), 0, 4)
    object_sizes = jax.random.randint(ks[6], (B, O), 0, 4)
    scene_state = jax.random.normal(ks[7], (B, 1, 3), dtype=jnp.float32)
    questions = jax.random.randint(ks[8], (B, Q), 0, V)

    q_emb = (jax.random.normal(ks[9], (V, H), dtype=jnp.float32) * 0.02).at[0].set(0.0)  # padding_idx=0
    pos_emb = jax.random.normal(ks[10], (P, H), dtype=jnp.float32) * 0.02
    type_emb = (jax.random.normal(ks[11], (4, H), dtype=jnp.float32) * 0.02).at[0].set(0.0)  # padding_idx=0
    color_emb = jax.random.normal(ks[12], (4, E), dtype=jnp.float32) * 0.02
    shape_emb = jax.random.normal(ks[13], (4, E), dtype=jnp.float32) * 0.02
    mat_emb = jax.random.normal(ks[14], (4, E), dtype=jnp.float32) * 0.02
    size_emb = jax.random.normal(ks[15], (4, E), dtype=jnp.float32) * 0.02
    Wp = jax.random.normal(ks[16], (3, E), dtype=jnp.float32) * 0.1
    bp = jnp.zeros((E,), dtype=jnp.float32)
    Ws = jax.random.normal(ks[17], (3, H), dtype=jnp.float32) * 0.1
    bs = jnp.zeros((H,), dtype=jnp.float32)
    Wr = jax.random.normal(ks[18], (5 * E, H), dtype=jnp.float32) * 0.05
    br = jnp.zeros((H,), dtype=jnp.float32)
    gamma = jnp.ones((H,), dtype=jnp.float32)
    beta = jnp.zeros((H,), dtype=jnp.float32)

    return {
        'positions': positions, 'types': types, 'object_positions': object_positions,
        'object_colors': object_colors, 'object_shapes': object_shapes,
        'object_materials': object_materials, 'object_sizes': object_sizes,
        'scene_state': scene_state, 'questions': questions,
        'q_emb': q_emb, 'pos_emb': pos_emb, 'type_emb': type_emb,
        'color_emb': color_emb, 'shape_emb': shape_emb, 'mat_emb': mat_emb, 'size_emb': size_emb,
        'Wp': Wp, 'bp': bp, 'Ws': Ws, 'bs': bs, 'Wr': Wr, 'br': br,
        'gamma': gamma, 'beta': beta,
    }


def _layer_norm(x, gamma, beta):
    u = jnp.mean(x, axis=-1, keepdims=True)
    s = jnp.mean((x - u) ** 2, axis=-1, keepdims=True)
    xn = (x - u) / jnp.sqrt(s + EPS)
    return gamma * xn + beta


def reference(positions, types, object_positions, object_colors, object_shapes,
              object_materials, object_sizes, scene_state, questions,
              q_emb, pos_emb, type_emb, color_emb, shape_emb, mat_emb, size_emb,
              Wp, bp, Ws, bs, Wr, br, gamma, beta):
    position_embeddings = jnp.take(pos_emb, positions, axis=0)          # [B,S,H]
    type_embeddings = jnp.take(type_emb, types, axis=0)                 # [B,S,H]
    q = jnp.take(q_emb, questions, axis=0)                              # [B,Q,H]

    mask = (types >= 1).astype(jnp.float32)
    mask = mask[:, None, None, :]
    mask = (1.0 - mask) * -10000.0
    object_mask = (types == 1).astype(jnp.float32)

    op_proj = jnp.tanh(object_positions @ Wp + bp)                      # [B,O,E]
    ss_proj = jnp.tanh(scene_state @ Ws + bs)                           # [B,1,H]
    oc_proj = jnp.take(color_emb, object_colors, axis=0)                # [B,O,E]
    os_proj = jnp.take(shape_emb, object_shapes, axis=0)
    om_proj = jnp.take(mat_emb, object_materials, axis=0)
    oz_proj = jnp.take(size_emb, object_sizes, axis=0)

    ore_in = jnp.concatenate([op_proj, oc_proj, os_proj, om_proj, oz_proj], axis=2)  # [B,O,5E]
    ore = ore_in @ Wr + br                                              # [B,O,H]

    cls_token = jnp.zeros((ore_in.shape[0], 1, H), dtype=jnp.float32)
    pre = jnp.concatenate([cls_token, ore, ss_proj, q], axis=1)         # [B,S,H]
    aug = position_embeddings + type_embeddings
    embeddings = pre + aug
    embeddings = _layer_norm(embeddings, gamma, beta)
    # dropout: identity in eval/reference mode
    return (embeddings, mask, object_mask)

if __name__ == "__main__":
    import jax
    _d = setup_inputs()
    print(jax.jit(kernel)(*tuple(_d.values())))

</pallas_src>

<mosaic_0001>
#map = affine_map<(d0, d1) -> (0, 0, 0)>
#map1 = affine_map<(d0, d1) -> (0, 0)>
#map2 = affine_map<(d0, d1) -> (0)>
module attributes {stable_mosaic.version = 14 : i64} {
  func.func @_sc_body(%arg0: i32, %arg1: i32, %arg2: memref<1984x3x128xi32, #tpu.memory_space<hbm>>, %arg3: memref<100012x128xf32, #tpu.memory_space<hbm>>, %arg4: memref<149152x128xf32, #tpu.memory_space<hbm>>, %arg5: memref<4x128xf32, #tpu.memory_space<hbm>>, %arg6: memref<128xf32, #tpu.memory_space<hbm>>, %arg7: memref<128xf32, #tpu.memory_space<hbm>>, %arg8: memref<253952x128xf32, #tpu.memory_space<hbm>>, %arg9: memref<128x128xf32, #tpu.memory_space<vmem>>, %arg10: memref<128x128xf32, #tpu.memory_space<vmem>>, %arg11: memref<128x128xf32, #tpu.memory_space<vmem>>, %arg12: memref<128x128xf32, #tpu.memory_space<vmem>>, %arg13: memref<128x128xf32, #tpu.memory_space<vmem>>, %arg14: memref<128x128xf32, #tpu.memory_space<vmem>>, %arg15: memref<3x128xi32, #tpu.memory_space<vmem>>, %arg16: memref<3x128xi32, #tpu.memory_space<vmem>>, %arg17: memref<3x128xi32, #tpu.memory_space<vmem>>, %arg18: memref<4x128xf32, #tpu.memory_space<vmem>>, %arg19: memref<128xf32, #tpu.memory_space<vmem>>, %arg20: memref<128xf32, #tpu.memory_space<vmem>>, %arg21: memref<!tpu.dma_semaphore, #tpu.memory_space<semaphore_mem>>, %arg22: memref<!tpu.dma_semaphore, #tpu.memory_space<semaphore_mem>>, %arg23: memref<!tpu.dma_semaphore, #tpu.memory_space<semaphore_mem>>, %arg24: memref<!tpu.dma_semaphore, #tpu.memory_space<semaphore_mem>>, %arg25: memref<!tpu.dma_semaphore, #tpu.memory_space<semaphore_mem>>, %arg26: memref<!tpu.dma_semaphore, #tpu.memory_space<semaphore_mem>>, %arg27: memref<!tpu.dma_semaphore, #tpu.memory_space<semaphore_mem>>, %arg28: memref<!tpu.dma_semaphore, #tpu.memory_space<semaphore_mem>>, %arg29: memref<!tpu.dma_semaphore, #tpu.memory_space<semaphore_mem>>) attributes {dimension_semantics = [#tpu.dimension_semantics<core_parallel>, #tpu.dimension_semantics<subcore_parallel>], iteration_bounds = array<i64: 2, 16>, scalar_prefetch = 0 : i64, scratch_operands = 21 : i64, tpu.core_type = #tpu.core_type<sc_vector_subcore>, window_params = [{transform_indices = #map}, {transform_indices = #map1}, {transform_indices = #map1}, {transform_indices = #map1}, {transform_indices = #map2}, {transform_indices = #map2}, {transform_indices = #map1}]} {
    %mul3A = arith.constant 2 : i32
    %mul3A_0 = arith.muli %arg1, %mul3A : i32
    %add3A = arith.addi %mul3A_0, %arg0 : i32
    %mul3A_1 = arith.constant 62 : i32
    %mul3A_2 = arith.muli %add3A, %mul3A_1 : i32
    "tpu.region"() ({
      %run_scoped3A = tpu.sem_alloc : memref<!tpu.dma_semaphore, #tpu.memory_space<semaphore_mem>>
      tpu.enqueue_dma source(%arg5 : memref<4x128xf32, #tpu.memory_space<hbm>>) target(%arg18 : memref<4x128xf32, #tpu.memory_space<vmem>>) target_semaphore(%run_scoped3A : memref<!tpu.dma_semaphore, #tpu.memory_space<semaphore_mem>>)
      tpu.wait_dma2 semaphore(%run_scoped3A : memref<!tpu.dma_semaphore, #tpu.memory_space<semaphore_mem>>) src(%arg5 : memref<4x128xf32, #tpu.memory_space<hbm>>) dst(%arg18 : memref<4x128xf32, #tpu.memory_space<vmem>>)
      tpu.yield
    }) : () -> ()
    "tpu.region"() ({
      %run_scoped3A = tpu.sem_alloc : memref<!tpu.dma_semaphore, #tpu.memory_space<semaphore_mem>>
      tpu.enqueue_dma source(%arg6 : memref<128xf32, #tpu.memory_space<hbm>>) target(%arg19 : memref<128xf32, #tpu.memory_space<vmem>>) target_semaphore(%run_scoped3A : memref<!tpu.dma_semaphore, #tpu.memory_space<semaphore_mem>>)
      tpu.wait_dma2 semaphore(%run_scoped3A : memref<!tpu.dma_semaphore, #tpu.memory_space<semaphore_mem>>) src(%arg6 : memref<128xf32, #tpu.memory_space<hbm>>) dst(%arg19 : memref<128xf32, #tpu.memory_space<vmem>>)
      tpu.yield
    }) : () -> ()
    "tpu.region"() ({
      %run_scoped3A = tpu.sem_alloc : memref<!tpu.dma_semaphore, #tpu.memory_space<semaphore_mem>>
      tpu.enqueue_dma source(%arg7 : memref<128xf32, #tpu.memory_space<hbm>>) target(%arg20 : memref<128xf32, #tpu.memory_space<vmem>>) target_semaphore(%run_scoped3A : memref<!tpu.dma_semaphore, #tpu.memory_space<semaphore_mem>>)
      tpu.wait_dma2 semaphore(%run_scoped3A : memref<!tpu.dma_semaphore, #tpu.memory_space<semaphore_mem>>) src(%arg7 : memref<128xf32, #tpu.memory_space<hbm>>) dst(%arg20 : memref<128xf32, #tpu.memory_space<vmem>>)
      tpu.yield
    }) : () -> ()
    %add3A_3 = arith.constant 0 : i32
    %add3A_4 = arith.addi %mul3A_2, %add3A_3 : i32
    %dma_start3A = arith.constant 0 : i32
    %dma_start3A_5 = arith.constant 0 : i32
    %dma_start3A_6 = tpu.memref_slice %arg2[%add3A_4, %dma_start3A, %dma_start3A_5] : memref<1984x3x128xi32, #tpu.memory_space<hbm>> -> memref<1x3x128xi32, #tpu.memory_space<hbm>>
    %dma_start3A_7 = tpu.memref_squeeze %dma_start3A_6 : memref<1x3x128xi32, #tpu.memory_space<hbm>> -> memref<3x128xi32, #tpu.memory_space<hbm>>
    %dma_start3A_8 = arith.constant 0 : i32
    %dma_start3A_9 = arith.constant 0 : i32
    %dma_start3A_10 = tpu.memref_slice %arg2[%add3A_4, %dma_start3A_8, %dma_start3A_9] : memref<1984x3x128xi32, #tpu.memory_space<hbm>> -> memref<1x3x128xi32, #tpu.memory_space<hbm>>
    %dma_start3A_11 = tpu.memref_squeeze %dma_start3A_10 : memref<1x3x128xi32, #tpu.memory_space<hbm>> -> memref<3x128xi32, #tpu.memory_space<hbm>>
    tpu.enqueue_dma source(%dma_start3A_11 : memref<3x128xi32, #tpu.memory_space<hbm>>) target(%arg15 : memref<3x128xi32, #tpu.memory_space<vmem>>) target_semaphore(%arg24 : memref<!tpu.dma_semaphore, #tpu.memory_space<semaphore_mem>>)
    %add3A_12 = arith.constant 1 : i32
    %add3A_13 = arith.addi %mul3A_2, %add3A_12 : i32
    %dma_start3A_14 = arith.constant 0 : i32
    %dma_start3A_15 = arith.constant 0 : i32
    %dma_start3A_16 = tpu.memref_slice %arg2[%add3A_13, %dma_start3A_14, %dma_start3A_15] : memref<1984x3x128xi32, #tpu.memory_space<hbm>> -> memref<1x3x128xi32, #tpu.memory_space<hbm>>
    %dma_start3A_17 = tpu.memref_squeeze %dma_start3A_16 : memref<1x3x128xi32, #tpu.memory_space<hbm>> -> memref<3x128xi32, #tpu.memory_space<hbm>>
    %dma_start3A_18 = arith.constant 0 : i32
    %dma_start3A_19 = arith.constant 0 : i32
    %dma_start3A_20 = tpu.memref_slice %arg2[%add3A_13, %dma_start3A_18, %dma_start3A_19] : memref<1984x3x128xi32, #tpu.memory_space<hbm>> -> memref<1x3x128xi32, #tpu.memory_space<hbm>>
    %dma_start3A_21 = tpu.memref_squeeze %dma_start3A_20 : memref<1x3x128xi32, #tpu.memory_space<hbm>> -> memref<3x128xi32, #tpu.memory_space<hbm>>
    tpu.enqueue_dma source(%dma_start3A_21 : memref<3x128xi32, #tpu.memory_space<hbm>>) target(%arg16 : memref<3x128xi32, #tpu.memory_space<vmem>>) target_semaphore(%arg25 : memref<!tpu.dma_semaphore, #tpu.memory_space<semaphore_mem>>)
    %add3A_22 = arith.constant 2 : i32
    %add3A_23 = arith.addi %mul3A_2, %add3A_22 : i32
    %dma_start3A_24 = arith.constant 0 : i32
    %dma_start3A_25 = arith.constant 0 : i32
    %dma_start3A_26 = tpu.memref_slice %arg2[%add3A_23, %dma_start3A_24, %dma_start3A_25] : memref<1984x3x128xi32, #tpu.memory_space<hbm>> -> memref<1x3x128xi32, #tpu.memory_space<hbm>>
    %dma_start3A_27 = tpu.memref_squeeze %dma_start3A_26 : memref<1x3x128xi32, #tpu.memory_space<hbm>> -> memref<3x128xi32, #tpu.memory_space<hbm>>
    %dma_start3A_28 = arith.constant 0 : i32
    %dma_start3A_29 = arith.constant 0 : i32
    %dma_start3A_30 = tpu.memref_slice %arg2[%add3A_23, %dma_start3A_28, %dma_start3A_29] : memref<1984x3x128xi32, #tpu.memory_space<hbm>> -> memref<1x3x128xi32, #tpu.memory_space<hbm>>
    %dma_start3A_31 = tpu.memref_squeeze %dma_start3A_30 : memref<1x3x128xi32, #tpu.memory_space<hbm>> -> memref<3x128xi32, #tpu.memory_space<hbm>>
    tpu.enqueue_dma source(%dma_start3A_31 : memref<3x128xi32, #tpu.memory_space<hbm>>) target(%arg17 : memref<3x128xi32, #tpu.memory_space<vmem>>) target_semaphore(%arg26 : memref<!tpu.dma_semaphore, #tpu.memory_space<semaphore_mem>>)
    %add3A_32 = arith.constant 0 : i32
    %add3A_33 = arith.addi %mul3A_2, %add3A_32 : i32
    %dma_wait3A = arith.constant 0 : i32
    %dma_wait3A_34 = arith.constant 0 : i32
    %dma_wait3A_35 = tpu.memref_slice %arg2[%add3A_33, %dma_wait3A, %dma_wait3A_34] : memref<1984x3x128xi32, #tpu.memory_space<hbm>> -> memref<1x3x128xi32, #tpu.memory_space<hbm>>
    %dma_wait3A_36 = tpu.memref_squeeze %dma_wait3A_35 : memref<1x3x128xi32, #tpu.memory_space<hbm>> -> memref<3x128xi32, #tpu.memory_space<hbm>>
    %dma_wait3A_37 = arith.constant 0 : i32
    %dma_wait3A_38 = arith.constant 0 : i32
    %dma_wait3A_39 = tpu.memref_slice %arg2[%add3A_33, %dma_wait3A_37, %dma_wait3A_38] : memref<1984x3x128xi32, #tpu.memory_space<hbm>> -> memref<1x3x128xi32, #tpu.memory_space<hbm>>
    %dma_wait3A_40 = tpu.memref_squeeze %dma_wait3A_39 : memref<1x3x128xi32, #tpu.memory_space<hbm>> -> memref<3x128xi32, #tpu.memory_space<hbm>>
    tpu.wait_dma2 semaphore(%arg24 : memref<!tpu.dma_semaphore, #tpu.memory_space<semaphore_mem>>) src(%dma_wait3A_40 : memref<3x128xi32, #tpu.memory_space<hbm>>) dst(%arg15 : memref<3x128xi32, #tpu.memory_space<vmem>>)
    %dma_start3A_41 = arith.constant 0 : i32
    %dma_start3A_42 = arith.constant 0 : i32
    %dma_start3A_43 = tpu.memref_slice %arg15[%dma_start3A_41, %dma_start3A_42] : memref<3x128xi32, #tpu.memory_space<vmem>> -> memref<1x128xi32, #tpu.memory_space<vmem>>
    %dma_start3A_44 = tpu.memref_squeeze %dma_start3A_43 : memref<1x128xi32, #tpu.memory_space<vmem>> -> memref<128xi32, #tpu.memory_space<vmem>>
    %dma_start3A_45 = arith.constant 0 : i32
    %dma_start3A_46 = arith.constant 0 : i32
    %dma_start3A_47 = tpu.memref_slice %arg3[%dma_start3A_45, %dma_start3A_46] : memref<100012x128xf32, #tpu.memory_space<hbm>> -> memref<100012x128xf32, #tpu.memory_space<hbm>>
    tpu.enqueue_indirect_dma source(%dma_start3A_47 : memref<100012x128xf32, #tpu.memory_space<hbm>>) target(%arg9 : memref<128x128xf32, #tpu.memory_space<vmem>>) offsets(%dma_start3A_44 : memref<128xi32, #tpu.memory_space<vmem>>) semaphore(%arg21 : memref<!tpu.dma_semaphore, #tpu.memory_space<semaphore_mem>>)
    %dma_start3A_48 = arith.constant 1 : i32
    %dma_start3A_49 = arith.constant 0 : i32
    %dma_start3A_50 = tpu.memref_slice %arg15[%dma_start3A_48, %dma_start3A_49] : memref<3x128xi32, #tpu.memory_space<vmem>> -> memref<1x128xi32, #tpu.memory_space<vmem>>
    %dma_start3A_51 = tpu.memref_squeeze %dma_start3A_50 : memref<1x128xi32, #tpu.memory_space<vmem>> -> memref<128xi32, #tpu.memory_space<vmem>>
    %dma_start3A_52 = arith.constant 0 : i32
    %dma_start3A_53 = arith.constant 0 : i32
    %dma_start3A_54 = tpu.memref_slice %arg4[%dma_start3A_52, %dma_start3A_53] : memref<149152x128xf32, #tpu.memory_space<hbm>> -> memref<149152x128xf32, #tpu.memory_space<hbm>>
    tpu.enqueue_indirect_dma source(%dma_start3A_54 : memref<149152x128xf32, #tpu.memory_space<hbm>>) target(%arg12 : memref<128x128xf32, #tpu.memory_space<vmem>>) offsets(%dma_start3A_51 : memref<128xi32, #tpu.memory_space<vmem>>) semaphore(%arg21 : memref<!tpu.dma_semaphore, #tpu.memory_space<semaphore_mem>>)
    %add3A_55 = arith.constant 0 : i32
    %add3A_56 = arith.addi %mul3A_2, %add3A_55 : i32
    %add3A_57 = arith.constant 1 : i32
    %add3A_58 = arith.addi %add3A_56, %add3A_57 : i32
    %dma_wait3A_59 = arith.constant 0 : i32
    %dma_wait3A_60 = arith.constant 0 : i32
    %dma_wait3A_61 = tpu.memref_slice %arg2[%add3A_58, %dma_wait3A_59, %dma_wait3A_60] : memref<1984x3x128xi32, #tpu.memory_space<hbm>> -> memref<1x3x128xi32, #tpu.memory_space<hbm>>
    %dma_wait3A_62 = tpu.memref_squeeze %dma_wait3A_61 : memref<1x3x128xi32, #tpu.memory_space<hbm>> -> memref<3x128xi32, #tpu.memory_space<hbm>>
    %dma_wait3A_63 = arith.constant 0 : i32
    %dma_wait3A_64 = arith.constant 0 : i32
    %dma_wait3A_65 = tpu.memref_slice %arg2[%add3A_58, %dma_wait3A_63, %dma_wait3A_64] : memref<1984x3x128xi32, #tpu.memory_space<hbm>> -> memref<1x3x128xi32, #tpu.memory_space<hbm>>
    %dma_wait3A_66 = tpu.memref_squeeze %dma_wait3A_65 : memref<1x3x128xi32, #tpu.memory_space<hbm>> -> memref<3x128xi32, #tpu.memory_space<hbm>>
    tpu.wait_dma2 semaphore(%arg25 : memref<!tpu.dma_semaphore, #tpu.memory_space<semaphore_mem>>) src(%dma_wait3A_66 : memref<3x128xi32, #tpu.memory_space<hbm>>) dst(%arg16 : memref<3x128xi32, #tpu.memory_space<vmem>>)
    %dma_start3A_67 = arith.constant 0 : i32
    %dma_start3A_68 = arith.constant 0 : i32
    %dma_start3A_69 = tpu.memref_slice %arg16[%dma_start3A_67, %dma_start3A_68] : memref<3x128xi32, #tpu.memory_space<vmem>> -> memref<1x128xi32, #tpu.memory_space<vmem>>
    %dma_start3A_70 = tpu.memref_squeeze %dma_start3A_69 : memref<1x128xi32, #tpu.memory_space<vmem>> -> memref<128xi32, #tpu.memory_space<vmem>>
    %dma_start3A_71 = arith.constant 0 : i32
    %dma_start3A_72 = arith.constant 0 : i32
    %dma_start3A_73 = tpu.memref_slice %arg3[%dma_start3A_71, %dma_start3A_72] : memref<100012x128xf32, #tpu.memory_space<hbm>> -> memref<100012x128xf32, #tpu.memory_space<hbm>>
    tpu.enqueue_indirect_dma source(%dma_start3A_73 : memref<100012x128xf32, #tpu.memory_space<hbm>>) target(%arg10 : memref<128x128xf32, #tpu.memory_space<vmem>>) offsets(%dma_start3A_70 : memref<128xi32, #tpu.memory_space<vmem>>) semaphore(%arg22 : memref<!tpu.dma_semaphore, #tpu.memory_space<semaphore_mem>>)
    %dma_start3A_74 = arith.constant 1 : i32
    %dma_start3A_75 = arith.constant 0 : i32
    %dma_start3A_76 = tpu.memref_slice %arg16[%dma_start3A_74, %dma_start3A_75] : memref<3x128xi32, #tpu.memory_space<vmem>> -> memref<1x128xi32, #tpu.memory_space<vmem>>
    %dma_start3A_77 = tpu.memref_squeeze %dma_start3A_76 : memref<1x128xi32, #tpu.memory_space<vmem>> -> memref<128xi32, #tpu.memory_space<vmem>>
    %dma_start3A_78 = arith.constant 0 : i32
    %dma_start3A_79 = arith.constant 0 : i32
    %dma_start3A_80 = tpu.memref_slice %arg4[%dma_start3A_78, %dma_start3A_79] : memref<149152x128xf32, #tpu.memory_space<hbm>> -> memref<149152x128xf32, #tpu.memory_space<hbm>>
    tpu.enqueue_indirect_dma source(%dma_start3A_80 : memref<149152x128xf32, #tpu.memory_space<hbm>>) target(%arg13 : memref<128x128xf32, #tpu.memory_space<vmem>>) offsets(%dma_start3A_77 : memref<128xi32, #tpu.memory_space<vmem>>) semaphore(%arg22 : memref<!tpu.dma_semaphore, #tpu.memory_space<semaphore_mem>>)
    %dma_wait3A_81 = arith.constant 0 : i32
    %dma_wait3A_82 = arith.constant 0 : i32
    %dma_wait3A_83 = tpu.memref_slice %arg15[%dma_wait3A_81, %dma_wait3A_82] : memref<3x128xi32, #tpu.memory_space<vmem>> -> memref<1x128xi32, #tpu.memory_space<vmem>>
    %dma_wait3A_84 = tpu.memref_squeeze %dma_wait3A_83 : memref<1x128xi32, #tpu.memory_space<vmem>> -> memref<128xi32, #tpu.memory_space<vmem>>
    %dma_wait3A_85 = arith.constant 0 : i32
    %dma_wait3A_86 = arith.constant 0 : i32
    %dma_wait3A_87 = tpu.memref_slice %arg3[%dma_wait3A_85, %dma_wait3A_86] : memref<100012x128xf32, #tpu.memory_space<hbm>> -> memref<100012x128xf32, #tpu.memory_space<hbm>>
    tpu.wait_indirect_dma semaphore(%arg21 : memref<!tpu.dma_semaphore, #tpu.memory_space<semaphore_mem>>) src(%dma_wait3A_87 : memref<100012x128xf32, #tpu.memory_space<hbm>>) dst(%arg9 : memref<128x128xf32, #tpu.memory_space<vmem>>)
    %dma_wait3A_88 = arith.constant 1 : i32
    %dma_wait3A_89 = arith.constant 0 : i32
    %dma_wait3A_90 = tpu.memref_slice %arg15[%dma_wait3A_88, %dma_wait3A_89] : memref<3x128xi32, #tpu.memory_space<vmem>> -> memref<1x128xi32, #tpu.memory_space<vmem>>
    %dma_wait3A_91 = tpu.memref_squeeze %dma_wait3A_90 : memref<1x128xi32, #tpu.memory_space<vmem>> -> memref<128xi32, #tpu.memory_space<vmem>>
    %dma_wait3A_92 = arith.constant 0 : i32
    %dma_wait3A_93 = arith.constant 0 : i32
    %dma_wait3A_94 = tpu.memref_slice %arg4[%dma_wait3A_92, %dma_wait3A_93] : memref<149152x128xf32, #tpu.memory_space<hbm>> -> memref<149152x128xf32, #tpu.memory_space<hbm>>
    tpu.wait_indirect_dma semaphore(%arg21 : memref<!tpu.dma_semaphore, #tpu.memory_space<semaphore_mem>>) src(%dma_wait3A_94 : memref<149152x128xf32, #tpu.memory_space<hbm>>) dst(%arg12 : memref<128x128xf32, #tpu.memory_space<vmem>>)
    %scan3A = arith.constant 0 : i32
    %scan3A_95 = arith.constant 0 : i32
    %scan3A_96 = arith.constant 8 : i32
    %scan3A_97 = arith.addi %scan3A_95, %scan3A_96 : i32
    %scan3A_98 = arith.constant 1 : i32
    %scan3A_99 = scf.for %scan3A_373 = %scan3A_95 to %scan3A_97 step %scan3A_98 iter_args(%scan3A_374 = %scan3A) -> (i32)  : i32 {
      %iota3A = tpu.iota {dimensions = array<i32: 0>} : vector<16xi32>
      %mul3A_375 = arith.constant 16 : i32
      %mul3A_376 = arith.muli %scan3A_373, %mul3A_375 : i32
      %add3A_377 = vector.broadcast %mul3A_376 : i32 to vector<16xi32>
      %add3A_378 = arith.addi %add3A_377, %iota3A : vector<16xi32>
      %mul3A_379 = arith.constant 16 : i32
      %mul3A_380 = arith.muli %scan3A_373, %mul3A_379 : i32
      %get3A = arith.constant 2 : i32
      %get3A_381 = arith.index_cast %get3A : i32 to index
      %get3A_382 = arith.index_cast %mul3A_380 : i32 to index
      %get3A_383 = tpu.vector_load %arg15[%get3A_381, %get3A_382] {strides = array<i32>} : memref<3x128xi32, #tpu.memory_space<vmem>>, vector<16xi32>,
      %broadcast_in_dim3A = arith.constant 0.000000e+00 : f32
      %broadcast_in_dim3A_384 = vector.broadcast %broadcast_in_dim3A : f32 to vector<16xf32>
      %parallel_loop3A = arith.constant 0 : i32
      %parallel_loop3A_385 = arith.constant 128 : i32
      %parallel_loop3A_386 = arith.constant 1 : i32
      %parallel_loop3A_387:2 = scf.for %parallel_loop3A_436 = %parallel_loop3A to %parallel_loop3A_385 step %parallel_loop3A_386 iter_args(%parallel_loop3A_437 = %broadcast_in_dim3A_384, %parallel_loop3A_438 = %broadcast_in_dim3A_384) -> (vector<16xf32>, vector<16xf32>)  : i32 {
        %parallel_loop3A_439 = vector.broadcast %parallel_loop3A_436 : i32 to vector<16xi32>
        %parallel_loop3A_440 = arith.addi %parallel_loop3A_439, %iota3A : vector<16xi32>
        %parallel_loop3A_441 = arith.constant 127 : i32
        %parallel_loop3A_442 = vector.broadcast %parallel_loop3A_441 : i32 to vector<16xi32>
        %parallel_loop3A_443 = arith.andi %parallel_loop3A_440, %parallel_loop3A_442 : vector<16xi32>
        %parallel_loop3A_444 = tpu.vector_load_idx %arg9[%add3A_378, %parallel_loop3A_443] : memref<128x128xf32, #tpu.memory_space<vmem>>[vector<16xi32>, vector<16xi32>], vector<16xf32>,
        %parallel_loop3A_445 = tpu.vector_load_idx %arg12[%add3A_378, %parallel_loop3A_443] : memref<128x128xf32, #tpu.memory_space<vmem>>[vector<16xi32>, vector<16xi32>], vector<16xf32>,
        %parallel_loop3A_446 = arith.addf %parallel_loop3A_444, %parallel_loop3A_445 : vector<16xf32>
        %parallel_loop3A_447 = tpu.vector_load_idx %arg18[%get3A_383, %parallel_loop3A_443] : memref<4x128xf32, #tpu.memory_space<vmem>>[vector<16xi32>, vector<16xi32>], vector<16xf32>,
        %parallel_loop3A_448 = arith.addf %parallel_loop3A_446, %parallel_loop3A_447 : vector<16xf32>
        tpu.vector_store_idx %arg9[%add3A_378, %parallel_loop3A_443], %parallel_loop3A_448 : memref<128x128xf32, #tpu.memory_space<vmem>>[vector<16xi32>, vector<16xi32>], vector<16xf32>,
        %parallel_loop3A_449 = arith.addf %parallel_loop3A_437, %parallel_loop3A_448 : vector<16xf32>
        %parallel_loop3A_450 = arith.mulf %parallel_loop3A_448, %parallel_loop3A_448 : vector<16xf32>
        %parallel_loop3A_451 = arith.addf %parallel_loop3A_438, %parallel_loop3A_450 : vector<16xf32>
        scf.yield %parallel_loop3A_449, %parallel_loop3A_451 : vector<16xf32>, vector<16xf32>
      } {sc.loop_unroll_factor = 4 : i64, sc.parallel_access}
      %mul3A_388 = arith.constant 7.812500e-03 : f32
      %mul3A_389 = vector.broadcast %mul3A_388 : f32 to vector<16xf32>
      %mul3A_390 = arith.mulf %parallel_loop3A_387#0, %mul3A_389 : vector<16xf32>
      %mul3A_391 = arith.constant 7.812500e-03 : f32
      %mul3A_392 = vector.broadcast %mul3A_391 : f32 to vector<16xf32>
      %mul3A_393 = arith.mulf %parallel_loop3A_387#1, %mul3A_392 : vector<16xf32>
      %mul3A_394 = arith.mulf %mul3A_390, %mul3A_390 : vector<16xf32>
      %sub3A_395 = arith.subf %mul3A_393, %mul3A_394 : vector<16xf32>
      %add3A_396 = arith.constant 9.99999996E-13 : f32
      %add3A_397 = vector.broadcast %add3A_396 : f32 to vector<16xf32>
      %add3A_398 = arith.addf %sub3A_395, %add3A_397 : vector<16xf32>
      %bitcast3A = vector.bitcast %add3A_398 : vector<16xf32> to vector<16xi32>
      %shift_right_arithmetic3A = arith.constant 1 : i32
      %shift_right_arithmetic3A_399 = vector.broadcast %shift_right_arithmetic3A : i32 to vector<16xi32>
      %shift_right_arithmetic3A_400 = arith.shrsi %bitcast3A, %shift_right_arithmetic3A_399 : vector<16xi32>
      %sub3A_401 = arith.constant 1597463007 : i32
      %sub3A_402 = vector.broadcast %sub3A_401 : i32 to vector<16xi32>
      %sub3A_403 = arith.subi %sub3A_402, %shift_right_arithmetic3A_400 : vector<16xi32>
      %bitcast3A_404 = vector.bitcast %sub3A_403 : vector<16xi32> to vector<16xf32>
      %mul3A_405 = arith.constant 5.000000e-01 : f32
      %mul3A_406 = vector.broadcast %mul3A_405 : f32 to vector<16xf32>
      %mul3A_407 = arith.mulf %mul3A_406, %add3A_398 : vector<16xf32>
      %mul3A_408 = arith.mulf %mul3A_407, %bitcast3A_404 : vector<16xf32>
      %mul3A_409 = arith.mulf %mul3A_408, %bitcast3A_404 : vector<16xf32>
      %sub3A_410 = arith.constant 1.500000e+00 : f32
      %sub3A_411 = vector.broadcast %sub3A_410 : f32 to vector<16xf32>
      %sub3A_412 = arith.subf %sub3A_411, %mul3A_409 : vector<16xf32>
      %mul3A_413 = arith.mulf %bitcast3A_404, %sub3A_412 : vector<16xf32>
      %mul3A_414 = arith.constant 5.000000e-01 : f32
      %mul3A_415 = vector.broadcast %mul3A_414 : f32 to vector<16xf32>
      %mul3A_416 = arith.mulf %mul3A_415, %add3A_398 : vector<16xf32>
      %mul3A_417 = arith.mulf %mul3A_416, %mul3A_413 : vector<16xf32>
      %mul3A_418 = arith.mulf %mul3A_417, %mul3A_413 : vector<16xf32>
      %sub3A_419 = arith.constant 1.500000e+00 : f32
      %sub3A_420 = vector.broadcast %sub3A_419 : f32 to vector<16xf32>
      %sub3A_421 = arith.subf %sub3A_420, %mul3A_418 : vector<16xf32>
      %mul3A_422 = arith.mulf %mul3A_413, %sub3A_421 : vector<16xf32>
      %mul3A_423 = arith.constant 5.000000e-01 : f32
      %mul3A_424 = vector.broadcast %mul3A_423 : f32 to vector<16xf32>
      %mul3A_425 = arith.mulf %mul3A_424, %add3A_398 : vector<16xf32>
      %mul3A_426 = arith.mulf %mul3A_425, %mul3A_422 : vector<16xf32>
      %mul3A_427 = arith.mulf %mul3A_426, %mul3A_422 : vector<16xf32>
      %sub3A_428 = arith.constant 1.500000e+00 : f32
      %sub3A_429 = vector.broadcast %sub3A_428 : f32 to vector<16xf32>
      %sub3A_430 = arith.subf %sub3A_429, %mul3A_427 : vector<16xf32>
      %mul3A_431 = arith.mulf %mul3A_422, %sub3A_430 : vector<16xf32>
      %parallel_loop3A_432 = arith.constant 0 : i32
      %parallel_loop3A_433 = arith.constant 128 : i32
      %parallel_loop3A_434 = arith.constant 1 : i32
      scf.for %parallel_loop3A_436 = %parallel_loop3A_432 to %parallel_loop3A_433 step %parallel_loop3A_434  : i32 {
        %parallel_loop3A_437 = vector.broadcast %parallel_loop3A_436 : i32 to vector<16xi32>
        %parallel_loop3A_438 = arith.addi %parallel_loop3A_437, %iota3A : vector<16xi32>
        %parallel_loop3A_439 = arith.constant 127 : i32
        %parallel_loop3A_440 = vector.broadcast %parallel_loop3A_439 : i32 to vector<16xi32>
        %parallel_loop3A_441 = arith.andi %parallel_loop3A_438, %parallel_loop3A_440 : vector<16xi32>
        %parallel_loop3A_442 = tpu.vector_load_idx %arg9[%add3A_378, %parallel_loop3A_441] : memref<128x128xf32, #tpu.memory_space<vmem>>[vector<16xi32>, vector<16xi32>], vector<16xf32>,
        %parallel_loop3A_443 = arith.subf %parallel_loop3A_442, %mul3A_390 : vector<16xf32>
        %parallel_loop3A_444 = arith.mulf %parallel_loop3A_443, %mul3A_431 : vector<16xf32>
        %parallel_loop3A_445 = tpu.vector_load_idx %arg19[%parallel_loop3A_441] : memref<128xf32, #tpu.memory_space<vmem>>[vector<16xi32>], vector<16xf32>,
        %parallel_loop3A_446 = arith.mulf %parallel_loop3A_444, %parallel_loop3A_445 : vector<16xf32>
        %parallel_loop3A_447 = tpu.vector_load_idx %arg20[%parallel_loop3A_441] : memref<128xf32, #tpu.memory_space<vmem>>[vector<16xi32>], vector<16xf32>,
        %parallel_loop3A_448 = arith.addf %parallel_loop3A_446, %parallel_loop3A_447 : vector<16xf32>
        tpu.vector_store_idx %arg9[%add3A_378, %parallel_loop3A_441], %parallel_loop3A_448 : memref<128x128xf32, #tpu.memory_space<vmem>>[vector<16xi32>, vector<16xi32>], vector<16xf32>,
      } {sc.loop_unroll_factor = 4 : i64, sc.parallel_access}
      %scan3A_435 = arith.constant 0 : i32
      scf.yield %scan3A_435 : i32
    }
    %scan3A_100 = arith.constant 8 : i32
    %mul3A_101 = arith.constant 128 : i32
    %mul3A_102 = arith.muli %add3A_56, %mul3A_101 : i32
    %dma_start3A_103 = arith.constant 0 : i32
    %dma_start3A_104 = tpu.memref_slice %arg8[%mul3A_102, %dma_start3A_103] : memref<253952x128xf32, #tpu.memory_space<hbm>> -> memref<128x128xf32, #tpu.memory_space<hbm>>
    %dma_start3A_105 = arith.constant 0 : i32
    %dma_start3A_106 = tpu.memref_slice %arg8[%mul3A_102, %dma_start3A_105] : memref<253952x128xf32, #tpu.memory_space<hbm>> -> memref<128x128xf32, #tpu.memory_space<hbm>>
    tpu.enqueue_dma source(%arg9 : memref<128x128xf32, #tpu.memory_space<vmem>>) target(%dma_start3A_106 : memref<128x128xf32, #tpu.memory_space<hbm>>) target_semaphore(%arg27 : memref<!tpu.dma_semaphore, #tpu.memory_space<semaphore_mem>>)
    %add3A_107 = arith.constant 3 : i32
    %add3A_108 = arith.addi %add3A_56, %add3A_107 : i32
    %dma_start3A_109 = arith.constant 0 : i32
    %dma_start3A_110 = arith.constant 0 : i32
    %dma_start3A_111 = tpu.memref_slice %arg2[%add3A_108, %dma_start3A_109, %dma_start3A_110] : memref<1984x3x128xi32, #tpu.memory_space<hbm>> -> memref<1x3x128xi32, #tpu.memory_space<hbm>>
    %dma_start3A_112 = tpu.memref_squeeze %dma_start3A_111 : memref<1x3x128xi32, #tpu.memory_space<hbm>> -> memref<3x128xi32, #tpu.memory_space<hbm>>
    %dma_start3A_113 = arith.constant 0 : i32
    %dma_start3A_114 = arith.constant 0 : i32
    %dma_start3A_115 = tpu.memref_slice %arg2[%add3A_108, %dma_start3A_113, %dma_start3A_114] : memref<1984x3x128xi32, #tpu.memory_space<hbm>> -> memref<1x3x128xi32, #tpu.memory_space<hbm>>
    %dma_start3A_116 = tpu.memref_squeeze %dma_start3A_115 : memref<1x3x128xi32, #tpu.memory_space<hbm>> -> memref<3x128xi32, #tpu.memory_space<hbm>>
    tpu.enqueue_dma source(%dma_start3A_116 : memref<3x128xi32, #tpu.memory_space<hbm>>) target(%arg15 : memref<3x128xi32, #tpu.memory_space<vmem>>) target_semaphore(%arg24 : memref<!tpu.dma_semaphore, #tpu.memory_space<semaphore_mem>>)
    %add3A_117 = arith.constant 1 : i32
    %add3A_118 = arith.addi %mul3A_2, %add3A_117 : i32
    %add3A_119 = arith.constant 1 : i32
    %add3A_120 = arith.addi %add3A_118, %add3A_119 : i32
    %dma_wait3A_121 = arith.constant 0 : i32
    %dma_wait3A_122 = arith.constant 0 : i32
    %dma_wait3A_123 = tpu.memref_slice %arg2[%add3A_120, %dma_wait3A_121, %dma_wait3A_122] : memref<1984x3x128xi32, #tpu.memory_space<hbm>> -> memref<1x3x128xi32, #tpu.memory_space<hbm>>
    %dma_wait3A_124 = tpu.memref_squeeze %dma_wait3A_123 : memref<1x3x128xi32, #tpu.memory_space<hbm>> -> memref<3x128xi32, #tpu.memory_space<hbm>>
    %dma_wait3A_125 = arith.constant 0 : i32
    %dma_wait3A_126 = arith.constant 0 : i32
    %dma_wait3A_127 = tpu.memref_slice %arg2[%add3A_120, %dma_wait3A_125, %dma_wait3A_126] : memref<1984x3x128xi32, #tpu.memory_space<hbm>> -> memref<1x3x128xi32, #tpu.memory_space<hbm>>
    %dma_wait3A_128 = tpu.memref_squeeze %dma_wait3A_127 : memref<1x3x128xi32, #tpu.memory_space<hbm>> -> memref<3x128xi32, #tpu.memory_space<hbm>>
    tpu.wait_dma2 semaphore(%arg26 : memref<!tpu.dma_semaphore, #tpu.memory_space<semaphore_mem>>) src(%dma_wait3A_128 : memref<3x128xi32, #tpu.memory_space<hbm>>) dst(%arg17 : memref<3x128xi32, #tpu.memory_space<vmem>>)
    %dma_start3A_129 = arith.constant 0 : i32
    %dma_start3A_130 = arith.constant 0 : i32
    %dma_start3A_131 = tpu.memref_slice %arg17[%dma_start3A_129, %dma_start3A_130] : memref<3x128xi32, #tpu.memory_space<vmem>> -> memref<1x128xi32, #tpu.memory_space<vmem>>
    %dma_start3A_132 = tpu.memref_squeeze %dma_start3A_131 : memref<1x128xi32, #tpu.memory_space<vmem>> -> memref<128xi32, #tpu.memory_space<vmem>>
    %dma_start3A_133 = arith.constant 0 : i32
    %dma_start3A_134 = arith.constant 0 : i32
    %dma_start3A_135 = tpu.memref_slice %arg3[%dma_start3A_133, %dma_start3A_134] : memref<100012x128xf32, #tpu.memory_space<hbm>> -> memref<100012x128xf32, #tpu.memory_space<hbm>>
    tpu.enqueue_indirect_dma source(%dma_start3A_135 : memref<100012x128xf32, #tpu.memory_space<hbm>>) target(%arg11 : memref<128x128xf32, #tpu.memory_space<vmem>>) offsets(%dma_start3A_132 : memref<128xi32, #tpu.memory_space<vmem>>) semaphore(%arg23 : memref<!tpu.dma_semaphore, #tpu.memory_space<semaphore_mem>>)
    %dma_start3A_136 = arith.constant 1 : i32
    %dma_start3A_137 = arith.constant 0 : i32
    %dma_start3A_138 = tpu.memref_slice %arg17[%dma_start3A_136, %dma_start3A_137] : memref<3x128xi32, #tpu.memory_space<vmem>> -> memref<1x128xi32, #tpu.memory_space<vmem>>
    %dma_start3A_139 = tpu.memref_squeeze %dma_start3A_138 : memref<1x128xi32, #tpu.memory_space<vmem>> -> memref<128xi32, #tpu.memory_space<vmem>>
    %dma_start3A_140 = arith.constant 0 : i32
    %dma_start3A_141 = arith.constant 0 : i32
    %dma_start3A_142 = tpu.memref_slice %arg4[%dma_start3A_140, %dma_start3A_141] : memref<149152x128xf32, #tpu.memory_space<hbm>> -> memref<149152x128xf32, #tpu.memory_space<hbm>>
    tpu.enqueue_indirect_dma source(%dma_start3A_142 : memref<149152x128xf32, #tpu.memory_space<hbm>>) target(%arg14 : memref<128x128xf32, #tpu.memory_space<vmem>>) offsets(%dma_start3A_139 : memref<128xi32, #tpu.memory_space<vmem>>) semaphore(%arg23 : memref<!tpu.dma_semaphore, #tpu.memory_space<semaphore_mem>>)
    %dma_wait3A_143 = arith.constant 0 : i32
    %dma_wait3A_144 = arith.constant 0 : i32
    %dma_wait3A_145 = tpu.memref_slice %arg16[%dma_wait3A_143, %dma_wait3A_144] : memref<3x128xi32, #tpu.memory_space<vmem>> -> memref<1x128xi32, #tpu.memory_space<vmem>>
    %dma_wait3A_146 = tpu.memref_squeeze %dma_wait3A_145 : memref<1x128xi32, #tpu.memory_space<vmem>> -> memref<128xi32, #tpu.memory_space<vmem>>
    %dma_wait3A_147 = arith.constant 0 : i32
    %dma_wait3A_148 = arith.constant 0 : i32
    %dma_wait3A_149 = tpu.memref_slice %arg3[%dma_wait3A_147, %dma_wait3A_148] : memref<100012x128xf32, #tpu.memory_space<hbm>> -> memref<100012x128xf32, #tpu.memory_space<hbm>>
    tpu.wait_indirect_dma semaphore(%arg22 : memref<!tpu.dma_semaphore, #tpu.memory_space<semaphore_mem>>) src(%dma_wait3A_149 : memref<100012x128xf32, #tpu.memory_space<hbm>>) dst(%arg10 : memref<128x128xf32, #tpu.memory_space<vmem>>)
    %dma_wait3A_150 = arith.constant 1 : i32
    %dma_wait3A_151 = arith.constant 0 : i32
    %dma_wait3A_152 = tpu.memref_slice %arg16[%dma_wait3A_150, %dma_wait3A_151] : memref<3x128xi32, #tpu.memory_space<vmem>> -> memref<1x128xi32, #tpu.memory_space<vmem>>
    %dma_wait3A_153 = tpu.memref_squeeze %dma_wait3A_152 : memref<1x128xi32, #tpu.memory_space<vmem>> -> memref<128xi32, #tpu.memory_space<vmem>>
    %dma_wait3A_154 = arith.constant 0 : i32
    %dma_wait3A_155 = arith.constant 0 : i32
    %dma_wait3A_156 = tpu.memref_slice %arg4[%dma_wait3A_154, %dma_wait3A_155] : memref<149152x128xf32, #tpu.memory_space<hbm>> -> memref<149152x128xf32, #tpu.memory_space<hbm>>
    tpu.wait_indirect_dma semaphore(%arg22 : memref<!tpu.dma_semaphore, #tpu.memory_space<semaphore_mem>>) src(%dma_wait3A_156 : memref<149152x128xf32, #tpu.memory_space<hbm>>) dst(%arg13 : memref<128x128xf32, #tpu.memory_space<vmem>>)
    %scan3A_157 = arith.constant 0 : i32
    %scan3A_158 = arith.constant 0 : i32
    %scan3A_159 = arith.constant 8 : i32
    %scan3A_160 = arith.addi %scan3A_158, %scan3A_159 : i32
    %scan3A_161 = arith.constant 1 : i32
    %scan3A_162 = scf.for %scan3A_373 = %scan3A_158 to %scan3A_160 step %scan3A_161 iter_args(%scan3A_374 = %scan3A_157) -> (i32)  : i32 {
      %iota3A = tpu.iota {dimensions = array<i32: 0>} : vector<16xi32>
      %mul3A_375 = arith.constant 16 : i32
      %mul3A_376 = arith.muli %scan3A_373, %mul3A_375 : i32
      %add3A_377 = vector.broadcast %mul3A_376 : i32 to vector<16xi32>
      %add3A_378 = arith.addi %add3A_377, %iota3A : vector<16xi32>
      %mul3A_379 = arith.constant 16 : i32
      %mul3A_380 = arith.muli %scan3A_373, %mul3A_379 : i32
      %get3A = arith.constant 2 : i32
      %get3A_381 = arith.index_cast %get3A : i32 to index
      %get3A_382 = arith.index_cast %mul3A_380 : i32 to index
      %get3A_383 = tpu.vector_load %arg16[%get3A_381, %get3A_382] {strides = array<i32>} : memref<3x128xi32, #tpu.memory_space<vmem>>, vector<16xi32>,
      %broadcast_in_dim3A = arith.constant 0.000000e+00 : f32
      %broadcast_in_dim3A_384 = vector.broadcast %broadcast_in_dim3A : f32 to vector<16xf32>
      %parallel_loop3A = arith.constant 0 : i32
      %parallel_loop3A_385 = arith.constant 128 : i32
      %parallel_loop3A_386 = arith.constant 1 : i32
      %parallel_loop3A_387:2 = scf.for %parallel_loop3A_436 = %parallel_loop3A to %parallel_loop3A_385 step %parallel_loop3A_386 iter_args(%parallel_loop3A_437 = %broadcast_in_dim3A_384, %parallel_loop3A_438 = %broadcast_in_dim3A_384) -> (vector<16xf32>, vector<16xf32>)  : i32 {
        %parallel_loop3A_439 = vector.broadcast %parallel_loop3A_436 : i32 to vector<16xi32>
        %parallel_loop3A_440 = arith.addi %parallel_loop3A_439, %iota3A : vector<16xi32>
        %parallel_loop3A_441 = arith.constant 127 : i32
        %parallel_loop3A_442 = vector.broadcast %parallel_loop3A_441 : i32 to vector<16xi32>
        %parallel_loop3A_443 = arith.andi %parallel_loop3A_440, %parallel_loop3A_442 : vector<16xi32>
        %parallel_loop3A_444 = tpu.vector_load_idx %arg10[%add3A_378, %parallel_loop3A_443] : memref<128x128xf32, #tpu.memory_space<vmem>>[vector<16xi32>, vector<16xi32>], vector<16xf32>,
        %parallel_loop3A_445 = tpu.vector_load_idx %arg13[%add3A_378, %parallel_loop3A_443] : memref<128x128xf32, #tpu.memory_space<vmem>>[vector<16xi32>, vector<16xi32>], vector<16xf32>,
        %parallel_loop3A_446 = arith.addf %parallel_loop3A_444, %parallel_loop3A_445 : vector<16xf32>
        %parallel_loop3A_447 = tpu.vector_load_idx %arg18[%get3A_383, %parallel_loop3A_443] : memref<4x128xf32, #tpu.memory_space<vmem>>[vector<16xi32>, vector<16xi32>], vector<16xf32>,
        %parallel_loop3A_448 = arith.addf %parallel_loop3A_446, %parallel_loop3A_447 : vector<16xf32>
        tpu.vector_store_idx %arg10[%add3A_378, %parallel_loop3A_443], %parallel_loop3A_448 : memref<128x128xf32, #tpu.memory_space<vmem>>[vector<16xi32>, vector<16xi32>], vector<16xf32>,
        %parallel_loop3A_449 = arith.addf %parallel_loop3A_437, %parallel_loop3A_448 : vector<16xf32>
        %parallel_loop3A_450 = arith.mulf %parallel_loop3A_448, %parallel_loop3A_448 : vector<16xf32>
        %parallel_loop3A_451 = arith.addf %parallel_loop3A_438, %parallel_loop3A_450 : vector<16xf32>
        scf.yield %parallel_loop3A_449, %parallel_loop3A_451 : vector<16xf32>, vector<16xf32>
      } {sc.loop_unroll_factor = 4 : i64, sc.parallel_access}
      %mul3A_388 = arith.constant 7.812500e-03 : f32
      %mul3A_389 = vector.broadcast %mul3A_388 : f32 to vector<16xf32>
      %mul3A_390 = arith.mulf %parallel_loop3A_387#0, %mul3A_389 : vector<16xf32>
      %mul3A_391 = arith.constant 7.812500e-03 : f32
      %mul3A_392 = vector.broadcast %mul3A_391 : f32 to vector<16xf32>
      %mul3A_393 = arith.mulf %parallel_loop3A_387#1, %mul3A_392 : vector<16xf32>
      %mul3A_394 = arith.mulf %mul3A_390, %mul3A_390 : vector<16xf32>
      %sub3A_395 = arith.subf %mul3A_393, %mul3A_394 : vector<16xf32>
      %add3A_396 = arith.constant 9.99999996E-13 : f32
      %add3A_397 = vector.broadcast %add3A_396 : f32 to vector<16xf32>
      %add3A_398 = arith.addf %sub3A_395, %add3A_397 : vector<16xf32>
      %bitcast3A = vector.bitcast %add3A_398 : vector<16xf32> to vector<16xi32>
      %shift_right_arithmetic3A = arith.constant 1 : i32
      %shift_right_arithmetic3A_399 = vector.broadcast %shift_right_arithmetic3A : i32 to vector<16xi32>
      %shift_right_arithmetic3A_400 = arith.shrsi %bitcast3A, %shift_right_arithmetic3A_399 : vector<16xi32>
      %sub3A_401 = arith.constant 1597463007 : i32
      %sub3A_402 = vector.broadcast %sub3A_401 : i32 to vector<16xi32>
      %sub3A_403 = arith.subi %sub3A_402, %shift_right_arithmetic3A_400 : vector<16xi32>
      %bitcast3A_404 = vector.bitcast %sub3A_403 : vector<16xi32> to vector<16xf32>
      %mul3A_405 = arith.constant 5.000000e-01 : f32
      %mul3A_406 = vector.broadcast %mul3A_405 : f32 to vector<16xf32>
      %mul3A_407 = arith.mulf %mul3A_406, %add3A_398 : vector<16xf32>
      %mul3A_408 = arith.mulf %mul3A_407, %bitcast3A_404 : vector<16xf32>
      %mul3A_409 = arith.mulf %mul3A_408, %bitcast3A_404 : vector<16xf32>
      %sub3A_410 = arith.constant 1.500000e+00 : f32
      %sub3A_411 = vector.broadcast %sub3A_410 : f32 to vector<16xf32>
      %sub3A_412 = arith.subf %sub3A_411, %mul3A_409 : vector<16xf32>
      %mul3A_413 = arith.mulf %bitcast3A_404, %sub3A_412 : vector<16xf32>
      %mul3A_414 = arith.constant 5.000000e-01 : f32
      %mul3A_415 = vector.broadcast %mul3A_414 : f32 to vector<16xf32>
      %mul3A_416 = arith.mulf %mul3A_415, %add3A_398 : vector<16xf32>
      %mul3A_417 = arith.mulf %mul3A_416, %mul3A_413 : vector<16xf32>
      %mul3A_418 = arith.mulf %mul3A_417, %mul3A_413 : vector<16xf32>
      %sub3A_419 = arith.constant 1.500000e+00 : f32
      %sub3A_420 = vector.broadcast %sub3A_419 : f32 to vector<16xf32>
      %sub3A_421 = arith.subf %sub3A_420, %mul3A_418 : vector<16xf32>
      %mul3A_422 = arith.mulf %mul3A_413, %sub3A_421 : vector<16xf32>
      %mul3A_423 = arith.constant 5.000000e-01 : f32
      %mul3A_424 = vector.broadcast %mul3A_423 : f32 to vector<16xf32>
      %mul3A_425 = arith.mulf %mul3A_424, %add3A_398 : vector<16xf32>
      %mul3A_426 = arith.mulf %mul3A_425, %mul3A_422 : vector<16xf32>
      %mul3A_427 = arith.mulf %mul3A_426, %mul3A_422 : vector<16xf32>
      %sub3A_428 = arith.constant 1.500000e+00 : f32
      %sub3A_429 = vector.broadcast %sub3A_428 : f32 to vector<16xf32>
      %sub3A_430 = arith.subf %sub3A_429, %mul3A_427 : vector<16xf32>
      %mul3A_431 = arith.mulf %mul3A_422, %sub3A_430 : vector<16xf32>
      %parallel_loop3A_432 = arith.constant 0 : i32
      %parallel_loop3A_433 = arith.constant 128 : i32
      %parallel_loop3A_434 = arith.constant 1 : i32
      scf.for %parallel_loop3A_436 = %parallel_loop3A_432 to %parallel_loop3A_433 step %parallel_loop3A_434  : i32 {
        %parallel_loop3A_437 = vector.broadcast %parallel_loop3A_436 : i32 to vector<16xi32>
        %parallel_loop3A_438 = arith.addi %parallel_loop3A_437, %iota3A : vector<16xi32>
        %parallel_loop3A_439 = arith.constant 127 : i32
        %parallel_loop3A_440 = vector.broadcast %parallel_loop3A_439 : i32 to vector<16xi32>
        %parallel_loop3A_441 = arith.andi %parallel_loop3A_438, %parallel_loop3A_440 : vector<16xi32>
        %parallel_loop3A_442 = tpu.vector_load_idx %arg10[%add3A_378, %parallel_loop3A_441] : memref<128x128xf32, #tpu.memory_space<vmem>>[vector<16xi32>, vector<16xi32>], vector<16xf32>,
        %parallel_loop3A_443 = arith.subf %parallel_loop3A_442, %mul3A_390 : vector<16xf32>
        %parallel_loop3A_444 = arith.mulf %parallel_loop3A_443, %mul3A_431 : vector<16xf32>
        %parallel_loop3A_445 = tpu.vector_load_idx %arg19[%parallel_loop3A_441] : memref<128xf32, #tpu.memory_space<vmem>>[vector<16xi32>], vector<16xf32>,
        %parallel_loop3A_446 = arith.mulf %parallel_loop3A_444, %parallel_loop3A_445 : vector<16xf32>
        %parallel_loop3A_447 = tpu.vector_load_idx %arg20[%parallel_loop3A_441] : memref<128xf32, #tpu.memory_space<vmem>>[vector<16xi32>], vector<16xf32>,
        %parallel_loop3A_448 = arith.addf %parallel_loop3A_446, %parallel_loop3A_447 : vector<16xf32>
        tpu.vector_store_idx %arg10[%add3A_378, %parallel_loop3A_441], %parallel_loop3A_448 : memref<128x128xf32, #tpu.memory_space<vmem>>[vector<16xi32>, vector<16xi32>], vector<16xf32>,
      } {sc.loop_unroll_factor = 4 : i64, sc.parallel_access}
      %scan3A_435 = arith.constant 0 : i32
      scf.yield %scan3A_435 : i32
    }
    %scan3A_163 = arith.constant 8 : i32
    %mul3A_164 = arith.constant 128 : i32
    %mul3A_165 = arith.muli %add3A_118, %mul3A_164 : i32
    %dma_start3A_166 = arith.constant 0 : i32
    %dma_start3A_167 = tpu.memref_slice %arg8[%mul3A_165, %dma_start3A_166] : memref<253952x128xf32, #tpu.memory_space<hbm>> -> memref<128x128xf32, #tpu.memory_space<hbm>>
    %dma_start3A_168 = arith.constant 0 : i32
    %dma_start3A_169 = tpu.memref_slice %arg8[%mul3A_165, %dma_start3A_168] : memref<253952x128xf32, #tpu.memory_space<hbm>> -> memref<128x128xf32, #tpu.memory_space<hbm>>
    tpu.enqueue_dma source(%arg10 : memref<128x128xf32, #tpu.memory_space<vmem>>) target(%dma_start3A_169 : memref<128x128xf32, #tpu.memory_space<hbm>>) target_semaphore(%arg28 : memref<!tpu.dma_semaphore, #tpu.memory_space<semaphore_mem>>)
    %add3A_170 = arith.constant 3 : i32
    %add3A_171 = arith.addi %add3A_118, %add3A_170 : i32
    %dma_start3A_172 = arith.constant 0 : i32
    %dma_start3A_173 = arith.constant 0 : i32
    %dma_start3A_174 = tpu.memref_slice %arg2[%add3A_171, %dma_start3A_172, %dma_start3A_173] : memref<1984x3x128xi32, #tpu.memory_space<hbm>> -> memref<1x3x128xi32, #tpu.memory_space<hbm>>
    %dma_start3A_175 = tpu.memref_squeeze %dma_start3A_174 : memref<1x3x128xi32, #tpu.memory_space<hbm>> -> memref<3x128xi32, #tpu.memory_space<hbm>>
    %dma_start3A_176 = arith.constant 0 : i32
    %dma_start3A_177 = arith.constant 0 : i32
    %dma_start3A_178 = tpu.memref_slice %arg2[%add3A_171, %dma_start3A_176, %dma_start3A_177] : memref<1984x3x128xi32, #tpu.memory_space<hbm>> -> memref<1x3x128xi32, #tpu.memory_space<hbm>>
    %dma_start3A_179 = tpu.memref_squeeze %dma_start3A_178 : memref<1x3x128xi32, #tpu.memory_space<hbm>> -> memref<3x128xi32, #tpu.memory_space<hbm>>
    tpu.enqueue_dma source(%dma_start3A_179 : memref<3x128xi32, #tpu.memory_space<hbm>>) target(%arg16 : memref<3x128xi32, #tpu.memory_space<vmem>>) target_semaphore(%arg25 : memref<!tpu.dma_semaphore, #tpu.memory_space<semaphore_mem>>)
    %scan3A_180 = arith.constant 0 : i32
    %scan3A_181 = arith.constant 0 : i32
    %scan3A_182 = arith.constant 19 : i32
    %scan3A_183 = arith.addi %scan3A_181, %scan3A_182 : i32
    %scan3A_184 = arith.constant 1 : i32
    %scan3A_185 = scf.for %scan3A_373 = %scan3A_181 to %scan3A_183 step %scan3A_184 iter_args(%scan3A_374 = %scan3A_180) -> (i32)  : i32 {
      %add3A_375 = arith.constant 2 : i32
      %add3A_376 = arith.addi %mul3A_2, %add3A_375 : i32
      %mul3A_377 = arith.constant 3 : i32
      %mul3A_378 = arith.muli %mul3A_377, %scan3A_373 : i32
      %add3A_379 = arith.addi %add3A_376, %mul3A_378 : i32
      %add3A_380 = arith.constant 1 : i32
      %add3A_381 = arith.addi %add3A_379, %add3A_380 : i32
      %dma_wait3A_382 = arith.constant 0 : i32
      %dma_wait3A_383 = arith.constant 0 : i32
      %dma_wait3A_384 = tpu.memref_slice %arg2[%add3A_381, %dma_wait3A_382, %dma_wait3A_383] : memref<1984x3x128xi32, #tpu.memory_space<hbm>> -> memref<1x3x128xi32, #tpu.memory_space<hbm>>
      %dma_wait3A_385 = tpu.memref_squeeze %dma_wait3A_384 : memref<1x3x128xi32, #tpu.memory_space<hbm>> -> memref<3x128xi32, #tpu.memory_space<hbm>>
      %dma_wait3A_386 = arith.constant 0 : i32
      %dma_wait3A_387 = arith.constant 0 : i32
      %dma_wait3A_388 = tpu.memref_slice %arg2[%add3A_381, %dma_wait3A_386, %dma_wait3A_387] : memref<1984x3x128xi32, #tpu.memory_space<hbm>> -> memref<1x3x128xi32, #tpu.memory_space<hbm>>
      %dma_wait3A_389 = tpu.memref_squeeze %dma_wait3A_388 : memref<1x3x128xi32, #tpu.memory_space<hbm>> -> memref<3x128xi32, #tpu.memory_space<hbm>>
      tpu.wait_dma2 semaphore(%arg24 : memref<!tpu.dma_semaphore, #tpu.memory_space<semaphore_mem>>) src(%dma_wait3A_389 : memref<3x128xi32, #tpu.memory_space<hbm>>) dst(%arg15 : memref<3x128xi32, #tpu.memory_space<vmem>>)
      %sub3A_390 = arith.constant 2 : i32
      %sub3A_391 = arith.subi %add3A_379, %sub3A_390 : i32
      %mul3A_392 = arith.constant 128 : i32
      %mul3A_393 = arith.muli %sub3A_391, %mul3A_392 : i32
      %dma_wait3A_394 = arith.constant 0 : i32
      %dma_wait3A_395 = tpu.memref_slice %arg8[%mul3A_393, %dma_wait3A_394] : memref<253952x128xf32, #tpu.memory_space<hbm>> -> memref<128x128xf32, #tpu.memory_space<hbm>>
      %dma_wait3A_396 = arith.constant 0 : i32
      %dma_wait3A_397 = tpu.memref_slice %arg8[%mul3A_393, %dma_wait3A_396] : memref<253952x128xf32, #tpu.memory_space<hbm>> -> memref<128x128xf32, #tpu.memory_space<hbm>>
      tpu.wait_dma2 semaphore(%arg27 : memref<!tpu.dma_semaphore, #tpu.memory_space<semaphore_mem>>) src(%arg9 : memref<128x128xf32, #tpu.memory_space<vmem>>) dst(%dma_wait3A_397 : memref<128x128xf32, #tpu.memory_space<hbm>>)
      %dma_start3A_398 = arith.constant 0 : i32
      %dma_start3A_399 = arith.constant 0 : i32
      %dma_start3A_400 = tpu.memref_slice %arg15[%dma_start3A_398, %dma_start3A_399] : memref<3x128xi32, #tpu.memory_space<vmem>> -> memref<1x128xi32, #tpu.memory_space<vmem>>
      %dma_start3A_401 = tpu.memref_squeeze %dma_start3A_400 : memref<1x128xi32, #tpu.memory_space<vmem>> -> memref<128xi32, #tpu.memory_space<vmem>>
      %dma_start3A_402 = arith.constant 0 : i32
      %dma_start3A_403 = arith.constant 0 : i32
      %dma_start3A_404 = tpu.memref_slice %arg3[%dma_start3A_402, %dma_start3A_403] : memref<100012x128xf32, #tpu.memory_space<hbm>> -> memref<100012x128xf32, #tpu.memory_space<hbm>>
      tpu.enqueue_indirect_dma source(%dma_start3A_404 : memref<100012x128xf32, #tpu.memory_space<hbm>>) target(%arg9 : memref<128x128xf32, #tpu.memory_space<vmem>>) offsets(%dma_start3A_401 : memref<128xi32, #tpu.memory_space<vmem>>) semaphore(%arg21 : memref<!tpu.dma_semaphore, #tpu.memory_space<semaphore_mem>>)
      %dma_start3A_405 = arith.constant 1 : i32
      %dma_start3A_406 = arith.constant 0 : i32
      %dma_start3A_407 = tpu.memref_slice %arg15[%dma_start3A_405, %dma_start3A_406] : memref<3x128xi32, #tpu.memory_space<vmem>> -> memref<1x128xi32, #tpu.memory_space<vmem>>
      %dma_start3A_408 = tpu.memref_squeeze %dma_start3A_407 : memref<1x128xi32, #tpu.memory_space<vmem>> -> memref<128xi32, #tpu.memory_space<vmem>>
      %dma_start3A_409 = arith.constant 0 : i32
      %dma_start3A_410 = arith.constant 0 : i32
      %dma_start3A_411 = tpu.memref_slice %arg4[%dma_start3A_409, %dma_start3A_410] : memref<149152x128xf32, #tpu.memory_space<hbm>> -> memref<149152x128xf32, #tpu.memory_space<hbm>>
      tpu.enqueue_indirect_dma source(%dma_start3A_411 : memref<149152x128xf32, #tpu.memory_space<hbm>>) target(%arg12 : memref<128x128xf32, #tpu.memory_space<vmem>>) offsets(%dma_start3A_408 : memref<128xi32, #tpu.memory_space<vmem>>) semaphore(%arg21 : memref<!tpu.dma_semaphore, #tpu.memory_space<semaphore_mem>>)
      %dma_wait3A_412 = arith.constant 0 : i32
      %dma_wait3A_413 = arith.constant 0 : i32
      %dma_wait3A_414 = tpu.memref_slice %arg17[%dma_wait3A_412, %dma_wait3A_413] : memref<3x128xi32, #tpu.memory_space<vmem>> -> memref<1x128xi32, #tpu.memory_space<vmem>>
      %dma_wait3A_415 = tpu.memref_squeeze %dma_wait3A_414 : memref<1x128xi32, #tpu.memory_space<vmem>> -> memref<128xi32, #tpu.memory_space<vmem>>
      %dma_wait3A_416 = arith.constant 0 : i32
      %dma_wait3A_417 = arith.constant 0 : i32
      %dma_wait3A_418 = tpu.memref_slice %arg3[%dma_wait3A_416, %dma_wait3A_417] : memref<100012x128xf32, #tpu.memory_space<hbm>> -> memref<100012x128xf32, #tpu.memory_space<hbm>>
      tpu.wait_indirect_dma semaphore(%arg23 : memref<!tpu.dma_semaphore, #tpu.memory_space<semaphore_mem>>) src(%dma_wait3A_418 : memref<100012x128xf32, #tpu.memory_space<hbm>>) dst(%arg11 : memref<128x128xf32, #tpu.memory_space<vmem>>)
      %dma_wait3A_419 = arith.constant 1 : i32
      %dma_wait3A_420 = arith.constant 0 : i32
      %dma_wait3A_421 = tpu.memref_slice %arg17[%dma_wait3A_419, %dma_wait3A_420] : memref<3x128xi32, #tpu.memory_space<vmem>> -> memref<1x128xi32, #tpu.memory_space<vmem>>
      %dma_wait3A_422 = tpu.memref_squeeze %dma_wait3A_421 : memref<1x128xi32, #tpu.memory_space<vmem>> -> memref<128xi32, #tpu.memory_space<vmem>>
      %dma_wait3A_423 = arith.constant 0 : i32
      %dma_wait3A_424 = arith.constant 0 : i32
      %dma_wait3A_425 = tpu.memref_slice %arg4[%dma_wait3A_423, %dma_wait3A_424] : memref<149152x128xf32, #tpu.memory_space<hbm>> -> memref<149152x128xf32, #tpu.memory_space<hbm>>
      tpu.wait_indirect_dma semaphore(%arg23 : memref<!tpu.dma_semaphore, #tpu.memory_space<semaphore_mem>>) src(%dma_wait3A_425 : memref<149152x128xf32, #tpu.memory_space<hbm>>) dst(%arg14 : memref<128x128xf32, #tpu.memory_space<vmem>>)
      %scan3A_426 = arith.constant 0 : i32
      %scan3A_427 = arith.constant 0 : i32
      %scan3A_428 = arith.constant 8 : i32
      %scan3A_429 = arith.addi %scan3A_427, %scan3A_428 : i32
      %scan3A_430 = arith.constant 1 : i32
      %scan3A_431 = scf.for %scan3A_592 = %scan3A_427 to %scan3A_429 step %scan3A_430 iter_args(%scan3A_593 = %scan3A_426) -> (i32)  : i32 {
        %iota3A = tpu.iota {dimensions = array<i32: 0>} : vector<16xi32>
        %mul3A_594 = arith.constant 16 : i32
        %mul3A_595 = arith.muli %scan3A_592, %mul3A_594 : i32
        %add3A_596 = vector.broadcast %mul3A_595 : i32 to vector<16xi32>
        %add3A_597 = arith.addi %add3A_596, %iota3A : vector<16xi32>
        %mul3A_598 = arith.constant 16 : i32
        %mul3A_599 = arith.muli %scan3A_592, %mul3A_598 : i32
        %get3A = arith.constant 2 : i32
        %get3A_600 = arith.index_cast %get3A : i32 to index
        %get3A_601 = arith.index_cast %mul3A_599 : i32 to index
        %get3A_602 = tpu.vector_load %arg17[%get3A_600, %get3A_601] {strides = array<i32>} : memref<3x128xi32, #tpu.memory_space<vmem>>, vector<16xi32>,
        %broadcast_in_dim3A = arith.constant 0.000000e+00 : f32
        %broadcast_in_dim3A_603 = vector.broadcast %broadcast_in_dim3A : f32 to vector<16xf32>
        %parallel_loop3A = arith.constant 0 : i32
        %parallel_loop3A_604 = arith.constant 128 : i32
        %parallel_loop3A_605 = arith.constant 1 : i32
        %parallel_loop3A_606:2 = scf.for %parallel_loop3A_655 = %parallel_loop3A to %parallel_loop3A_604 step %parallel_loop3A_605 iter_args(%parallel_loop3A_656 = %broadcast_in_dim3A_603, %parallel_loop3A_657 = %broadcast_in_dim3A_603) -> (vector<16xf32>, vector<16xf32>)  : i32 {
          %parallel_loop3A_658 = vector.broadcast %parallel_loop3A_655 : i32 to vector<16xi32>
          %parallel_loop3A_659 = arith.addi %parallel_loop3A_658, %iota3A : vector<16xi32>
          %parallel_loop3A_660 = arith.constant 127 : i32
          %parallel_loop3A_661 = vector.broadcast %parallel_loop3A_660 : i32 to vector<16xi32>
          %parallel_loop3A_662 = arith.andi %parallel_loop3A_659, %parallel_loop3A_661 : vector<16xi32>
          %parallel_loop3A_663 = tpu.vector_load_idx %arg11[%add3A_597, %parallel_loop3A_662] : memref<128x128xf32, #tpu.memory_space<vmem>>[vector<16xi32>, vector<16xi32>], vector<16xf32>,
          %parallel_loop3A_664 = tpu.vector_load_idx %arg14[%add3A_597, %parallel_loop3A_662] : memref<128x128xf32, #tpu.memory_space<vmem>>[vector<16xi32>, vector<16xi32>], vector<16xf32>,
          %parallel_loop3A_665 = arith.addf %parallel_loop3A_663, %parallel_loop3A_664 : vector<16xf32>
          %parallel_loop3A_666 = tpu.vector_load_idx %arg18[%get3A_602, %parallel_loop3A_662] : memref<4x128xf32, #tpu.memory_space<vmem>>[vector<16xi32>, vector<16xi32>], vector<16xf32>,
          %parallel_loop3A_667 = arith.addf %parallel_loop3A_665, %parallel_loop3A_666 : vector<16xf32>
          tpu.vector_store_idx %arg11[%add3A_597, %parallel_loop3A_662], %parallel_loop3A_667 : memref<128x128xf32, #tpu.memory_space<vmem>>[vector<16xi32>, vector<16xi32>], vector<16xf32>,
          %parallel_loop3A_668 = arith.addf %parallel_loop3A_656, %parallel_loop3A_667 : vector<16xf32>
          %parallel_loop3A_669 = arith.mulf %parallel_loop3A_667, %parallel_loop3A_667 : vector<16xf32>
          %parallel_loop3A_670 = arith.addf %parallel_loop3A_657, %parallel_loop3A_669 : vector<16xf32>
          scf.yield %parallel_loop3A_668, %parallel_loop3A_670 : vector<16xf32>, vector<16xf32>
        } {sc.loop_unroll_factor = 4 : i64, sc.parallel_access}
        %mul3A_607 = arith.constant 7.812500e-03 : f32
        %mul3A_608 = vector.broadcast %mul3A_607 : f32 to vector<16xf32>
        %mul3A_609 = arith.mulf %parallel_loop3A_606#0, %mul3A_608 : vector<16xf32>
        %mul3A_610 = arith.constant 7.812500e-03 : f32
        %mul3A_611 = vector.broadcast %mul3A_610 : f32 to vector<16xf32>
        %mul3A_612 = arith.mulf %parallel_loop3A_606#1, %mul3A_611 : vector<16xf32>
        %mul3A_613 = arith.mulf %mul3A_609, %mul3A_609 : vector<16xf32>
        %sub3A_614 = arith.subf %mul3A_612, %mul3A_613 : vector<16xf32>
        %add3A_615 = arith.constant 9.99999996E-13 : f32
        %add3A_616 = vector.broadcast %add3A_615 : f32 to vector<16xf32>
        %add3A_617 = arith.addf %sub3A_614, %add3A_616 : vector<16xf32>
        %bitcast3A = vector.bitcast %add3A_617 : vector<16xf32> to vector<16xi32>
        %shift_right_arithmetic3A = arith.constant 1 : i32
        %shift_right_arithmetic3A_618 = vector.broadcast %shift_right_arithmetic3A : i32 to vector<16xi32>
        %shift_right_arithmetic3A_619 = arith.shrsi %bitcast3A, %shift_right_arithmetic3A_618 : vector<16xi32>
        %sub3A_620 = arith.constant 1597463007 : i32
        %sub3A_621 = vector.broadcast %sub3A_620 : i32 to vector<16xi32>
        %sub3A_622 = arith.subi %sub3A_621, %shift_right_arithmetic3A_619 : vector<16xi32>
        %bitcast3A_623 = vector.bitcast %sub3A_622 : vector<16xi32> to vector<16xf32>
        %mul3A_624 = arith.constant 5.000000e-01 : f32
        %mul3A_625 = vector.broadcast %mul3A_624 : f32 to vector<16xf32>
        %mul3A_626 = arith.mulf %mul3A_625, %add3A_617 : vector<16xf32>
        %mul3A_627 = arith.mulf %mul3A_626, %bitcast3A_623 : vector<16xf32>
        %mul3A_628 = arith.mulf %mul3A_627, %bitcast3A_623 : vector<16xf32>
        %sub3A_629 = arith.constant 1.500000e+00 : f32
        %sub3A_630 = vector.broadcast %sub3A_629 : f32 to vector<16xf32>
        %sub3A_631 = arith.subf %sub3A_630, %mul3A_628 : vector<16xf32>
        %mul3A_632 = arith.mulf %bitcast3A_623, %sub3A_631 : vector<16xf32>
        %mul3A_633 = arith.constant 5.000000e-01 : f32
        %mul3A_634 = vector.broadcast %mul3A_633 : f32 to vector<16xf32>
        %mul3A_635 = arith.mulf %mul3A_634, %add3A_617 : vector<16xf32>
        %mul3A_636 = arith.mulf %mul3A_635, %mul3A_632 : vector<16xf32>
        %mul3A_637 = arith.mulf %mul3A_636, %mul3A_632 : vector<16xf32>
        %sub3A_638 = arith.constant 1.500000e+00 : f32
        %sub3A_639 = vector.broadcast %sub3A_638 : f32 to vector<16xf32>
        %sub3A_640 = arith.subf %sub3A_639, %mul3A_637 : vector<16xf32>
        %mul3A_641 = arith.mulf %mul3A_632, %sub3A_640 : vector<16xf32>
        %mul3A_642 = arith.constant 5.000000e-01 : f32
        %mul3A_643 = vector.broadcast %mul3A_642 : f32 to vector<16xf32>
        %mul3A_644 = arith.mulf %mul3A_643, %add3A_617 : vector<16xf32>
        %mul3A_645 = arith.mulf %mul3A_644, %mul3A_641 : vector<16xf32>
        %mul3A_646 = arith.mulf %mul3A_645, %mul3A_641 : vector<16xf32>
        %sub3A_647 = arith.constant 1.500000e+00 : f32
        %sub3A_648 = vector.broadcast %sub3A_647 : f32 to vector<16xf32>
        %sub3A_649 = arith.subf %sub3A_648, %mul3A_646 : vector<16xf32>
        %mul3A_650 = arith.mulf %mul3A_641, %sub3A_649 : vector<16xf32>
        %parallel_loop3A_651 = arith.constant 0 : i32
        %parallel_loop3A_652 = arith.constant 128 : i32
        %parallel_loop3A_653 = arith.constant 1 : i32
        scf.for %parallel_loop3A_655 = %parallel_loop3A_651 to %parallel_loop3A_652 step %parallel_loop3A_653  : i32 {
          %parallel_loop3A_656 = vector.broadcast %parallel_loop3A_655 : i32 to vector<16xi32>
          %parallel_loop3A_657 = arith.addi %parallel_loop3A_656, %iota3A : vector<16xi32>
          %parallel_loop3A_658 = arith.constant 127 : i32
          %parallel_loop3A_659 = vector.broadcast %parallel_loop3A_658 : i32 to vector<16xi32>
          %parallel_loop3A_660 = arith.andi %parallel_loop3A_657, %parallel_loop3A_659 : vector<16xi32>
          %parallel_loop3A_661 = tpu.vector_load_idx %arg11[%add3A_597, %parallel_loop3A_660] : memref<128x128xf32, #tpu.memory_space<vmem>>[vector<16xi32>, vector<16xi32>], vector<16xf32>,
          %parallel_loop3A_662 = arith.subf %parallel_loop3A_661, %mul3A_609 : vector<16xf32>
          %parallel_loop3A_663 = arith.mulf %parallel_loop3A_662, %mul3A_650 : vector<16xf32>
          %parallel_loop3A_664 = tpu.vector_load_idx %arg19[%parallel_loop3A_660] : memref<128xf32, #tpu.memory_space<vmem>>[vector<16xi32>], vector<16xf32>,
          %parallel_loop3A_665 = arith.mulf %parallel_loop3A_663, %parallel_loop3A_664 : vector<16xf32>
          %parallel_loop3A_666 = tpu.vector_load_idx %arg20[%parallel_loop3A_660] : memref<128xf32, #tpu.memory_space<vmem>>[vector<16xi32>], vector<16xf32>,
          %parallel_loop3A_667 = arith.addf %parallel_loop3A_665, %parallel_loop3A_666 : vector<16xf32>
          tpu.vector_store_idx %arg11[%add3A_597, %parallel_loop3A_660], %parallel_loop3A_667 : memref<128x128xf32, #tpu.memory_space<vmem>>[vector<16xi32>, vector<16xi32>], vector<16xf32>,
        } {sc.loop_unroll_factor = 4 : i64, sc.parallel_access}
        %scan3A_654 = arith.constant 0 : i32
        scf.yield %scan3A_654 : i32
      }
      %scan3A_432 = arith.constant 8 : i32
      %mul3A_433 = arith.constant 128 : i32
      %mul3A_434 = arith.muli %add3A_379, %mul3A_433 : i32
      %dma_start3A_435 = arith.constant 0 : i32
      %dma_start3A_436 = tpu.memref_slice %arg8[%mul3A_434, %dma_start3A_435] : memref<253952x128xf32, #tpu.memory_space<hbm>> -> memref<128x128xf32, #tpu.memory_space<hbm>>
      %dma_start3A_437 = arith.constant 0 : i32
      %dma_start3A_438 = tpu.memref_slice %arg8[%mul3A_434, %dma_start3A_437] : memref<253952x128xf32, #tpu.memory_space<hbm>> -> memref<128x128xf32, #tpu.memory_space<hbm>>
      tpu.enqueue_dma source(%arg11 : memref<128x128xf32, #tpu.memory_space<vmem>>) target(%dma_start3A_438 : memref<128x128xf32, #tpu.memory_space<hbm>>) target_semaphore(%arg29 : memref<!tpu.dma_semaphore, #tpu.memory_space<semaphore_mem>>)
      %add3A_439 = arith.constant 3 : i32
      %add3A_440 = arith.addi %add3A_379, %add3A_439 : i32
      %dma_start3A_441 = arith.constant 0 : i32
      %dma_start3A_442 = arith.constant 0 : i32
      %dma_start3A_443 = tpu.memref_slice %arg2[%add3A_440, %dma_start3A_441, %dma_start3A_442] : memref<1984x3x128xi32, #tpu.memory_space<hbm>> -> memref<1x3x128xi32, #tpu.memory_space<hbm>>
      %dma_start3A_444 = tpu.memref_squeeze %dma_start3A_443 : memref<1x3x128xi32, #tpu.memory_space<hbm>> -> memref<3x128xi32, #tpu.memory_space<hbm>>
      %dma_start3A_445 = arith.constant 0 : i32
      %dma_start3A_446 = arith.constant 0 : i32
      %dma_start3A_447 = tpu.memref_slice %arg2[%add3A_440, %dma_start3A_445, %dma_start3A_446] : memref<1984x3x128xi32, #tpu.memory_space<hbm>> -> memref<1x3x128xi32, #tpu.memory_space<hbm>>
      %dma_start3A_448 = tpu.memref_squeeze %dma_start3A_447 : memref<1x3x128xi32, #tpu.memory_space<hbm>> -> memref<3x128xi32, #tpu.memory_space<hbm>>
      tpu.enqueue_dma source(%dma_start3A_448 : memref<3x128xi32, #tpu.memory_space<hbm>>) target(%arg17 : memref<3x128xi32, #tpu.memory_space<vmem>>) target_semaphore(%arg26 : memref<!tpu.dma_semaphore, #tpu.memory_space<semaphore_mem>>)
      %add3A_449 = arith.constant 1 : i32
      %add3A_450 = arith.addi %add3A_379, %add3A_449 : i32
      %add3A_451 = arith.constant 1 : i32
      %add3A_452 = arith.addi %add3A_450, %add3A_451 : i32
      %dma_wait3A_453 = arith.constant 0 : i32
      %dma_wait3A_454 = arith.constant 0 : i32
      %dma_wait3A_455 = tpu.memref_slice %arg2[%add3A_452, %dma_wait3A_453, %dma_wait3A_454] : memref<1984x3x128xi32, #tpu.memory_space<hbm>> -> memref<1x3x128xi32, #tpu.memory_space<hbm>>
      %dma_wait3A_456 = tpu.memref_squeeze %dma_wait3A_455 : memref<1x3x128xi32, #tpu.memory_space<hbm>> -> memref<3x128xi32, #tpu.memory_space<hbm>>
      %dma_wait3A_457 = arith.constant 0 : i32
      %dma_wait3A_458 = arith.constant 0 : i32
      %dma_wait3A_459 = tpu.memref_slice %arg2[%add3A_452, %dma_wait3A_457, %dma_wait3A_458] : memref<1984x3x128xi32, #tpu.memory_space<hbm>> -> memref<1x3x128xi32, #tpu.memory_space<hbm>>
      %dma_wait3A_460 = tpu.memref_squeeze %dma_wait3A_459 : memref<1x3x128xi32, #tpu.memory_space<hbm>> -> memref<3x128xi32, #tpu.memory_space<hbm>>
      tpu.wait_dma2 semaphore(%arg25 : memref<!tpu.dma_semaphore, #tpu.memory_space<semaphore_mem>>) src(%dma_wait3A_460 : memref<3x128xi32, #tpu.memory_space<hbm>>) dst(%arg16 : memref<3x128xi32, #tpu.memory_space<vmem>>)
      %sub3A_461 = arith.constant 2 : i32
      %sub3A_462 = arith.subi %add3A_450, %sub3A_461 : i32
      %mul3A_463 = arith.constant 128 : i32
      %mul3A_464 = arith.muli %sub3A_462, %mul3A_463 : i32
      %dma_wait3A_465 = arith.constant 0 : i32
      %dma_wait3A_466 = tpu.memref_slice %arg8[%mul3A_464, %dma_wait3A_465] : memref<253952x128xf32, #tpu.memory_space<hbm>> -> memref<128x128xf32, #tpu.memory_space<hbm>>
      %dma_wait3A_467 = arith.constant 0 : i32
      %dma_wait3A_468 = tpu.memref_slice %arg8[%mul3A_464, %dma_wait3A_467] : memref<253952x128xf32, #tpu.memory_space<hbm>> -> memref<128x128xf32, #tpu.memory_space<hbm>>
      tpu.wait_dma2 semaphore(%arg28 : memref<!tpu.dma_semaphore, #tpu.memory_space<semaphore_mem>>) src(%arg10 : memref<128x128xf32, #tpu.memory_space<vmem>>) dst(%dma_wait3A_468 : memref<128x128xf32, #tpu.memory_space<hbm>>)
      %dma_start3A_469 = arith.constant 0 : i32
      %dma_start3A_470 = arith.constant 0 : i32
      %dma_start3A_471 = tpu.memref_slice %arg16[%dma_start3A_469, %dma_start3A_470] : memref<3x128xi32, #tpu.memory_space<vmem>> -> memref<1x128xi32, #tpu.memory_space<vmem>>
      %dma_start3A_472 = tpu.memref_squeeze %dma_start3A_471 : memref<1x128xi32, #tpu.memory_space<vmem>> -> memref<128xi32, #tpu.memory_space<vmem>>
      %dma_start3A_473 = arith.constant 0 : i32
      %dma_start3A_474 = arith.constant 0 : i32
      %dma_start3A_475 = tpu.memref_slice %arg3[%dma_start3A_473, %dma_start3A_474] : memref<100012x128xf32, #tpu.memory_space<hbm>> -> memref<100012x128xf32, #tpu.memory_space<hbm>>
      tpu.enqueue_indirect_dma source(%dma_start3A_475 : memref<100012x128xf32, #tpu.memory_space<hbm>>) target(%arg10 : memref<128x128xf32, #tpu.memory_space<vmem>>) offsets(%dma_start3A_472 : memref<128xi32, #tpu.memory_space<vmem>>) semaphore(%arg22 : memref<!tpu.dma_semaphore, #tpu.memory_space<semaphore_mem>>)
      %dma_start3A_476 = arith.constant 1 : i32
      %dma_start3A_477 = arith.constant 0 : i32
      %dma_start3A_478 = tpu.memref_slice %arg16[%dma_start3A_476, %dma_start3A_477] : memref<3x128xi32, #tpu.memory_space<vmem>> -> memref<1x128xi32, #tpu.memory_space<vmem>>
      %dma_start3A_479 = tpu.memref_squeeze %dma_start3A_478 : memref<1x128xi32, #tpu.memory_space<vmem>> -> memref<128xi32, #tpu.memory_space<vmem>>
      %dma_start3A_480 = arith.constant 0 : i32
      %dma_start3A_481 = arith.constant 0 : i32
      %dma_start3A_482 = tpu.memref_slice %arg4[%dma_start3A_480, %dma_start3A_481] : memref<149152x128xf32, #tpu.memory_space<hbm>> -> memref<149152x128xf32, #tpu.memory_space<hbm>>
      tpu.enqueue_indirect_dma source(%dma_start3A_482 : memref<149152x128xf32, #tpu.memory_space<hbm>>) target(%arg13 : memref<128x128xf32, #tpu.memory_space<vmem>>) offsets(%dma_start3A_479 : memref<128xi32, #tpu.memory_space<vmem>>) semaphore(%arg22 : memref<!tpu.dma_semaphore, #tpu.memory_space<semaphore_mem>>)
      %dma_wait3A_483 = arith.constant 0 : i32
      %dma_wait3A_484 = arith.constant 0 : i32
      %dma_wait3A_485 = tpu.memref_slice %arg15[%dma_wait3A_483, %dma_wait3A_484] : memref<3x128xi32, #tpu.memory_space<vmem>> -> memref<1x128xi32, #tpu.memory_space<vmem>>
      %dma_wait3A_486 = tpu.memref_squeeze %dma_wait3A_485 : memref<1x128xi32, #tpu.memory_space<vmem>> -> memref<128xi32, #tpu.memory_space<vmem>>
      %dma_wait3A_487 = arith.constant 0 : i32
      %dma_wait3A_488 = arith.constant 0 : i32
      %dma_wait3A_489 = tpu.memref_slice %arg3[%dma_wait3A_487, %dma_wait3A_488] : memref<100012x128xf32, #tpu.memory_space<hbm>> -> memref<100012x128xf32, #tpu.memory_space<hbm>>
      tpu.wait_indirect_dma semaphore(%arg21 : memref<!tpu.dma_semaphore, #tpu.memory_space<semaphore_mem>>) src(%dma_wait3A_489 : memref<100012x128xf32, #tpu.memory_space<hbm>>) dst(%arg9 : memref<128x128xf32, #tpu.memory_space<vmem>>)
      %dma_wait3A_490 = arith.constant 1 : i32
      %dma_wait3A_491 = arith.constant 0 : i32
      %dma_wait3A_492 = tpu.memref_slice %arg15[%dma_wait3A_490, %dma_wait3A_491] : memref<3x128xi32, #tpu.memory_space<vmem>> -> memref<1x128xi32, #tpu.memory_space<vmem>>
      %dma_wait3A_493 = tpu.memref_squeeze %dma_wait3A_492 : memref<1x128xi32, #tpu.memory_space<vmem>> -> memref<128xi32, #tpu.memory_space<vmem>>
      %dma_wait3A_494 = arith.constant 0 : i32
      %dma_wait3A_495 = arith.constant 0 : i32
      %dma_wait3A_496 = tpu.memref_slice %arg4[%dma_wait3A_494, %dma_wait3A_495] : memref<149152x128xf32, #tpu.memory_space<hbm>> -> memref<149152x128xf32, #tpu.memory_space<hbm>>
      tpu.wait_indirect_dma semaphore(%arg21 : memref<!tpu.dma_semaphore, #tpu.memory_space<semaphore_mem>>) src(%dma_wait3A_496 : memref<149152x128xf32, #tpu.memory_space<hbm>>) dst(%arg12 : memref<128x128xf32, #tpu.memory_space<vmem>>)
      %scan3A_497 = arith.constant 0 : i32
      %scan3A_498 = arith.constant 0 : i32
      %scan3A_499 = arith.constant 8 : i32
      %scan3A_500 = arith.addi %scan3A_498, %scan3A_499 : i32
      %scan3A_501 = arith.constant 1 : i32
      %scan3A_502 = scf.for %scan3A_592 = %scan3A_498 to %scan3A_500 step %scan3A_501 iter_args(%scan3A_593 = %scan3A_497) -> (i32)  : i32 {
        %iota3A = tpu.iota {dimensions = array<i32: 0>} : vector<16xi32>
        %mul3A_594 = arith.constant 16 : i32
        %mul3A_595 = arith.muli %scan3A_592, %mul3A_594 : i32
        %add3A_596 = vector.broadcast %mul3A_595 : i32 to vector<16xi32>
        %add3A_597 = arith.addi %add3A_596, %iota3A : vector<16xi32>
        %mul3A_598 = arith.constant 16 : i32
        %mul3A_599 = arith.muli %scan3A_592, %mul3A_598 : i32
        %get3A = arith.constant 2 : i32
        %get3A_600 = arith.index_cast %get3A : i32 to index
        %get3A_601 = arith.index_cast %mul3A_599 : i32 to index
        %get3A_602 = tpu.vector_load %arg15[%get3A_600, %get3A_601] {strides = array<i32>} : memref<3x128xi32, #tpu.memory_space<vmem>>, vector<16xi32>,
        %broadcast_in_dim3A = arith.constant 0.000000e+00 : f32
        %broadcast_in_dim3A_603 = vector.broadcast %broadcast_in_dim3A : f32 to vector<16xf32>
        %parallel_loop3A = arith.constant 0 : i32
        %parallel_loop3A_604 = arith.constant 128 : i32
        %parallel_loop3A_605 = arith.constant 1 : i32
        %parallel_loop3A_606:2 = scf.for %parallel_loop3A_655 = %parallel_loop3A to %parallel_loop3A_604 step %parallel_loop3A_605 iter_args(%parallel_loop3A_656 = %broadcast_in_dim3A_603, %parallel_loop3A_657 = %broadcast_in_dim3A_603) -> (vector<16xf32>, vector<16xf32>)  : i32 {
          %parallel_loop3A_658 = vector.broadcast %parallel_loop3A_655 : i32 to vector<16xi32>
          %parallel_loop3A_659 = arith.addi %parallel_loop3A_658, %iota3A : vector<16xi32>
          %parallel_loop3A_660 = arith.constant 127 : i32
          %parallel_loop3A_661 = vector.broadcast %parallel_loop3A_660 : i32 to vector<16xi32>
          %parallel_loop3A_662 = arith.andi %parallel_loop3A_659, %parallel_loop3A_661 : vector<16xi32>
          %parallel_loop3A_663 = tpu.vector_load_idx %arg9[%add3A_597, %parallel_loop3A_662] : memref<128x128xf32, #tpu.memory_space<vmem>>[vector<16xi32>, vector<16xi32>], vector<16xf32>,
          %parallel_loop3A_664 = tpu.vector_load_idx %arg12[%add3A_597, %parallel_loop3A_662] : memref<128x128xf32, #tpu.memory_space<vmem>>[vector<16xi32>, vector<16xi32>], vector<16xf32>,
          %parallel_loop3A_665 = arith.addf %parallel_loop3A_663, %parallel_loop3A_664 : vector<16xf32>
          %parallel_loop3A_666 = tpu.vector_load_idx %arg18[%get3A_602, %parallel_loop3A_662] : memref<4x128xf32, #tpu.memory_space<vmem>>[vector<16xi32>, vector<16xi32>], vector<16xf32>,
          %parallel_loop3A_667 = arith.addf %parallel_loop3A_665, %parallel_loop3A_666 : vector<16xf32>
          tpu.vector_store_idx %arg9[%add3A_597, %parallel_loop3A_662], %parallel_loop3A_667 : memref<128x128xf32, #tpu.memory_space<vmem>>[vector<16xi32>, vector<16xi32>], vector<16xf32>,
          %parallel_loop3A_668 = arith.addf %parallel_loop3A_656, %parallel_loop3A_667 : vector<16xf32>
          %parallel_loop3A_669 = arith.mulf %parallel_loop3A_667, %parallel_loop3A_667 : vector<16xf32>
          %parallel_loop3A_670 = arith.addf %parallel_loop3A_657, %parallel_loop3A_669 : vector<16xf32>
          scf.yield %parallel_loop3A_668, %parallel_loop3A_670 : vector<16xf32>, vector<16xf32>
        } {sc.loop_unroll_factor = 4 : i64, sc.parallel_access}
        %mul3A_607 = arith.constant 7.812500e-03 : f32
        %mul3A_608 = vector.broadcast %mul3A_607 : f32 to vector<16xf32>
        %mul3A_609 = arith.mulf %parallel_loop3A_606#0, %mul3A_608 : vector<16xf32>
        %mul3A_610 = arith.constant 7.812500e-03 : f32
        %mul3A_611 = vector.broadcast %mul3A_610 : f32 to vector<16xf32>
        %mul3A_612 = arith.mulf %parallel_loop3A_606#1, %mul3A_611 : vector<16xf32>
        %mul3A_613 = arith.mulf %mul3A_609, %mul3A_609 : vector<16xf32>
        %sub3A_614 = arith.subf %mul3A_612, %mul3A_613 : vector<16xf32>
        %add3A_615 = arith.constant 9.99999996E-13 : f32
        %add3A_616 = vector.broadcast %add3A_615 : f32 to vector<16xf32>
        %add3A_617 = arith.addf %sub3A_614, %add3A_616 : vector<16xf32>
        %bitcast3A = vector.bitcast %add3A_617 : vector<16xf32> to vector<16xi32>
        %shift_right_arithmetic3A = arith.constant 1 : i32
        %shift_right_arithmetic3A_618 = vector.broadcast %shift_right_arithmetic3A : i32 to vector<16xi32>
        %shift_right_arithmetic3A_619 = arith.shrsi %bitcast3A, %shift_right_arithmetic3A_618 : vector<16xi32>
        %sub3A_620 = arith.constant 1597463007 : i32
        %sub3A_621 = vector.broadcast %sub3A_620 : i32 to vector<16xi32>
        %sub3A_622 = arith.subi %sub3A_621, %shift_right_arithmetic3A_619 : vector<16xi32>
        %bitcast3A_623 = vector.bitcast %sub3A_622 : vector<16xi32> to vector<16xf32>
        %mul3A_624 = arith.constant 5.000000e-01 : f32
        %mul3A_625 = vector.broadcast %mul3A_624 : f32 to vector<16xf32>
        %mul3A_626 = arith.mulf %mul3A_625, %add3A_617 : vector<16xf32>
        %mul3A_627 = arith.mulf %mul3A_626, %bitcast3A_623 : vector<16xf32>
        %mul3A_628 = arith.mulf %mul3A_627, %bitcast3A_623 : vector<16xf32>
        %sub3A_629 = arith.constant 1.500000e+00 : f32
        %sub3A_630 = vector.broadcast %sub3A_629 : f32 to vector<16xf32>
        %sub3A_631 = arith.subf %sub3A_630, %mul3A_628 : vector<16xf32>
        %mul3A_632 = arith.mulf %bitcast3A_623, %sub3A_631 : vector<16xf32>
        %mul3A_633 = arith.constant 5.000000e-01 : f32
        %mul3A_634 = vector.broadcast %mul3A_633 : f32 to vector<16xf32>
        %mul3A_635 = arith.mulf %mul3A_634, %add3A_617 : vector<16xf32>
        %mul3A_636 = arith.mulf %mul3A_635, %mul3A_632 : vector<16xf32>
        %mul3A_637 = arith.mulf %mul3A_636, %mul3A_632 : vector<16xf32>
        %sub3A_638 = arith.constant 1.500000e+00 : f32
        %sub3A_639 = vector.broadcast %sub3A_638 : f32 to vector<16xf32>
        %sub3A_640 = arith.subf %sub3A_639, %mul3A_637 : vector<16xf32>
        %mul3A_641 = arith.mulf %mul3A_632, %sub3A_640 : vector<16xf32>
        %mul3A_642 = arith.constant 5.000000e-01 : f32
        %mul3A_643 = vector.broadcast %mul3A_642 : f32 to vector<16xf32>
        %mul3A_644 = arith.mulf %mul3A_643, %add3A_617 : vector<16xf32>
        %mul3A_645 = arith.mulf %mul3A_644, %mul3A_641 : vector<16xf32>
        %mul3A_646 = arith.mulf %mul3A_645, %mul3A_641 : vector<16xf32>
        %sub3A_647 = arith.constant 1.500000e+00 : f32
        %sub3A_648 = vector.broadcast %sub3A_647 : f32 to vector<16xf32>
        %sub3A_649 = arith.subf %sub3A_648, %mul3A_646 : vector<16xf32>
        %mul3A_650 = arith.mulf %mul3A_641, %sub3A_649 : vector<16xf32>
        %parallel_loop3A_651 = arith.constant 0 : i32
        %parallel_loop3A_652 = arith.constant 128 : i32
        %parallel_loop3A_653 = arith.constant 1 : i32
        scf.for %parallel_loop3A_655 = %parallel_loop3A_651 to %parallel_loop3A_652 step %parallel_loop3A_653  : i32 {
          %parallel_loop3A_656 = vector.broadcast %parallel_loop3A_655 : i32 to vector<16xi32>
          %parallel_loop3A_657 = arith.addi %parallel_loop3A_656, %iota3A : vector<16xi32>
          %parallel_loop3A_658 = arith.constant 127 : i32
          %parallel_loop3A_659 = vector.broadcast %parallel_loop3A_658 : i32 to vector<16xi32>
          %parallel_loop3A_660 = arith.andi %parallel_loop3A_657, %parallel_loop3A_659 : vector<16xi32>
          %parallel_loop3A_661 = tpu.vector_load_idx %arg9[%add3A_597, %parallel_loop3A_660] : memref<128x128xf32, #tpu.memory_space<vmem>>[vector<16xi32>, vector<16xi32>], vector<16xf32>,
          %parallel_loop3A_662 = arith.subf %parallel_loop3A_661, %mul3A_609 : vector<16xf32>
          %parallel_loop3A_663 = arith.mulf %parallel_loop3A_662, %mul3A_650 : vector<16xf32>
          %parallel_loop3A_664 = tpu.vector_load_idx %arg19[%parallel_loop3A_660] : memref<128xf32, #tpu.memory_space<vmem>>[vector<16xi32>], vector<16xf32>,
          %parallel_loop3A_665 = arith.mulf %parallel_loop3A_663, %parallel_loop3A_664 : vector<16xf32>
          %parallel_loop3A_666 = tpu.vector_load_idx %arg20[%parallel_loop3A_660] : memref<128xf32, #tpu.memory_space<vmem>>[vector<16xi32>], vector<16xf32>,
          %parallel_loop3A_667 = arith.addf %parallel_loop3A_665, %parallel_loop3A_666 : vector<16xf32>
          tpu.vector_store_idx %arg9[%add3A_597, %parallel_loop3A_660], %parallel_loop3A_667 : memref<128x128xf32, #tpu.memory_space<vmem>>[vector<16xi32>, vector<16xi32>], vector<16xf32>,
        } {sc.loop_unroll_factor = 4 : i64, sc.parallel_access}
        %scan3A_654 = arith.constant 0 : i32
        scf.yield %scan3A_654 : i32
      }
      %scan3A_503 = arith.constant 8 : i32
      %mul3A_504 = arith.constant 128 : i32
      %mul3A_505 = arith.muli %add3A_450, %mul3A_504 : i32
      %dma_start3A_506 = arith.constant 0 : i32
      %dma_start3A_507 = tpu.memref_slice %arg8[%mul3A_505, %dma_start3A_506] : memref<253952x128xf32, #tpu.memory_space<hbm>> -> memref<128x128xf32, #tpu.memory_space<hbm>>
      %dma_start3A_508 = arith.constant 0 : i32
      %dma_start3A_509 = tpu.memref_slice %arg8[%mul3A_505, %dma_start3A_508] : memref<253952x128xf32, #tpu.memory_space<hbm>> -> memref<128x128xf32, #tpu.memory_space<hbm>>
      tpu.enqueue_dma source(%arg9 : memref<128x128xf32, #tpu.memory_space<vmem>>) target(%dma_start3A_509 : memref<128x128xf32, #tpu.memory_space<hbm>>) target_semaphore(%arg27 : memref<!tpu.dma_semaphore, #tpu.memory_space<semaphore_mem>>)
      %add3A_510 = arith.constant 3 : i32
      %add3A_511 = arith.addi %add3A_450, %add3A_510 : i32
      %dma_start3A_512 = arith.constant 0 : i32
      %dma_start3A_513 = arith.constant 0 : i32
      %dma_start3A_514 = tpu.memref_slice %arg2[%add3A_511, %dma_start3A_512, %dma_start3A_513] : memref<1984x3x128xi32, #tpu.memory_space<hbm>> -> memref<1x3x128xi32, #tpu.memory_space<hbm>>
      %dma_start3A_515 = tpu.memref_squeeze %dma_start3A_514 : memref<1x3x128xi32, #tpu.memory_space<hbm>> -> memref<3x128xi32, #tpu.memory_space<hbm>>
      %dma_start3A_516 = arith.constant 0 : i32
      %dma_start3A_517 = arith.constant 0 : i32
      %dma_start3A_518 = tpu.memref_slice %arg2[%add3A_511, %dma_start3A_516, %dma_start3A_517] : memref<1984x3x128xi32, #tpu.memory_space<hbm>> -> memref<1x3x128xi32, #tpu.memory_space<hbm>>
      %dma_start3A_519 = tpu.memref_squeeze %dma_start3A_518 : memref<1x3x128xi32, #tpu.memory_space<hbm>> -> memref<3x128xi32, #tpu.memory_space<hbm>>
      tpu.enqueue_dma source(%dma_start3A_519 : memref<3x128xi32, #tpu.memory_space<hbm>>) target(%arg15 : memref<3x128xi32, #tpu.memory_space<vmem>>) target_semaphore(%arg24 : memref<!tpu.dma_semaphore, #tpu.memory_space<semaphore_mem>>)
      %add3A_520 = arith.constant 2 : i32
      %add3A_521 = arith.addi %add3A_379, %add3A_520 : i32
      %add3A_522 = arith.constant 1 : i32
      %add3A_523 = arith.addi %add3A_521, %add3A_522 : i32
      %dma_wait3A_524 = arith.constant 0 : i32
      %dma_wait3A_525 = arith.constant 0 : i32
      %dma_wait3A_526 = tpu.memref_slice %arg2[%add3A_523, %dma_wait3A_524, %dma_wait3A_525] : memref<1984x3x128xi32, #tpu.memory_space<hbm>> -> memref<1x3x128xi32, #tpu.memory_space<hbm>>
      %dma_wait3A_527 = tpu.memref_squeeze %dma_wait3A_526 : memref<1x3x128xi32, #tpu.memory_space<hbm>> -> memref<3x128xi32, #tpu.memory_space<hbm>>
      %dma_wait3A_528 = arith.constant 0 : i32
      %dma_wait3A_529 = arith.constant 0 : i32
      %dma_wait3A_530 = tpu.memref_slice %arg2[%add3A_523, %dma_wait3A_528, %dma_wait3A_529] : memref<1984x3x128xi32, #tpu.memory_space<hbm>> -> memref<1x3x128xi32, #tpu.memory_space<hbm>>
      %dma_wait3A_531 = tpu.memref_squeeze %dma_wait3A_530 : memref<1x3x128xi32, #tpu.memory_space<hbm>> -> memref<3x128xi32, #tpu.memory_space<hbm>>
      tpu.wait_dma2 semaphore(%arg26 : memref<!tpu.dma_semaphore, #tpu.memory_space<semaphore_mem>>) src(%dma_wait3A_531 : memref<3x128xi32, #tpu.memory_space<hbm>>) dst(%arg17 : memref<3x128xi32, #tpu.memory_space<vmem>>)
      %sub3A_532 = arith.constant 2 : i32
      %sub3A_533 = arith.subi %add3A_521, %sub3A_532 : i32
      %mul3A_534 = arith.constant 128 : i32
      %mul3A_535 = arith.muli %sub3A_533, %mul3A_534 : i32
      %dma_wait3A_536 = arith.constant 0 : i32
      %dma_wait3A_537 = tpu.memref_slice %arg8[%mul3A_535, %dma_wait3A_536] : memref<253952x128xf32, #tpu.memory_space<hbm>> -> memref<128x128xf32, #tpu.memory_space<hbm>>
      %dma_wait3A_538 = arith.constant 0 : i32
      %dma_wait3A_539 = tpu.memref_slice %arg8[%mul3A_535, %dma_wait3A_538] : memref<253952x128xf32, #tpu.memory_space<hbm>> -> memref<128x128xf32, #tpu.memory_space<hbm>>
      tpu.wait_dma2 semaphore(%arg29 : memref<!tpu.dma_semaphore, #tpu.memory_space<semaphore_mem>>) src(%arg11 : memref<128x128xf32, #tpu.memory_space<vmem>>) dst(%dma_wait3A_539 : memref<128x128xf32, #tpu.memory_space<hbm>>)
      %dma_start3A_540 = arith.constant 0 : i32
      %dma_start3A_541 = arith.constant 0 : i32
      %dma_start3A_542 = tpu.memref_slice %arg17[%dma_start3A_540, %dma_start3A_541] : memref<3x128xi32, #tpu.memory_space<vmem>> -> memref<1x128xi32, #tpu.memory_space<vmem>>
      %dma_start3A_543 = tpu.memref_squeeze %dma_start3A_542 : memref<1x128xi32, #tpu.memory_space<vmem>> -> memref<128xi32, #tpu.memory_space<vmem>>
      %dma_start3A_544 = arith.constant 0 : i32
      %dma_start3A_545 = arith.constant 0 : i32
      %dma_start3A_546 = tpu.memref_slice %arg3[%dma_start3A_544, %dma_start3A_545] : memref<100012x128xf32, #tpu.memory_space<hbm>> -> memref<100012x128xf32, #tpu.memory_space<hbm>>
      tpu.enqueue_indirect_dma source(%dma_start3A_546 : memref<100012x128xf32, #tpu.memory_space<hbm>>) target(%arg11 : memref<128x128xf32, #tpu.memory_space<vmem>>) offsets(%dma_start3A_543 : memref<128xi32, #tpu.memory_space<vmem>>) semaphore(%arg23 : memref<!tpu.dma_semaphore, #tpu.memory_space<semaphore_mem>>)
      %dma_start3A_547 = arith.constant 1 : i32
      %dma_start3A_548 = arith.constant 0 : i32
      %dma_start3A_549 = tpu.memref_slice %arg17[%dma_start3A_547, %dma_start3A_548] : memref<3x128xi32, #tpu.memory_space<vmem>> -> memref<1x128xi32, #tpu.memory_space<vmem>>
      %dma_start3A_550 = tpu.memref_squeeze %dma_start3A_549 : memref<1x128xi32, #tpu.memory_space<vmem>> -> memref<128xi32, #tpu.memory_space<vmem>>
      %dma_start3A_551 = arith.constant 0 : i32
      %dma_start3A_552 = arith.constant 0 : i32
      %dma_start3A_553 = tpu.memref_slice %arg4[%dma_start3A_551, %dma_start3A_552] : memref<149152x128xf32, #tpu.memory_space<hbm>> -> memref<149152x128xf32, #tpu.memory_space<hbm>>
      tpu.enqueue_indirect_dma source(%dma_start3A_553 : memref<149152x128xf32, #tpu.memory_space<hbm>>) target(%arg14 : memref<128x128xf32, #tpu.memory_space<vmem>>) offsets(%dma_start3A_550 : memref<128xi32, #tpu.memory_space<vmem>>) semaphore(%arg23 : memref<!tpu.dma_semaphore, #tpu.memory_space<semaphore_mem>>)
      %dma_wait3A_554 = arith.constant 0 : i32
      %dma_wait3A_555 = arith.constant 0 : i32
      %dma_wait3A_556 = tpu.memref_slice %arg16[%dma_wait3A_554, %dma_wait3A_555] : memref<3x128xi32, #tpu.memory_space<vmem>> -> memref<1x128xi32, #tpu.memory_space<vmem>>
      %dma_wait3A_557 = tpu.memref_squeeze %dma_wait3A_556 : memref<1x128xi32, #tpu.memory_space<vmem>> -> memref<128xi32, #tpu.memory_space<vmem>>
      %dma_wait3A_558 = arith.constant 0 : i32
      %dma_wait3A_559 = arith.constant 0 : i32
      %dma_wait3A_560 = tpu.memref_slice %arg3[%dma_wait3A_558, %dma_wait3A_559] : memref<100012x128xf32, #tpu.memory_space<hbm>> -> memref<100012x128xf32, #tpu.memory_space<hbm>>
      tpu.wait_indirect_dma semaphore(%arg22 : memref<!tpu.dma_semaphore, #tpu.memory_space<semaphore_mem>>) src(%dma_wait3A_560 : memref<100012x128xf32, #tpu.memory_space<hbm>>) dst(%arg10 : memref<128x128xf32, #tpu.memory_space<vmem>>)
      %dma_wait3A_561 = arith.constant 1 : i32
      %dma_wait3A_562 = arith.constant 0 : i32
      %dma_wait3A_563 = tpu.memref_slice %arg16[%dma_wait3A_561, %dma_wait3A_562] : memref<3x128xi32, #tpu.memory_space<vmem>> -> memref<1x128xi32, #tpu.memory_space<vmem>>
      %dma_wait3A_564 = tpu.memref_squeeze %dma_wait3A_563 : memref<1x128xi32, #tpu.memory_space<vmem>> -> memref<128xi32, #tpu.memory_space<vmem>>
      %dma_wait3A_565 = arith.constant 0 : i32
      %dma_wait3A_566 = arith.constant 0 : i32
      %dma_wait3A_567 = tpu.memref_slice %arg4[%dma_wait3A_565, %dma_wait3A_566] : memref<149152x128xf32, #tpu.memory_space<hbm>> -> memref<149152x128xf32, #tpu.memory_space<hbm>>
      tpu.wait_indirect_dma semaphore(%arg22 : memref<!tpu.dma_semaphore, #tpu.memory_space<semaphore_mem>>) src(%dma_wait3A_567 : memref<149152x128xf32, #tpu.memory_space<hbm>>) dst(%arg13 : memref<128x128xf32, #tpu.memory_space<vmem>>)
      %scan3A_568 = arith.constant 0 : i32
      %scan3A_569 = arith.constant 0 : i32
      %scan3A_570 = arith.constant 8 : i32
      %scan3A_571 = arith.addi %scan3A_569, %scan3A_570 : i32
      %scan3A_572 = arith.constant 1 : i32
      %scan3A_573 = scf.for %scan3A_592 = %scan3A_569 to %scan3A_571 step %scan3A_572 iter_args(%scan3A_593 = %scan3A_568) -> (i32)  : i32 {
        %iota3A = tpu.iota {dimensions = array<i32: 0>} : vector<16xi32>
        %mul3A_594 = arith.constant 16 : i32
        %mul3A_595 = arith.muli %scan3A_592, %mul3A_594 : i32
        %add3A_596 = vector.broadcast %mul3A_595 : i32 to vector<16xi32>
        %add3A_597 = arith.addi %add3A_596, %iota3A : vector<16xi32>
        %mul3A_598 = arith.constant 16 : i32
        %mul3A_599 = arith.muli %scan3A_592, %mul3A_598 : i32
        %get3A = arith.constant 2 : i32
        %get3A_600 = arith.index_cast %get3A : i32 to index
        %get3A_601 = arith.index_cast %mul3A_599 : i32 to index
        %get3A_602 = tpu.vector_load %arg16[%get3A_600, %get3A_601] {strides = array<i32>} : memref<3x128xi32, #tpu.memory_space<vmem>>, vector<16xi32>,
        %broadcast_in_dim3A = arith.constant 0.000000e+00 : f32
        %broadcast_in_dim3A_603 = vector.broadcast %broadcast_in_dim3A : f32 to vector<16xf32>
        %parallel_loop3A = arith.constant 0 : i32
        %parallel_loop3A_604 = arith.constant 128 : i32
        %parallel_loop3A_605 = arith.constant 1 : i32
        %parallel_loop3A_606:2 = scf.for %parallel_loop3A_655 = %parallel_loop3A to %parallel_loop3A_604 step %parallel_loop3A_605 iter_args(%parallel_loop3A_656 = %broadcast_in_dim3A_603, %parallel_loop3A_657 = %broadcast_in_dim3A_603) -> (vector<16xf32>, vector<16xf32>)  : i32 {
          %parallel_loop3A_658 = vector.broadcast %parallel_loop3A_655 : i32 to vector<16xi32>
          %parallel_loop3A_659 = arith.addi %parallel_loop3A_658, %iota3A : vector<16xi32>
          %parallel_loop3A_660 = arith.constant 127 : i32
          %parallel_loop3A_661 = vector.broadcast %parallel_loop3A_660 : i32 to vector<16xi32>
          %parallel_loop3A_662 = arith.andi %parallel_loop3A_659, %parallel_loop3A_661 : vector<16xi32>
          %parallel_loop3A_663 = tpu.vector_load_idx %arg10[%add3A_597, %parallel_loop3A_662] : memref<128x128xf32, #tpu.memory_space<vmem>>[vector<16xi32>, vector<16xi32>], vector<16xf32>,
          %parallel_loop3A_664 = tpu.vector_load_idx %arg13[%add3A_597, %parallel_loop3A_662] : memref<128x128xf32, #tpu.memory_space<vmem>>[vector<16xi32>, vector<16xi32>], vector<16xf32>,
          %parallel_loop3A_665 = arith.addf %parallel_loop3A_663, %parallel_loop3A_664 : vector<16xf32>
          %parallel_loop3A_666 = tpu.vector_load_idx %arg18[%get3A_602, %parallel_loop3A_662] : memref<4x128xf32, #tpu.memory_space<vmem>>[vector<16xi32>, vector<16xi32>], vector<16xf32>,
          %parallel_loop3A_667 = arith.addf %parallel_loop3A_665, %parallel_loop3A_666 : vector<16xf32>
          tpu.vector_store_idx %arg10[%add3A_597, %parallel_loop3A_662], %parallel_loop3A_667 : memref<128x128xf32, #tpu.memory_space<vmem>>[vector<16xi32>, vector<16xi32>], vector<16xf32>,
          %parallel_loop3A_668 = arith.addf %parallel_loop3A_656, %parallel_loop3A_667 : vector<16xf32>
          %parallel_loop3A_669 = arith.mulf %parallel_loop3A_667, %parallel_loop3A_667 : vector<16xf32>
          %parallel_loop3A_670 = arith.addf %parallel_loop3A_657, %parallel_loop3A_669 : vector<16xf32>
          scf.yield %parallel_loop3A_668, %parallel_loop3A_670 : vector<16xf32>, vector<16xf32>
        } {sc.loop_unroll_factor = 4 : i64, sc.parallel_access}
        %mul3A_607 = arith.constant 7.812500e-03 : f32
        %mul3A_608 = vector.broadcast %mul3A_607 : f32 to vector<16xf32>
        %mul3A_609 = arith.mulf %parallel_loop3A_606#0, %mul3A_608 : vector<16xf32>
        %mul3A_610 = arith.constant 7.812500e-03 : f32
        %mul3A_611 = vector.broadcast %mul3A_610 : f32 to vector<16xf32>
        %mul3A_612 = arith.mulf %parallel_loop3A_606#1, %mul3A_611 : vector<16xf32>
        %mul3A_613 = arith.mulf %mul3A_609, %mul3A_609 : vector<16xf32>
        %sub3A_614 = arith.subf %mul3A_612, %mul3A_613 : vector<16xf32>
        %add3A_615 = arith.constant 9.99999996E-13 : f32
        %add3A_616 = vector.broadcast %add3A_615 : f32 to vector<16xf32>
        %add3A_617 = arith.addf %sub3A_614, %add3A_616 : vector<16xf32>
        %bitcast3A = vector.bitcast %add3A_617 : vector<16xf32> to vector<16xi32>
        %shift_right_arithmetic3A = arith.constant 1 : i32
        %shift_right_arithmetic3A_618 = vector.broadcast %shift_right_arithmetic3A : i32 to vector<16xi32>
        %shift_right_arithmetic3A_619 = arith.shrsi %bitcast3A, %shift_right_arithmetic3A_618 : vector<16xi32>
        %sub3A_620 = arith.constant 1597463007 : i32
        %sub3A_621 = vector.broadcast %sub3A_620 : i32 to vector<16xi32>
        %sub3A_622 = arith.subi %sub3A_621, %shift_right_arithmetic3A_619 : vector<16xi32>
        %bitcast3A_623 = vector.bitcast %sub3A_622 : vector<16xi32> to vector<16xf32>
        %mul3A_624 = arith.constant 5.000000e-01 : f32
        %mul3A_625 = vector.broadcast %mul3A_624 : f32 to vector<16xf32>
        %mul3A_626 = arith.mulf %mul3A_625, %add3A_617 : vector<16xf32>
        %mul3A_627 = arith.mulf %mul3A_626, %bitcast3A_623 : vector<16xf32>
        %mul3A_628 = arith.mulf %mul3A_627, %bitcast3A_623 : vector<16xf32>
        %sub3A_629 = arith.constant 1.500000e+00 : f32
        %sub3A_630 = vector.broadcast %sub3A_629 : f32 to vector<16xf32>
        %sub3A_631 = arith.subf %sub3A_630, %mul3A_628 : vector<16xf32>
        %mul3A_632 = arith.mulf %bitcast3A_623, %sub3A_631 : vector<16xf32>
        %mul3A_633 = arith.constant 5.000000e-01 : f32
        %mul3A_634 = vector.broadcast %mul3A_633 : f32 to vector<16xf32>
        %mul3A_635 = arith.mulf %mul3A_634, %add3A_617 : vector<16xf32>
        %mul3A_636 = arith.mulf %mul3A_635, %mul3A_632 : vector<16xf32>
        %mul3A_637 = arith.mulf %mul3A_636, %mul3A_632 : vector<16xf32>
        %sub3A_638 = arith.constant 1.500000e+00 : f32
        %sub3A_639 = vector.broadcast %sub3A_638 : f32 to vector<16xf32>
        %sub3A_640 = arith.subf %sub3A_639, %mul3A_637 : vector<16xf32>
        %mul3A_641 = arith.mulf %mul3A_632, %sub3A_640 : vector<16xf32>
        %mul3A_642 = arith.constant 5.000000e-01 : f32
        %mul3A_643 = vector.broadcast %mul3A_642 : f32 to vector<16xf32>
        %mul3A_644 = arith.mulf %mul3A_643, %add3A_617 : vector<16xf32>
        %mul3A_645 = arith.mulf %mul3A_644, %mul3A_641 : vector<16xf32>
        %mul3A_646 = arith.mulf %mul3A_645, %mul3A_641 : vector<16xf32>
        %sub3A_647 = arith.constant 1.500000e+00 : f32
        %sub3A_648 = vector.broadcast %sub3A_647 : f32 to vector<16xf32>
        %sub3A_649 = arith.subf %sub3A_648, %mul3A_646 : vector<16xf32>
        %mul3A_650 = arith.mulf %mul3A_641, %sub3A_649 : vector<16xf32>
        %parallel_loop3A_651 = arith.constant 0 : i32
        %parallel_loop3A_652 = arith.constant 128 : i32
        %parallel_loop3A_653 = arith.constant 1 : i32
        scf.for %parallel_loop3A_655 = %parallel_loop3A_651 to %parallel_loop3A_652 step %parallel_loop3A_653  : i32 {
          %parallel_loop3A_656 = vector.broadcast %parallel_loop3A_655 : i32 to vector<16xi32>
          %parallel_loop3A_657 = arith.addi %parallel_loop3A_656, %iota3A : vector<16xi32>
          %parallel_loop3A_658 = arith.constant 127 : i32
          %parallel_loop3A_659 = vector.broadcast %parallel_loop3A_658 : i32 to vector<16xi32>
          %parallel_loop3A_660 = arith.andi %parallel_loop3A_657, %parallel_loop3A_659 : vector<16xi32>
          %parallel_loop3A_661 = tpu.vector_load_idx %arg10[%add3A_597, %parallel_loop3A_660] : memref<128x128xf32, #tpu.memory_space<vmem>>[vector<16xi32>, vector<16xi32>], vector<16xf32>,
          %parallel_loop3A_662 = arith.subf %parallel_loop3A_661, %mul3A_609 : vector<16xf32>
          %parallel_loop3A_663 = arith.mulf %parallel_loop3A_662, %mul3A_650 : vector<16xf32>
          %parallel_loop3A_664 = tpu.vector_load_idx %arg19[%parallel_loop3A_660] : memref<128xf32, #tpu.memory_space<vmem>>[vector<16xi32>], vector<16xf32>,
          %parallel_loop3A_665 = arith.mulf %parallel_loop3A_663, %parallel_loop3A_664 : vector<16xf32>
          %parallel_loop3A_666 = tpu.vector_load_idx %arg20[%parallel_loop3A_660] : memref<128xf32, #tpu.memory_space<vmem>>[vector<16xi32>], vector<16xf32>,
          %parallel_loop3A_667 = arith.addf %parallel_loop3A_665, %parallel_loop3A_666 : vector<16xf32>
          tpu.vector_store_idx %arg10[%add3A_597, %parallel_loop3A_660], %parallel_loop3A_667 : memref<128x128xf32, #tpu.memory_space<vmem>>[vector<16xi32>, vector<16xi32>], vector<16xf32>,
        } {sc.loop_unroll_factor = 4 : i64, sc.parallel_access}
        %scan3A_654 = arith.constant 0 : i32
        scf.yield %scan3A_654 : i32
      }
      %scan3A_574 = arith.constant 8 : i32
      %mul3A_575 = arith.constant 128 : i32
      %mul3A_576 = arith.muli %add3A_521, %mul3A_575 : i32
      %dma_start3A_577 = arith.constant 0 : i32
      %dma_start3A_578 = tpu.memref_slice %arg8[%mul3A_576, %dma_start3A_577] : memref<253952x128xf32, #tpu.memory_space<hbm>> -> memref<128x128xf32, #tpu.memory_space<hbm>>
      %dma_start3A_579 = arith.constant 0 : i32
      %dma_start3A_580 = tpu.memref_slice %arg8[%mul3A_576, %dma_start3A_579] : memref<253952x128xf32, #tpu.memory_space<hbm>> -> memref<128x128xf32, #tpu.memory_space<hbm>>
      tpu.enqueue_dma source(%arg10 : memref<128x128xf32, #tpu.memory_space<vmem>>) target(%dma_start3A_580 : memref<128x128xf32, #tpu.memory_space<hbm>>) target_semaphore(%arg28 : memref<!tpu.dma_semaphore, #tpu.memory_space<semaphore_mem>>)
      %add3A_581 = arith.constant 3 : i32
      %add3A_582 = arith.addi %add3A_521, %add3A_581 : i32
      %dma_start3A_583 = arith.constant 0 : i32
      %dma_start3A_584 = arith.constant 0 : i32
      %dma_start3A_585 = tpu.memref_slice %arg2[%add3A_582, %dma_start3A_583, %dma_start3A_584] : memref<1984x3x128xi32, #tpu.memory_space<hbm>> -> memref<1x3x128xi32, #tpu.memory_space<hbm>>
      %dma_start3A_586 = tpu.memref_squeeze %dma_start3A_585 : memref<1x3x128xi32, #tpu.memory_space<hbm>> -> memref<3x128xi32, #tpu.memory_space<hbm>>
      %dma_start3A_587 = arith.constant 0 : i32
      %dma_start3A_588 = arith.constant 0 : i32
      %dma_start3A_589 = tpu.memref_slice %arg2[%add3A_582, %dma_start3A_587, %dma_start3A_588] : memref<1984x3x128xi32, #tpu.memory_space<hbm>> -> memref<1x3x128xi32, #tpu.memory_space<hbm>>
      %dma_start3A_590 = tpu.memref_squeeze %dma_start3A_589 : memref<1x3x128xi32, #tpu.memory_space<hbm>> -> memref<3x128xi32, #tpu.memory_space<hbm>>
      tpu.enqueue_dma source(%dma_start3A_590 : memref<3x128xi32, #tpu.memory_space<hbm>>) target(%arg16 : memref<3x128xi32, #tpu.memory_space<vmem>>) target_semaphore(%arg25 : memref<!tpu.dma_semaphore, #tpu.memory_space<semaphore_mem>>)
      %scan3A_591 = arith.constant 0 : i32
      scf.yield %scan3A_591 : i32
    }
    %scan3A_186 = arith.constant 19 : i32
    %add3A_187 = arith.constant 62 : i32
    %add3A_188 = arith.addi %mul3A_2, %add3A_187 : i32
    %sub3A = arith.constant 3 : i32
    %sub3A_189 = arith.subi %add3A_188, %sub3A : i32
    %add3A_190 = arith.constant 1 : i32
    %add3A_191 = arith.addi %sub3A_189, %add3A_190 : i32
    %dma_wait3A_192 = arith.constant 0 : i32
    %dma_wait3A_193 = arith.constant 0 : i32
    %dma_wait3A_194 = tpu.memref_slice %arg2[%add3A_191, %dma_wait3A_192, %dma_wait3A_193] : memref<1984x3x128xi32, #tpu.memory_space<hbm>> -> memref<1x3x128xi32, #tpu.memory_space<hbm>>
    %dma_wait3A_195 = tpu.memref_squeeze %dma_wait3A_194 : memref<1x3x128xi32, #tpu.memory_space<hbm>> -> memref<3x128xi32, #tpu.memory_space<hbm>>
    %dma_wait3A_196 = arith.constant 0 : i32
    %dma_wait3A_197 = arith.constant 0 : i32
    %dma_wait3A_198 = tpu.memref_slice %arg2[%add3A_191, %dma_wait3A_196, %dma_wait3A_197] : memref<1984x3x128xi32, #tpu.memory_space<hbm>> -> memref<1x3x128xi32, #tpu.memory_space<hbm>>
    %dma_wait3A_199 = tpu.memref_squeeze %dma_wait3A_198 : memref<1x3x128xi32, #tpu.memory_space<hbm>> -> memref<3x128xi32, #tpu.memory_space<hbm>>
    tpu.wait_dma2 semaphore(%arg24 : memref<!tpu.dma_semaphore, #tpu.memory_space<semaphore_mem>>) src(%dma_wait3A_199 : memref<3x128xi32, #tpu.memory_space<hbm>>) dst(%arg15 : memref<3x128xi32, #tpu.memory_space<vmem>>)
    %sub3A_200 = arith.constant 2 : i32
    %sub3A_201 = arith.subi %sub3A_189, %sub3A_200 : i32
    %mul3A_202 = arith.constant 128 : i32
    %mul3A_203 = arith.muli %sub3A_201, %mul3A_202 : i32
    %dma_wait3A_204 = arith.constant 0 : i32
    %dma_wait3A_205 = tpu.memref_slice %arg8[%mul3A_203, %dma_wait3A_204] : memref<253952x128xf32, #tpu.memory_space<hbm>> -> memref<128x128xf32, #tpu.memory_space<hbm>>
    %dma_wait3A_206 = arith.constant 0 : i32
    %dma_wait3A_207 = tpu.memref_slice %arg8[%mul3A_203, %dma_wait3A_206] : memref<253952x128xf32, #tpu.memory_space<hbm>> -> memref<128x128xf32, #tpu.memory_space<hbm>>
    tpu.wait_dma2 semaphore(%arg27 : memref<!tpu.dma_semaphore, #tpu.memory_space<semaphore_mem>>) src(%arg9 : memref<128x128xf32, #tpu.memory_space<vmem>>) dst(%dma_wait3A_207 : memref<128x128xf32, #tpu.memory_space<hbm>>)
    %dma_start3A_208 = arith.constant 0 : i32
    %dma_start3A_209 = arith.constant 0 : i32
    %dma_start3A_210 = tpu.memref_slice %arg15[%dma_start3A_208, %dma_start3A_209] : memref<3x128xi32, #tpu.memory_space<vmem>> -> memref<1x128xi32, #tpu.memory_space<vmem>>
    %dma_start3A_211 = tpu.memref_squeeze %dma_start3A_210 : memref<1x128xi32, #tpu.memory_space<vmem>> -> memref<128xi32, #tpu.memory_space<vmem>>
    %dma_start3A_212 = arith.constant 0 : i32
    %dma_start3A_213 = arith.constant 0 : i32
    %dma_start3A_214 = tpu.memref_slice %arg3[%dma_start3A_212, %dma_start3A_213] : memref<100012x128xf32, #tpu.memory_space<hbm>> -> memref<100012x128xf32, #tpu.memory_space<hbm>>
    tpu.enqueue_indirect_dma source(%dma_start3A_214 : memref<100012x128xf32, #tpu.memory_space<hbm>>) target(%arg9 : memref<128x128xf32, #tpu.memory_space<vmem>>) offsets(%dma_start3A_211 : memref<128xi32, #tpu.memory_space<vmem>>) semaphore(%arg21 : memref<!tpu.dma_semaphore, #tpu.memory_space<semaphore_mem>>)
    %dma_start3A_215 = arith.constant 1 : i32
    %dma_start3A_216 = arith.constant 0 : i32
    %dma_start3A_217 = tpu.memref_slice %arg15[%dma_start3A_215, %dma_start3A_216] : memref<3x128xi32, #tpu.memory_space<vmem>> -> memref<1x128xi32, #tpu.memory_space<vmem>>
    %dma_start3A_218 = tpu.memref_squeeze %dma_start3A_217 : memref<1x128xi32, #tpu.memory_space<vmem>> -> memref<128xi32, #tpu.memory_space<vmem>>
    %dma_start3A_219 = arith.constant 0 : i32
    %dma_start3A_220 = arith.constant 0 : i32
    %dma_start3A_221 = tpu.memref_slice %arg4[%dma_start3A_219, %dma_start3A_220] : memref<149152x128xf32, #tpu.memory_space<hbm>> -> memref<149152x128xf32, #tpu.memory_space<hbm>>
    tpu.enqueue_indirect_dma source(%dma_start3A_221 : memref<149152x128xf32, #tpu.memory_space<hbm>>) target(%arg12 : memref<128x128xf32, #tpu.memory_space<vmem>>) offsets(%dma_start3A_218 : memref<128xi32, #tpu.memory_space<vmem>>) semaphore(%arg21 : memref<!tpu.dma_semaphore, #tpu.memory_space<semaphore_mem>>)
    %dma_wait3A_222 = arith.constant 0 : i32
    %dma_wait3A_223 = arith.constant 0 : i32
    %dma_wait3A_224 = tpu.memref_slice %arg17[%dma_wait3A_222, %dma_wait3A_223] : memref<3x128xi32, #tpu.memory_space<vmem>> -> memref<1x128xi32, #tpu.memory_space<vmem>>
    %dma_wait3A_225 = tpu.memref_squeeze %dma_wait3A_224 : memref<1x128xi32, #tpu.memory_space<vmem>> -> memref<128xi32, #tpu.memory_space<vmem>>
    %dma_wait3A_226 = arith.constant 0 : i32
    %dma_wait3A_227 = arith.constant 0 : i32
    %dma_wait3A_228 = tpu.memref_slice %arg3[%dma_wait3A_226, %dma_wait3A_227] : memref<100012x128xf32, #tpu.memory_space<hbm>> -> memref<100012x128xf32, #tpu.memory_space<hbm>>
    tpu.wait_indirect_dma semaphore(%arg23 : memref<!tpu.dma_semaphore, #tpu.memory_space<semaphore_mem>>) src(%dma_wait3A_228 : memref<100012x128xf32, #tpu.memory_space<hbm>>) dst(%arg11 : memref<128x128xf32, #tpu.memory_space<vmem>>)
    %dma_wait3A_229 = arith.constant 1 : i32
    %dma_wait3A_230 = arith.constant 0 : i32
    %dma_wait3A_231 = tpu.memref_slice %arg17[%dma_wait3A_229, %dma_wait3A_230] : memref<3x128xi32, #tpu.memory_space<vmem>> -> memref<1x128xi32, #tpu.memory_space<vmem>>
    %dma_wait3A_232 = tpu.memref_squeeze %dma_wait3A_231 : memref<1x128xi32, #tpu.memory_space<vmem>> -> memref<128xi32, #tpu.memory_space<vmem>>
    %dma_wait3A_233 = arith.constant 0 : i32
    %dma_wait3A_234 = arith.constant 0 : i32
    %dma_wait3A_235 = tpu.memref_slice %arg4[%dma_wait3A_233, %dma_wait3A_234] : memref<149152x128xf32, #tpu.memory_space<hbm>> -> memref<149152x128xf32, #tpu.memory_space<hbm>>
    tpu.wait_indirect_dma semaphore(%arg23 : memref<!tpu.dma_semaphore, #tpu.memory_space<semaphore_mem>>) src(%dma_wait3A_235 : memref<149152x128xf32, #tpu.memory_space<hbm>>) dst(%arg14 : memref<128x128xf32, #tpu.memory_space<vmem>>)
    %scan3A_236 = arith.constant 0 : i32
    %scan3A_237 = arith.constant 0 : i32
    %scan3A_238 = arith.constant 8 : i32
    %scan3A_239 = arith.addi %scan3A_237, %scan3A_238 : i32
    %scan3A_240 = arith.constant 1 : i32
    %scan3A_241 = scf.for %scan3A_373 = %scan3A_237 to %scan3A_239 step %scan3A_240 iter_args(%scan3A_374 = %scan3A_236) -> (i32)  : i32 {
      %iota3A = tpu.iota {dimensions = array<i32: 0>} : vector<16xi32>
      %mul3A_375 = arith.constant 16 : i32
      %mul3A_376 = arith.muli %scan3A_373, %mul3A_375 : i32
      %add3A_377 = vector.broadcast %mul3A_376 : i32 to vector<16xi32>
      %add3A_378 = arith.addi %add3A_377, %iota3A : vector<16xi32>
      %mul3A_379 = arith.constant 16 : i32
      %mul3A_380 = arith.muli %scan3A_373, %mul3A_379 : i32
      %get3A = arith.constant 2 : i32
      %get3A_381 = arith.index_cast %get3A : i32 to index
      %get3A_382 = arith.index_cast %mul3A_380 : i32 to index
      %get3A_383 = tpu.vector_load %arg17[%get3A_381, %get3A_382] {strides = array<i32>} : memref<3x128xi32, #tpu.memory_space<vmem>>, vector<16xi32>,
      %broadcast_in_dim3A = arith.constant 0.000000e+00 : f32
      %broadcast_in_dim3A_384 = vector.broadcast %broadcast_in_dim3A : f32 to vector<16xf32>
      %parallel_loop3A = arith.constant 0 : i32
      %parallel_loop3A_385 = arith.constant 128 : i32
      %parallel_loop3A_386 = arith.constant 1 : i32
      %parallel_loop3A_387:2 = scf.for %parallel_loop3A_436 = %parallel_loop3A to %parallel_loop3A_385 step %parallel_loop3A_386 iter_args(%parallel_loop3A_437 = %broadcast_in_dim3A_384, %parallel_loop3A_438 = %broadcast_in_dim3A_384) -> (vector<16xf32>, vector<16xf32>)  : i32 {
        %parallel_loop3A_439 = vector.broadcast %parallel_loop3A_436 : i32 to vector<16xi32>
        %parallel_loop3A_440 = arith.addi %parallel_loop3A_439, %iota3A : vector<16xi32>
        %parallel_loop3A_441 = arith.constant 127 : i32
        %parallel_loop3A_442 = vector.broadcast %parallel_loop3A_441 : i32 to vector<16xi32>
        %parallel_loop3A_443 = arith.andi %parallel_loop3A_440, %parallel_loop3A_442 : vector<16xi32>
        %parallel_loop3A_444 = tpu.vector_load_idx %arg11[%add3A_378, %parallel_loop3A_443] : memref<128x128xf32, #tpu.memory_space<vmem>>[vector<16xi32>, vector<16xi32>], vector<16xf32>,
        %parallel_loop3A_445 = tpu.vector_load_idx %arg14[%add3A_378, %parallel_loop3A_443] : memref<128x128xf32, #tpu.memory_space<vmem>>[vector<16xi32>, vector<16xi32>], vector<16xf32>,
        %parallel_loop3A_446 = arith.addf %parallel_loop3A_444, %parallel_loop3A_445 : vector<16xf32>
        %parallel_loop3A_447 = tpu.vector_load_idx %arg18[%get3A_383, %parallel_loop3A_443] : memref<4x128xf32, #tpu.memory_space<vmem>>[vector<16xi32>, vector<16xi32>], vector<16xf32>,
        %parallel_loop3A_448 = arith.addf %parallel_loop3A_446, %parallel_loop3A_447 : vector<16xf32>
        tpu.vector_store_idx %arg11[%add3A_378, %parallel_loop3A_443], %parallel_loop3A_448 : memref<128x128xf32, #tpu.memory_space<vmem>>[vector<16xi32>, vector<16xi32>], vector<16xf32>,
        %parallel_loop3A_449 = arith.addf %parallel_loop3A_437, %parallel_loop3A_448 : vector<16xf32>
        %parallel_loop3A_450 = arith.mulf %parallel_loop3A_448, %parallel_loop3A_448 : vector<16xf32>
        %parallel_loop3A_451 = arith.addf %parallel_loop3A_438, %parallel_loop3A_450 : vector<16xf32>
        scf.yield %parallel_loop3A_449, %parallel_loop3A_451 : vector<16xf32>, vector<16xf32>
      } {sc.loop_unroll_factor = 4 : i64, sc.parallel_access}
      %mul3A_388 = arith.constant 7.812500e-03 : f32
      %mul3A_389 = vector.broadcast %mul3A_388 : f32 to vector<16xf32>
      %mul3A_390 = arith.mulf %parallel_loop3A_387#0, %mul3A_389 : vector<16xf32>
      %mul3A_391 = arith.constant 7.812500e-03 : f32
      %mul3A_392 = vector.broadcast %mul3A_391 : f32 to vector<16xf32>
      %mul3A_393 = arith.mulf %parallel_loop3A_387#1, %mul3A_392 : vector<16xf32>
      %mul3A_394 = arith.mulf %mul3A_390, %mul3A_390 : vector<16xf32>
      %sub3A_395 = arith.subf %mul3A_393, %mul3A_394 : vector<16xf32>
      %add3A_396 = arith.constant 9.99999996E-13 : f32
      %add3A_397 = vector.broadcast %add3A_396 : f32 to vector<16xf32>
      %add3A_398 = arith.addf %sub3A_395, %add3A_397 : vector<16xf32>
      %bitcast3A = vector.bitcast %add3A_398 : vector<16xf32> to vector<16xi32>
      %shift_right_arithmetic3A = arith.constant 1 : i32
      %shift_right_arithmetic3A_399 = vector.broadcast %shift_right_arithmetic3A : i32 to vector<16xi32>
      %shift_right_arithmetic3A_400 = arith.shrsi %bitcast3A, %shift_right_arithmetic3A_399 : vector<16xi32>
      %sub3A_401 = arith.constant 1597463007 : i32
      %sub3A_402 = vector.broadcast %sub3A_401 : i32 to vector<16xi32>
      %sub3A_403 = arith.subi %sub3A_402, %shift_right_arithmetic3A_400 : vector<16xi32>
      %bitcast3A_404 = vector.bitcast %sub3A_403 : vector<16xi32> to vector<16xf32>
      %mul3A_405 = arith.constant 5.000000e-01 : f32
      %mul3A_406 = vector.broadcast %mul3A_405 : f32 to vector<16xf32>
      %mul3A_407 = arith.mulf %mul3A_406, %add3A_398 : vector<16xf32>
      %mul3A_408 = arith.mulf %mul3A_407, %bitcast3A_404 : vector<16xf32>
      %mul3A_409 = arith.mulf %mul3A_408, %bitcast3A_404 : vector<16xf32>
      %sub3A_410 = arith.constant 1.500000e+00 : f32
      %sub3A_411 = vector.broadcast %sub3A_410 : f32 to vector<16xf32>
      %sub3A_412 = arith.subf %sub3A_411, %mul3A_409 : vector<16xf32>
      %mul3A_413 = arith.mulf %bitcast3A_404, %sub3A_412 : vector<16xf32>
      %mul3A_414 = arith.constant 5.000000e-01 : f32
      %mul3A_415 = vector.broadcast %mul3A_414 : f32 to vector<16xf32>
      %mul3A_416 = arith.mulf %mul3A_415, %add3A_398 : vector<16xf32>
      %mul3A_417 = arith.mulf %mul3A_416, %mul3A_413 : vector<16xf32>
      %mul3A_418 = arith.mulf %mul3A_417, %mul3A_413 : vector<16xf32>
      %sub3A_419 = arith.constant 1.500000e+00 : f32
      %sub3A_420 = vector.broadcast %sub3A_419 : f32 to vector<16xf32>
      %sub3A_421 = arith.subf %sub3A_420, %mul3A_418 : vector<16xf32>
      %mul3A_422 = arith.mulf %mul3A_413, %sub3A_421 : vector<16xf32>
      %mul3A_423 = arith.constant 5.000000e-01 : f32
      %mul3A_424 = vector.broadcast %mul3A_423 : f32 to vector<16xf32>
      %mul3A_425 = arith.mulf %mul3A_424, %add3A_398 : vector<16xf32>
      %mul3A_426 = arith.mulf %mul3A_425, %mul3A_422 : vector<16xf32>
      %mul3A_427 = arith.mulf %mul3A_426, %mul3A_422 : vector<16xf32>
      %sub3A_428 = arith.constant 1.500000e+00 : f32
      %sub3A_429 = vector.broadcast %sub3A_428 : f32 to vector<16xf32>
      %sub3A_430 = arith.subf %sub3A_429, %mul3A_427 : vector<16xf32>
      %mul3A_431 = arith.mulf %mul3A_422, %sub3A_430 : vector<16xf32>
      %parallel_loop3A_432 = arith.constant 0 : i32
      %parallel_loop3A_433 = arith.constant 128 : i32
      %parallel_loop3A_434 = arith.constant 1 : i32
      scf.for %parallel_loop3A_436 = %parallel_loop3A_432 to %parallel_loop3A_433 step %parallel_loop3A_434  : i32 {
        %parallel_loop3A_437 = vector.broadcast %parallel_loop3A_436 : i32 to vector<16xi32>
        %parallel_loop3A_438 = arith.addi %parallel_loop3A_437, %iota3A : vector<16xi32>
        %parallel_loop3A_439 = arith.constant 127 : i32
        %parallel_loop3A_440 = vector.broadcast %parallel_loop3A_439 : i32 to vector<16xi32>
        %parallel_loop3A_441 = arith.andi %parallel_loop3A_438, %parallel_loop3A_440 : vector<16xi32>
        %parallel_loop3A_442 = tpu.vector_load_idx %arg11[%add3A_378, %parallel_loop3A_441] : memref<128x128xf32, #tpu.memory_space<vmem>>[vector<16xi32>, vector<16xi32>], vector<16xf32>,
        %parallel_loop3A_443 = arith.subf %parallel_loop3A_442, %mul3A_390 : vector<16xf32>
        %parallel_loop3A_444 = arith.mulf %parallel_loop3A_443, %mul3A_431 : vector<16xf32>
        %parallel_loop3A_445 = tpu.vector_load_idx %arg19[%parallel_loop3A_441] : memref<128xf32, #tpu.memory_space<vmem>>[vector<16xi32>], vector<16xf32>,
        %parallel_loop3A_446 = arith.mulf %parallel_loop3A_444, %parallel_loop3A_445 : vector<16xf32>
        %parallel_loop3A_447 = tpu.vector_load_idx %arg20[%parallel_loop3A_441] : memref<128xf32, #tpu.memory_space<vmem>>[vector<16xi32>], vector<16xf32>,
        %parallel_loop3A_448 = arith.addf %parallel_loop3A_446, %parallel_loop3A_447 : vector<16xf32>
        tpu.vector_store_idx %arg11[%add3A_378, %parallel_loop3A_441], %parallel_loop3A_448 : memref<128x128xf32, #tpu.memory_space<vmem>>[vector<16xi32>, vector<16xi32>], vector<16xf32>,
      } {sc.loop_unroll_factor = 4 : i64, sc.parallel_access}
      %scan3A_435 = arith.constant 0 : i32
      scf.yield %scan3A_435 : i32
    }
    %scan3A_242 = arith.constant 8 : i32
    %mul3A_243 = arith.constant 128 : i32
    %mul3A_244 = arith.muli %sub3A_189, %mul3A_243 : i32
    %dma_start3A_245 = arith.constant 0 : i32
    %dma_start3A_246 = tpu.memref_slice %arg8[%mul3A_244, %dma_start3A_245] : memref<253952x128xf32, #tpu.memory_space<hbm>> -> memref<128x128xf32, #tpu.memory_space<hbm>>
    %dma_start3A_247 = arith.constant 0 : i32
    %dma_start3A_248 = tpu.memref_slice %arg8[%mul3A_244, %dma_start3A_247] : memref<253952x128xf32, #tpu.memory_space<hbm>> -> memref<128x128xf32, #tpu.memory_space<hbm>>
    tpu.enqueue_dma source(%arg11 : memref<128x128xf32, #tpu.memory_space<vmem>>) target(%dma_start3A_248 : memref<128x128xf32, #tpu.memory_space<hbm>>) target_semaphore(%arg29 : memref<!tpu.dma_semaphore, #tpu.memory_space<semaphore_mem>>)
    %add3A_249 = arith.constant 62 : i32
    %add3A_250 = arith.addi %mul3A_2, %add3A_249 : i32
    %sub3A_251 = arith.constant 2 : i32
    %sub3A_252 = arith.subi %add3A_250, %sub3A_251 : i32
    %add3A_253 = arith.constant 1 : i32
    %add3A_254 = arith.addi %sub3A_252, %add3A_253 : i32
    %dma_wait3A_255 = arith.constant 0 : i32
    %dma_wait3A_256 = arith.constant 0 : i32
    %dma_wait3A_257 = tpu.memref_slice %arg2[%add3A_254, %dma_wait3A_255, %dma_wait3A_256] : memref<1984x3x128xi32, #tpu.memory_space<hbm>> -> memref<1x3x128xi32, #tpu.memory_space<hbm>>
    %dma_wait3A_258 = tpu.memref_squeeze %dma_wait3A_257 : memref<1x3x128xi32, #tpu.memory_space<hbm>> -> memref<3x128xi32, #tpu.memory_space<hbm>>
    %dma_wait3A_259 = arith.constant 0 : i32
    %dma_wait3A_260 = arith.constant 0 : i32
    %dma_wait3A_261 = tpu.memref_slice %arg2[%add3A_254, %dma_wait3A_259, %dma_wait3A_260] : memref<1984x3x128xi32, #tpu.memory_space<hbm>> -> memref<1x3x128xi32, #tpu.memory_space<hbm>>
    %dma_wait3A_262 = tpu.memref_squeeze %dma_wait3A_261 : memref<1x3x128xi32, #tpu.memory_space<hbm>> -> memref<3x128xi32, #tpu.memory_space<hbm>>
    tpu.wait_dma2 semaphore(%arg25 : memref<!tpu.dma_semaphore, #tpu.memory_space<semaphore_mem>>) src(%dma_wait3A_262 : memref<3x128xi32, #tpu.memory_space<hbm>>) dst(%arg16 : memref<3x128xi32, #tpu.memory_space<vmem>>)
    %sub3A_263 = arith.constant 2 : i32
    %sub3A_264 = arith.subi %sub3A_252, %sub3A_263 : i32
    %mul3A_265 = arith.constant 128 : i32
    %mul3A_266 = arith.muli %sub3A_264, %mul3A_265 : i32
    %dma_wait3A_267 = arith.constant 0 : i32
    %dma_wait3A_268 = tpu.memref_slice %arg8[%mul3A_266, %dma_wait3A_267] : memref<253952x128xf32, #tpu.memory_space<hbm>> -> memref<128x128xf32, #tpu.memory_space<hbm>>
    %dma_wait3A_269 = arith.constant 0 : i32
    %dma_wait3A_270 = tpu.memref_slice %arg8[%mul3A_266, %dma_wait3A_269] : memref<253952x128xf32, #tpu.memory_space<hbm>> -> memref<128x128xf32, #tpu.memory_space<hbm>>
    tpu.wait_dma2 semaphore(%arg28 : memref<!tpu.dma_semaphore, #tpu.memory_space<semaphore_mem>>) src(%arg10 : memref<128x128xf32, #tpu.memory_space<vmem>>) dst(%dma_wait3A_270 : memref<128x128xf32, #tpu.memory_space<hbm>>)
    %dma_start3A_271 = arith.constant 0 : i32
    %dma_start3A_272 = arith.constant 0 : i32
    %dma_start3A_273 = tpu.memref_slice %arg16[%dma_start3A_271, %dma_start3A_272] : memref<3x128xi32, #tpu.memory_space<vmem>> -> memref<1x128xi32, #tpu.memory_space<vmem>>
    %dma_start3A_274 = tpu.memref_squeeze %dma_start3A_273 : memref<1x128xi32, #tpu.memory_space<vmem>> -> memref<128xi32, #tpu.memory_space<vmem>>
    %dma_start3A_275 = arith.constant 0 : i32
    %dma_start3A_276 = arith.constant 0 : i32
    %dma_start3A_277 = tpu.memref_slice %arg3[%dma_start3A_275, %dma_start3A_276] : memref<100012x128xf32, #tpu.memory_space<hbm>> -> memref<100012x128xf32, #tpu.memory_space<hbm>>
    tpu.enqueue_indirect_dma source(%dma_start3A_277 : memref<100012x128xf32, #tpu.memory_space<hbm>>) target(%arg10 : memref<128x128xf32, #tpu.memory_space<vmem>>) offsets(%dma_start3A_274 : memref<128xi32, #tpu.memory_space<vmem>>) semaphore(%arg22 : memref<!tpu.dma_semaphore, #tpu.memory_space<semaphore_mem>>)
    %dma_start3A_278 = arith.constant 1 : i32
    %dma_start3A_279 = arith.constant 0 : i32
    %dma_start3A_280 = tpu.memref_slice %arg16[%dma_start3A_278, %dma_start3A_279] : memref<3x128xi32, #tpu.memory_space<vmem>> -> memref<1x128xi32, #tpu.memory_space<vmem>>
    %dma_start3A_281 = tpu.memref_squeeze %dma_start3A_280 : memref<1x128xi32, #tpu.memory_space<vmem>> -> memref<128xi32, #tpu.memory_space<vmem>>
    %dma_start3A_282 = arith.constant 0 : i32
    %dma_start3A_283 = arith.constant 0 : i32
    %dma_start3A_284 = tpu.memref_slice %arg4[%dma_start3A_282, %dma_start3A_283] : memref<149152x128xf32, #tpu.memory_space<hbm>> -> memref<149152x128xf32, #tpu.memory_space<hbm>>
    tpu.enqueue_indirect_dma source(%dma_start3A_284 : memref<149152x128xf32, #tpu.memory_space<hbm>>) target(%arg13 : memref<128x128xf32, #tpu.memory_space<vmem>>) offsets(%dma_start3A_281 : memref<128xi32, #tpu.memory_space<vmem>>) semaphore(%arg22 : memref<!tpu.dma_semaphore, #tpu.memory_space<semaphore_mem>>)
    %dma_wait3A_285 = arith.constant 0 : i32
    %dma_wait3A_286 = arith.constant 0 : i32
    %dma_wait3A_287 = tpu.memref_slice %arg15[%dma_wait3A_285, %dma_wait3A_286] : memref<3x128xi32, #tpu.memory_space<vmem>> -> memref<1x128xi32, #tpu.memory_space<vmem>>
    %dma_wait3A_288 = tpu.memref_squeeze %dma_wait3A_287 : memref<1x128xi32, #tpu.memory_space<vmem>> -> memref<128xi32, #tpu.memory_space<vmem>>
    %dma_wait3A_289 = arith.constant 0 : i32
    %dma_wait3A_290 = arith.constant 0 : i32
    %dma_wait3A_291 = tpu.memref_slice %arg3[%dma_wait3A_289, %dma_wait3A_290] : memref<100012x128xf32, #tpu.memory_space<hbm>> -> memref<100012x128xf32, #tpu.memory_space<hbm>>
    tpu.wait_indirect_dma semaphore(%arg21 : memref<!tpu.dma_semaphore, #tpu.memory_space<semaphore_mem>>) src(%dma_wait3A_291 : memref<100012x128xf32, #tpu.memory_space<hbm>>) dst(%arg9 : memref<128x128xf32, #tpu.memory_space<vmem>>)
    %dma_wait3A_292 = arith.constant 1 : i32
    %dma_wait3A_293 = arith.constant 0 : i32
    %dma_wait3A_294 = tpu.memref_slice %arg15[%dma_wait3A_292, %dma_wait3A_293] : memref<3x128xi32, #tpu.memory_space<vmem>> -> memref<1x128xi32, #tpu.memory_space<vmem>>
    %dma_wait3A_295 = tpu.memref_squeeze %dma_wait3A_294 : memref<1x128xi32, #tpu.memory_space<vmem>> -> memref<128xi32, #tpu.memory_space<vmem>>
    %dma_wait3A_296 = arith.constant 0 : i32
    %dma_wait3A_297 = arith.constant 0 : i32
    %dma_wait3A_298 = tpu.memref_slice %arg4[%dma_wait3A_296, %dma_wait3A_297] : memref<149152x128xf32, #tpu.memory_space<hbm>> -> memref<149152x128xf32, #tpu.memory_space<hbm>>
    tpu.wait_indirect_dma semaphore(%arg21 : memref<!tpu.dma_semaphore, #tpu.memory_space<semaphore_mem>>) src(%dma_wait3A_298 : memref<149152x128xf32, #tpu.memory_space<hbm>>) dst(%arg12 : memref<128x128xf32, #tpu.memory_space<vmem>>)
    %scan3A_299 = arith.constant 0 : i32
    %scan3A_300 = arith.constant 0 : i32
    %scan3A_301 = arith.constant 8 : i32
    %scan3A_302 = arith.addi %scan3A_300, %scan3A_301 : i32
    %scan3A_303 = arith.constant 1 : i32
    %scan3A_304 = scf.for %scan3A_373 = %scan3A_300 to %scan3A_302 step %scan3A_303 iter_args(%scan3A_374 = %scan3A_299) -> (i32)  : i32 {
      %iota3A = tpu.iota {dimensions = array<i32: 0>} : vector<16xi32>
      %mul3A_375 = arith.constant 16 : i32
      %mul3A_376 = arith.muli %scan3A_373, %mul3A_375 : i32
      %add3A_377 = vector.broadcast %mul3A_376 : i32 to vector<16xi32>
      %add3A_378 = arith.addi %add3A_377, %iota3A : vector<16xi32>
      %mul3A_379 = arith.constant 16 : i32
      %mul3A_380 = arith.muli %scan3A_373, %mul3A_379 : i32
      %get3A = arith.constant 2 : i32
      %get3A_381 = arith.index_cast %get3A : i32 to index
      %get3A_382 = arith.index_cast %mul3A_380 : i32 to index
      %get3A_383 = tpu.vector_load %arg15[%get3A_381, %get3A_382] {strides = array<i32>} : memref<3x128xi32, #tpu.memory_space<vmem>>, vector<16xi32>,
      %broadcast_in_dim3A = arith.constant 0.000000e+00 : f32
      %broadcast_in_dim3A_384 = vector.broadcast %broadcast_in_dim3A : f32 to vector<16xf32>
      %parallel_loop3A = arith.constant 0 : i32
      %parallel_loop3A_385 = arith.constant 128 : i32
      %parallel_loop3A_386 = arith.constant 1 : i32
      %parallel_loop3A_387:2 = scf.for %parallel_loop3A_436 = %parallel_loop3A to %parallel_loop3A_385 step %parallel_loop3A_386 iter_args(%parallel_loop3A_437 = %broadcast_in_dim3A_384, %parallel_loop3A_438 = %broadcast_in_dim3A_384) -> (vector<16xf32>, vector<16xf32>)  : i32 {
        %parallel_loop3A_439 = vector.broadcast %parallel_loop3A_436 : i32 to vector<16xi32>
        %parallel_loop3A_440 = arith.addi %parallel_loop3A_439, %iota3A : vector<16xi32>
        %parallel_loop3A_441 = arith.constant 127 : i32
        %parallel_loop3A_442 = vector.broadcast %parallel_loop3A_441 : i32 to vector<16xi32>
        %parallel_loop3A_443 = arith.andi %parallel_loop3A_440, %parallel_loop3A_442 : vector<16xi32>
        %parallel_loop3A_444 = tpu.vector_load_idx %arg9[%add3A_378, %parallel_loop3A_443] : memref<128x128xf32, #tpu.memory_space<vmem>>[vector<16xi32>, vector<16xi32>], vector<16xf32>,
        %parallel_loop3A_445 = tpu.vector_load_idx %arg12[%add3A_378, %parallel_loop3A_443] : memref<128x128xf32, #tpu.memory_space<vmem>>[vector<16xi32>, vector<16xi32>], vector<16xf32>,
        %parallel_loop3A_446 = arith.addf %parallel_loop3A_444, %parallel_loop3A_445 : vector<16xf32>
        %parallel_loop3A_447 = tpu.vector_load_idx %arg18[%get3A_383, %parallel_loop3A_443] : memref<4x128xf32, #tpu.memory_space<vmem>>[vector<16xi32>, vector<16xi32>], vector<16xf32>,
        %parallel_loop3A_448 = arith.addf %parallel_loop3A_446, %parallel_loop3A_447 : vector<16xf32>
        tpu.vector_store_idx %arg9[%add3A_378, %parallel_loop3A_443], %parallel_loop3A_448 : memref<128x128xf32, #tpu.memory_space<vmem>>[vector<16xi32>, vector<16xi32>], vector<16xf32>,
        %parallel_loop3A_449 = arith.addf %parallel_loop3A_437, %parallel_loop3A_448 : vector<16xf32>
        %parallel_loop3A_450 = arith.mulf %parallel_loop3A_448, %parallel_loop3A_448 : vector<16xf32>
        %parallel_loop3A_451 = arith.addf %parallel_loop3A_438, %parallel_loop3A_450 : vector<16xf32>
        scf.yield %parallel_loop3A_449, %parallel_loop3A_451 : vector<16xf32>, vector<16xf32>
      } {sc.loop_unroll_factor = 4 : i64, sc.parallel_access}
      %mul3A_388 = arith.constant 7.812500e-03 : f32
      %mul3A_389 = vector.broadcast %mul3A_388 : f32 to vector<16xf32>
      %mul3A_390 = arith.mulf %parallel_loop3A_387#0, %mul3A_389 : vector<16xf32>
      %mul3A_391 = arith.constant 7.812500e-03 : f32
      %mul3A_392 = vector.broadcast %mul3A_391 : f32 to vector<16xf32>
      %mul3A_393 = arith.mulf %parallel_loop3A_387#1, %mul3A_392 : vector<16xf32>
      %mul3A_394 = arith.mulf %mul3A_390, %mul3A_390 : vector<16xf32>
      %sub3A_395 = arith.subf %mul3A_393, %mul3A_394 : vector<16xf32>
      %add3A_396 = arith.constant 9.99999996E-13 : f32
      %add3A_397 = vector.broadcast %add3A_396 : f32 to vector<16xf32>
      %add3A_398 = arith.addf %sub3A_395, %add3A_397 : vector<16xf32>
      %bitcast3A = vector.bitcast %add3A_398 : vector<16xf32> to vector<16xi32>
      %shift_right_arithmetic3A = arith.constant 1 : i32
      %shift_right_arithmetic3A_399 = vector.broadcast %shift_right_arithmetic3A : i32 to vector<16xi32>
      %shift_right_arithmetic3A_400 = arith.shrsi %bitcast3A, %shift_right_arithmetic3A_399 : vector<16xi32>
      %sub3A_401 = arith.constant 1597463007 : i32
      %sub3A_402 = vector.broadcast %sub3A_401 : i32 to vector<16xi32>
      %sub3A_403 = arith.subi %sub3A_402, %shift_right_arithmetic3A_400 : vector<16xi32>
      %bitcast3A_404 = vector.bitcast %sub3A_403 : vector<16xi32> to vector<16xf32>
      %mul3A_405 = arith.constant 5.000000e-01 : f32
      %mul3A_406 = vector.broadcast %mul3A_405 : f32 to vector<16xf32>
      %mul3A_407 = arith.mulf %mul3A_406, %add3A_398 : vector<16xf32>
      %mul3A_408 = arith.mulf %mul3A_407, %bitcast3A_404 : vector<16xf32>
      %mul3A_409 = arith.mulf %mul3A_408, %bitcast3A_404 : vector<16xf32>
      %sub3A_410 = arith.constant 1.500000e+00 : f32
      %sub3A_411 = vector.broadcast %sub3A_410 : f32 to vector<16xf32>
      %sub3A_412 = arith.subf %sub3A_411, %mul3A_409 : vector<16xf32>
      %mul3A_413 = arith.mulf %bitcast3A_404, %sub3A_412 : vector<16xf32>
      %mul3A_414 = arith.constant 5.000000e-01 : f32
      %mul3A_415 = vector.broadcast %mul3A_414 : f32 to vector<16xf32>
      %mul3A_416 = arith.mulf %mul3A_415, %add3A_398 : vector<16xf32>
      %mul3A_417 = arith.mulf %mul3A_416, %mul3A_413 : vector<16xf32>
      %mul3A_418 = arith.mulf %mul3A_417, %mul3A_413 : vector<16xf32>
      %sub3A_419 = arith.constant 1.500000e+00 : f32
      %sub3A_420 = vector.broadcast %sub3A_419 : f32 to vector<16xf32>
      %sub3A_421 = arith.subf %sub3A_420, %mul3A_418 : vector<16xf32>
      %mul3A_422 = arith.mulf %mul3A_413, %sub3A_421 : vector<16xf32>
      %mul3A_423 = arith.constant 5.000000e-01 : f32
      %mul3A_424 = vector.broadcast %mul3A_423 : f32 to vector<16xf32>
      %mul3A_425 = arith.mulf %mul3A_424, %add3A_398 : vector<16xf32>
      %mul3A_426 = arith.mulf %mul3A_425, %mul3A_422 : vector<16xf32>
      %mul3A_427 = arith.mulf %mul3A_426, %mul3A_422 : vector<16xf32>
      %sub3A_428 = arith.constant 1.500000e+00 : f32
      %sub3A_429 = vector.broadcast %sub3A_428 : f32 to vector<16xf32>
      %sub3A_430 = arith.subf %sub3A_429, %mul3A_427 : vector<16xf32>
      %mul3A_431 = arith.mulf %mul3A_422, %sub3A_430 : vector<16xf32>
      %parallel_loop3A_432 = arith.constant 0 : i32
      %parallel_loop3A_433 = arith.constant 128 : i32
      %parallel_loop3A_434 = arith.constant 1 : i32
      scf.for %parallel_loop3A_436 = %parallel_loop3A_432 to %parallel_loop3A_433 step %parallel_loop3A_434  : i32 {
        %parallel_loop3A_437 = vector.broadcast %parallel_loop3A_436 : i32 to vector<16xi32>
        %parallel_loop3A_438 = arith.addi %parallel_loop3A_437, %iota3A : vector<16xi32>
        %parallel_loop3A_439 = arith.constant 127 : i32
        %parallel_loop3A_440 = vector.broadcast %parallel_loop3A_439 : i32 to vector<16xi32>
        %parallel_loop3A_441 = arith.andi %parallel_loop3A_438, %parallel_loop3A_440 : vector<16xi32>
        %parallel_loop3A_442 = tpu.vector_load_idx %arg9[%add3A_378, %parallel_loop3A_441] : memref<128x128xf32, #tpu.memory_space<vmem>>[vector<16xi32>, vector<16xi32>], vector<16xf32>,
        %parallel_loop3A_443 = arith.subf %parallel_loop3A_442, %mul3A_390 : vector<16xf32>
        %parallel_loop3A_444 = arith.mulf %parallel_loop3A_443, %mul3A_431 : vector<16xf32>
        %parallel_loop3A_445 = tpu.vector_load_idx %arg19[%parallel_loop3A_441] : memref<128xf32, #tpu.memory_space<vmem>>[vector<16xi32>], vector<16xf32>,
        %parallel_loop3A_446 = arith.mulf %parallel_loop3A_444, %parallel_loop3A_445 : vector<16xf32>
        %parallel_loop3A_447 = tpu.vector_load_idx %arg20[%parallel_loop3A_441] : memref<128xf32, #tpu.memory_space<vmem>>[vector<16xi32>], vector<16xf32>,
        %parallel_loop3A_448 = arith.addf %parallel_loop3A_446, %parallel_loop3A_447 : vector<16xf32>
        tpu.vector_store_idx %arg9[%add3A_378, %parallel_loop3A_441], %parallel_loop3A_448 : memref<128x128xf32, #tpu.memory_space<vmem>>[vector<16xi32>, vector<16xi32>], vector<16xf32>,
      } {sc.loop_unroll_factor = 4 : i64, sc.parallel_access}
      %scan3A_435 = arith.constant 0 : i32
      scf.yield %scan3A_435 : i32
    }
    %scan3A_305 = arith.constant 8 : i32
    %mul3A_306 = arith.constant 128 : i32
    %mul3A_307 = arith.muli %sub3A_252, %mul3A_306 : i32
    %dma_start3A_308 = arith.constant 0 : i32
    %dma_start3A_309 = tpu.memref_slice %arg8[%mul3A_307, %dma_start3A_308] : memref<253952x128xf32, #tpu.memory_space<hbm>> -> memref<128x128xf32, #tpu.memory_space<hbm>>
    %dma_start3A_310 = arith.constant 0 : i32
    %dma_start3A_311 = tpu.memref_slice %arg8[%mul3A_307, %dma_start3A_310] : memref<253952x128xf32, #tpu.memory_space<hbm>> -> memref<128x128xf32, #tpu.memory_space<hbm>>
    tpu.enqueue_dma source(%arg9 : memref<128x128xf32, #tpu.memory_space<vmem>>) target(%dma_start3A_311 : memref<128x128xf32, #tpu.memory_space<hbm>>) target_semaphore(%arg27 : memref<!tpu.dma_semaphore, #tpu.memory_space<semaphore_mem>>)
    %add3A_312 = arith.constant 62 : i32
    %add3A_313 = arith.addi %mul3A_2, %add3A_312 : i32
    %sub3A_314 = arith.constant 1 : i32
    %sub3A_315 = arith.subi %add3A_313, %sub3A_314 : i32
    %dma_wait3A_316 = arith.constant 0 : i32
    %dma_wait3A_317 = arith.constant 0 : i32
    %dma_wait3A_318 = tpu.memref_slice %arg16[%dma_wait3A_316, %dma_wait3A_317] : memref<3x128xi32, #tpu.memory_space<vmem>> -> memref<1x128xi32, #tpu.memory_space<vmem>>
    %dma_wait3A_319 = tpu.memref_squeeze %dma_wait3A_318 : memref<1x128xi32, #tpu.memory_space<vmem>> -> memref<128xi32, #tpu.memory_space<vmem>>
    %dma_wait3A_320 = arith.constant 0 : i32
    %dma_wait3A_321 = arith.constant 0 : i32
    %dma_wait3A_322 = tpu.memref_slice %arg3[%dma_wait3A_320, %dma_wait3A_321] : memref<100012x128xf32, #tpu.memory_space<hbm>> -> memref<100012x128xf32, #tpu.memory_space<hbm>>
    tpu.wait_indirect_dma semaphore(%arg22 : memref<!tpu.dma_semaphore, #tpu.memory_space<semaphore_mem>>) src(%dma_wait3A_322 : memref<100012x128xf32, #tpu.memory_space<hbm>>) dst(%arg10 : memref<128x128xf32, #tpu.memory_space<vmem>>)
    %dma_wait3A_323 = arith.constant 1 : i32
    %dma_wait3A_324 = arith.constant 0 : i32
    %dma_wait3A_325 = tpu.memref_slice %arg16[%dma_wait3A_323, %dma_wait3A_324] : memref<3x128xi32, #tpu.memory_space<vmem>> -> memref<1x128xi32, #tpu.memory_space<vmem>>
    %dma_wait3A_326 = tpu.memref_squeeze %dma_wait3A_325 : memref<1x128xi32, #tpu.memory_space<vmem>> -> memref<128xi32, #tpu.memory_space<vmem>>
    %dma_wait3A_327 = arith.constant 0 : i32
    %dma_wait3A_328 = arith.constant 0 : i32
    %dma_wait3A_329 = tpu.memref_slice %arg4[%dma_wait3A_327, %dma_wait3A_328] : memref<149152x128xf32, #tpu.memory_space<hbm>> -> memref<149152x128xf32, #tpu.memory_space<hbm>>
    tpu.wait_indirect_dma semaphore(%arg22 : memref<!tpu.dma_semaphore, #tpu.memory_space<semaphore_mem>>) src(%dma_wait3A_329 : memref<149152x128xf32, #tpu.memory_space<hbm>>) dst(%arg13 : memref<128x128xf32, #tpu.memory_space<vmem>>)
    %scan3A_330 = arith.constant 0 : i32
    %scan3A_331 = arith.constant 0 : i32
    %scan3A_332 = arith.constant 8 : i32
    %scan3A_333 = arith.addi %scan3A_331, %scan3A_332 : i32
    %scan3A_334 = arith.constant 1 : i32
    %scan3A_335 = scf.for %scan3A_373 = %scan3A_331 to %scan3A_333 step %scan3A_334 iter_args(%scan3A_374 = %scan3A_330) -> (i32)  : i32 {
      %iota3A = tpu.iota {dimensions = array<i32: 0>} : vector<16xi32>
      %mul3A_375 = arith.constant 16 : i32
      %mul3A_376 = arith.muli %scan3A_373, %mul3A_375 : i32
      %add3A_377 = vector.broadcast %mul3A_376 : i32 to vector<16xi32>
      %add3A_378 = arith.addi %add3A_377, %iota3A : vector<16xi32>
      %mul3A_379 = arith.constant 16 : i32
      %mul3A_380 = arith.muli %scan3A_373, %mul3A_379 : i32
      %get3A = arith.constant 2 : i32
      %get3A_381 = arith.index_cast %get3A : i32 to index
      %get3A_382 = arith.index_cast %mul3A_380 : i32 to index
      %get3A_383 = tpu.vector_load %arg16[%get3A_381, %get3A_382] {strides = array<i32>} : memref<3x128xi32, #tpu.memory_space<vmem>>, vector<16xi32>,
      %broadcast_in_dim3A = arith.constant 0.000000e+00 : f32
      %broadcast_in_dim3A_384 = vector.broadcast %broadcast_in_dim3A : f32 to vector<16xf32>
      %parallel_loop3A = arith.constant 0 : i32
      %parallel_loop3A_385 = arith.constant 128 : i32
      %parallel_loop3A_386 = arith.constant 1 : i32
      %parallel_loop3A_387:2 = scf.for %parallel_loop3A_436 = %parallel_loop3A to %parallel_loop3A_385 step %parallel_loop3A_386 iter_args(%parallel_loop3A_437 = %broadcast_in_dim3A_384, %parallel_loop3A_438 = %broadcast_in_dim3A_384) -> (vector<16xf32>, vector<16xf32>)  : i32 {
        %parallel_loop3A_439 = vector.broadcast %parallel_loop3A_436 : i32 to vector<16xi32>
        %parallel_loop3A_440 = arith.addi %parallel_loop3A_439, %iota3A : vector<16xi32>
        %parallel_loop3A_441 = arith.constant 127 : i32
        %parallel_loop3A_442 = vector.broadcast %parallel_loop3A_441 : i32 to vector<16xi32>
        %parallel_loop3A_443 = arith.andi %parallel_loop3A_440, %parallel_loop3A_442 : vector<16xi32>
        %parallel_loop3A_444 = tpu.vector_load_idx %arg10[%add3A_378, %parallel_loop3A_443] : memref<128x128xf32, #tpu.memory_space<vmem>>[vector<16xi32>, vector<16xi32>], vector<16xf32>,
        %parallel_loop3A_445 = tpu.vector_load_idx %arg13[%add3A_378, %parallel_loop3A_443] : memref<128x128xf32, #tpu.memory_space<vmem>>[vector<16xi32>, vector<16xi32>], vector<16xf32>,
        %parallel_loop3A_446 = arith.addf %parallel_loop3A_444, %parallel_loop3A_445 : vector<16xf32>
        %parallel_loop3A_447 = tpu.vector_load_idx %arg18[%get3A_383, %parallel_loop3A_443] : memref<4x128xf32, #tpu.memory_space<vmem>>[vector<16xi32>, vector<16xi32>], vector<16xf32>,
        %parallel_loop3A_448 = arith.addf %parallel_loop3A_446, %parallel_loop3A_447 : vector<16xf32>
        tpu.vector_store_idx %arg10[%add3A_378, %parallel_loop3A_443], %parallel_loop3A_448 : memref<128x128xf32, #tpu.memory_space<vmem>>[vector<16xi32>, vector<16xi32>], vector<16xf32>,
        %parallel_loop3A_449 = arith.addf %parallel_loop3A_437, %parallel_loop3A_448 : vector<16xf32>
        %parallel_loop3A_450 = arith.mulf %parallel_loop3A_448, %parallel_loop3A_448 : vector<16xf32>
        %parallel_loop3A_451 = arith.addf %parallel_loop3A_438, %parallel_loop3A_450 : vector<16xf32>
        scf.yield %parallel_loop3A_449, %parallel_loop3A_451 : vector<16xf32>, vector<16xf32>
      } {sc.loop_unroll_factor = 4 : i64, sc.parallel_access}
      %mul3A_388 = arith.constant 7.812500e-03 : f32
      %mul3A_389 = vector.broadcast %mul3A_388 : f32 to vector<16xf32>
      %mul3A_390 = arith.mulf %parallel_loop3A_387#0, %mul3A_389 : vector<16xf32>
      %mul3A_391 = arith.constant 7.812500e-03 : f32
      %mul3A_392 = vector.broadcast %mul3A_391 : f32 to vector<16xf32>
      %mul3A_393 = arith.mulf %parallel_loop3A_387#1, %mul3A_392 : vector<16xf32>
      %mul3A_394 = arith.mulf %mul3A_390, %mul3A_390 : vector<16xf32>
      %sub3A_395 = arith.subf %mul3A_393, %mul3A_394 : vector<16xf32>
      %add3A_396 = arith.constant 9.99999996E-13 : f32
      %add3A_397 = vector.broadcast %add3A_396 : f32 to vector<16xf32>
      %add3A_398 = arith.addf %sub3A_395, %add3A_397 : vector<16xf32>
      %bitcast3A = vector.bitcast %add3A_398 : vector<16xf32> to vector<16xi32>
      %shift_right_arithmetic3A = arith.constant 1 : i32
      %shift_right_arithmetic3A_399 = vector.broadcast %shift_right_arithmetic3A : i32 to vector<16xi32>
      %shift_right_arithmetic3A_400 = arith.shrsi %bitcast3A, %shift_right_arithmetic3A_399 : vector<16xi32>
      %sub3A_401 = arith.constant 1597463007 : i32
      %sub3A_402 = vector.broadcast %sub3A_401 : i32 to vector<16xi32>
      %sub3A_403 = arith.subi %sub3A_402, %shift_right_arithmetic3A_400 : vector<16xi32>
      %bitcast3A_404 = vector.bitcast %sub3A_403 : vector<16xi32> to vector<16xf32>
      %mul3A_405 = arith.constant 5.000000e-01 : f32
      %mul3A_406 = vector.broadcast %mul3A_405 : f32 to vector<16xf32>
      %mul3A_407 = arith.mulf %mul3A_406, %add3A_398 : vector<16xf32>
      %mul3A_408 = arith.mulf %mul3A_407, %bitcast3A_404 : vector<16xf32>
      %mul3A_409 = arith.mulf %mul3A_408, %bitcast3A_404 : vector<16xf32>
      %sub3A_410 = arith.constant 1.500000e+00 : f32
      %sub3A_411 = vector.broadcast %sub3A_410 : f32 to vector<16xf32>
      %sub3A_412 = arith.subf %sub3A_411, %mul3A_409 : vector<16xf32>
      %mul3A_413 = arith.mulf %bitcast3A_404, %sub3A_412 : vector<16xf32>
      %mul3A_414 = arith.constant 5.000000e-01 : f32
      %mul3A_415 = vector.broadcast %mul3A_414 : f32 to vector<16xf32>
      %mul3A_416 = arith.mulf %mul3A_415, %add3A_398 : vector<16xf32>
      %mul3A_417 = arith.mulf %mul3A_416, %mul3A_413 : vector<16xf32>
      %mul3A_418 = arith.mulf %mul3A_417, %mul3A_413 : vector<16xf32>
      %sub3A_419 = arith.constant 1.500000e+00 : f32
      %sub3A_420 = vector.broadcast %sub3A_419 : f32 to vector<16xf32>
      %sub3A_421 = arith.subf %sub3A_420, %mul3A_418 : vector<16xf32>
      %mul3A_422 = arith.mulf %mul3A_413, %sub3A_421 : vector<16xf32>
      %mul3A_423 = arith.constant 5.000000e-01 : f32
      %mul3A_424 = vector.broadcast %mul3A_423 : f32 to vector<16xf32>
      %mul3A_425 = arith.mulf %mul3A_424, %add3A_398 : vector<16xf32>
      %mul3A_426 = arith.mulf %mul3A_425, %mul3A_422 : vector<16xf32>
      %mul3A_427 = arith.mulf %mul3A_426, %mul3A_422 : vector<16xf32>
      %sub3A_428 = arith.constant 1.500000e+00 : f32
      %sub3A_429 = vector.broadcast %sub3A_428 : f32 to vector<16xf32>
      %sub3A_430 = arith.subf %sub3A_429, %mul3A_427 : vector<16xf32>
      %mul3A_431 = arith.mulf %mul3A_422, %sub3A_430 : vector<16xf32>
      %parallel_loop3A_432 = arith.constant 0 : i32
      %parallel_loop3A_433 = arith.constant 128 : i32
      %parallel_loop3A_434 = arith.constant 1 : i32
      scf.for %parallel_loop3A_436 = %parallel_loop3A_432 to %parallel_loop3A_433 step %parallel_loop3A_434  : i32 {
        %parallel_loop3A_437 = vector.broadcast %parallel_loop3A_436 : i32 to vector<16xi32>
        %parallel_loop3A_438 = arith.addi %parallel_loop3A_437, %iota3A : vector<16xi32>
        %parallel_loop3A_439 = arith.constant 127 : i32
        %parallel_loop3A_440 = vector.broadcast %parallel_loop3A_439 : i32 to vector<16xi32>
        %parallel_loop3A_441 = arith.andi %parallel_loop3A_438, %parallel_loop3A_440 : vector<16xi32>
        %parallel_loop3A_442 = tpu.vector_load_idx %arg10[%add3A_378, %parallel_loop3A_441] : memref<128x128xf32, #tpu.memory_space<vmem>>[vector<16xi32>, vector<16xi32>], vector<16xf32>,
        %parallel_loop3A_443 = arith.subf %parallel_loop3A_442, %mul3A_390 : vector<16xf32>
        %parallel_loop3A_444 = arith.mulf %parallel_loop3A_443, %mul3A_431 : vector<16xf32>
        %parallel_loop3A_445 = tpu.vector_load_idx %arg19[%parallel_loop3A_441] : memref<128xf32, #tpu.memory_space<vmem>>[vector<16xi32>], vector<16xf32>,
        %parallel_loop3A_446 = arith.mulf %parallel_loop3A_444, %parallel_loop3A_445 : vector<16xf32>
        %parallel_loop3A_447 = tpu.vector_load_idx %arg20[%parallel_loop3A_441] : memref<128xf32, #tpu.memory_space<vmem>>[vector<16xi32>], vector<16xf32>,
        %parallel_loop3A_448 = arith.addf %parallel_loop3A_446, %parallel_loop3A_447 : vector<16xf32>
        tpu.vector_store_idx %arg10[%add3A_378, %parallel_loop3A_441], %parallel_loop3A_448 : memref<128x128xf32, #tpu.memory_space<vmem>>[vector<16xi32>, vector<16xi32>], vector<16xf32>,
      } {sc.loop_unroll_factor = 4 : i64, sc.parallel_access}
      %scan3A_435 = arith.constant 0 : i32
      scf.yield %scan3A_435 : i32
    }
    %scan3A_336 = arith.constant 8 : i32
    %mul3A_337 = arith.constant 128 : i32
    %mul3A_338 = arith.muli %sub3A_315, %mul3A_337 : i32
    %dma_start3A_339 = arith.constant 0 : i32
    %dma_start3A_340 = tpu.memref_slice %arg8[%mul3A_338, %dma_start3A_339] : memref<253952x128xf32, #tpu.memory_space<hbm>> -> memref<128x128xf32, #tpu.memory_space<hbm>>
    %dma_start3A_341 = arith.constant 0 : i32
    %dma_start3A_342 = tpu.memref_slice %arg8[%mul3A_338, %dma_start3A_341] : memref<253952x128xf32, #tpu.memory_space<hbm>> -> memref<128x128xf32, #tpu.memory_space<hbm>>
    tpu.enqueue_dma source(%arg10 : memref<128x128xf32, #tpu.memory_space<vmem>>) target(%dma_start3A_342 : memref<128x128xf32, #tpu.memory_space<hbm>>) target_semaphore(%arg28 : memref<!tpu.dma_semaphore, #tpu.memory_space<semaphore_mem>>)
    %add3A_343 = arith.constant 62 : i32
    %add3A_344 = arith.addi %mul3A_2, %add3A_343 : i32
    %sub3A_345 = arith.constant 3 : i32
    %sub3A_346 = arith.subi %add3A_344, %sub3A_345 : i32
    %mul3A_347 = arith.constant 128 : i32
    %mul3A_348 = arith.muli %sub3A_346, %mul3A_347 : i32
    %dma_wait3A_349 = arith.constant 0 : i32
    %dma_wait3A_350 = tpu.memref_slice %arg8[%mul3A_348, %dma_wait3A_349] : memref<253952x128xf32, #tpu.memory_space<hbm>> -> memref<128x128xf32, #tpu.memory_space<hbm>>
    %dma_wait3A_351 = arith.constant 0 : i32
    %dma_wait3A_352 = tpu.memref_slice %arg8[%mul3A_348, %dma_wait3A_351] : memref<253952x128xf32, #tpu.memory_space<hbm>> -> memref<128x128xf32, #tpu.memory_space<hbm>>
    tpu.wait_dma2 semaphore(%arg29 : memref<!tpu.dma_semaphore, #tpu.memory_space<semaphore_mem>>) src(%arg11 : memref<128x128xf32, #tpu.memory_space<vmem>>) dst(%dma_wait3A_352 : memref<128x128xf32, #tpu.memory_space<hbm>>)
    %add3A_353 = arith.constant 62 : i32
    %add3A_354 = arith.addi %mul3A_2, %add3A_353 : i32
    %sub3A_355 = arith.constant 2 : i32
    %sub3A_356 = arith.subi %add3A_354, %sub3A_355 : i32
    %mul3A_357 = arith.constant 128 : i32
    %mul3A_358 = arith.muli %sub3A_356, %mul3A_357 : i32
    %dma_wait3A_359 = arith.constant 0 : i32
    %dma_wait3A_360 = tpu.memref_slice %arg8[%mul3A_358, %dma_wait3A_359] : memref<253952x128xf32, #tpu.memory_space<hbm>> -> memref<128x128xf32, #tpu.memory_space<hbm>>
    %dma_wait3A_361 = arith.constant 0 : i32
    %dma_wait3A_362 = tpu.memref_slice %arg8[%mul3A_358, %dma_wait3A_361] : memref<253952x128xf32, #tpu.memory_space<hbm>> -> memref<128x128xf32, #tpu.memory_space<hbm>>
    tpu.wait_dma2 semaphore(%arg27 : memref<!tpu.dma_semaphore, #tpu.memory_space<semaphore_mem>>) src(%arg9 : memref<128x128xf32, #tpu.memory_space<vmem>>) dst(%dma_wait3A_362 : memref<128x128xf32, #tpu.memory_space<hbm>>)
    %add3A_363 = arith.constant 62 : i32
    %add3A_364 = arith.addi %mul3A_2, %add3A_363 : i32
    %sub3A_365 = arith.constant 1 : i32
    %sub3A_366 = arith.subi %add3A_364, %sub3A_365 : i32
    %mul3A_367 = arith.constant 128 : i32
    %mul3A_368 = arith.muli %sub3A_366, %mul3A_367 : i32
    %dma_wait3A_369 = arith.constant 0 : i32
    %dma_wait3A_370 = tpu.memref_slice %arg8[%mul3A_368, %dma_wait3A_369] : memref<253952x128xf32, #tpu.memory_space<hbm>> -> memref<128x128xf32, #tpu.memory_space<hbm>>
    %dma_wait3A_371 = arith.constant 0 : i32
    %dma_wait3A_372 = tpu.memref_slice %arg8[%mul3A_368, %dma_wait3A_371] : memref<253952x128xf32, #tpu.memory_space<hbm>> -> memref<128x128xf32, #tpu.memory_space<hbm>>
    tpu.wait_dma2 semaphore(%arg28 : memref<!tpu.dma_semaphore, #tpu.memory_space<semaphore_mem>>) src(%arg10 : memref<128x128xf32, #tpu.memory_space<vmem>>) dst(%dma_wait3A_372 : memref<128x128xf32, #tpu.memory_space<hbm>>)
    return
  }
}

module attributes {stable_mosaic.version = 14 : i64} {
  func.func @_tc_body(%arg0: i32, %arg1: memref<512x62xi32, #tpu.memory_space<vmem>>, %arg2: memref<5120x3xf32, #tpu.memory_space<vmem>>, %arg3: memref<5120x4xi32, #tpu.memory_space<vmem>>, %arg4: memref<512x3xf32, #tpu.memory_space<vmem>>, %arg5: memref<4x32xf32, #tpu.memory_space<vmem>>, %arg6: memref<4x32xf32, #tpu.memory_space<vmem>>, %arg7: memref<4x32xf32, #tpu.memory_space<vmem>>, %arg8: memref<4x32xf32, #tpu.memory_space<vmem>>, %arg9: memref<3x32xf32, #tpu.memory_space<vmem>>, %arg10: memref<1x32xf32, #tpu.memory_space<vmem>>, %arg11: memref<3x128xf32, #tpu.memory_space<vmem>>, %arg12: memref<1x128xf32, #tpu.memory_space<vmem>>, %arg13: memref<160x128xf32, #tpu.memory_space<vmem>>, %arg14: memref<1x128xf32, #tpu.memory_space<vmem>>, %arg15: memref<512x12x128xf32, #tpu.memory_space<vmem>>, %arg16: memref<512x1x1x62xf32, #tpu.memory_space<vmem>>, %arg17: memref<512x62xf32, #tpu.memory_space<vmem>>) attributes {dimension_semantics = [#tpu.dimension_semantics<arbitrary>], iteration_bounds = array<i64: 8>, scalar_prefetch = 0 : i64, scratch_operands = 0 : i64, tpu.core_type = #tpu.core_type<tc>, window_params = [{transform_indices = @transform_0, window_bounds = array<i64: 512, 62>}, {transform_indices = @transform_1, window_bounds = array<i64: 5120, 3>}, {transform_indices = @transform_2, window_bounds = array<i64: 5120, 4>}, {transform_indices = @transform_3, window_bounds = array<i64: 512, 3>}, {pipeline_mode = #tpu.pipeline_mode<synchronous>, transform_indices = @transform_4, window_bounds = array<i64: 4, 32>}, {pipeline_mode = #tpu.pipeline_mode<synchronous>, transform_indices = @transform_5, window_bounds = array<i64: 4, 32>}, {pipeline_mode = #tpu.pipeline_mode<synchronous>, transform_indices = @transform_6, window_bounds = array<i64: 4, 32>}, {pipeline_mode = #tpu.pipeline_mode<synchronous>, transform_indices = @transform_7, window_bounds = array<i64: 4, 32>}, {pipeline_mode = #tpu.pipeline_mode<synchronous>, transform_indices = @transform_8, window_bounds = array<i64: 3, 32>}, {pipeline_mode = #tpu.pipeline_mode<synchronous>, transform_indices = @transform_9, window_bounds = array<i64: 1, 32>}, {pipeline_mode = #tpu.pipeline_mode<synchronous>, transform_indices = @transform_10, window_bounds = array<i64: 3, 128>}, {pipeline_mode = #tpu.pipeline_mode<synchronous>, transform_indices = @transform_11, window_bounds = array<i64: 1, 128>}, {pipeline_mode = #tpu.pipeline_mode<synchronous>, transform_indices = @transform_12, window_bounds = array<i64: 160, 128>}, {pipeline_mode = #tpu.pipeline_mode<synchronous>, transform_indices = @transform_13, window_bounds = array<i64: 1, 128>}, {transform_indices = @transform_14, window_bounds = array<i64: 512, 12, 128>}, {transform_indices = @transform_15, window_bounds = array<i64: 512, 1, 1, 62>}, {transform_indices = @transform_16, window_bounds = array<i64: 512, 62>}]} {
    %get3A = arith.constant 0 : index
    %get3A_0 = arith.constant 0 : index
    %get3A_1 = vector.load %arg1[%get3A, %get3A_0] : memref<512x62xi32, #tpu.memory_space<vmem>>, vector<512x62xi32>
    %ge3A = arith.constant 1 : i32
    %ge3A_2 = vector.broadcast %ge3A : i32 to vector<512x62xi32>
    %ge3A_3 = arith.cmpi sge, %get3A_1, %ge3A_2 : vector<512x62xi32>
    %jit3A = arith.constant 0.000000e+00 : f32
    %jit3A_4 = arith.constant -1.000000e+04 : f32
    %broadcast_in_dim3A = vector.broadcast %jit3A : f32 to vector<512x62xf32>
    %broadcast_in_dim3A_5 = vector.broadcast %jit3A_4 : f32 to vector<512x62xf32>
    %select_n3A = arith.select %ge3A_3, %broadcast_in_dim3A, %broadcast_in_dim3A_5 : vector<512x62xi1>, vector<512x62xf32>
    %reshape3A = vector.shape_cast %select_n3A : vector<512x62xf32> to vector<512x1x1x62xf32>
    %swap3A = arith.constant 0 : index
    %swap3A_6 = arith.constant 0 : index
    %swap3A_7 = arith.constant 0 : index
    %swap3A_8 = arith.constant 0 : index
    %swap3A_9 = vector.load %arg16[%swap3A, %swap3A_6, %swap3A_7, %swap3A_8] : memref<512x1x1x62xf32, #tpu.memory_space<vmem>>, vector<512x1x1x62xf32>
    tpu.vector_store %arg16[%swap3A, %swap3A_6, %swap3A_7, %swap3A_8], %reshape3A {strides = array<i32>} : memref<512x1x1x62xf32, #tpu.memory_space<vmem>>, vector<512x1x1x62xf32>,
    %eq3A = arith.constant 1 : i32
    %eq3A_10 = vector.broadcast %eq3A : i32 to vector<512x62xi32>
    %eq3A_11 = arith.cmpi eq, %get3A_1, %eq3A_10 : vector<512x62xi32>
    %convert_element_type3A = arith.extui %eq3A_11 : vector<512x62xi1> to vector<512x62xi32>
    %convert_element_type3A_12 = arith.sitofp %convert_element_type3A : vector<512x62xi32> to vector<512x62xf32>
    %swap3A_13 = arith.constant 0 : index
    %swap3A_14 = arith.constant 0 : index
    %swap3A_15 = vector.load %arg17[%swap3A_13, %swap3A_14] : memref<512x62xf32, #tpu.memory_space<vmem>>, vector<512x62xf32>
    tpu.vector_store %arg17[%swap3A_13, %swap3A_14], %convert_element_type3A_12 {strides = array<i32>} : memref<512x62xf32, #tpu.memory_space<vmem>>, vector<512x62xf32>,
    %get3A_16 = arith.constant 0 : index
    %get3A_17 = arith.constant 0 : index
    %get3A_18 = vector.load %arg2[%get3A_16, %get3A_17] : memref<5120x3xf32, #tpu.memory_space<vmem>>, vector<5120x3xf32>
    %get3A_19 = arith.constant 0 : index
    %get3A_20 = arith.constant 0 : index
    %get3A_21 = vector.load %arg9[%get3A_19, %get3A_20] : memref<3x32xf32, #tpu.memory_space<vmem>>, vector<3x32xf32>
    %dot_general3A = arith.constant dense<0.000000e+00> : vector<5120x32xf32>
    %dot_general3A_22 = tpu.matmul %get3A_18, %get3A_21, %dot_general3A {dimension_numbers = #tpu.dot_dimension_numbers<[1], [0], [0], [1], [0, 0, 1, 1], [], []>, transpose_lhs_hint = false} : vector<5120x3xf32>, vector<3x32xf32>, vector<5120x32xf32> -> vector<5120x32xf32>
    %get3A_23 = arith.constant 0 : index
    %get3A_24 = arith.constant 0 : index
    %get3A_25 = vector.load %arg10[%get3A_23, %get3A_24] : memref<1x32xf32, #tpu.memory_space<vmem>>, vector<1x32xf32>
    %add3A = vector.broadcast %get3A_25 : vector<1x32xf32> to vector<5120x32xf32>
    %add3A_26 = arith.addf %dot_general3A_22, %add3A : vector<5120x32xf32>
    %tanh3A = math.tanh %add3A_26 : vector<5120x32xf32>
    %get3A_27 = arith.constant 0 : index
    %get3A_28 = arith.constant 0 : index
    %get3A_29 = vector.load %arg3[%get3A_27, %get3A_28] : memref<5120x4xi32, #tpu.memory_space<vmem>>, vector<5120x4xi32>
    %iota3A = tpu.iota {dimensions = array<i32: 1>} : vector<1x4xi32>
    %slice3A = vector.extract_strided_slice %get3A_29 {offsets = [0, 0], sizes = [5120, 1], strides = [1, 1]} : vector<5120x4xi32> to vector<5120x1xi32>
    %eq3A_30 = vector.broadcast %slice3A : vector<5120x1xi32> to vector<5120x4xi32>
    %eq3A_31 = vector.broadcast %iota3A : vector<1x4xi32> to vector<5120x4xi32>
    %eq3A_32 = arith.cmpi eq, %eq3A_30, %eq3A_31 : vector<5120x4xi32>
    %convert_element_type3A_33 = arith.extui %eq3A_32 : vector<5120x4xi1> to vector<5120x4xi32>
    %convert_element_type3A_34 = arith.sitofp %convert_element_type3A_33 : vector<5120x4xi32> to vector<5120x4xf32>
    %get3A_35 = arith.constant 0 : index
    %get3A_36 = arith.constant 0 : index
    %get3A_37 = vector.load %arg5[%get3A_35, %get3A_36] : memref<4x32xf32, #tpu.memory_space<vmem>>, vector<4x32xf32>
    %dot_general3A_38 = arith.constant dense<0.000000e+00> : vector<5120x32xf32>
    %dot_general3A_39 = tpu.matmul %convert_element_type3A_34, %get3A_37, %dot_general3A_38 {dimension_numbers = #tpu.dot_dimension_numbers<[1], [0], [0], [1], [0, 0, 1, 1], [], []>, transpose_lhs_hint = false} : vector<5120x4xf32>, vector<4x32xf32>, vector<5120x32xf32> -> vector<5120x32xf32>
    %slice3A_40 = vector.extract_strided_slice %get3A_29 {offsets = [0, 1], sizes = [5120, 1], strides = [1, 1]} : vector<5120x4xi32> to vector<5120x1xi32>
    %eq3A_41 = vector.broadcast %slice3A_40 : vector<5120x1xi32> to vector<5120x4xi32>
    %eq3A_42 = vector.broadcast %iota3A : vector<1x4xi32> to vector<5120x4xi32>
    %eq3A_43 = arith.cmpi eq, %eq3A_41, %eq3A_42 : vector<5120x4xi32>
    %convert_element_type3A_44 = arith.extui %eq3A_43 : vector<5120x4xi1> to vector<5120x4xi32>
    %convert_element_type3A_45 = arith.sitofp %convert_element_type3A_44 : vector<5120x4xi32> to vector<5120x4xf32>
    %get3A_46 = arith.constant 0 : index
    %get3A_47 = arith.constant 0 : index
    %get3A_48 = vector.load %arg6[%get3A_46, %get3A_47] : memref<4x32xf32, #tpu.memory_space<vmem>>, vector<4x32xf32>
    %dot_general3A_49 = arith.constant dense<0.000000e+00> : vector<5120x32xf32>
    %dot_general3A_50 = tpu.matmul %convert_element_type3A_45, %get3A_48, %dot_general3A_49 {dimension_numbers = #tpu.dot_dimension_numbers<[1], [0], [0], [1], [0, 0, 1, 1], [], []>, transpose_lhs_hint = false} : vector<5120x4xf32>, vector<4x32xf32>, vector<5120x32xf32> -> vector<5120x32xf32>
    %slice3A_51 = vector.extract_strided_slice %get3A_29 {offsets = [0, 2], sizes = [5120, 1], strides = [1, 1]} : vector<5120x4xi32> to vector<5120x1xi32>
    %eq3A_52 = vector.broadcast %slice3A_51 : vector<5120x1xi32> to vector<5120x4xi32>
    %eq3A_53 = vector.broadcast %iota3A : vector<1x4xi32> to vector<5120x4xi32>
    %eq3A_54 = arith.cmpi eq, %eq3A_52, %eq3A_53 : vector<5120x4xi32>
    %convert_element_type3A_55 = arith.extui %eq3A_54 : vector<5120x4xi1> to vector<5120x4xi32>
    %convert_element_type3A_56 = arith.sitofp %convert_element_type3A_55 : vector<5120x4xi32> to vector<5120x4xf32>
    %get3A_57 = arith.constant 0 : index
    %get3A_58 = arith.constant 0 : index
    %get3A_59 = vector.load %arg7[%get3A_57, %get3A_58] : memref<4x32xf32, #tpu.memory_space<vmem>>, vector<4x32xf32>
    %dot_general3A_60 = arith.constant dense<0.000000e+00> : vector<5120x32xf32>
    %dot_general3A_61 = tpu.matmul %convert_element_type3A_56, %get3A_59, %dot_general3A_60 {dimension_numbers = #tpu.dot_dimension_numbers<[1], [0], [0], [1], [0, 0, 1, 1], [], []>, transpose_lhs_hint = false} : vector<5120x4xf32>, vector<4x32xf32>, vector<5120x32xf32> -> vector<5120x32xf32>
    %slice3A_62 = vector.extract_strided_slice %get3A_29 {offsets = [0, 3], sizes = [5120, 1], strides = [1, 1]} : vector<5120x4xi32> to vector<5120x1xi32>
    %eq3A_63 = vector.broadcast %slice3A_62 : vector<5120x1xi32> to vector<5120x4xi32>
    %eq3A_64 = vector.broadcast %iota3A : vector<1x4xi32> to vector<5120x4xi32>
    %eq3A_65 = arith.cmpi eq, %eq3A_63, %eq3A_64 : vector<5120x4xi32>
    %convert_element_type3A_66 = arith.extui %eq3A_65 : vector<5120x4xi1> to vector<5120x4xi32>
    %convert_element_type3A_67 = arith.sitofp %convert_element_type3A_66 : vector<5120x4xi32> to vector<5120x4xf32>
    %get3A_68 = arith.constant 0 : index
    %get3A_69 = arith.constant 0 : index
    %get3A_70 = vector.load %arg8[%get3A_68, %get3A_69] : memref<4x32xf32, #tpu.memory_space<vmem>>, vector<4x32xf32>
    %dot_general3A_71 = arith.constant dense<0.000000e+00> : vector<5120x32xf32>
    %dot_general3A_72 = tpu.matmul %convert_element_type3A_67, %get3A_70, %dot_general3A_71 {dimension_numbers = #tpu.dot_dimension_numbers<[1], [0], [0], [1], [0, 0, 1, 1], [], []>, transpose_lhs_hint = false} : vector<5120x4xf32>, vector<4x32xf32>, vector<5120x32xf32> -> vector<5120x32xf32>
    %concatenate3A = tpu.concatenate %tanh3A, %dot_general3A_39, %dot_general3A_50, %dot_general3A_61, %dot_general3A_72 in 1 : vector<5120x32xf32>, vector<5120x32xf32>, vector<5120x32xf32>, vector<5120x32xf32>, vector<5120x32xf32> -> vector<5120x160xf32>
    %get3A_73 = arith.constant 0 : index
    %get3A_74 = arith.constant 0 : index
    %get3A_75 = vector.load %arg13[%get3A_73, %get3A_74] : memref<160x128xf32, #tpu.memory_space<vmem>>, vector<160x128xf32>
    %dot_general3A_76 = arith.constant dense<0.000000e+00> : vector<5120x128xf32>
    %dot_general3A_77 = tpu.matmul %concatenate3A, %get3A_75, %dot_general3A_76 {dimension_numbers = #tpu.dot_dimension_numbers<[1], [0], [0], [1], [0, 0, 1, 1], [], []>, transpose_lhs_hint = false} : vector<5120x160xf32>, vector<160x128xf32>, vector<5120x128xf32> -> vector<5120x128xf32>
    %get3A_78 = arith.constant 0 : index
    %get3A_79 = arith.constant 0 : index
    %get3A_80 = vector.load %arg14[%get3A_78, %get3A_79] : memref<1x128xf32, #tpu.memory_space<vmem>>, vector<1x128xf32>
    %add3A_81 = vector.broadcast %get3A_80 : vector<1x128xf32> to vector<5120x128xf32>
    %add3A_82 = arith.addf %dot_general3A_77, %add3A_81 : vector<5120x128xf32>
    %get3A_83 = arith.constant 0 : index
    %get3A_84 = arith.constant 0 : index
    %get3A_85 = vector.load %arg4[%get3A_83, %get3A_84] : memref<512x3xf32, #tpu.memory_space<vmem>>, vector<512x3xf32>
    %get3A_86 = arith.constant 0 : index
    %get3A_87 = arith.constant 0 : index
    %get3A_88 = vector.load %arg11[%get3A_86, %get3A_87] : memref<3x128xf32, #tpu.memory_space<vmem>>, vector<3x128xf32>
    %dot_general3A_89 = arith.constant dense<0.000000e+00> : vector<512x128xf32>
    %dot_general3A_90 = tpu.matmul %get3A_85, %get3A_88, %dot_general3A_89 {dimension_numbers = #tpu.dot_dimension_numbers<[1], [0], [0], [1], [0, 0, 1, 1], [], []>, transpose_lhs_hint = false} : vector<512x3xf32>, vector<3x128xf32>, vector<512x128xf32> -> vector<512x128xf32>
    %get3A_91 = arith.constant 0 : index
    %get3A_92 = arith.constant 0 : index
    %get3A_93 = vector.load %arg12[%get3A_91, %get3A_92] : memref<1x128xf32, #tpu.memory_space<vmem>>, vector<1x128xf32>
    %add3A_94 = vector.broadcast %get3A_93 : vector<1x128xf32> to vector<512x128xf32>
    %add3A_95 = arith.addf %dot_general3A_90, %add3A_94 : vector<512x128xf32>
    %tanh3A_96 = math.tanh %add3A_95 : vector<512x128xf32>
    %broadcast_in_dim3A_97 = arith.constant 0.000000e+00 : f32
    %broadcast_in_dim3A_98 = vector.broadcast %broadcast_in_dim3A_97 : f32 to vector<512x1x128xf32>
    %swap3A_99 = arith.constant 0 : index
    %swap3A_100 = arith.constant 0 : index
    %swap3A_101 = arith.constant 0 : index
    %swap3A_102 = vector.load %arg15[%swap3A_99, %swap3A_100, %swap3A_101] : memref<512x12x128xf32, #tpu.memory_space<vmem>>, vector<512x1x128xf32>
    tpu.vector_store %arg15[%swap3A_99, %swap3A_100, %swap3A_101], %broadcast_in_dim3A_98 {strides = array<i32>} : memref<512x12x128xf32, #tpu.memory_space<vmem>>, vector<512x1x128xf32>,
    %reshape3A_103 = vector.shape_cast %add3A_82 : vector<5120x128xf32> to vector<512x10x128xf32>
    %swap3A_104 = arith.constant 0 : index
    %swap3A_105 = arith.constant 1 : index
    %swap3A_106 = arith.constant 0 : index
    %swap3A_107 = vector.load %arg15[%swap3A_104, %swap3A_105, %swap3A_106] : memref<512x12x128xf32, #tpu.memory_space<vmem>>, vector<512x10x128xf32>
    tpu.vector_store %arg15[%swap3A_104, %swap3A_105, %swap3A_106], %reshape3A_103 {strides = array<i32>} : memref<512x12x128xf32, #tpu.memory_space<vmem>>, vector<512x10x128xf32>,
    %reshape3A_108 = vector.shape_cast %tanh3A_96 : vector<512x128xf32> to vector<512x1x128xf32>
    %swap3A_109 = arith.constant 0 : index
    %swap3A_110 = arith.constant 11 : index
    %swap3A_111 = arith.constant 0 : index
    %swap3A_112 = vector.load %arg15[%swap3A_109, %swap3A_110, %swap3A_111] : memref<512x12x128xf32, #tpu.memory_space<vmem>>, vector<512x1x128xf32>
    tpu.vector_store %arg15[%swap3A_109, %swap3A_110, %swap3A_111], %reshape3A_108 {strides = array<i32>} : memref<512x12x128xf32, #tpu.memory_space<vmem>>, vector<512x1x128xf32>,
    return
  }
  func.func @transform_0(%arg0: i32) -> (i32, i32) {
    %c0_i32 = arith.constant 0 : i32
    %c0_i32_0 = arith.constant 0 : i32
    return %arg0, %c0_i32 : i32, i32
  }
  func.func @transform_1(%arg0: i32) -> (i32, i32) {
    %c0_i32 = arith.constant 0 : i32
    %c0_i32_0 = arith.constant 0 : i32
    return %arg0, %c0_i32 : i32, i32
  }
  func.func @transform_2(%arg0: i32) -> (i32, i32) {
    %c0_i32 = arith.constant 0 : i32
    %c0_i32_0 = arith.constant 0 : i32
    return %arg0, %c0_i32 : i32, i32
  }
  func.func @transform_3(%arg0: i32) -> (i32, i32) {
    %c0_i32 = arith.constant 0 : i32
    %c0_i32_0 = arith.constant 0 : i32
    return %arg0, %c0_i32 : i32, i32
  }
  func.func @transform_4(%arg0: i32) -> (i32, i32) {
    %c0_i32 = arith.constant 0 : i32
    %c0_i32_0 = arith.constant 0 : i32
    %c0_i32_1 = arith.constant 0 : i32
    return %c0_i32, %c0_i32_0 : i32, i32
  }
  func.func @transform_5(%arg0: i32) -> (i32, i32) {
    %c0_i32 = arith.constant 0 : i32
    %c0_i32_0 = arith.constant 0 : i32
    %c0_i32_1 = arith.constant 0 : i32
    return %c0_i32, %c0_i32_0 : i32, i32
  }
  func.func @transform_6(%arg0: i32) -> (i32, i32) {
    %c0_i32 = arith.constant 0 : i32
    %c0_i32_0 = arith.constant 0 : i32
    %c0_i32_1 = arith.constant 0 : i32
    return %c0_i32, %c0_i32_0 : i32, i32
  }
  func.func @transform_7(%arg0: i32) -> (i32, i32) {
    %c0_i32 = arith.constant 0 : i32
    %c0_i32_0 = arith.constant 0 : i32
    %c0_i32_1 = arith.constant 0 : i32
    return %c0_i32, %c0_i32_0 : i32, i32
  }
  func.func @transform_8(%arg0: i32) -> (i32, i32) {
    %c0_i32 = arith.constant 0 : i32
    %c0_i32_0 = arith.constant 0 : i32
    %c0_i32_1 = arith.constant 0 : i32
    return %c0_i32, %c0_i32_0 : i32, i32
  }
  func.func @transform_9(%arg0: i32) -> (i32, i32) {
    %c0_i32 = arith.constant 0 : i32
    %c0_i32_0 = arith.constant 0 : i32
    %c0_i32_1 = arith.constant 0 : i32
    return %c0_i32, %c0_i32_0 : i32, i32
  }
  func.func @transform_10(%arg0: i32) -> (i32, i32) {
    %c0_i32 = arith.constant 0 : i32
    %c0_i32_0 = arith.constant 0 : i32
    %c0_i32_1 = arith.constant 0 : i32
    return %c0_i32, %c0_i32_0 : i32, i32
  }
  func.func @transform_11(%arg0: i32) -> (i32, i32) {
    %c0_i32 = arith.constant 0 : i32
    %c0_i32_0 = arith.constant 0 : i32
    %c0_i32_1 = arith.constant 0 : i32
    return %c0_i32, %c0_i32_0 : i32, i32
  }
  func.func @transform_12(%arg0: i32) -> (i32, i32) {
    %c0_i32 = arith.constant 0 : i32
    %c0_i32_0 = arith.constant 0 : i32
    %c0_i32_1 = arith.constant 0 : i32
    return %c0_i32, %c0_i32_0 : i32, i32
  }
  func.func @transform_13(%arg0: i32) -> (i32, i32) {
    %c0_i32 = arith.constant 0 : i32
    %c0_i32_0 = arith.constant 0 : i32
    %c0_i32_1 = arith.constant 0 : i32
    return %c0_i32, %c0_i32_0 : i32, i32
  }
  func.func @transform_14(%arg0: i32) -> (i32, i32, i32) {
    %c0_i32 = arith.constant 0 : i32
    %c0_i32_0 = arith.constant 0 : i32
    %c0_i32_1 = arith.constant 0 : i32
    return %arg0, %c0_i32, %c0_i32_0 : i32, i32, i32
  }
  func.func @transform_15(%arg0: i32) -> (i32, i32, i32, i32) {
    %c0_i32 = arith.constant 0 : i32
    %c0_i32_0 = arith.constant 0 : i32
    %c0_i32_1 = arith.constant 0 : i32
    %c0_i32_2 = arith.constant 0 : i32
    return %arg0, %c0_i32, %c0_i32_0, %c0_i32_1 : i32, i32, i32, i32
  }
  func.func @transform_16(%arg0: i32) -> (i32, i32) {
    %c0_i32 = arith.constant 0 : i32
    %c0_i32_0 = arith.constant 0 : i32
    return %arg0, %c0_i32 : i32, i32
  }
}

</mosaic_0001>

<sc_bundles>
// kernel: kernel.4.cloned.1.call-start
scs
__scs_entry_jumppad:
0x0: {  	(pc) =	sbr.rel $0x88, $3  }
0x1: {  	(tag) =	ssettag $0x0;
	lr =	simm.s32 $0x1  }
0x2: {  	[smem:$0x3F89] =	sst lr;
	_ =	strace $0xD0000000  }
0x3: {  	_ = 	snop  }
0x4: {  	_ = 	snop  }
0x5: {  	_ = 	snop  }
0x6: {  	_ = 	snop  }
0x7: {  	_ = 	snop  }
__scs_overlays_trampoline_lowered:
0x8: {  	[smem:$0x3F98] =	sst s0  }
0x9: {  	[smem:$0x3F99] =	sst s1  }
0xa: {  	[smem:$0x3F9A] =	sst s2  }
0xb: {  	[smem:$0x3F9B] =	sst s3  }
0xc: {  	[smem:$0x3F9C] =	sst s4  }
0xd: {  	[smem:$0x3F9D] =	sst s5  }
0xe: {  	[smem:$0x3F9E] =	sst s6  }
0xf: {  	[smem:$0x3F9F] =	sst s7  }
0x10: {  	[smem:$0x3FA0] =	sst s8  }
0x11: {  	[smem:$0x3FA1] =	sst s9;
	s0 =	simm.s32 @!p0 $0x0  }
0x12: {  	s1 =	sld [smem:$0x3F87];
	s0 =	simm.s32 @p0 $0x1  }
0x13: {  	[smem:$0x3FA2] =	sst s0;
	s0 =	simm.s32 @!p1 $0x0  }
0x14: {  	s2 =	sld [smem:$0x3F86];
	s0 =	simm.s32 @p1 $0x1  }
0x15: {  	[smem:$0x3FA3] =	sst s0;
	s0 =	simm.s32 @!p2 $0x0  }
0x16: {  	s3 =	sld [smem:$0x3FDB];
	s0 =	simm.s32 @p2 $0x1  }
0x17: {  	s4 =	simm.s32 $0x1BF5;
	[smem:$0x3FA5] =	sst s0  }
0x18: {  	s0 =	sld [smem:$0x3F88];
	_ =	swait.ge [sflag:s4], $0x0  }
0x19: {  	s7 =	sld [smem:$0x3F89]  }
0x1a: {  	s8 =	sadd.s32 $0xFFFFE003, lr  }
0x1b: {  	s9 =	sadd.s32 $0xFFFFFEF7, lr;
	s5 =	simm.s32 $0xFFFFFFFF;
	p2 =	slt.u32 s8, $0xFFFFF086  }
0x1c: {  	p1 =	slt.u32 s9, $0xF7A;
	s5 =	simm.s32 @!p2 $0x0  }
0x1d: {  	s5 =	simm.s32 @p1 $0x1;
	p0 =	seq.s32 s7, s2  }
0x1e: {  	s7 =	smul.u32 @!p0 $0xF7A, s2;
	p2 =	seq.s32 @!p0 s5, $0x0  }
0x1f: {  	s9 =	smul.u32 $0xF7A, s1;
	s8 =	simm.s32 @!p0 $0x1BF5;
	p2 =	por !p2, p0  }
0x20: {  	[sflag:s8] =	ssyncset.s32 @!p0 $0xFFFFF086;
	s6 =	sadd.s32 @!p0 s3, s7;
	s7 =	simm.s32 @!p0 $0x108  }
0x21: {  	s3 =	sadd.s32 s3, s9;
	s6 =	sadd.s32 @!p0 $0x88, s6;
	s7 =	simm.s32 @p2 $0x1082  }
0x22: {  	[simem:s7], [sflag:s8] =	dma.local @!p0 [hbm:s6], $0xF7A  }
0x23: {  	s9 =	sor.u32 $0xD0000000, s2;
	s6 =	simm.s32 $0x108;
	_ =	swait.ge @!p0 [sflag:s8], $0x0  }
0x24: {  	s3 =	sadd.s32 $0x88, s3;
	s6 =	simm.s32 @!p1 $0x1082;
	[sflag:s4] =	ssyncset.s32 $0xFFFFF086  }
0x25: {  	[simem:s6], [sflag:s4] =	dma.local [hbm:s3], $0xF7A  }
0x26: {  	[smem:$0x3F89] =	sst s1;
	(tag) =	ssettag s2;
	_ =	strace s9  }
0x27: {  	s1 =	sld [smem:$0x3F99]  }
0x28: {  	s2 =	sld [smem:$0x3F9A]  }
0x29: {  	s4 =	sld [smem:$0x3F9C]  }
0x2a: {  	p0 =	seq.s32 s5, $0x0;
	s5 =	sld [smem:$0x3F9D]  }
0x2b: {  	s6 =	sld [smem:$0x3F9E]  }
0x2c: {  	s7 =	sld [smem:$0x3F9F]  }
0x2d: {  	s3 =	simm.s32 $0x108;
	s8 =	sld [smem:$0x3FA0]  }
0x2e: {  	s3 =	simm.s32 @!p0 $0x1082;
	s9 =	sld [smem:$0x3FA1]  }
0x2f: {  	lr =	sadd.s32 s0, s3;
	s0 =	sld [smem:$0x3F98]  }
0x30: {  	s3 =	sld [smem:$0x3F9B]  }
0x31: {  	[smem:$0x3FA4] =	sst s10  }
0x32: {  	s10 =	sld [smem:$0x3FA2];
	_ =	sdelay $0x3  }
0x33: {  	p0 =	seq.s32 s10, $0x1;
	s10 =	sld [smem:$0x3FA4];
	_ =	sdelay $0x3  }
0x34: {  	[smem:$0x3FA4] =	sst s10  }
0x35: {  	s10 =	sld [smem:$0x3FA3];
	_ =	sdelay $0x3  }
0x36: {  	p1 =	seq.s32 s10, $0x1;
	s10 =	sld [smem:$0x3FA4];
	_ =	sdelay $0x3  }
0x37: {  	[smem:$0x3FA4] =	sst s10  }
0x38: {  	s10 =	sld [smem:$0x3FA5]  }
0x39: {  	_ = 	snop;
	(pc) =	sbr.ind lr, $3  }
0x3a: {  	_ = 	snop  }
0x3b: {  	_ = 	snop  }
0x3c: {  	p2 =	seq.s32 s10, $0x1;
	s10 =	sld [smem:$0x3FA4]  }
0x3d: {  	_ =	shalt  }
0x3e: {  	_ =	shalt  }
0x3f: {  	_ =	shalt  }
0x40: {  	_ =	shalt  }
0x41: {  	_ =	shalt  }
0x42: {  	_ =	shalt  }
0x43: {  	_ =	shalt  }
0x44: {  	_ =	shalt  }
0x45: {  	_ =	shalt  }
0x46: {  	_ =	shalt  }
0x47: {  	_ =	shalt  }
0x48: {  	_ =	shalt  }
0x49: {  	_ =	shalt  }
0x4a: {  	_ =	shalt  }
0x4b: {  	_ =	shalt  }
0x4c: {  	_ =	shalt  }
0x4d: {  	_ =	shalt  }
0x4e: {  	_ =	shalt  }
0x4f: {  	_ =	shalt  }
0x50: {  	_ =	shalt  }
0x51: {  	_ =	shalt  }
0x52: {  	_ =	shalt  }
0x53: {  	_ =	shalt  }
0x54: {  	_ =	shalt  }
0x55: {  	_ =	shalt  }
0x56: {  	_ =	shalt  }
0x57: {  	_ =	shalt  }
0x58: {  	_ =	shalt  }
0x59: {  	_ =	shalt  }
0x5a: {  	_ =	shalt  }
0x5b: {  	_ =	shalt  }
0x5c: {  	_ =	shalt  }
0x5d: {  	_ =	shalt  }
0x5e: {  	_ =	shalt  }
0x5f: {  	_ =	shalt  }
0x60: {  	_ =	shalt  }
0x61: {  	_ =	shalt  }
0x62: {  	_ =	shalt  }
0x63: {  	_ =	shalt  }
0x64: {  	_ =	shalt  }
0x65: {  	_ =	shalt  }
0x66: {  	_ =	shalt  }
0x67: {  	_ =	shalt  }
0x68: {  	_ =	shalt  }
0x69: {  	_ =	shalt  }
0x6a: {  	_ =	shalt  }
0x6b: {  	_ =	shalt  }
0x6c: {  	_ =	shalt  }
0x6d: {  	_ =	shalt  }
0x6e: {  	_ =	shalt  }
0x6f: {  	_ =	shalt  }
0x70: {  	_ =	shalt  }
0x71: {  	_ =	shalt  }
0x72: {  	_ =	shalt  }
0x73: {  	_ =	shalt  }
0x74: {  	_ =	shalt  }
0x75: {  	_ =	shalt  }
0x76: {  	_ =	shalt  }
0x77: {  	_ =	shalt  }
0x78: {  	_ =	shalt  }
0x79: {  	_ =	shalt  }
0x7a: {  	_ =	shalt  }
0x7b: {  	_ =	shalt  }
0x7c: {  	_ =	shalt  }
0x7d: {  	_ =	shalt  }
0x7e: {  	_ =	shalt  }
0x7f: {  	_ =	shalt  }
0x80: {  	_ =	shalt  }
0x81: {  	_ =	shalt  }
0x82: {  	_ =	shalt  }
0x83: {  	_ =	shalt  }
0x84: {  	_ =	shalt  }
0x85: {  	_ =	shalt  }
0x86: {  	_ =	shalt  }
0x87: {  	_ =	shalt  }
.Lfunc_end0:
.L_simem_size_0:
called_computation.1_lowered:
.L_overlay_start_0:
0x88: {  	s2 =	sld [smem:$0x3FD9]  }
0x89: {  	s3 =	sld [smem:$0x3FFE];
	_ =	sdelay $0x1  }
0x8a: {  	s1 =	srdreg.scid  }
0x8b: {  	s0 =	sand.u32 $0x1, s1  }
0x8c: {  	s14 =	sshll.u32 s0, $0xA;
	s2 =	sadd.s32 s3, s2  }
0x8d: {  	s2 =	sadd.s32 s2, s14  }
0x8e: {  	[smem:$0x3FB0] =	sst s2  }
0x8f: {  	_ = 	snop  }
0x90: {  	s2 =	sld [smem:$0x3FBF]  }
0x91: {  	s15 =	sld [smem:$0x3FD0]  }
0x92: {  	s4 =	sld [smem:$0x3FBE]  }
0x93: {  	s5 =	sld [smem:$0x3FB3]  }
0x94: {  	s7 =	simm.s32 $0xA;
	s8 =	simm.s32 $0x10;
	s6 =	sld [smem:$0x3FB2]  }
0x95: {  	[smem:s8], [sflag:s7] =	dma.local [hbm:s15], $0x1  }
0x96: {  	_ =	swait.eq [sflag:s7], $0x1  }
0x97: {  	[sflag:s7] =	ssyncset.done $0x0  }
0x98: {  	[sflag:s7] =	ssyncadd.s32 $0xFFFFFFFF  }
0x99: {  	s16 =	sld [smem:$0x10];
	(tm) =	ssettm $0x1  }
0x9a: {  	s17 =	sld [smem:$0x3FFB];
	_ =	sdelay $0x3  }
0x9b: {  	_ =	strace s17  }
0x9c: {  	s7 =	sld [smem:$0x3FFC];
	_ =	sdelay $0x3  }
0x9d: {  	_ =	strace s7  }
0x9e: {  	s7 =	sld [smem:$0x3FFD];
	_ =	sdelay $0x3  }
0x9f: {  	_ =	strace s7  }
0xa0: {  	_ =	strace $0x8FFFFFFF  }
0xa1: {  	s18 =	sld [smem:$0x3FDB];
	_ =	sdelay $0x1  }
0xa2: {  	s19 =	simm.s32 $_scs_section_size  }
0xa3: {  	s9 =	simm.s32 $_size__tile_overlayer_lowered;
	s10 =	simm.s32 $_tile_overlayer_lowered  }
0xa4: {  	s22 =	simm.s32 $0x1BFF;
	s21 =	sshll.u32 s10, $0x1;
	s7 =	sadd.s32 s19, s18  }
0xa5: {  	s11 =	simm.s32 $0x0;
	s20 =	sshll.u32 s9, $0x1;
	s9 =	sadd.s32 s21, s7  }
0xa6: {  	[timem:s11], [sflag:s22] =	dma.local [hbm:s9], s20  }
0xa7: {  	_ =	swait.ge [sflag:s22], s20  }
0xa8: {  	s8 =	ssub.s32 $0x0, s20;
	[sflag:s22] =	ssyncset.done $0x0  }
0xa9: {  	[sflag:s22] =	ssyncadd.s32 s8;
	_ =	sdelay $0x1  }
0xaa: {  	s23 =	simm.s32 $0x1B8B  }
0xab: {  	_ =	swait.ge [sflag:s23], $0x1  }
0xac: {  	[sflag:s23] =	ssyncset.done $0x0  }
0xad: {  	s25 =	simm.s32 $0x1B8E;
	s24 =	sld [smem:$0x3FFE];
	[sflag:s23] =	ssyncadd.s32 $0xFFFFFFFF  }
0xae: {  	s26 =	simm.s32 $execute0_lowered;
	[smem:$0x3FD2] =	sst s25  }
0xaf: {  	s9 =	sshll.u32 s26, $0x1;
	_ =	strace $0x80000046;
	[dreg:$0x1] =	wrdreg $0xFFFFFFFF  }
0xb0: {  	s28 =	simm.s32 $_size_execute0_lowered;
	s7 =	sadd.s32 s7, s9;
	[dreg:$0x0] =	wrdreg $0x0  }
0xb1: {  	s9 =	sshll.u32 s28, $0x1;
	[dreg:$0x2] =	wrdreg s7  }
0xb2: {  	[dreg:$0x3] =	wrdreg s9  }
0xb3: {  	[dreg:$0x4] =	wrdreg $0xC0  }
0xb4: {  	_ =	task [dreg:s11], $0x5FFFF  }
0xb5: {  	[dreg:$0x1] =	wrdreg $0xFFFFFFFF  }
0xb6: {  	[dreg:$0x0] =	wrdreg $0x60  }
0xb7: {  	[dreg:$0x2] =	wrdreg s24  }
0xb8: {  	[dreg:$0x3] =	wrdreg s2  }
0xb9: {  	[dreg:$0x4] =	wrdreg s4  }
0xba: {  	[dreg:$0x5] =	wrdreg s5  }
0xbb: {  	[dreg:$0x6] =	wrdreg s6  }
0xbc: {  	[dreg:$0x7] =	wrdreg s16  }
0xbd: {  	[dreg:$0x8] =	wrdreg $0x9  }
0xbe: {  	_ =	task.clear_ibuf [dreg:s11], $0x9FFFF;
	_ =	strace $0x90000046  }
0xbf: {  	s29 =	simm.s32 $0x9;
	_ =	strace $0x80000048  }
0xc0: {  	_ =	swait.ge [sflag:s29], $0x1  }
0xc1: {  	[sflag:s29] =	ssyncadd.s32 $0xFFFFFFFF  }
0xc2: {  	_ =	strace $0x90000048  }
0xc3: {  	_ =	sfence  }
0xc4: {  	s30 =	sld [smem:$0x0];
	_ =	sdelay $0x2  }
0xc5: {  	s31 =	sshll.u32 s1, $0xD;
	s1 =	sshrl.u32 s1, $0x2  }
0xc6: {  	s3 =	sand.u32 $0x4000, s31;
	s1 =	sadd.s32 s1, s30  }
0xc7: {  	s0 =	sor.u32 s3, s0;
	s1 =	sshll.u32 s1, $0x11  }
0xc8: {  	s0 =	sor.u32 s1, s0  }
0xc9: {  	s0 =	sadd.s32 $0x8F2B, s0  }
0xca: {  	[sflag:s0] =	ssyncadd.remote.s32 $0x1  }
0xcb: {  	_ =	sfence.sel $0xFFFF  }
0xcc: {  	[dreg:$0x0] =	wrdreg $0xFFFFFFFF;
	(pc) =	sbr.abs _section_cstart, $3  }
0xcd: {  	[dreg:$0x1] =	wrdreg $0xFFFFFFFF  }
0xce: {  	_ =	task.clear_ibuf [dreg:s11], $0x2FFFF;
	_ =	strace $0x9FFFFFFF  }
0xcf: {  	(tm) =	ssettm $0x7FFFFFFF  }
tec
execute0_lowered:
.L_overlay_start_1:
0x0: {  	(tag) =	ssettag $0x1  }
0x1: {  	s1 =	rddreg [dreg:$0x0]  }
0x2: {  	s0 =	rddreg [dreg:$0x1];
	s2 =	srdreg.scid  }
0x3: {  	s3 =	stileid.u32;
	s11 =	rddreg [dreg:$0x5]  }
0x4: {  	s7 =	simm.s32 $0x0;
	s29 =	simm.s32 $0x18800;
	s30 =	simm.s32 $0x18880  }
0x5: {  	s14 =	simm.s32 $0x10000;
	s28 =	simm.s32 $0x7;
	s2 =	sand.u32 $0x1, s2  }
0x6: {  	s3 =	sshll.u32 s3, $0x1;
	[smem:$0x7FF] =	sst s7;
	s9 =	sadd.s32 $0x26A400, s1  }
0x7: {  	s8 =	sadd.s32 $0x23A00, s1;
	s21 =	sadd.s32 $0x26A4C0, s1;
	s22 =	sadd.s32 $0x800, s11  }
0x8: {  	s23 =	sadd.s32 $0x26A500, s1;
	_ =	strace $0x80000047;
	[dreg:$0xf] =	wrdreg s21  }
0x9: {  	s24 =	sadd.s32 $0x1000, s11;
	s3 =	sor.u32 s2, s3;
	[dreg:$0x10] =	wrdreg s22  }
0xa: {  	s1 =	sadd.s32 $0x26A540, s1;
	[dreg:$0x11] =	wrdreg s23;
	s4 =	smul.u32 $0x3E, s3  }
0xb: {  	s2 =	ssub.s32 $0x2, s2;
	[dreg:$0x12] =	wrdreg s24;
	s6 =	smul.u32 $0xF80, s3  }
0xc: {  	[dreg:$0x13] =	wrdreg s1;
	s22 =	simm.s32 $0x8000;
	s17 =	smul.u32 $0x7C00, s3  }
0xd: {  	s24 =	simm.s32 $0x14000;
	s5 =	sshrl.u32 s2, $0x1;
	s18 =	smul.u32 $0x1F000, s3  }
0xe: {  	s23 =	simm.s32 $0x8;
	s3 =	smul.u32 $0xF8000, s3;
	s2 =	ssub.s32 s2, s5  }
0xf: {  	s15 =	sadd.s32 s9, s6;
	s16 =	sor.u32 $0x1, s4;
	s12 =	sadd.s32 $0x2, s4  }
0x10: {  	s6 =	sshrl.u32 s17, $0x3;
	s4 =	sadd.s32 s11, s18;
	s3 =	sshrl.u32 s3, $0x3  }
0x11: {  	s31 =	smax.u32 s2, $0x1;
	s2 =	simm.s32 $0x4;
	[dreg:$0x7] =	wrdreg s15  }
0x12: {  	s10 =	sshll.u32 s16, $0x6;
	[dreg:$0x8] =	wrdreg s12;
	s19 =	sshll.u32 s12, $0x6  }
0x13: {  	[dreg:$0xb] =	wrdreg s4;
	s20 =	sadd.s32 s9, s6;
	s5 =	sshll.u32 s16, $0xB  }
0x14: {  	s25 =	sadd.s32 s11, s3;
	[dreg:$0x17] =	wrdreg s31;
	s10 =	sadd.s32 s9, s10  }
0x15: {  	s12 =	simm.s32 $0x4000;
	s6 =	sadd.s32 $0xC0, s20;
	[dreg:$0x9] =	wrdreg s10  }
0x16: {  	s15 =	simm.s32 $0x1;
	s5 =	sadd.s32 s11, s5;
	[dreg:$0xc] =	wrdreg s6  }
0x17: {  	s16 =	simm.s32 $0x6;
	s4 =	sadd.s32 $0x100, s20;
	[dreg:$0xd] =	wrdreg s5  }
0x18: {  	s3 =	sadd.s32 $0x1D800, s25;
	s26 =	sadd.s32 $0x1E000, s25;
	[dreg:$0xe] =	wrdreg s4  }
0x19: {  	s1 =	sadd.s32 $0x1E800, s25;
	s20 =	simm.s32 $0x18200;
	[dreg:$0x14] =	wrdreg s3  }
0x1a: {  	s11 =	simm.s32 $0x5;
	s25 =	simm.s32 $0x2;
	[dreg:$0x15] =	wrdreg s26  }
0x1b: {  	s10 =	sadd.s32 s9, s19;
	[dreg:$0x16] =	wrdreg s1;
	s26 =	simm.s32 $0x18600  }
0x1c: {  	v0 =	vlaneseq.u32;
	s3 =	simm.s32 $0x80;
	s9 =	simm.s32 $0xC000;
	s6 =	simm.s32 $0x3  }
0x1d: {  	v1 =	vmul.u32 $0x80, v0;
	s5 =	simm.s32 $0x9;
	s4 =	simm.s32 $0x0;
	[dreg:$0xa] =	wrdreg s10  }
.LBB2_1:
0x1e: {  	[dreg:$0x18] =	wrdreg s4  }
0x1f: {  	s1 =	rddreg [dreg:$0x2];
	s10 =	simm.s32 $0xA  }
0x20: {  	[tilespmem:s26], [sflag:$0xA] =	stream.linear.gather [hbm4b:s1+s7], $0x200, $0x38;
	[tilespmem:$0x18900] =	vst v63  }
0x21: {  	_ =	swait.ge [sflag:s10], $0x200  }
0x22: {  	[sflag:s10] =	ssyncset.done $0x0  }
0x23: {  	[sflag:s10] =	ssyncadd.s32 $0xFFFFFE00  }
0x24: {  	s31 =	rddreg [dreg:$0x3]  }
0x25: {  	[tilespmem:s29], [sflag:$0xA] =	stream.linear.gather [hbm4b:s31+s7], $0x80, $0x38;
	[tilespmem:$0x18900] =	vst v63  }
0x26: {  	_ =	swait.ge [sflag:s10], $0x80  }
0x27: {  	[sflag:s10] =	ssyncset.done $0x0  }
0x28: {  	[sflag:s10] =	ssyncadd.s32 $0xFFFFFF80  }
0x29: {  	s4 =	rddreg [dreg:$0x4]  }
0x2a: {  	[tilespmem:s30], [sflag:$0xA] =	stream.linear.gather [hbm4b:s4+s7], $0x80, $0x38;
	[tilespmem:$0x18900] =	vst v63  }
0x2b: {  	_ =	swait.ge [sflag:s10], $0x80  }
0x2c: {  	[sflag:s10] =	ssyncset.done $0x0  }
0x2d: {  	s13 =	simm.s32 $0x18000;
	[sflag:s10] =	ssyncadd.s32 $0xFFFFFF80;
	s10 =	rddreg [dreg:$0x7]  }
0x2e: {  	[tilespmem:s13], [sflag:$0x4] =	stream.linear.gather [hbm4b:s10+s7], $0x180, $0x38;
	[tilespmem:$0x18900] =	vst v63  }
0x2f: {  	s17 =	rddreg [dreg:$0x9]  }
0x30: {  	[tilespmem:s20], [sflag:$0x5] =	stream.linear.gather [hbm4b:s17+s7], $0x180, $0x38;
	[tilespmem:$0x18900] =	vst v63  }
0x31: {  	s19 =	simm.s32 $0x18400;
	s18 =	rddreg [dreg:$0xa]  }
0x32: {  	[tilespmem:s19], [sflag:$0x6] =	stream.linear.gather [hbm4b:s18+s7], $0x180, $0x38;
	[tilespmem:$0x18900] =	vst v63  }
0x33: {  	_ =	swait.ge [sflag:s2], $0x180  }
0x34: {  	[sflag:s2] =	ssyncset.done $0x0  }
0x35: {  	[sflag:s2] =	ssyncadd.s32 $0xFFFFFE80  }
0x36: {  	[tilespmem:s7], [sflag:$0x1] =	stream.indirect.gather [hbm4b:s0+s3], $0x80, s13, s3, $0xb8;
	[tilespmem:$0x18900] =	vst v63  }
0x37: {  	s21 =	simm.s32 $0x18080  }
0x38: {  	[tilespmem:s9], [sflag:$0x1] =	stream.indirect.gather [hbm4b:s8+s3], $0x80, s21, s3, $0xb8;
	[tilespmem:$0x18900] =	vst v63  }
0x39: {  	_ =	swait.ge [sflag:s11], $0x180  }
0x3a: {  	[sflag:s11] =	ssyncset.done $0x0  }
0x3b: {  	[sflag:s11] =	ssyncadd.s32 $0xFFFFFE80  }
0x3c: {  	[tilespmem:s12], [sflag:$0x2] =	stream.indirect.gather [hbm4b:s0+s3], $0x80, s20, s3, $0xb8;
	[tilespmem:$0x18900] =	vst v63  }
0x3d: {  	s31 =	simm.s32 $0x18280  }
0x3e: {  	[tilespmem:s14], [sflag:$0x2] =	stream.indirect.gather [hbm4b:s8+s3], $0x80, s31, s3, $0xb8;
	[tilespmem:$0x18900] =	vst v63  }
0x3f: {  	_ =	swait.ge [sflag:s15], $0x4000  }
0x40: {  	[sflag:s15] =	ssyncset.done $0x0  }
0x41: {  	[sflag:s15] =	ssyncadd.s32 $0xFFFFC000  }
0x42: {  	_ =	swait.ge [sflag:s15], $0x4000  }
0x43: {  	[sflag:s15] =	ssyncset.done $0x0  }
0x44: {  	s4 =	simm.s32 $0x18000;
	s10 =	simm.s32 $0x0;
	[sflag:s15] =	ssyncadd.s32 $0xFFFFC000  }
.LBB2_2:
0x45: {  	s1 =	sshll.u32 s10, $0x4  }
0x46: {  	v2 =	vld [tilespmem:s1+$0x18100];
	_ =	sdelay $0x2  }
0x47: {  	s13 =	simm.s32 $0x0  }
0x48: {  	v3 =	vmov s1;
	v4 =	vadd.s32 s13, v0  }
0x49: {  	v3 =	vshll.u32 v3, $0x7;
	v4 =	vand.u32 $0x7F, v4;
	v6 =	vshll.u32 v2, $0x7  }
0x4a: {  	s17 =	simm.s32 $0x3;
	v2 =	vor.u32 v1, v3;
	v5 =	vor.u32 v6, v4  }
0x4b: {  	s18 =	simm.s32 $0x1;
	v7 =	vadd.s32 s17, v0;
	v3 =	vor.u32 v2, v4  }
0x4c: {  	s13 =	simm.s32 $0x2;
	v9 =	vadd.s32 s18, v0;
	v7 =	vand.u32 $0x7F, v7  }
0x4d: {  	v9 =	vand.u32 $0x7F, v9;
	v4 =	vadd.s32 s13, v0;
	v29 =	vor.u32 v2, v7  }
0x4e: {  	v15 =	vor.u32 v2, v9;
	v4 =	vand.u32 $0x7F, v4  }
0x4f: {  	v8 =	vor.u32 v6, v4;
	v10 =	vld.idx.msk [tilespmem:v5+s26+$0x0], $0xffff  }
0x50: {  	s19 =	simm.s32 $0x4;
	v16 =	vor.u32 v2, v4;
	v5 =	vld.idx.msk [tilespmem:v3+s7+$0x0], $0xffff  }
0x51: {  	v4 =	vadd.s32 s19, v0;
	v11 =	vld.idx.msk [tilespmem:v3+s9+$0x0], $0xffff  }
0x52: {  	v4 =	vand.u32 $0x7F, v4;
	v14 =	vld.idx.msk [tilespmem:v29+s7+$0x0], $0xffff  }
0x53: {  	v17 =	vor.u32 v6, v4;
	v4 =	vor.u32 v2, v4;
	v18 =	vld.idx.msk [tilespmem:v15+s9+$0x0], $0xffff  }
0x54: {  	v13 =	vld.idx.msk [tilespmem:v8+s26+$0x0], $0xffff  }
0x55: {  	v8 =	vor.u32 v6, v9;
	v12 =	vld.idx.msk [tilespmem:v16+s7+$0x0], $0xffff  }
0x56: {  	v9 =	vld.idx.msk [tilespmem:v15+s7+$0x0], $0xffff  }
0x57: {  	v7 =	vor.u32 v6, v7;
	v20 =	vld.idx.msk [tilespmem:v16+s9+$0x0], $0xffff  }
0x58: {  	s31 =	simm.s32 $0x7;
	v28 =	vld.idx.msk [tilespmem:v4+s7+$0x0], $0xffff  }
0x59: {  	s21 =	simm.s32 $0x6;
	v21 =	vadd.s32 s31, v0;
	v30 =	vld.idx.msk [tilespmem:v4+s9+$0x0], $0xffff  }
0x5a: {  	v19 =	vadd.s32 s21, v0;
	s17 =	simm.s32 $0x5;
	v21 =	vand.u32 $0x7F, v21;
	v25 =	vadd.f32 v11, v5;
	v23 =	vld.idx.msk [tilespmem:v8+s26+$0x0], $0xffff  }
0x5b: {  	v22 =	vadd.s32 s17, v0;
	v5 =	vor.u32 v2, v21;
	v8 =	vand.u32 $0x7F, v19;
	v19 =	vld.idx.msk [tilespmem:v29+s9+$0x0], $0xffff  }
0x5c: {  	v26 =	vld.idx.msk [tilespmem:v7+s26+$0x0], $0xffff;
	v24 =	vor.u32 v6, v8;
	v7 =	vor.u32 v2, v8;
	v8 =	vadd.f32 v10, v25  }
0x5d: {  	v22 =	vand.u32 $0x7F, v22;
	v10 =	vadd.f32 v18, v9;
	v18 =	vadd.f32 v20, v12  }
0x5e: {  	v11 =	vld.idx.msk [tilespmem:v17+s26+$0x0], $0xffff;
	v17 =	vimm.f32 $0.0e+00;
	v9 =	vor.u32 v2, v22  }
0x5f: {  	s18 =	simm.s32 $0x8;
	v28 =	vadd.f32 v30, v28;
	v25 =	vmul.f32 v8, v8;
	v27 =	vadd.f32 v13, v18  }
0x60: {  	v20 =	vadd.s32 s18, v0;
	v10 =	vadd.f32 v23, v10;
	v18 =	vadd.f32 v19, v14  }
0x61: {  	s19 =	simm.s32 $0xB;
	v22 =	vor.u32 v6, v22;
	v13 =	vld.idx.msk [tilespmem:v5+s7+$0x0], $0xffff;
	v19 =	vadd.f32 v8, v17;
	v17 =	vadd.f32 v25, v17  }
0x62: {  	v32 =	vadd.s32 s19, v0;
	v25 =	vand.u32 $0x7F, v20;
	[tilespmem:v16+s7+$0x0] =	vst.idx.msk $0xffff, v27;
	v12 =	vld.idx.msk [tilespmem:v24+s26+$0x0], $0xffff;
	v23 =	vmul.f32 v10, v10  }
0x63: {  	v14 =	vld.idx.msk [tilespmem:v7+s7+$0x0], $0xffff;
	[tilespmem:v15+s7+$0x0] =	vst.idx.msk $0xffff, v10;
	v31 =	vadd.f32 v26, v18;
	v10 =	vadd.f32 v10, v19  }
0x64: {  	v24 =	vor.u32 v6, v21;
	v15 =	vld.idx.msk [tilespmem:v9+s7+$0x0], $0xffff;
	v19 =	vadd.f32 v23, v17;
	v23 =	vmul.f32 v27, v27  }
0x65: {  	s31 =	simm.s32 $0xA;
	v18 =	vor.u32 v6, v25;
	v17 =	vld.idx.msk [tilespmem:v9+s9+$0x0], $0xffff;
	v21 =	vadd.f32 v27, v10;
	v33 =	vmul.f32 v31, v31  }
0x66: {  	s21 =	simm.s32 $0x9;
	v20 =	vld.idx.msk [tilespmem:v7+s9+$0x0], $0xffff;
	v10 =	vor.u32 v2, v25;
	v25 =	vadd.s32 s31, v0;
	v19 =	vadd.f32 v23, v19  }
0x67: {  	v16 =	vand.u32 $0x7F, v32;
	v26 =	vadd.s32 s21, v0;
	[tilespmem:v29+s7+$0x0] =	vst.idx.msk $0xffff, v31;
	v27 =	vand.u32 $0x7F, v25;
	v23 =	vld.idx.msk [tilespmem:v22+s26+$0x0], $0xffff  }
0x68: {  	s13 =	simm.s32 $0xC;
	v22 =	vld.idx.msk [tilespmem:v5+s9+$0x0], $0xffff;
	v21 =	vadd.f32 v31, v21;
	v25 =	vor.u32 v6, v27;
	v19 =	vadd.f32 v33, v19  }
.LBB2_3:
0x69: {  	p0 =	slt.u32 s13, $0x7C;
	v26 =	vand.u32 $0x7F, v26;
	v24 =	vld.idx.msk [tilespmem:v24+s26+$0x0], $0xffff;
	[tilespmem:v3+s7+$0x0] =	vst.idx.msk $0xffff, v8;
	v29 =	vmov v5;
	v5 =	vor.u32 v2, v16  }
0x6a: {  	v30 =	vor.u32 v2, v27;
	v15 =	vadd.f32 v17, v15;
	v8 =	vadd.f32 v11, v28;
	v11 =	vld.idx.msk [tilespmem:v18+s26+$0x0], $0xffff  }
0x6b: {  	v3 =	vmovc v4;
	v4 =	vmov v10;
	v17 =	vor.u32 v2, v26;
	v14 =	vadd.f32 v20, v14;
	v28 =	vld.idx.msk [tilespmem:v10+s7+$0x0], $0xffff  }
0x6c: {  	v18 =	vadd.s32 s13, v0;
	v20 =	vadd.f32 v23, v15;
	v31 =	vld.idx.msk [tilespmem:v10+s9+$0x0], $0xffff;
	v10 =	vmul.f32 v8, v8  }
0x6d: {  	v23 =	vor.u32 v6, v26;
	v27 =	vadd.f32 v12, v14;
	v15 =	vadd.f32 v22, v13;
	v12 =	vld.idx.msk [tilespmem:v25+s26+$0x0], $0xffff  }
0x6e: {  	v21 =	vadd.f32 v8, v21;
	v13 =	vld.idx.msk [tilespmem:v5+s7+$0x0], $0xffff;
	v10 =	vadd.f32 v10, v19;
	v19 =	vmul.f32 v20, v20  }
0x6f: {  	v22 =	vand.u32 $0x7F, v18;
	v32 =	vadd.f32 v24, v15;
	v14 =	vld.idx.msk [tilespmem:v30+s7+$0x0], $0xffff;
	[tilespmem:v9+s7+$0x0] =	vst.idx.msk $0xffff, v20;
	v9 =	vmov v17  }
0x70: {  	s1 =	sadd.s32 $0x3, s13;
	v21 =	vadd.f32 v20, v21;
	v15 =	vld.idx.msk [tilespmem:v17+s7+$0x0], $0xffff;
	v10 =	vadd.f32 v19, v10;
	v19 =	vmul.f32 v27, v27  }
.Ltmp0:
0x71: {  	v33 =	vadd.s32 s1, v0;
	v18 =	vor.u32 v6, v22;
	v24 =	vor.u32 v6, v16;
	v17 =	vld.idx.msk [tilespmem:v17+s9+$0x0], $0xffff;
	(pc) =	sbr.rel @p0 .LBB2_3-.Ltmp0, $4  }
0x72: {  	s17 =	sadd.s32 $0x2, s13;
	s1 =	sadd.s32 $0x1, s13;
	v16 =	vadd.f32 v27, v21;
	v25 =	vmul.f32 v32, v32;
	v20 =	vld.idx.msk [tilespmem:v30+s9+$0x0], $0xffff;
	v19 =	vadd.f32 v19, v10  }
0x73: {  	v26 =	vadd.s32 s1, v0;
	v21 =	vadd.s32 s17, v0;
	v10 =	vor.u32 v2, v22;
	v23 =	vld.idx.msk [tilespmem:v23+s26+$0x0], $0xffff;
	[tilespmem:v7+s7+$0x0] =	vst.idx.msk $0xffff, v27  }
0x74: {  	v27 =	vand.u32 $0x7F, v21;
	v21 =	vadd.f32 v32, v16;
	v7 =	vmovc v30;
	v22 =	vld.idx.msk [tilespmem:v5+s9+$0x0], $0xffff;
	v19 =	vadd.f32 v25, v19  }
0x75: {  	s13 =	sadd.s32 $0x4, s13;
	v28 =	vadd.f32 v31, v28;
	v16 =	vand.u32 $0x7F, v33;
	v25 =	vor.u32 v6, v27;
	[tilespmem:v29+s7+$0x0] =	vst.idx.msk $0xffff, v32  }
0x76: {  	_ =	sdelay $0x3  }
0x77: {  	v29 =	vor.u32 v2, v16;
	v24 =	vld.idx.msk [tilespmem:v24+s26+$0x0], $0xffff  }
0x78: {  	v26 =	vand.u32 $0x7F, v26;
	v18 =	vld.idx.msk [tilespmem:v18+s26+$0x0], $0xffff;
	v27 =	vor.u32 v2, v27  }
0x79: {  	v30 =	vld.idx.msk [tilespmem:v10+s7+$0x0], $0xffff;
	v31 =	vor.u32 v2, v26  }
0x7a: {  	v62 =	vld.idx.msk [tilespmem:v10+s9+$0x0], $0xffff;
	v15 =	vadd.f32 v17, v15  }
0x7b: {  	v17 =	vld.idx.msk [tilespmem:v25+s26+$0x0], $0xffff;
	v11 =	vadd.f32 v11, v28;
	v14 =	vadd.f32 v20, v14  }
0x7c: {  	v20 =	vor.u32 v6, v26;
	v25 =	vld.idx.msk [tilespmem:v29+s7+$0x0], $0xffff  }
0x7d: {  	v15 =	vadd.f32 v23, v15;
	v23 =	vmul.f32 v11, v11;
	v12 =	vadd.f32 v12, v14;
	v14 =	vld.idx.msk [tilespmem:v27+s7+$0x0], $0xffff  }
0x7e: {  	v13 =	vadd.f32 v22, v13;
	v21 =	vadd.f32 v11, v21;
	v22 =	vld.idx.msk [tilespmem:v31+s7+$0x0], $0xffff  }
0x7f: {  	v6 =	vor.u32 v6, v16;
	v19 =	vadd.f32 v23, v19;
	v23 =	vmul.f32 v15, v15;
	v16 =	vld.idx.msk [tilespmem:v31+s9+$0x0], $0xffff  }
0x80: {  	v13 =	vadd.f32 v24, v13;
	v21 =	vadd.f32 v15, v21;
	v24 =	vld.idx.msk [tilespmem:v27+s9+$0x0], $0xffff  }
0x81: {  	v26 =	vadd.f32 v62, v30;
	v20 =	vld.idx.msk [tilespmem:v20+s26+$0x0], $0xffff;
	v19 =	vadd.f32 v23, v19;
	v23 =	vmul.f32 v12, v12  }
0x82: {  	v63 =	vld.idx.msk [tilespmem:v29+s9+$0x0], $0xffff;
	v21 =	vadd.f32 v12, v21  }
0x83: {  	v18 =	vadd.f32 v18, v26;
	v19 =	vadd.f32 v23, v19;
	v23 =	vmul.f32 v13, v13  }
0x84: {  	v6 =	vld.idx.msk [tilespmem:v6+s26+$0x0], $0xffff;
	v21 =	vadd.f32 v13, v21;
	v16 =	vadd.f32 v16, v22  }
0x85: {  	v14 =	vadd.f32 v24, v14;
	v19 =	vadd.f32 v23, v19  }
0x86: {  	v22 =	vmul.f32 v18, v18;
	v16 =	vadd.f32 v20, v16;
	v20 =	vadd.f32 v18, v21  }
0x87: {  	v14 =	vadd.f32 v17, v14;
	v17 =	vadd.f32 v63, v25  }
0x88: {  	v19 =	vadd.f32 v22, v19;
	v21 =	vmul.f32 v16, v16;
	v20 =	vadd.f32 v16, v20  }
0x89: {  	v17 =	vadd.f32 v6, v17  }
0x8a: {  	v6 =	vadd.f32 v21, v19;
	v19 =	vmul.f32 v14, v14;
	v20 =	vadd.f32 v14, v20;
	_ =	sdelay $0x1  }
0x8b: {  	v6 =	vadd.f32 v19, v6;
	v19 =	vmul.f32 v17, v17;
	v20 =	vadd.f32 v17, v20;
	_ =	sdelay $0x1  }
0x8c: {  	v19 =	vadd.f32 v19, v6;
	v6 =	vmul.f32 $7.812500000e-03, v20;
	_ =	sdelay $0x1  }
0x8d: {  	v19 =	vmul.f32 $7.812500000e-03, v19;
	v20 =	vmul.f32 v6, v6;
	_ =	sdelay $0x1  }
0x8e: {  	v19 =	vsub.f32 v19, v20;
	_ =	sdelay $0x1  }
0x8f: {  	v19 =	vadd.f32 $9.999999960e-13, v19;
	_ =	sdelay $0x1  }
0x90: {  	v20 =	vshra.s32 v19, $0x1;
	v19 =	vmul.f32 $5.000000000e-01, v19  }
0x91: {  	v20 =	vsub.s32 $0x5F3759DF, v20  }
0x92: {  	v21 =	vmul.f32 v20, v19;
	_ =	sdelay $0x1  }
0x93: {  	v21 =	vmul.f32 v20, v21;
	_ =	sdelay $0x1  }
0x94: {  	v21 =	vsub.f32 $1.500000000e+00, v21;
	_ =	sdelay $0x1  }
0x95: {  	[tilespmem:v3+s7+$0x0] =	vst.idx.msk $0xffff, v8;
	s1 =	simm.s32 $0x0;
	v20 =	vmul.f32 v20, v21  }
0x96: {  	s17 =	simm.s32 $0x3;
	[tilespmem:v7+s7+$0x0] =	vst.idx.msk $0xffff, v12;
	v7 =	vadd.s32 s1, v0  }
0x97: {  	[tilespmem:v4+s7+$0x0] =	vst.idx.msk $0xffff, v11;
	v8 =	vand.u32 $0x7F, v7;
	v7 =	vadd.s32 s17, v0;
	v3 =	vmul.f32 v20, v19  }
0x98: {  	[tilespmem:v9+s7+$0x0] =	vst.idx.msk $0xffff, v15;
	v9 =	vand.u32 $0x7F, v7  }
0x99: {  	[tilespmem:v5+s7+$0x0] =	vst.idx.msk $0xffff, v13;
	v7 =	vor.u32 v2, v9;
	v3 =	vmul.f32 v3, v20  }
0x9a: {  	v5 =	vor.u32 v2, v8;
	[tilespmem:v10+s7+$0x0] =	vst.idx.msk $0xffff, v18  }
0x9b: {  	s18 =	simm.s32 $0x2;
	[tilespmem:v27+s7+$0x0] =	vst.idx.msk $0xffff, v14;
	v3 =	vsub.f32 $1.500000000e+00, v3  }
0x9c: {  	s13 =	simm.s32 $0x1;
	v4 =	vadd.s32 s18, v0;
	[tilespmem:v31+s7+$0x0] =	vst.idx.msk $0xffff, v16  }
0x9d: {  	v13 =	vand.u32 $0x7F, v4;
	[tilespmem:v29+s7+$0x0] =	vst.idx.msk $0xffff, v17;
	v14 =	vmul.f32 v3, v20;
	v3 =	vadd.s32 s13, v0  }
0x9e: {  	v21 =	vld.idx.msk [tilespmem:v7+s7+$0x0], $0xffff;
	v12 =	vand.u32 $0x7F, v3;
	v3 =	vor.u32 v2, v13  }
0x9f: {  	v20 =	vld.idx.msk [tilespmem:v5+s7+$0x0], $0xffff;
	v10 =	vmul.f32 v14, v19;
	v4 =	vor.u32 v2, v12  }
0xa0: {  	v11 =	vld.idx.msk [tilespmem:v8+s30+$0x0], $0xffff  }
0xa1: {  	v15 =	vld.idx.msk [tilespmem:v8+s29+$0x0], $0xffff;
	v10 =	vmul.f32 v10, v14  }
0xa2: {  	s19 =	simm.s32 $0x4;
	v17 =	vld.idx.msk [tilespmem:v9+s30+$0x0], $0xffff  }
0xa3: {  	s21 =	simm.s32 $0x7;
	v23 =	vsub.f32 v21, v6;
	v8 =	vsub.f32 $1.500000000e+00, v10;
	v18 =	vld.idx.msk [tilespmem:v3+s7+$0x0], $0xffff;
	v10 =	vadd.s32 s19, v0  }
0xa4: {  	v22 =	vsub.f32 v20, v6;
	v19 =	vld.idx.msk [tilespmem:v4+s7+$0x0], $0xffff;
	v16 =	vand.u32 $0x7F, v10;
	v10 =	vadd.s32 s21, v0  }
0xa5: {  	v21 =	vld.idx.msk [tilespmem:v13+s29+$0x0], $0xffff;
	v8 =	vmul.f32 v8, v14;
	v14 =	vand.u32 $0x7F, v10;
	v10 =	vor.u32 v2, v16  }
0xa6: {  	s31 =	simm.s32 $0x6;
	v20 =	vld.idx.msk [tilespmem:v9+s29+$0x0], $0xffff;
	v9 =	vor.u32 v2, v14  }
0xa7: {  	s17 =	simm.s32 $0x5;
	v25 =	vadd.s32 s31, v0;
	s13 =	simm.s32 $0x8;
	v24 =	vmul.f32 v22, v8;
	v22 =	vld.idx.msk [tilespmem:v12+s29+$0x0], $0xffff;
	v23 =	vmul.f32 v23, v8  }
.LBB2_5:
0xa8: {  	p0 =	slt.u32 s13, $0x7C;
	v26 =	vadd.s32 s17, v0;
	v18 =	vsub.f32 v18, v6;
	v27 =	vld.idx.msk [tilespmem:v13+s30+$0x0], $0xffff;
	v13 =	vand.u32 $0x7F, v25  }
0xa9: {  	v19 =	vsub.f32 v19, v6;
	v25 =	vor.u32 v2, v13;
	v28 =	vld.idx.msk [tilespmem:v12+s30+$0x0], $0xffff;
	v12 =	vand.u32 $0x7F, v26  }
0xaa: {  	v15 =	vmul.f32 v24, v15;
	v26 =	vld.idx.msk [tilespmem:v10+s7+$0x0], $0xffff;
	v29 =	vor.u32 v2, v12;
	v18 =	vmul.f32 v18, v8  }
0xab: {  	v19 =	vmul.f32 v19, v8;
	v20 =	vmul.f32 v23, v20;
	v24 =	vld.idx.msk [tilespmem:v9+s7+$0x0], $0xffff  }
0xac: {  	v23 =	vadd.f32 v15, v11;
	v11 =	vld.idx.msk [tilespmem:v16+s30+$0x0], $0xffff;
	v21 =	vmul.f32 v18, v21  }
0xad: {  	v18 =	vadd.s32 s13, v0;
	v22 =	vmul.f32 v19, v22;
	v17 =	vadd.f32 v20, v17;
	v15 =	vld.idx.msk [tilespmem:v16+s29+$0x0], $0xffff  }
0xae: {  	v16 =	vand.u32 $0x7F, v18;
	v18 =	vld.idx.msk [tilespmem:v25+s7+$0x0], $0xffff;
	[tilespmem:v5+s7+$0x0] =	vst.idx.msk $0xffff, v23;
	v20 =	vadd.f32 v21, v27;
	v5 =	vmov v10  }
.Ltmp1:
0xaf: {  	s1 =	sadd.s32 $0x3, s13;
	v10 =	vor.u32 v2, v16;
	v21 =	vadd.f32 v22, v28;
	v19 =	vld.idx.msk [tilespmem:v29+s7+$0x0], $0xffff;
	[tilespmem:v7+s7+$0x0] =	vst.idx.msk $0xffff, v17;
	(pc) =	sbr.rel @p0 .LBB2_5-.Ltmp1, $4  }
0xb0: {  	v27 =	vadd.s32 s1, v0;
	v22 =	vsub.f32 v26, v6;
	v17 =	vld.idx.msk [tilespmem:v14+s30+$0x0], $0xffff;
	[tilespmem:v3+s7+$0x0] =	vst.idx.msk $0xffff, v20;
	v3 =	vmov v25  }
0xb1: {  	v23 =	vsub.f32 v24, v6;
	v20 =	vld.idx.msk [tilespmem:v14+s29+$0x0], $0xffff;
	v14 =	vand.u32 $0x7F, v27;
	[tilespmem:v4+s7+$0x0] =	vst.idx.msk $0xffff, v21;
	v4 =	vmov v29  }
0xb2: {  	s1 =	sadd.s32 $0x2, s13;
	v7 =	vmov v9;
	v21 =	vld.idx.msk [tilespmem:v13+s29+$0x0], $0xffff;
	v9 =	vor.u32 v2, v14  }
0xb3: {  	s17 =	sadd.s32 $0x1, s13;
	s13 =	sadd.s32 $0x4, s13;
	v25 =	vadd.s32 s1, v0;
	v24 =	vmul.f32 v22, v8;
	v23 =	vmul.f32 v23, v8;
	v22 =	vld.idx.msk [tilespmem:v12+s29+$0x0], $0xffff  }
0xb4: {  	_ =	sdelay $0x3  }
0xb5: {  	v26 =	vadd.s32 s17, v0;
	v25 =	vand.u32 $0x7F, v25;
	v13 =	vld.idx.msk [tilespmem:v13+s30+$0x0], $0xffff  }
0xb6: {  	v12 =	vld.idx.msk [tilespmem:v12+s30+$0x0], $0xffff;
	v26 =	vand.u32 $0x7F, v26;
	v27 =	vor.u32 v2, v25  }
0xb7: {  	v28 =	vld.idx.msk [tilespmem:v10+s7+$0x0], $0xffff;
	v2 =	vor.u32 v2, v26  }
0xb8: {  	v29 =	vld.idx.msk [tilespmem:v9+s7+$0x0], $0xffff  }
0xb9: {  	v30 =	vld.idx.msk [tilespmem:v16+s30+$0x0], $0xffff  }
0xba: {  	v18 =	vsub.f32 v18, v6;
	v44 =	vld.idx.msk [tilespmem:v16+s29+$0x0], $0xffff  }
0xbb: {  	v19 =	vsub.f32 v19, v6;
	v31 =	vld.idx.msk [tilespmem:v27+s7+$0x0], $0xffff  }
0xbc: {  	v15 =	vmul.f32 v24, v15;
	v18 =	vmul.f32 v18, v8;
	v45 =	vld.idx.msk [tilespmem:v2+s7+$0x0], $0xffff  }
0xbd: {  	v46 =	vld.idx.msk [tilespmem:v14+s30+$0x0], $0xffff;
	v19 =	vmul.f32 v19, v8;
	v20 =	vmul.f32 v23, v20  }
0xbe: {  	v49 =	vld.idx.msk [tilespmem:v14+s29+$0x0], $0xffff;
	v11 =	vadd.f32 v15, v11;
	v47 =	vmul.f32 v18, v21;
	v48 =	vsub.f32 v28, v6  }
0xbf: {  	v19 =	vmul.f32 v19, v22;
	v17 =	vadd.f32 v20, v17;
	v50 =	vsub.f32 v29, v6;
	v51 =	vld.idx.msk [tilespmem:v25+s29+$0x0], $0xffff  }
0xc0: {  	[tilespmem:v5+s7+$0x0] =	vst.idx.msk $0xffff, v11;
	v53 =	vld.idx.msk [tilespmem:v26+s29+$0x0], $0xffff;
	v52 =	vmul.f32 v48, v8;
	v54 =	vsub.f32 v31, v6  }
0xc1: {  	v56 =	vld.idx.msk [tilespmem:v25+s30+$0x0], $0xffff;
	v13 =	vadd.f32 v47, v13;
	v55 =	vmul.f32 v50, v8;
	v57 =	vsub.f32 v45, v6  }
0xc2: {  	v12 =	vadd.f32 v19, v12;
	v58 =	vld.idx.msk [tilespmem:v26+s30+$0x0], $0xffff;
	v5 =	vmul.f32 v52, v44;
	v59 =	vmul.f32 v54, v8  }
0xc3: {  	s10 =	sadd.s32 $0x1, s10;
	[tilespmem:v7+s7+$0x0] =	vst.idx.msk $0xffff, v17;
	v60 =	vmul.f32 v55, v49;
	v6 =	vmul.f32 v57, v8  }
0xc4: {  	p0 =	sne.s32 s10, $0x8;
	[tilespmem:v3+s7+$0x0] =	vst.idx.msk $0xffff, v13;
	v3 =	vadd.f32 v5, v30;
	v61 =	vmul.f32 v59, v51  }
.Ltmp2:
0xc5: {  	[tilespmem:v4+s7+$0x0] =	vst.idx.msk $0xffff, v12;
	v63 =	vadd.f32 v60, v46;
	v62 =	vmul.f32 v6, v53;
	(pc) =	sbr.rel @p0 .LBB2_2-.Ltmp2, $4  }
0xc6: {  	[tilespmem:v10+s7+$0x0] =	vst.idx.msk $0xffff, v3;
	v3 =	vadd.f32 v61, v56  }
0xc7: {  	[tilespmem:v9+s7+$0x0] =	vst.idx.msk $0xffff, v63;
	v4 =	vadd.f32 v62, v58  }
0xc8: {  	[tilespmem:v27+s7+$0x0] =	vst.idx.msk $0xffff, v3  }
0xc9: {  	[tilespmem:v2+s7+$0x0] =	vst.idx.msk $0xffff, v4  }
0xca: {  	s10 =	simm.s32 $0x0;
	s1 =	rddreg [dreg:$0xb]  }
0xcb: {  	[hbm4b:s1+s10] =	stream.linear.scatter [tilespmem:s10], [sflag:$0x7], $0x4000, $0x38;
	[tilespmem:$0x18900] =	vst v63  }
0xcc: {  	s19 =	rddreg [dreg:$0xc]  }
0xcd: {  	[tilespmem:s4], [sflag:$0x4] =	stream.linear.gather [hbm4b:s19+s10], $0x180, $0x38;
	[tilespmem:$0x18900] =	vst v63  }
0xce: {  	_ =	swait.ge [sflag:s16], $0x180  }
0xcf: {  	[sflag:s16] =	ssyncset.done $0x0  }
0xd0: {  	s21 =	simm.s32 $0x18400;
	[sflag:s16] =	ssyncadd.s32 $0xFFFFFE80  }
0xd1: {  	[tilespmem:s22], [sflag:$0x3] =	stream.indirect.gather [hbm4b:s0+s3], $0x80, s21, s3, $0xb8;
	[tilespmem:$0x18900] =	vst v63  }
0xd2: {  	s31 =	simm.s32 $0x18480  }
0xd3: {  	[tilespmem:s24], [sflag:$0x3] =	stream.indirect.gather [hbm4b:s8+s3], $0x80, s31, s3, $0xb8;
	[tilespmem:$0x18900] =	vst v63  }
0xd4: {  	_ =	swait.ge [sflag:s25], $0x4000  }
0xd5: {  	[sflag:s25] =	ssyncset.done $0x0  }
0xd6: {  	[sflag:s25] =	ssyncadd.s32 $0xFFFFC000  }
0xd7: {  	_ =	swait.ge [sflag:s25], $0x4000  }
0xd8: {  	[sflag:s25] =	ssyncset.done $0x0  }
0xd9: {  	s13 =	simm.s32 $0x0;
	[sflag:s25] =	ssyncadd.s32 $0xFFFFC000  }
.LBB2_8:
0xda: {  	s1 =	sshll.u32 s13, $0x4  }
0xdb: {  	v2 =	vld [tilespmem:s1+$0x18300];
	_ =	sdelay $0x3  }
0xdc: {  	v4 =	vadd.s32 s10, v0;
	v3 =	vmov s1  }
0xdd: {  	v4 =	vand.u32 $0x7F, v4;
	v3 =	vshll.u32 v3, $0x7;
	v6 =	vshll.u32 v2, $0x7  }
0xde: {  	s17 =	simm.s32 $0x3;
	v2 =	vor.u32 v1, v3;
	v5 =	vor.u32 v6, v4  }
0xdf: {  	v7 =	vadd.s32 s17, v0;
	s17 =	simm.s32 $0x1;
	v3 =	vor.u32 v2, v4  }
0xe0: {  	s31 =	simm.s32 $0x2;
	v7 =	vand.u32 $0x7F, v7;
	v9 =	vadd.s32 s17, v0  }
0xe1: {  	v9 =	vand.u32 $0x7F, v9;
	v4 =	vadd.s32 s31, v0;
	v29 =	vor.u32 v2, v7  }
0xe2: {  	v15 =	vor.u32 v2, v9;
	v4 =	vand.u32 $0x7F, v4  }
0xe3: {  	v8 =	vor.u32 v6, v4;
	v10 =	vld.idx.msk [tilespmem:v5+s26+$0x0], $0xffff  }
0xe4: {  	s18 =	simm.s32 $0x4;
	v16 =	vor.u32 v2, v4;
	v5 =	vld.idx.msk [tilespmem:v3+s12+$0x0], $0xffff  }
0xe5: {  	v4 =	vadd.s32 s18, v0;
	v11 =	vld.idx.msk [tilespmem:v3+s14+$0x0], $0xffff  }
0xe6: {  	v4 =	vand.u32 $0x7F, v4;
	v14 =	vld.idx.msk [tilespmem:v29+s12+$0x0], $0xffff  }
0xe7: {  	v17 =	vor.u32 v6, v4;
	v4 =	vor.u32 v2, v4;
	v18 =	vld.idx.msk [tilespmem:v15+s14+$0x0], $0xffff  }
0xe8: {  	v13 =	vld.idx.msk [tilespmem:v8+s26+$0x0], $0xffff  }
0xe9: {  	v8 =	vor.u32 v6, v9;
	v12 =	vld.idx.msk [tilespmem:v16+s12+$0x0], $0xffff  }
0xea: {  	v9 =	vld.idx.msk [tilespmem:v15+s12+$0x0], $0xffff  }
0xeb: {  	v7 =	vor.u32 v6, v7;
	v20 =	vld.idx.msk [tilespmem:v16+s14+$0x0], $0xffff  }
0xec: {  	s21 =	simm.s32 $0x7;
	v28 =	vld.idx.msk [tilespmem:v4+s12+$0x0], $0xffff  }
0xed: {  	s19 =	simm.s32 $0x6;
	v21 =	vadd.s32 s21, v0;
	v30 =	vld.idx.msk [tilespmem:v4+s14+$0x0], $0xffff  }
0xee: {  	v19 =	vadd.s32 s19, v0;
	v21 =	vand.u32 $0x7F, v21;
	s31 =	simm.s32 $0x5;
	v25 =	vadd.f32 v11, v5;
	v23 =	vld.idx.msk [tilespmem:v8+s26+$0x0], $0xffff  }
0xef: {  	v22 =	vadd.s32 s31, v0;
	v5 =	vor.u32 v2, v21;
	v8 =	vand.u32 $0x7F, v19;
	v19 =	vld.idx.msk [tilespmem:v29+s14+$0x0], $0xffff  }
0xf0: {  	v26 =	vld.idx.msk [tilespmem:v7+s26+$0x0], $0xffff;
	v24 =	vor.u32 v6, v8;
	v7 =	vor.u32 v2, v8;
	v8 =	vadd.f32 v10, v25  }
0xf1: {  	v22 =	vand.u32 $0x7F, v22;
	v10 =	vadd.f32 v18, v9;
	v18 =	vadd.f32 v20, v12  }
0xf2: {  	v11 =	vld.idx.msk [tilespmem:v17+s26+$0x0], $0xffff;
	v17 =	vimm.f32 $0.0e+00;
	v9 =	vor.u32 v2, v22  }
0xf3: {  	s18 =	simm.s32 $0x8;
	v28 =	vadd.f32 v30, v28;
	v25 =	vmul.f32 v8, v8;
	v27 =	vadd.f32 v13, v18  }
0xf4: {  	v20 =	vadd.s32 s18, v0;
	v10 =	vadd.f32 v23, v10;
	v18 =	vadd.f32 v19, v14  }
0xf5: {  	s19 =	simm.s32 $0xB;
	v22 =	vor.u32 v6, v22;
	v13 =	vld.idx.msk [tilespmem:v5+s12+$0x0], $0xffff;
	v19 =	vadd.f32 v8, v17;
	v17 =	vadd.f32 v25, v17  }
0xf6: {  	v32 =	vadd.s32 s19, v0;
	v25 =	vand.u32 $0x7F, v20;
	[tilespmem:v16+s12+$0x0] =	vst.idx.msk $0xffff, v27;
	v12 =	vld.idx.msk [tilespmem:v24+s26+$0x0], $0xffff;
	v23 =	vmul.f32 v10, v10  }
0xf7: {  	v14 =	vld.idx.msk [tilespmem:v7+s12+$0x0], $0xffff;
	[tilespmem:v15+s12+$0x0] =	vst.idx.msk $0xffff, v10;
	v31 =	vadd.f32 v26, v18;
	v10 =	vadd.f32 v10, v19  }
0xf8: {  	v24 =	vor.u32 v6, v21;
	v15 =	vld.idx.msk [tilespmem:v9+s12+$0x0], $0xffff;
	v19 =	vadd.f32 v23, v17;
	v23 =	vmul.f32 v27, v27  }
0xf9: {  	s31 =	simm.s32 $0xA;
	v18 =	vor.u32 v6, v25;
	v17 =	vld.idx.msk [tilespmem:v9+s14+$0x0], $0xffff;
	v21 =	vadd.f32 v27, v10;
	v33 =	vmul.f32 v31, v31  }
0xfa: {  	s21 =	simm.s32 $0x9;
	v20 =	vld.idx.msk [tilespmem:v7+s14+$0x0], $0xffff;
	v10 =	vor.u32 v2, v25;
	v25 =	vadd.s32 s31, v0;
	v19 =	vadd.f32 v23, v19  }
0xfb: {  	v16 =	vand.u32 $0x7F, v32;
	v26 =	vadd.s32 s21, v0;
	[tilespmem:v29+s12+$0x0] =	vst.idx.msk $0xffff, v31;
	v27 =	vand.u32 $0x7F, v25;
	v23 =	vld.idx.msk [tilespmem:v22+s26+$0x0], $0xffff  }
0xfc: {  	s17 =	simm.s32 $0xC;
	v22 =	vld.idx.msk [tilespmem:v5+s14+$0x0], $0xffff;
	v21 =	vadd.f32 v31, v21;
	v25 =	vor.u32 v6, v27;
	v19 =	vadd.f32 v33, v19  }
.LBB2_9:
0xfd: {  	p0 =	slt.u32 s17, $0x7C;
	v26 =	vand.u32 $0x7F, v26;
	v24 =	vld.idx.msk [tilespmem:v24+s26+$0x0], $0xffff;
	[tilespmem:v3+s12+$0x0] =	vst.idx.msk $0xffff, v8;
	v29 =	vmov v5;
	v5 =	vor.u32 v2, v16  }
0xfe: {  	v30 =	vor.u32 v2, v27;
	v15 =	vadd.f32 v17, v15;
	v8 =	vadd.f32 v11, v28;
	v11 =	vld.idx.msk [tilespmem:v18+s26+$0x0], $0xffff  }
0xff: {  	v3 =	vmovc v4;
	v4 =	vmov v10;
	v17 =	vor.u32 v2, v26;
	v14 =	vadd.f32 v20, v14;
	v28 =	vld.idx.msk [tilespmem:v10+s12+$0x0], $0xffff  }
0x100: {  	v18 =	vadd.s32 s17, v0;
	v20 =	vadd.f32 v23, v15;
	v31 =	vld.idx.msk [tilespmem:v10+s14+$0x0], $0xffff;
	v10 =	vmul.f32 v8, v8  }
0x101: {  	v23 =	vor.u32 v6, v26;
	v27 =	vadd.f32 v12, v14;
	v15 =	vadd.f32 v22, v13;
	v12 =	vld.idx.msk [tilespmem:v25+s26+$0x0], $0xffff  }
0x102: {  	v21 =	vadd.f32 v8, v21;
	v13 =	vld.idx.msk [tilespmem:v5+s12+$0x0], $0xffff;
	v10 =	vadd.f32 v10, v19;
	v19 =	vmul.f32 v20, v20  }
0x103: {  	v22 =	vand.u32 $0x7F, v18;
	v32 =	vadd.f32 v24, v15;
	v14 =	vld.idx.msk [tilespmem:v30+s12+$0x0], $0xffff;
	[tilespmem:v9+s12+$0x0] =	vst.idx.msk $0xffff, v20;
	v9 =	vmov v17  }
0x104: {  	s1 =	sadd.s32 $0x3, s17;
	v21 =	vadd.f32 v20, v21;
	v15 =	vld.idx.msk [tilespmem:v17+s12+$0x0], $0xffff;
	v10 =	vadd.f32 v19, v10;
	v19 =	vmul.f32 v27, v27  }
.Ltmp3:
0x105: {  	v33 =	vadd.s32 s1, v0;
	v18 =	vor.u32 v6, v22;
	v24 =	vor.u32 v6, v16;
	v17 =	vld.idx.msk [tilespmem:v17+s14+$0x0], $0xffff;
	(pc) =	sbr.rel @p0 .LBB2_9-.Ltmp3, $4  }
0x106: {  	s18 =	sadd.s32 $0x2, s17;
	s1 =	sadd.s32 $0x1, s17;
	v16 =	vadd.f32 v27, v21;
	v25 =	vmul.f32 v32, v32;
	v20 =	vld.idx.msk [tilespmem:v30+s14+$0x0], $0xffff;
	v19 =	vadd.f32 v19, v10  }
0x107: {  	v26 =	vadd.s32 s1, v0;
	v21 =	vadd.s32 s18, v0;
	v10 =	vor.u32 v2, v22;
	v23 =	vld.idx.msk [tilespmem:v23+s26+$0x0], $0xffff;
	[tilespmem:v7+s12+$0x0] =	vst.idx.msk $0xffff, v27  }
0x108: {  	v27 =	vand.u32 $0x7F, v21;
	v21 =	vadd.f32 v32, v16;
	v7 =	vmovc v30;
	v22 =	vld.idx.msk [tilespmem:v5+s14+$0x0], $0xffff;
	v19 =	vadd.f32 v25, v19  }
0x109: {  	s17 =	sadd.s32 $0x4, s17;
	v28 =	vadd.f32 v31, v28;
	v16 =	vand.u32 $0x7F, v33;
	v25 =	vor.u32 v6, v27;
	[tilespmem:v29+s12+$0x0] =	vst.idx.msk $0xffff, v32  }
0x10a: {  	_ =	sdelay $0x3  }
0x10b: {  	v29 =	vor.u32 v2, v16;
	v24 =	vld.idx.msk [tilespmem:v24+s26+$0x0], $0xffff  }
0x10c: {  	v26 =	vand.u32 $0x7F, v26;
	v18 =	vld.idx.msk [tilespmem:v18+s26+$0x0], $0xffff;
	v27 =	vor.u32 v2, v27  }
0x10d: {  	v30 =	vld.idx.msk [tilespmem:v10+s12+$0x0], $0xffff;
	v31 =	vor.u32 v2, v26  }
0x10e: {  	v62 =	vld.idx.msk [tilespmem:v10+s14+$0x0], $0xffff;
	v15 =	vadd.f32 v17, v15  }
0x10f: {  	v17 =	vld.idx.msk [tilespmem:v25+s26+$0x0], $0xffff;
	v11 =	vadd.f32 v11, v28;
	v14 =	vadd.f32 v20, v14  }
0x110: {  	v20 =	vor.u32 v6, v26;
	v25 =	vld.idx.msk [tilespmem:v29+s12+$0x0], $0xffff  }
0x111: {  	v15 =	vadd.f32 v23, v15;
	v23 =	vmul.f32 v11, v11;
	v12 =	vadd.f32 v12, v14;
	v14 =	vld.idx.msk [tilespmem:v27+s12+$0x0], $0xffff  }
0x112: {  	v13 =	vadd.f32 v22, v13;
	v21 =	vadd.f32 v11, v21;
	v22 =	vld.idx.msk [tilespmem:v31+s12+$0x0], $0xffff  }
0x113: {  	v6 =	vor.u32 v6, v16;
	v19 =	vadd.f32 v23, v19;
	v23 =	vmul.f32 v15, v15;
	v16 =	vld.idx.msk [tilespmem:v31+s14+$0x0], $0xffff  }
0x114: {  	v13 =	vadd.f32 v24, v13;
	v21 =	vadd.f32 v15, v21;
	v24 =	vld.idx.msk [tilespmem:v27+s14+$0x0], $0xffff  }
0x115: {  	v26 =	vadd.f32 v62, v30;
	v20 =	vld.idx.msk [tilespmem:v20+s26+$0x0], $0xffff;
	v19 =	vadd.f32 v23, v19;
	v23 =	vmul.f32 v12, v12  }
0x116: {  	v63 =	vld.idx.msk [tilespmem:v29+s14+$0x0], $0xffff;
	v21 =	vadd.f32 v12, v21  }
0x117: {  	v18 =	vadd.f32 v18, v26;
	v19 =	vadd.f32 v23, v19;
	v23 =	vmul.f32 v13, v13  }
0x118: {  	v6 =	vld.idx.msk [tilespmem:v6+s26+$0x0], $0xffff;
	v21 =	vadd.f32 v13, v21;
	v16 =	vadd.f32 v16, v22  }
0x119: {  	v14 =	vadd.f32 v24, v14;
	v19 =	vadd.f32 v23, v19  }
0x11a: {  	v22 =	vmul.f32 v18, v18;
	v16 =	vadd.f32 v20, v16;
	v20 =	vadd.f32 v18, v21  }
0x11b: {  	v14 =	vadd.f32 v17, v14;
	v17 =	vadd.f32 v63, v25  }
0x11c: {  	v19 =	vadd.f32 v22, v19;
	v21 =	vmul.f32 v16, v16;
	v20 =	vadd.f32 v16, v20  }
0x11d: {  	v17 =	vadd.f32 v6, v17  }
0x11e: {  	v6 =	vadd.f32 v21, v19;
	v19 =	vmul.f32 v14, v14;
	v20 =	vadd.f32 v14, v20;
	_ =	sdelay $0x1  }
0x11f: {  	v6 =	vadd.f32 v19, v6;
	v19 =	vmul.f32 v17, v17;
	v20 =	vadd.f32 v17, v20;
	_ =	sdelay $0x1  }
0x120: {  	v19 =	vadd.f32 v19, v6;
	v6 =	vmul.f32 $7.812500000e-03, v20;
	_ =	sdelay $0x1  }
0x121: {  	v19 =	vmul.f32 $7.812500000e-03, v19;
	v20 =	vmul.f32 v6, v6;
	_ =	sdelay $0x1  }
0x122: {  	v19 =	vsub.f32 v19, v20;
	_ =	sdelay $0x1  }
0x123: {  	v19 =	vadd.f32 $9.999999960e-13, v19;
	_ =	sdelay $0x1  }
0x124: {  	v20 =	vshra.s32 v19, $0x1;
	v19 =	vmul.f32 $5.000000000e-01, v19  }
0x125: {  	v20 =	vsub.s32 $0x5F3759DF, v20  }
0x126: {  	v21 =	vmul.f32 v20, v19;
	_ =	sdelay $0x1  }
0x127: {  	v21 =	vmul.f32 v20, v21;
	_ =	sdelay $0x1  }
0x128: {  	v21 =	vsub.f32 $1.500000000e+00, v21;
	_ =	sdelay $0x1  }
0x129: {  	[tilespmem:v3+s12+$0x0] =	vst.idx.msk $0xffff, v8;
	s1 =	simm.s32 $0x0;
	v20 =	vmul.f32 v20, v21  }
0x12a: {  	s17 =	simm.s32 $0x3;
	[tilespmem:v7+s12+$0x0] =	vst.idx.msk $0xffff, v12;
	v7 =	vadd.s32 s1, v0  }
0x12b: {  	[tilespmem:v4+s12+$0x0] =	vst.idx.msk $0xffff, v11;
	v8 =	vand.u32 $0x7F, v7;
	v7 =	vadd.s32 s17, v0;
	v3 =	vmul.f32 v20, v19  }
0x12c: {  	[tilespmem:v9+s12+$0x0] =	vst.idx.msk $0xffff, v15;
	v9 =	vand.u32 $0x7F, v7  }
0x12d: {  	[tilespmem:v5+s12+$0x0] =	vst.idx.msk $0xffff, v13;
	v7 =	vor.u32 v2, v9;
	v3 =	vmul.f32 v3, v20  }
0x12e: {  	v5 =	vor.u32 v2, v8;
	[tilespmem:v10+s12+$0x0] =	vst.idx.msk $0xffff, v18  }
0x12f: {  	s18 =	simm.s32 $0x2;
	[tilespmem:v27+s12+$0x0] =	vst.idx.msk $0xffff, v14;
	v3 =	vsub.f32 $1.500000000e+00, v3  }
0x130: {  	v4 =	vadd.s32 s18, v0;
	s17 =	simm.s32 $0x1;
	[tilespmem:v31+s12+$0x0] =	vst.idx.msk $0xffff, v16  }
0x131: {  	v13 =	vand.u32 $0x7F, v4;
	[tilespmem:v29+s12+$0x0] =	vst.idx.msk $0xffff, v17;
	v14 =	vmul.f32 v3, v20;
	v3 =	vadd.s32 s17, v0  }
0x132: {  	v21 =	vld.idx.msk [tilespmem:v7+s12+$0x0], $0xffff;
	v12 =	vand.u32 $0x7F, v3;
	v3 =	vor.u32 v2, v13  }
0x133: {  	v20 =	vld.idx.msk [tilespmem:v5+s12+$0x0], $0xffff;
	v10 =	vmul.f32 v14, v19;
	v4 =	vor.u32 v2, v12  }
0x134: {  	v11 =	vld.idx.msk [tilespmem:v8+s30+$0x0], $0xffff  }
0x135: {  	v15 =	vld.idx.msk [tilespmem:v8+s29+$0x0], $0xffff;
	v10 =	vmul.f32 v10, v14  }
0x136: {  	s19 =	simm.s32 $0x4;
	v17 =	vld.idx.msk [tilespmem:v9+s30+$0x0], $0xffff  }
0x137: {  	s21 =	simm.s32 $0x7;
	v23 =	vsub.f32 v21, v6;
	v8 =	vsub.f32 $1.500000000e+00, v10;
	v18 =	vld.idx.msk [tilespmem:v3+s12+$0x0], $0xffff;
	v10 =	vadd.s32 s19, v0  }
0x138: {  	v22 =	vsub.f32 v20, v6;
	v19 =	vld.idx.msk [tilespmem:v4+s12+$0x0], $0xffff;
	v16 =	vand.u32 $0x7F, v10;
	v10 =	vadd.s32 s21, v0  }
0x139: {  	v21 =	vld.idx.msk [tilespmem:v13+s29+$0x0], $0xffff;
	v8 =	vmul.f32 v8, v14;
	v14 =	vand.u32 $0x7F, v10;
	v10 =	vor.u32 v2, v16  }
0x13a: {  	s31 =	simm.s32 $0x6;
	v20 =	vld.idx.msk [tilespmem:v9+s29+$0x0], $0xffff;
	v9 =	vor.u32 v2, v14  }
0x13b: {  	s18 =	simm.s32 $0x5;
	v25 =	vadd.s32 s31, v0;
	s17 =	simm.s32 $0x8;
	v24 =	vmul.f32 v22, v8;
	v22 =	vld.idx.msk [tilespmem:v12+s29+$0x0], $0xffff;
	v23 =	vmul.f32 v23, v8  }
.LBB2_11:
0x13c: {  	p0 =	slt.u32 s17, $0x7C;
	v26 =	vadd.s32 s18, v0;
	v18 =	vsub.f32 v18, v6;
	v27 =	vld.idx.msk [tilespmem:v13+s30+$0x0], $0xffff;
	v13 =	vand.u32 $0x7F, v25  }
0x13d: {  	v19 =	vsub.f32 v19, v6;
	v25 =	vor.u32 v2, v13;
	v28 =	vld.idx.msk [tilespmem:v12+s30+$0x0], $0xffff;
	v12 =	vand.u32 $0x7F, v26  }
0x13e: {  	v15 =	vmul.f32 v24, v15;
	v26 =	vld.idx.msk [tilespmem:v10+s12+$0x0], $0xffff;
	v29 =	vor.u32 v2, v12;
	v18 =	vmul.f32 v18, v8  }
0x13f: {  	v19 =	vmul.f32 v19, v8;
	v20 =	vmul.f32 v23, v20;
	v24 =	vld.idx.msk [tilespmem:v9+s12+$0x0], $0xffff  }
0x140: {  	v23 =	vadd.f32 v15, v11;
	v11 =	vld.idx.msk [tilespmem:v16+s30+$0x0], $0xffff;
	v21 =	vmul.f32 v18, v21  }
0x141: {  	v18 =	vadd.s32 s17, v0;
	v22 =	vmul.f32 v19, v22;
	v17 =	vadd.f32 v20, v17;
	v15 =	vld.idx.msk [tilespmem:v16+s29+$0x0], $0xffff  }
0x142: {  	v16 =	vand.u32 $0x7F, v18;
	v18 =	vld.idx.msk [tilespmem:v25+s12+$0x0], $0xffff;
	[tilespmem:v5+s12+$0x0] =	vst.idx.msk $0xffff, v23;
	v20 =	vadd.f32 v21, v27;
	v5 =	vmov v10  }
.Ltmp4:
0x143: {  	s1 =	sadd.s32 $0x3, s17;
	v10 =	vor.u32 v2, v16;
	v21 =	vadd.f32 v22, v28;
	v19 =	vld.idx.msk [tilespmem:v29+s12+$0x0], $0xffff;
	[tilespmem:v7+s12+$0x0] =	vst.idx.msk $0xffff, v17;
	(pc) =	sbr.rel @p0 .LBB2_11-.Ltmp4, $4  }
0x144: {  	v27 =	vadd.s32 s1, v0;
	v22 =	vsub.f32 v26, v6;
	v17 =	vld.idx.msk [tilespmem:v14+s30+$0x0], $0xffff;
	[tilespmem:v3+s12+$0x0] =	vst.idx.msk $0xffff, v20;
	v3 =	vmov v25  }
0x145: {  	v23 =	vsub.f32 v24, v6;
	v20 =	vld.idx.msk [tilespmem:v14+s29+$0x0], $0xffff;
	v14 =	vand.u32 $0x7F, v27;
	[tilespmem:v4+s12+$0x0] =	vst.idx.msk $0xffff, v21;
	v4 =	vmov v29  }
0x146: {  	s1 =	sadd.s32 $0x2, s17;
	v7 =	vmov v9;
	v21 =	vld.idx.msk [tilespmem:v13+s29+$0x0], $0xffff;
	v9 =	vor.u32 v2, v14  }
0x147: {  	s18 =	sadd.s32 $0x1, s17;
	s17 =	sadd.s32 $0x4, s17;
	v25 =	vadd.s32 s1, v0;
	v24 =	vmul.f32 v22, v8;
	v23 =	vmul.f32 v23, v8;
	v22 =	vld.idx.msk [tilespmem:v12+s29+$0x0], $0xffff  }
0x148: {  	_ =	sdelay $0x3  }
0x149: {  	v26 =	vadd.s32 s18, v0;
	v25 =	vand.u32 $0x7F, v25;
	v13 =	vld.idx.msk [tilespmem:v13+s30+$0x0], $0xffff  }
0x14a: {  	v12 =	vld.idx.msk [tilespmem:v12+s30+$0x0], $0xffff;
	v26 =	vand.u32 $0x7F, v26;
	v27 =	vor.u32 v2, v25  }
0x14b: {  	v28 =	vld.idx.msk [tilespmem:v10+s12+$0x0], $0xffff;
	v2 =	vor.u32 v2, v26  }
0x14c: {  	v29 =	vld.idx.msk [tilespmem:v9+s12+$0x0], $0xffff  }
0x14d: {  	v30 =	vld.idx.msk [tilespmem:v16+s30+$0x0], $0xffff  }
0x14e: {  	v18 =	vsub.f32 v18, v6;
	v44 =	vld.idx.msk [tilespmem:v16+s29+$0x0], $0xffff  }
0x14f: {  	v19 =	vsub.f32 v19, v6;
	v31 =	vld.idx.msk [tilespmem:v27+s12+$0x0], $0xffff  }
0x150: {  	v15 =	vmul.f32 v24, v15;
	v18 =	vmul.f32 v18, v8;
	v45 =	vld.idx.msk [tilespmem:v2+s12+$0x0], $0xffff  }
0x151: {  	v46 =	vld.idx.msk [tilespmem:v14+s30+$0x0], $0xffff;
	v19 =	vmul.f32 v19, v8;
	v20 =	vmul.f32 v23, v20  }
0x152: {  	v49 =	vld.idx.msk [tilespmem:v14+s29+$0x0], $0xffff;
	v11 =	vadd.f32 v15, v11;
	v47 =	vmul.f32 v18, v21;
	v48 =	vsub.f32 v28, v6  }
0x153: {  	v19 =	vmul.f32 v19, v22;
	v17 =	vadd.f32 v20, v17;
	v50 =	vsub.f32 v29, v6;
	v51 =	vld.idx.msk [tilespmem:v25+s29+$0x0], $0xffff  }
0x154: {  	[tilespmem:v5+s12+$0x0] =	vst.idx.msk $0xffff, v11;
	v53 =	vld.idx.msk [tilespmem:v26+s29+$0x0], $0xffff;
	v52 =	vmul.f32 v48, v8;
	v54 =	vsub.f32 v31, v6  }
0x155: {  	v56 =	vld.idx.msk [tilespmem:v25+s30+$0x0], $0xffff;
	v13 =	vadd.f32 v47, v13;
	v55 =	vmul.f32 v50, v8;
	v57 =	vsub.f32 v45, v6  }
0x156: {  	v12 =	vadd.f32 v19, v12;
	v58 =	vld.idx.msk [tilespmem:v26+s30+$0x0], $0xffff;
	v5 =	vmul.f32 v52, v44;
	v59 =	vmul.f32 v54, v8  }
0x157: {  	s13 =	sadd.s32 $0x1, s13;
	[tilespmem:v7+s12+$0x0] =	vst.idx.msk $0xffff, v17;
	v60 =	vmul.f32 v55, v49;
	v6 =	vmul.f32 v57, v8  }
0x158: {  	p0 =	sne.s32 s13, $0x8;
	[tilespmem:v3+s12+$0x0] =	vst.idx.msk $0xffff, v13;
	v3 =	vadd.f32 v5, v30;
	v61 =	vmul.f32 v59, v51  }
.Ltmp5:
0x159: {  	[tilespmem:v4+s12+$0x0] =	vst.idx.msk $0xffff, v12;
	v63 =	vadd.f32 v60, v46;
	v62 =	vmul.f32 v6, v53;
	(pc) =	sbr.rel @p0 .LBB2_8-.Ltmp5, $4  }
0x15a: {  	[tilespmem:v10+s12+$0x0] =	vst.idx.msk $0xffff, v3;
	v3 =	vadd.f32 v61, v56  }
0x15b: {  	[tilespmem:v9+s12+$0x0] =	vst.idx.msk $0xffff, v63;
	v4 =	vadd.f32 v62, v58  }
0x15c: {  	[tilespmem:v27+s12+$0x0] =	vst.idx.msk $0xffff, v3  }
0x15d: {  	[tilespmem:v2+s12+$0x0] =	vst.idx.msk $0xffff, v4  }
0x15e: {  	s13 =	simm.s32 $0x0;
	s1 =	rddreg [dreg:$0xd]  }
0x15f: {  	[hbm4b:s1+s13] =	stream.linear.scatter [tilespmem:s12], [sflag:$0x8], $0x4000, $0x38;
	[tilespmem:$0x18900] =	vst v63  }
0x160: {  	s31 =	rddreg [dreg:$0xe];
	s10 =	simm.s32 $0x0  }
0x161: {  	[tilespmem:s20], [sflag:$0x5] =	stream.linear.gather [hbm4b:s31+s13], $0x180, $0x38;
	[tilespmem:$0x18900] =	vst v63  }
.LBB2_14:
0x162: {  	_ =	swait.ge [sflag:s2], $0x180  }
0x163: {  	[sflag:s2] =	ssyncset.done $0x0  }
0x164: {  	[sflag:s2] =	ssyncadd.s32 $0xFFFFFE80  }
0x165: {  	_ =	swait.ge [sflag:s28], $0x4000  }
0x166: {  	[sflag:s28] =	ssyncset.done $0x0  }
0x167: {  	[sflag:s28] =	ssyncadd.s32 $0xFFFFC000  }
0x168: {  	[tilespmem:s13], [sflag:$0x1] =	stream.indirect.gather [hbm4b:s0+s3], $0x80, s4, s3, $0xb8;
	[tilespmem:$0x18900] =	vst v63  }
0x169: {  	s1 =	simm.s32 $0x18080  }
0x16a: {  	[tilespmem:s9], [sflag:$0x1] =	stream.indirect.gather [hbm4b:s8+s3], $0x80, s1, s3, $0xb8;
	[tilespmem:$0x18900] =	vst v63  }
0x16b: {  	_ =	swait.ge [sflag:s6], $0x4000  }
0x16c: {  	[sflag:s6] =	ssyncset.done $0x0  }
0x16d: {  	[sflag:s6] =	ssyncadd.s32 $0xFFFFC000  }
0x16e: {  	_ =	swait.ge [sflag:s6], $0x4000  }
0x16f: {  	[sflag:s6] =	ssyncset.done $0x0  }
0x170: {  	s17 =	simm.s32 $0x0;
	[sflag:s6] =	ssyncadd.s32 $0xFFFFC000  }
.LBB2_15:
0x171: {  	s1 =	sshll.u32 s17, $0x4  }
0x172: {  	v2 =	vld [tilespmem:s1+$0x18500];
	_ =	sdelay $0x2  }
0x173: {  	s18 =	simm.s32 $0x0  }
0x174: {  	v3 =	vmov s1;
	v4 =	vadd.s32 s18, v0  }
0x175: {  	v3 =	vshll.u32 v3, $0x7;
	v4 =	vand.u32 $0x7F, v4;
	v6 =	vshll.u32 v2, $0x7  }
0x176: {  	s21 =	simm.s32 $0x3;
	v2 =	vor.u32 v1, v3;
	v5 =	vor.u32 v6, v4  }
0x177: {  	s31 =	simm.s32 $0x1;
	v7 =	vadd.s32 s21, v0;
	v3 =	vor.u32 v2, v4  }
0x178: {  	s19 =	simm.s32 $0x2;
	v9 =	vadd.s32 s31, v0;
	v7 =	vand.u32 $0x7F, v7  }
0x179: {  	v9 =	vand.u32 $0x7F, v9;
	v4 =	vadd.s32 s19, v0;
	v29 =	vor.u32 v2, v7  }
0x17a: {  	v15 =	vor.u32 v2, v9;
	v4 =	vand.u32 $0x7F, v4  }
0x17b: {  	v8 =	vor.u32 v6, v4;
	v10 =	vld.idx.msk [tilespmem:v5+s26+$0x0], $0xffff  }
0x17c: {  	s18 =	simm.s32 $0x4;
	v16 =	vor.u32 v2, v4;
	v5 =	vld.idx.msk [tilespmem:v3+s22+$0x0], $0xffff  }
0x17d: {  	v4 =	vadd.s32 s18, v0;
	v11 =	vld.idx.msk [tilespmem:v3+s24+$0x0], $0xffff  }
0x17e: {  	v4 =	vand.u32 $0x7F, v4;
	v14 =	vld.idx.msk [tilespmem:v29+s22+$0x0], $0xffff  }
0x17f: {  	v17 =	vor.u32 v6, v4;
	v4 =	vor.u32 v2, v4;
	v18 =	vld.idx.msk [tilespmem:v15+s24+$0x0], $0xffff  }
0x180: {  	v13 =	vld.idx.msk [tilespmem:v8+s26+$0x0], $0xffff  }
0x181: {  	v8 =	vor.u32 v6, v9;
	v12 =	vld.idx.msk [tilespmem:v16+s22+$0x0], $0xffff  }
0x182: {  	v9 =	vld.idx.msk [tilespmem:v15+s22+$0x0], $0xffff  }
0x183: {  	v7 =	vor.u32 v6, v7;
	v20 =	vld.idx.msk [tilespmem:v16+s24+$0x0], $0xffff  }
0x184: {  	s21 =	simm.s32 $0x7;
	v28 =	vld.idx.msk [tilespmem:v4+s22+$0x0], $0xffff  }
0x185: {  	v21 =	vadd.s32 s21, v0;
	s19 =	simm.s32 $0x6;
	v30 =	vld.idx.msk [tilespmem:v4+s24+$0x0], $0xffff  }
0x186: {  	s31 =	simm.s32 $0x5;
	v21 =	vand.u32 $0x7F, v21;
	v19 =	vadd.s32 s19, v0;
	v25 =	vadd.f32 v11, v5;
	v23 =	vld.idx.msk [tilespmem:v8+s26+$0x0], $0xffff  }
0x187: {  	v22 =	vadd.s32 s31, v0;
	v5 =	vor.u32 v2, v21;
	v8 =	vand.u32 $0x7F, v19;
	v19 =	vld.idx.msk [tilespmem:v29+s24+$0x0], $0xffff  }
0x188: {  	v26 =	vld.idx.msk [tilespmem:v7+s26+$0x0], $0xffff;
	v24 =	vor.u32 v6, v8;
	v7 =	vor.u32 v2, v8;
	v8 =	vadd.f32 v10, v25  }
0x189: {  	v22 =	vand.u32 $0x7F, v22;
	v10 =	vadd.f32 v18, v9;
	v18 =	vadd.f32 v20, v12  }
0x18a: {  	v11 =	vld.idx.msk [tilespmem:v17+s26+$0x0], $0xffff;
	v17 =	vimm.f32 $0.0e+00;
	v9 =	vor.u32 v2, v22  }
0x18b: {  	s18 =	simm.s32 $0x8;
	v28 =	vadd.f32 v30, v28;
	v25 =	vmul.f32 v8, v8;
	v27 =	vadd.f32 v13, v18  }
0x18c: {  	v20 =	vadd.s32 s18, v0;
	v10 =	vadd.f32 v23, v10;
	v18 =	vadd.f32 v19, v14  }
0x18d: {  	s19 =	simm.s32 $0xB;
	v22 =	vor.u32 v6, v22;
	v13 =	vld.idx.msk [tilespmem:v5+s22+$0x0], $0xffff;
	v19 =	vadd.f32 v8, v17;
	v17 =	vadd.f32 v25, v17  }
0x18e: {  	v32 =	vadd.s32 s19, v0;
	v25 =	vand.u32 $0x7F, v20;
	[tilespmem:v16+s22+$0x0] =	vst.idx.msk $0xffff, v27;
	v12 =	vld.idx.msk [tilespmem:v24+s26+$0x0], $0xffff;
	v23 =	vmul.f32 v10, v10  }
0x18f: {  	v14 =	vld.idx.msk [tilespmem:v7+s22+$0x0], $0xffff;
	[tilespmem:v15+s22+$0x0] =	vst.idx.msk $0xffff, v10;
	v31 =	vadd.f32 v26, v18;
	v10 =	vadd.f32 v10, v19  }
0x190: {  	v24 =	vor.u32 v6, v21;
	v15 =	vld.idx.msk [tilespmem:v9+s22+$0x0], $0xffff;
	v19 =	vadd.f32 v23, v17;
	v23 =	vmul.f32 v27, v27  }
0x191: {  	s31 =	simm.s32 $0xA;
	v18 =	vor.u32 v6, v25;
	v17 =	vld.idx.msk [tilespmem:v9+s24+$0x0], $0xffff;
	v21 =	vadd.f32 v27, v10;
	v33 =	vmul.f32 v31, v31  }
0x192: {  	s21 =	simm.s32 $0x9;
	v20 =	vld.idx.msk [tilespmem:v7+s24+$0x0], $0xffff;
	v10 =	vor.u32 v2, v25;
	v25 =	vadd.s32 s31, v0;
	v19 =	vadd.f32 v23, v19  }
0x193: {  	v16 =	vand.u32 $0x7F, v32;
	v26 =	vadd.s32 s21, v0;
	[tilespmem:v29+s22+$0x0] =	vst.idx.msk $0xffff, v31;
	v27 =	vand.u32 $0x7F, v25;
	v23 =	vld.idx.msk [tilespmem:v22+s26+$0x0], $0xffff  }
0x194: {  	s18 =	simm.s32 $0xC;
	v22 =	vld.idx.msk [tilespmem:v5+s24+$0x0], $0xffff;
	v21 =	vadd.f32 v31, v21;
	v25 =	vor.u32 v6, v27;
	v19 =	vadd.f32 v33, v19  }
.LBB2_16:
0x195: {  	p0 =	slt.u32 s18, $0x7C;
	v26 =	vand.u32 $0x7F, v26;
	v24 =	vld.idx.msk [tilespmem:v24+s26+$0x0], $0xffff;
	[tilespmem:v3+s22+$0x0] =	vst.idx.msk $0xffff, v8;
	v29 =	vmov v5;
	v5 =	vor.u32 v2, v16  }
0x196: {  	v30 =	vor.u32 v2, v27;
	v15 =	vadd.f32 v17, v15;
	v8 =	vadd.f32 v11, v28;
	v11 =	vld.idx.msk [tilespmem:v18+s26+$0x0], $0xffff  }
0x197: {  	v3 =	vmovc v4;
	v4 =	vmov v10;
	v17 =	vor.u32 v2, v26;
	v14 =	vadd.f32 v20, v14;
	v28 =	vld.idx.msk [tilespmem:v10+s22+$0x0], $0xffff  }
0x198: {  	v18 =	vadd.s32 s18, v0;
	v20 =	vadd.f32 v23, v15;
	v31 =	vld.idx.msk [tilespmem:v10+s24+$0x0], $0xffff;
	v10 =	vmul.f32 v8, v8  }
0x199: {  	v23 =	vor.u32 v6, v26;
	v27 =	vadd.f32 v12, v14;
	v15 =	vadd.f32 v22, v13;
	v12 =	vld.idx.msk [tilespmem:v25+s26+$0x0], $0xffff  }
0x19a: {  	v21 =	vadd.f32 v8, v21;
	v13 =	vld.idx.msk [tilespmem:v5+s22+$0x0], $0xffff;
	v10 =	vadd.f32 v10, v19;
	v19 =	vmul.f32 v20, v20  }
0x19b: {  	v22 =	vand.u32 $0x7F, v18;
	v32 =	vadd.f32 v24, v15;
	v14 =	vld.idx.msk [tilespmem:v30+s22+$0x0], $0xffff;
	[tilespmem:v9+s22+$0x0] =	vst.idx.msk $0xffff, v20;
	v9 =	vmov v17  }
0x19c: {  	s1 =	sadd.s32 $0x3, s18;
	v21 =	vadd.f32 v20, v21;
	v15 =	vld.idx.msk [tilespmem:v17+s22+$0x0], $0xffff;
	v10 =	vadd.f32 v19, v10;
	v19 =	vmul.f32 v27, v27  }
.Ltmp6:
0x19d: {  	v33 =	vadd.s32 s1, v0;
	v18 =	vor.u32 v6, v22;
	v24 =	vor.u32 v6, v16;
	v17 =	vld.idx.msk [tilespmem:v17+s24+$0x0], $0xffff;
	(pc) =	sbr.rel @p0 .LBB2_16-.Ltmp6, $4  }
0x19e: {  	s19 =	sadd.s32 $0x2, s18;
	s1 =	sadd.s32 $0x1, s18;
	v16 =	vadd.f32 v27, v21;
	v25 =	vmul.f32 v32, v32;
	v20 =	vld.idx.msk [tilespmem:v30+s24+$0x0], $0xffff;
	v19 =	vadd.f32 v19, v10  }
0x19f: {  	v26 =	vadd.s32 s1, v0;
	v21 =	vadd.s32 s19, v0;
	v10 =	vor.u32 v2, v22;
	v23 =	vld.idx.msk [tilespmem:v23+s26+$0x0], $0xffff;
	[tilespmem:v7+s22+$0x0] =	vst.idx.msk $0xffff, v27  }
0x1a0: {  	v27 =	vand.u32 $0x7F, v21;
	v21 =	vadd.f32 v32, v16;
	v7 =	vmovc v30;
	v22 =	vld.idx.msk [tilespmem:v5+s24+$0x0], $0xffff;
	v19 =	vadd.f32 v25, v19  }
0x1a1: {  	s18 =	sadd.s32 $0x4, s18;
	v28 =	vadd.f32 v31, v28;
	v16 =	vand.u32 $0x7F, v33;
	v25 =	vor.u32 v6, v27;
	[tilespmem:v29+s22+$0x0] =	vst.idx.msk $0xffff, v32  }
0x1a2: {  	_ =	sdelay $0x3  }
0x1a3: {  	v29 =	vor.u32 v2, v16;
	v24 =	vld.idx.msk [tilespmem:v24+s26+$0x0], $0xffff  }
0x1a4: {  	v26 =	vand.u32 $0x7F, v26;
	v18 =	vld.idx.msk [tilespmem:v18+s26+$0x0], $0xffff;
	v27 =	vor.u32 v2, v27  }
0x1a5: {  	v30 =	vld.idx.msk [tilespmem:v10+s22+$0x0], $0xffff;
	v31 =	vor.u32 v2, v26  }
0x1a6: {  	v62 =	vld.idx.msk [tilespmem:v10+s24+$0x0], $0xffff;
	v15 =	vadd.f32 v17, v15  }
0x1a7: {  	v17 =	vld.idx.msk [tilespmem:v25+s26+$0x0], $0xffff;
	v11 =	vadd.f32 v11, v28;
	v14 =	vadd.f32 v20, v14  }
0x1a8: {  	v20 =	vor.u32 v6, v26;
	v25 =	vld.idx.msk [tilespmem:v29+s22+$0x0], $0xffff  }
0x1a9: {  	v15 =	vadd.f32 v23, v15;
	v23 =	vmul.f32 v11, v11;
	v12 =	vadd.f32 v12, v14;
	v14 =	vld.idx.msk [tilespmem:v27+s22+$0x0], $0xffff  }
0x1aa: {  	v13 =	vadd.f32 v22, v13;
	v21 =	vadd.f32 v11, v21;
	v22 =	vld.idx.msk [tilespmem:v31+s22+$0x0], $0xffff  }
0x1ab: {  	v6 =	vor.u32 v6, v16;
	v19 =	vadd.f32 v23, v19;
	v23 =	vmul.f32 v15, v15;
	v16 =	vld.idx.msk [tilespmem:v31+s24+$0x0], $0xffff  }
0x1ac: {  	v13 =	vadd.f32 v24, v13;
	v21 =	vadd.f32 v15, v21;
	v24 =	vld.idx.msk [tilespmem:v27+s24+$0x0], $0xffff  }
0x1ad: {  	v26 =	vadd.f32 v62, v30;
	v20 =	vld.idx.msk [tilespmem:v20+s26+$0x0], $0xffff;
	v19 =	vadd.f32 v23, v19;
	v23 =	vmul.f32 v12, v12  }
0x1ae: {  	v63 =	vld.idx.msk [tilespmem:v29+s24+$0x0], $0xffff;
	v21 =	vadd.f32 v12, v21  }
0x1af: {  	v18 =	vadd.f32 v18, v26;
	v19 =	vadd.f32 v23, v19;
	v23 =	vmul.f32 v13, v13  }
0x1b0: {  	v6 =	vld.idx.msk [tilespmem:v6+s26+$0x0], $0xffff;
	v21 =	vadd.f32 v13, v21;
	v16 =	vadd.f32 v16, v22  }
0x1b1: {  	v14 =	vadd.f32 v24, v14;
	v19 =	vadd.f32 v23, v19  }
0x1b2: {  	v22 =	vmul.f32 v18, v18;
	v16 =	vadd.f32 v20, v16;
	v20 =	vadd.f32 v18, v21  }
0x1b3: {  	v14 =	vadd.f32 v17, v14;
	v17 =	vadd.f32 v63, v25  }
0x1b4: {  	v19 =	vadd.f32 v22, v19;
	v21 =	vmul.f32 v16, v16;
	v20 =	vadd.f32 v16, v20  }
0x1b5: {  	v17 =	vadd.f32 v6, v17  }
0x1b6: {  	v6 =	vadd.f32 v21, v19;
	v19 =	vmul.f32 v14, v14;
	v20 =	vadd.f32 v14, v20;
	_ =	sdelay $0x1  }
0x1b7: {  	v6 =	vadd.f32 v19, v6;
	v19 =	vmul.f32 v17, v17;
	v20 =	vadd.f32 v17, v20;
	_ =	sdelay $0x1  }
0x1b8: {  	v19 =	vadd.f32 v19, v6;
	v6 =	vmul.f32 $7.812500000e-03, v20;
	_ =	sdelay $0x1  }
0x1b9: {  	v19 =	vmul.f32 $7.812500000e-03, v19;
	v20 =	vmul.f32 v6, v6;
	_ =	sdelay $0x1  }
0x1ba: {  	v19 =	vsub.f32 v19, v20;
	_ =	sdelay $0x1  }
0x1bb: {  	v19 =	vadd.f32 $9.999999960e-13, v19;
	_ =	sdelay $0x1  }
0x1bc: {  	v20 =	vshra.s32 v19, $0x1;
	v19 =	vmul.f32 $5.000000000e-01, v19  }
0x1bd: {  	v20 =	vsub.s32 $0x5F3759DF, v20  }
0x1be: {  	v21 =	vmul.f32 v20, v19;
	_ =	sdelay $0x1  }
0x1bf: {  	v21 =	vmul.f32 v20, v21;
	_ =	sdelay $0x1  }
0x1c0: {  	v21 =	vsub.f32 $1.500000000e+00, v21;
	_ =	sdelay $0x1  }
0x1c1: {  	[tilespmem:v3+s22+$0x0] =	vst.idx.msk $0xffff, v8;
	s1 =	simm.s32 $0x0;
	v20 =	vmul.f32 v20, v21  }
0x1c2: {  	s21 =	simm.s32 $0x3;
	[tilespmem:v7+s22+$0x0] =	vst.idx.msk $0xffff, v12;
	v7 =	vadd.s32 s1, v0  }
0x1c3: {  	[tilespmem:v4+s22+$0x0] =	vst.idx.msk $0xffff, v11;
	v8 =	vand.u32 $0x7F, v7;
	v7 =	vadd.s32 s21, v0;
	v3 =	vmul.f32 v20, v19  }
0x1c4: {  	[tilespmem:v9+s22+$0x0] =	vst.idx.msk $0xffff, v15;
	v9 =	vand.u32 $0x7F, v7  }
0x1c5: {  	[tilespmem:v5+s22+$0x0] =	vst.idx.msk $0xffff, v13;
	v7 =	vor.u32 v2, v9;
	v3 =	vmul.f32 v3, v20  }
0x1c6: {  	v5 =	vor.u32 v2, v8;
	[tilespmem:v10+s22+$0x0] =	vst.idx.msk $0xffff, v18  }
0x1c7: {  	s31 =	simm.s32 $0x2;
	[tilespmem:v27+s22+$0x0] =	vst.idx.msk $0xffff, v14;
	v3 =	vsub.f32 $1.500000000e+00, v3  }
0x1c8: {  	s18 =	simm.s32 $0x1;
	v4 =	vadd.s32 s31, v0;
	[tilespmem:v31+s22+$0x0] =	vst.idx.msk $0xffff, v16  }
0x1c9: {  	v13 =	vand.u32 $0x7F, v4;
	[tilespmem:v29+s22+$0x0] =	vst.idx.msk $0xffff, v17;
	v14 =	vmul.f32 v3, v20;
	v3 =	vadd.s32 s18, v0  }
0x1ca: {  	v21 =	vld.idx.msk [tilespmem:v7+s22+$0x0], $0xffff;
	v12 =	vand.u32 $0x7F, v3;
	v3 =	vor.u32 v2, v13  }
0x1cb: {  	v20 =	vld.idx.msk [tilespmem:v5+s22+$0x0], $0xffff;
	v10 =	vmul.f32 v14, v19;
	v4 =	vor.u32 v2, v12  }
0x1cc: {  	v11 =	vld.idx.msk [tilespmem:v8+s30+$0x0], $0xffff  }
0x1cd: {  	v15 =	vld.idx.msk [tilespmem:v8+s29+$0x0], $0xffff;
	v10 =	vmul.f32 v10, v14  }
0x1ce: {  	s19 =	simm.s32 $0x4;
	v17 =	vld.idx.msk [tilespmem:v9+s30+$0x0], $0xffff  }
0x1cf: {  	s21 =	simm.s32 $0x7;
	v23 =	vsub.f32 v21, v6;
	v8 =	vsub.f32 $1.500000000e+00, v10;
	v18 =	vld.idx.msk [tilespmem:v3+s22+$0x0], $0xffff;
	v10 =	vadd.s32 s19, v0  }
0x1d0: {  	v22 =	vsub.f32 v20, v6;
	v19 =	vld.idx.msk [tilespmem:v4+s22+$0x0], $0xffff;
	v16 =	vand.u32 $0x7F, v10;
	v10 =	vadd.s32 s21, v0  }
0x1d1: {  	v21 =	vld.idx.msk [tilespmem:v13+s29+$0x0], $0xffff;
	v8 =	vmul.f32 v8, v14;
	v14 =	vand.u32 $0x7F, v10;
	v10 =	vor.u32 v2, v16  }
0x1d2: {  	s31 =	simm.s32 $0x6;
	v20 =	vld.idx.msk [tilespmem:v9+s29+$0x0], $0xffff;
	v9 =	vor.u32 v2, v14  }
0x1d3: {  	v25 =	vadd.s32 s31, v0;
	s18 =	simm.s32 $0x8;
	s19 =	simm.s32 $0x5;
	v24 =	vmul.f32 v22, v8;
	v22 =	vld.idx.msk [tilespmem:v12+s29+$0x0], $0xffff;
	v23 =	vmul.f32 v23, v8  }
.LBB2_18:
0x1d4: {  	p0 =	slt.u32 s18, $0x7C;
	v26 =	vadd.s32 s19, v0;
	v18 =	vsub.f32 v18, v6;
	v27 =	vld.idx.msk [tilespmem:v13+s30+$0x0], $0xffff;
	v13 =	vand.u32 $0x7F, v25  }
0x1d5: {  	v19 =	vsub.f32 v19, v6;
	v25 =	vor.u32 v2, v13;
	v28 =	vld.idx.msk [tilespmem:v12+s30+$0x0], $0xffff;
	v12 =	vand.u32 $0x7F, v26  }
0x1d6: {  	v15 =	vmul.f32 v24, v15;
	v26 =	vld.idx.msk [tilespmem:v10+s22+$0x0], $0xffff;
	v29 =	vor.u32 v2, v12;
	v18 =	vmul.f32 v18, v8  }
0x1d7: {  	v19 =	vmul.f32 v19, v8;
	v20 =	vmul.f32 v23, v20;
	v24 =	vld.idx.msk [tilespmem:v9+s22+$0x0], $0xffff  }
0x1d8: {  	v23 =	vadd.f32 v15, v11;
	v11 =	vld.idx.msk [tilespmem:v16+s30+$0x0], $0xffff;
	v21 =	vmul.f32 v18, v21  }
0x1d9: {  	v18 =	vadd.s32 s18, v0;
	v22 =	vmul.f32 v19, v22;
	v17 =	vadd.f32 v20, v17;
	v15 =	vld.idx.msk [tilespmem:v16+s29+$0x0], $0xffff  }
0x1da: {  	v16 =	vand.u32 $0x7F, v18;
	v18 =	vld.idx.msk [tilespmem:v25+s22+$0x0], $0xffff;
	[tilespmem:v5+s22+$0x0] =	vst.idx.msk $0xffff, v23;
	v20 =	vadd.f32 v21, v27;
	v5 =	vmov v10  }
.Ltmp7:
0x1db: {  	s1 =	sadd.s32 $0x3, s18;
	v10 =	vor.u32 v2, v16;
	v21 =	vadd.f32 v22, v28;
	v19 =	vld.idx.msk [tilespmem:v29+s22+$0x0], $0xffff;
	[tilespmem:v7+s22+$0x0] =	vst.idx.msk $0xffff, v17;
	(pc) =	sbr.rel @p0 .LBB2_18-.Ltmp7, $4  }
0x1dc: {  	v27 =	vadd.s32 s1, v0;
	v22 =	vsub.f32 v26, v6;
	v17 =	vld.idx.msk [tilespmem:v14+s30+$0x0], $0xffff;
	[tilespmem:v3+s22+$0x0] =	vst.idx.msk $0xffff, v20;
	v3 =	vmov v25  }
0x1dd: {  	v23 =	vsub.f32 v24, v6;
	v20 =	vld.idx.msk [tilespmem:v14+s29+$0x0], $0xffff;
	v14 =	vand.u32 $0x7F, v27;
	[tilespmem:v4+s22+$0x0] =	vst.idx.msk $0xffff, v21;
	v4 =	vmov v29  }
0x1de: {  	s1 =	sadd.s32 $0x2, s18;
	v7 =	vmov v9;
	v21 =	vld.idx.msk [tilespmem:v13+s29+$0x0], $0xffff;
	v9 =	vor.u32 v2, v14  }
0x1df: {  	s19 =	sadd.s32 $0x1, s18;
	s18 =	sadd.s32 $0x4, s18;
	v25 =	vadd.s32 s1, v0;
	v24 =	vmul.f32 v22, v8;
	v23 =	vmul.f32 v23, v8;
	v22 =	vld.idx.msk [tilespmem:v12+s29+$0x0], $0xffff  }
0x1e0: {  	_ =	sdelay $0x3  }
0x1e1: {  	v26 =	vadd.s32 s19, v0;
	v25 =	vand.u32 $0x7F, v25;
	v13 =	vld.idx.msk [tilespmem:v13+s30+$0x0], $0xffff  }
0x1e2: {  	v12 =	vld.idx.msk [tilespmem:v12+s30+$0x0], $0xffff;
	v26 =	vand.u32 $0x7F, v26;
	v27 =	vor.u32 v2, v25  }
0x1e3: {  	v28 =	vld.idx.msk [tilespmem:v10+s22+$0x0], $0xffff;
	v2 =	vor.u32 v2, v26  }
0x1e4: {  	v29 =	vld.idx.msk [tilespmem:v9+s22+$0x0], $0xffff  }
0x1e5: {  	v30 =	vld.idx.msk [tilespmem:v16+s30+$0x0], $0xffff  }
0x1e6: {  	v18 =	vsub.f32 v18, v6;
	v44 =	vld.idx.msk [tilespmem:v16+s29+$0x0], $0xffff  }
0x1e7: {  	v19 =	vsub.f32 v19, v6;
	v31 =	vld.idx.msk [tilespmem:v27+s22+$0x0], $0xffff  }
0x1e8: {  	v15 =	vmul.f32 v24, v15;
	v18 =	vmul.f32 v18, v8;
	v45 =	vld.idx.msk [tilespmem:v2+s22+$0x0], $0xffff  }
0x1e9: {  	v46 =	vld.idx.msk [tilespmem:v14+s30+$0x0], $0xffff;
	v19 =	vmul.f32 v19, v8;
	v20 =	vmul.f32 v23, v20  }
0x1ea: {  	v49 =	vld.idx.msk [tilespmem:v14+s29+$0x0], $0xffff;
	v11 =	vadd.f32 v15, v11;
	v47 =	vmul.f32 v18, v21;
	v48 =	vsub.f32 v28, v6  }
0x1eb: {  	v19 =	vmul.f32 v19, v22;
	v17 =	vadd.f32 v20, v17;
	v50 =	vsub.f32 v29, v6;
	v51 =	vld.idx.msk [tilespmem:v25+s29+$0x0], $0xffff  }
0x1ec: {  	[tilespmem:v5+s22+$0x0] =	vst.idx.msk $0xffff, v11;
	v53 =	vld.idx.msk [tilespmem:v26+s29+$0x0], $0xffff;
	v52 =	vmul.f32 v48, v8;
	v54 =	vsub.f32 v31, v6  }
0x1ed: {  	v56 =	vld.idx.msk [tilespmem:v25+s30+$0x0], $0xffff;
	v13 =	vadd.f32 v47, v13;
	v55 =	vmul.f32 v50, v8;
	v57 =	vsub.f32 v45, v6  }
0x1ee: {  	v12 =	vadd.f32 v19, v12;
	v58 =	vld.idx.msk [tilespmem:v26+s30+$0x0], $0xffff;
	v5 =	vmul.f32 v52, v44;
	v59 =	vmul.f32 v54, v8  }
0x1ef: {  	s17 =	sadd.s32 $0x1, s17;
	[tilespmem:v7+s22+$0x0] =	vst.idx.msk $0xffff, v17;
	v60 =	vmul.f32 v55, v49;
	v6 =	vmul.f32 v57, v8  }
0x1f0: {  	p0 =	sne.s32 s17, $0x8;
	[tilespmem:v3+s22+$0x0] =	vst.idx.msk $0xffff, v13;
	v3 =	vadd.f32 v5, v30;
	v61 =	vmul.f32 v59, v51  }
.Ltmp8:
0x1f1: {  	[tilespmem:v4+s22+$0x0] =	vst.idx.msk $0xffff, v12;
	v63 =	vadd.f32 v60, v46;
	v62 =	vmul.f32 v6, v53;
	(pc) =	sbr.rel @p0 .LBB2_15-.Ltmp8, $4  }
0x1f2: {  	[tilespmem:v10+s22+$0x0] =	vst.idx.msk $0xffff, v3;
	v3 =	vadd.f32 v61, v56  }
0x1f3: {  	[tilespmem:v9+s22+$0x0] =	vst.idx.msk $0xffff, v63;
	v4 =	vadd.f32 v62, v58  }
0x1f4: {  	[tilespmem:v27+s22+$0x0] =	vst.idx.msk $0xffff, v3  }
0x1f5: {  	[tilespmem:v2+s22+$0x0] =	vst.idx.msk $0xffff, v4  }
0x1f6: {  	s1 =	smul.u32 $0x3, s10  }
0x1f7: {  	s17 =	rddreg [dreg:$0x8]  }
0x1f8: {  	s1 =	sadd.s32 s17, s1  }
0x1f9: {  	s17 =	sshll.u32 s1, $0xB  }
0x1fa: {  	s19 =	rddreg [dreg:$0x5];
	s18 =	sand.u32 $0x1FFFF800, s17  }
0x1fb: {  	s18 =	sadd.s32 s19, s18;
	s19 =	simm.s32 $0x0  }
0x1fc: {  	[hbm4b:s18+s19] =	stream.linear.scatter [tilespmem:s22], [sflag:$0x9], $0x4000, $0x38;
	[tilespmem:$0x18900] =	vst v63  }
0x1fd: {  	s21 =	rddreg [dreg:$0xf];
	s18 =	sshll.u32 s1, $0x6  }
0x1fe: {  	s1 =	sadd.s32 s18, s21;
	s21 =	simm.s32 $0x18400  }
0x1ff: {  	[tilespmem:s21], [sflag:$0x6] =	stream.linear.gather [hbm4b:s1+s19], $0x180, $0x38;
	[tilespmem:$0x18900] =	vst v63  }
0x200: {  	_ =	swait.ge [sflag:s11], $0x180  }
0x201: {  	[sflag:s11] =	ssyncset.done $0x0  }
0x202: {  	[sflag:s11] =	ssyncadd.s32 $0xFFFFFE80  }
0x203: {  	_ =	swait.ge [sflag:s23], $0x4000  }
0x204: {  	[sflag:s23] =	ssyncset.done $0x0  }
0x205: {  	[sflag:s23] =	ssyncadd.s32 $0xFFFFC000  }
0x206: {  	[tilespmem:s12], [sflag:$0x2] =	stream.indirect.gather [hbm4b:s0+s3], $0x80, s20, s3, $0xb8;
	[tilespmem:$0x18900] =	vst v63  }
0x207: {  	s31 =	simm.s32 $0x18280  }
0x208: {  	[tilespmem:s14], [sflag:$0x2] =	stream.indirect.gather [hbm4b:s8+s3], $0x80, s31, s3, $0xb8;
	[tilespmem:$0x18900] =	vst v63  }
0x209: {  	_ =	swait.ge [sflag:s15], $0x4000  }
0x20a: {  	[sflag:s15] =	ssyncset.done $0x0  }
0x20b: {  	[sflag:s15] =	ssyncadd.s32 $0xFFFFC000  }
0x20c: {  	_ =	swait.ge [sflag:s15], $0x4000  }
0x20d: {  	[sflag:s15] =	ssyncset.done $0x0  }
0x20e: {  	s20 =	simm.s32 $0x0;
	[sflag:s15] =	ssyncadd.s32 $0xFFFFC000  }
.LBB2_21:
0x20f: {  	s1 =	sshll.u32 s20, $0x4  }
0x210: {  	v2 =	vld [tilespmem:s1+$0x18100];
	_ =	sdelay $0x3  }
0x211: {  	v4 =	vadd.s32 s19, v0;
	v3 =	vmov s1  }
0x212: {  	v4 =	vand.u32 $0x7F, v4;
	v3 =	vshll.u32 v3, $0x7;
	v6 =	vshll.u32 v2, $0x7  }
0x213: {  	s21 =	simm.s32 $0x3;
	v2 =	vor.u32 v1, v3;
	v5 =	vor.u32 v6, v4  }
0x214: {  	s31 =	simm.s32 $0x2;
	v7 =	vadd.s32 s21, v0;
	v3 =	vor.u32 v2, v4  }
0x215: {  	v7 =	vand.u32 $0x7F, v7;
	v4 =	vadd.s32 s31, v0  }
0x216: {  	v29 =	vor.u32 v2, v7;
	v4 =	vand.u32 $0x7F, v4  }
0x217: {  	s31 =	simm.s32 $0x1;
	v8 =	vor.u32 v6, v4  }
0x218: {  	v9 =	vadd.s32 s31, v0;
	v16 =	vor.u32 v2, v4;
	v10 =	vld.idx.msk [tilespmem:v5+s26+$0x0], $0xffff  }
0x219: {  	s21 =	simm.s32 $0x4;
	v9 =	vand.u32 $0x7F, v9;
	v5 =	vld.idx.msk [tilespmem:v3+s7+$0x0], $0xffff  }
0x21a: {  	v4 =	vadd.s32 s21, v0;
	v15 =	vor.u32 v2, v9;
	v11 =	vld.idx.msk [tilespmem:v3+s9+$0x0], $0xffff  }
0x21b: {  	v4 =	vand.u32 $0x7F, v4;
	v14 =	vld.idx.msk [tilespmem:v29+s7+$0x0], $0xffff  }
0x21c: {  	v17 =	vor.u32 v6, v4;
	v4 =	vor.u32 v2, v4;
	v13 =	vld.idx.msk [tilespmem:v8+s26+$0x0], $0xffff  }
0x21d: {  	v12 =	vld.idx.msk [tilespmem:v16+s7+$0x0], $0xffff  }
0x21e: {  	v8 =	vor.u32 v6, v9;
	v20 =	vld.idx.msk [tilespmem:v16+s9+$0x0], $0xffff  }
0x21f: {  	v9 =	vld.idx.msk [tilespmem:v15+s7+$0x0], $0xffff  }
0x220: {  	v7 =	vor.u32 v6, v7;
	v18 =	vld.idx.msk [tilespmem:v15+s9+$0x0], $0xffff  }
0x221: {  	s21 =	simm.s32 $0x7;
	v28 =	vld.idx.msk [tilespmem:v4+s7+$0x0], $0xffff  }
0x222: {  	s31 =	simm.s32 $0x6;
	v21 =	vadd.s32 s21, v0;
	v30 =	vld.idx.msk [tilespmem:v4+s9+$0x0], $0xffff  }
0x223: {  	v19 =	vadd.s32 s31, v0;
	s31 =	simm.s32 $0x5;
	v21 =	vand.u32 $0x7F, v21;
	v25 =	vadd.f32 v11, v5;
	v23 =	vld.idx.msk [tilespmem:v8+s26+$0x0], $0xffff  }
0x224: {  	v22 =	vadd.s32 s31, v0;
	v5 =	vor.u32 v2, v21;
	v8 =	vand.u32 $0x7F, v19;
	v19 =	vld.idx.msk [tilespmem:v29+s9+$0x0], $0xffff  }
0x225: {  	v26 =	vld.idx.msk [tilespmem:v7+s26+$0x0], $0xffff;
	v24 =	vor.u32 v6, v8;
	v7 =	vor.u32 v2, v8;
	v8 =	vadd.f32 v10, v25  }
0x226: {  	v22 =	vand.u32 $0x7F, v22;
	v10 =	vadd.f32 v18, v9;
	v18 =	vadd.f32 v20, v12  }
0x227: {  	v11 =	vld.idx.msk [tilespmem:v17+s26+$0x0], $0xffff;
	v17 =	vimm.f32 $0.0e+00;
	v9 =	vor.u32 v2, v22  }
0x228: {  	s21 =	simm.s32 $0x8;
	v28 =	vadd.f32 v30, v28;
	v25 =	vmul.f32 v8, v8;
	v27 =	vadd.f32 v13, v18  }
0x229: {  	v20 =	vadd.s32 s21, v0;
	v10 =	vadd.f32 v23, v10;
	v18 =	vadd.f32 v19, v14  }
0x22a: {  	s31 =	simm.s32 $0xB;
	v22 =	vor.u32 v6, v22;
	v13 =	vld.idx.msk [tilespmem:v5+s7+$0x0], $0xffff;
	v19 =	vadd.f32 v8, v17;
	v17 =	vadd.f32 v25, v17  }
0x22b: {  	v32 =	vadd.s32 s31, v0;
	v25 =	vand.u32 $0x7F, v20;
	[tilespmem:v16+s7+$0x0] =	vst.idx.msk $0xffff, v27;
	v12 =	vld.idx.msk [tilespmem:v24+s26+$0x0], $0xffff;
	v23 =	vmul.f32 v10, v10  }
0x22c: {  	v14 =	vld.idx.msk [tilespmem:v7+s7+$0x0], $0xffff;
	[tilespmem:v15+s7+$0x0] =	vst.idx.msk $0xffff, v10;
	v31 =	vadd.f32 v26, v18;
	v10 =	vadd.f32 v10, v19  }
0x22d: {  	v24 =	vor.u32 v6, v21;
	v15 =	vld.idx.msk [tilespmem:v9+s7+$0x0], $0xffff;
	v19 =	vadd.f32 v23, v17;
	v23 =	vmul.f32 v27, v27  }
0x22e: {  	s31 =	simm.s32 $0xA;
	v18 =	vor.u32 v6, v25;
	v17 =	vld.idx.msk [tilespmem:v9+s9+$0x0], $0xffff;
	v21 =	vadd.f32 v27, v10;
	v33 =	vmul.f32 v31, v31  }
0x22f: {  	s21 =	simm.s32 $0x9;
	v20 =	vld.idx.msk [tilespmem:v7+s9+$0x0], $0xffff;
	v10 =	vor.u32 v2, v25;
	v25 =	vadd.s32 s31, v0;
	v19 =	vadd.f32 v23, v19  }
0x230: {  	v16 =	vand.u32 $0x7F, v32;
	v26 =	vadd.s32 s21, v0;
	[tilespmem:v29+s7+$0x0] =	vst.idx.msk $0xffff, v31;
	v27 =	vand.u32 $0x7F, v25;
	v23 =	vld.idx.msk [tilespmem:v22+s26+$0x0], $0xffff  }
0x231: {  	s21 =	simm.s32 $0xC;
	v22 =	vld.idx.msk [tilespmem:v5+s9+$0x0], $0xffff;
	v21 =	vadd.f32 v31, v21;
	v25 =	vor.u32 v6, v27;
	v19 =	vadd.f32 v33, v19  }
.LBB2_22:
0x232: {  	p0 =	slt.u32 s21, $0x7C;
	v26 =	vand.u32 $0x7F, v26;
	v24 =	vld.idx.msk [tilespmem:v24+s26+$0x0], $0xffff;
	[tilespmem:v3+s7+$0x0] =	vst.idx.msk $0xffff, v8;
	v29 =	vmov v5;
	v5 =	vor.u32 v2, v16  }
0x233: {  	v30 =	vor.u32 v2, v27;
	v15 =	vadd.f32 v17, v15;
	v8 =	vadd.f32 v11, v28;
	v11 =	vld.idx.msk [tilespmem:v18+s26+$0x0], $0xffff  }
0x234: {  	v3 =	vmovc v4;
	v4 =	vmov v10;
	v17 =	vor.u32 v2, v26;
	v14 =	vadd.f32 v20, v14;
	v28 =	vld.idx.msk [tilespmem:v10+s7+$0x0], $0xffff  }
0x235: {  	v18 =	vadd.s32 s21, v0;
	v20 =	vadd.f32 v23, v15;
	v31 =	vld.idx.msk [tilespmem:v10+s9+$0x0], $0xffff;
	v10 =	vmul.f32 v8, v8  }
0x236: {  	v23 =	vor.u32 v6, v26;
	v27 =	vadd.f32 v12, v14;
	v15 =	vadd.f32 v22, v13;
	v12 =	vld.idx.msk [tilespmem:v25+s26+$0x0], $0xffff  }
0x237: {  	v21 =	vadd.f32 v8, v21;
	v13 =	vld.idx.msk [tilespmem:v5+s7+$0x0], $0xffff;
	v10 =	vadd.f32 v10, v19;
	v19 =	vmul.f32 v20, v20  }
0x238: {  	v22 =	vand.u32 $0x7F, v18;
	v32 =	vadd.f32 v24, v15;
	v14 =	vld.idx.msk [tilespmem:v30+s7+$0x0], $0xffff;
	[tilespmem:v9+s7+$0x0] =	vst.idx.msk $0xffff, v20;
	v9 =	vmov v17  }
0x239: {  	s1 =	sadd.s32 $0x3, s21;
	v21 =	vadd.f32 v20, v21;
	v15 =	vld.idx.msk [tilespmem:v17+s7+$0x0], $0xffff;
	v10 =	vadd.f32 v19, v10;
	v19 =	vmul.f32 v27, v27  }
.Ltmp9:
0x23a: {  	v33 =	vadd.s32 s1, v0;
	v18 =	vor.u32 v6, v22;
	v24 =	vor.u32 v6, v16;
	v17 =	vld.idx.msk [tilespmem:v17+s9+$0x0], $0xffff;
	(pc) =	sbr.rel @p0 .LBB2_22-.Ltmp9, $4  }
0x23b: {  	s31 =	sadd.s32 $0x2, s21;
	s1 =	sadd.s32 $0x1, s21;
	v16 =	vadd.f32 v27, v21;
	v25 =	vmul.f32 v32, v32;
	v20 =	vld.idx.msk [tilespmem:v30+s9+$0x0], $0xffff;
	v19 =	vadd.f32 v19, v10  }
0x23c: {  	v26 =	vadd.s32 s1, v0;
	v21 =	vadd.s32 s31, v0;
	v10 =	vor.u32 v2, v22;
	v23 =	vld.idx.msk [tilespmem:v23+s26+$0x0], $0xffff;
	[tilespmem:v7+s7+$0x0] =	vst.idx.msk $0xffff, v27  }
0x23d: {  	v27 =	vand.u32 $0x7F, v21;
	v21 =	vadd.f32 v32, v16;
	v7 =	vmovc v30;
	v22 =	vld.idx.msk [tilespmem:v5+s9+$0x0], $0xffff;
	v19 =	vadd.f32 v25, v19  }
0x23e: {  	s21 =	sadd.s32 $0x4, s21;
	v28 =	vadd.f32 v31, v28;
	v16 =	vand.u32 $0x7F, v33;
	v25 =	vor.u32 v6, v27;
	[tilespmem:v29+s7+$0x0] =	vst.idx.msk $0xffff, v32  }
0x23f: {  	_ =	sdelay $0x3  }
0x240: {  	v29 =	vor.u32 v2, v16;
	v24 =	vld.idx.msk [tilespmem:v24+s26+$0x0], $0xffff  }
0x241: {  	v26 =	vand.u32 $0x7F, v26;
	v18 =	vld.idx.msk [tilespmem:v18+s26+$0x0], $0xffff;
	v27 =	vor.u32 v2, v27  }
0x242: {  	v30 =	vld.idx.msk [tilespmem:v10+s7+$0x0], $0xffff;
	v31 =	vor.u32 v2, v26  }
0x243: {  	v62 =	vld.idx.msk [tilespmem:v10+s9+$0x0], $0xffff;
	v15 =	vadd.f32 v17, v15  }
0x244: {  	v17 =	vld.idx.msk [tilespmem:v25+s26+$0x0], $0xffff;
	v11 =	vadd.f32 v11, v28;
	v14 =	vadd.f32 v20, v14  }
0x245: {  	v20 =	vor.u32 v6, v26;
	v25 =	vld.idx.msk [tilespmem:v29+s7+$0x0], $0xffff  }
0x246: {  	v15 =	vadd.f32 v23, v15;
	v23 =	vmul.f32 v11, v11;
	v12 =	vadd.f32 v12, v14;
	v14 =	vld.idx.msk [tilespmem:v27+s7+$0x0], $0xffff  }
0x247: {  	v13 =	vadd.f32 v22, v13;
	v21 =	vadd.f32 v11, v21;
	v22 =	vld.idx.msk [tilespmem:v31+s7+$0x0], $0xffff  }
0x248: {  	v6 =	vor.u32 v6, v16;
	v19 =	vadd.f32 v23, v19;
	v23 =	vmul.f32 v15, v15;
	v16 =	vld.idx.msk [tilespmem:v31+s9+$0x0], $0xffff  }
0x249: {  	v13 =	vadd.f32 v24, v13;
	v21 =	vadd.f32 v15, v21;
	v24 =	vld.idx.msk [tilespmem:v27+s9+$0x0], $0xffff  }
0x24a: {  	v26 =	vadd.f32 v62, v30;
	v20 =	vld.idx.msk [tilespmem:v20+s26+$0x0], $0xffff;
	v19 =	vadd.f32 v23, v19;
	v23 =	vmul.f32 v12, v12  }
0x24b: {  	v63 =	vld.idx.msk [tilespmem:v29+s9+$0x0], $0xffff;
	v21 =	vadd.f32 v12, v21  }
0x24c: {  	v18 =	vadd.f32 v18, v26;
	v19 =	vadd.f32 v23, v19;
	v23 =	vmul.f32 v13, v13  }
0x24d: {  	v6 =	vld.idx.msk [tilespmem:v6+s26+$0x0], $0xffff;
	v21 =	vadd.f32 v13, v21;
	v16 =	vadd.f32 v16, v22  }
0x24e: {  	v14 =	vadd.f32 v24, v14;
	v19 =	vadd.f32 v23, v19  }
0x24f: {  	v22 =	vmul.f32 v18, v18;
	v16 =	vadd.f32 v20, v16;
	v20 =	vadd.f32 v18, v21  }
0x250: {  	v14 =	vadd.f32 v17, v14;
	v17 =	vadd.f32 v63, v25  }
0x251: {  	v19 =	vadd.f32 v22, v19;
	v21 =	vmul.f32 v16, v16;
	v20 =	vadd.f32 v16, v20  }
0x252: {  	v17 =	vadd.f32 v6, v17  }
0x253: {  	v6 =	vadd.f32 v21, v19;
	v19 =	vmul.f32 v14, v14;
	v20 =	vadd.f32 v14, v20;
	_ =	sdelay $0x1  }
0x254: {  	v6 =	vadd.f32 v19, v6;
	v19 =	vmul.f32 v17, v17;
	v20 =	vadd.f32 v17, v20;
	_ =	sdelay $0x1  }
0x255: {  	v19 =	vadd.f32 v19, v6;
	v6 =	vmul.f32 $7.812500000e-03, v20;
	_ =	sdelay $0x1  }
0x256: {  	v19 =	vmul.f32 $7.812500000e-03, v19;
	v20 =	vmul.f32 v6, v6;
	_ =	sdelay $0x1  }
0x257: {  	v19 =	vsub.f32 v19, v20;
	_ =	sdelay $0x1  }
0x258: {  	v19 =	vadd.f32 $9.999999960e-13, v19;
	_ =	sdelay $0x1  }
0x259: {  	v20 =	vshra.s32 v19, $0x1;
	v19 =	vmul.f32 $5.000000000e-01, v19  }
0x25a: {  	v20 =	vsub.s32 $0x5F3759DF, v20  }
0x25b: {  	v21 =	vmul.f32 v20, v19;
	_ =	sdelay $0x1  }
0x25c: {  	v21 =	vmul.f32 v20, v21;
	_ =	sdelay $0x1  }
0x25d: {  	v21 =	vsub.f32 $1.500000000e+00, v21;
	_ =	sdelay $0x1  }
0x25e: {  	[tilespmem:v3+s7+$0x0] =	vst.idx.msk $0xffff, v8;
	s1 =	simm.s32 $0x0;
	v20 =	vmul.f32 v20, v21  }
0x25f: {  	s21 =	simm.s32 $0x3;
	[tilespmem:v7+s7+$0x0] =	vst.idx.msk $0xffff, v12;
	v7 =	vadd.s32 s1, v0  }
0x260: {  	[tilespmem:v4+s7+$0x0] =	vst.idx.msk $0xffff, v11;
	v8 =	vand.u32 $0x7F, v7;
	v7 =	vadd.s32 s21, v0;
	v3 =	vmul.f32 v20, v19  }
0x261: {  	[tilespmem:v9+s7+$0x0] =	vst.idx.msk $0xffff, v15;
	v9 =	vand.u32 $0x7F, v7  }
0x262: {  	[tilespmem:v5+s7+$0x0] =	vst.idx.msk $0xffff, v13;
	v7 =	vor.u32 v2, v9;
	v3 =	vmul.f32 v3, v20  }
0x263: {  	v5 =	vor.u32 v2, v8;
	[tilespmem:v10+s7+$0x0] =	vst.idx.msk $0xffff, v18  }
0x264: {  	s31 =	simm.s32 $0x2;
	[tilespmem:v27+s7+$0x0] =	vst.idx.msk $0xffff, v14;
	v3 =	vsub.f32 $1.500000000e+00, v3  }
0x265: {  	v4 =	vadd.s32 s31, v0;
	s21 =	simm.s32 $0x1;
	[tilespmem:v31+s7+$0x0] =	vst.idx.msk $0xffff, v16  }
0x266: {  	v13 =	vand.u32 $0x7F, v4;
	[tilespmem:v29+s7+$0x0] =	vst.idx.msk $0xffff, v17;
	v14 =	vmul.f32 v3, v20;
	v3 =	vadd.s32 s21, v0  }
0x267: {  	v21 =	vld.idx.msk [tilespmem:v7+s7+$0x0], $0xffff;
	v12 =	vand.u32 $0x7F, v3;
	v3 =	vor.u32 v2, v13  }
0x268: {  	v20 =	vld.idx.msk [tilespmem:v5+s7+$0x0], $0xffff;
	v10 =	vmul.f32 v14, v19;
	v4 =	vor.u32 v2, v12  }
0x269: {  	v11 =	vld.idx.msk [tilespmem:v8+s30+$0x0], $0xffff  }
0x26a: {  	v15 =	vld.idx.msk [tilespmem:v8+s29+$0x0], $0xffff;
	v10 =	vmul.f32 v10, v14  }
0x26b: {  	s31 =	simm.s32 $0x4;
	v17 =	vld.idx.msk [tilespmem:v9+s30+$0x0], $0xffff  }
0x26c: {  	v23 =	vsub.f32 v21, v6;
	s21 =	simm.s32 $0x7;
	v8 =	vsub.f32 $1.500000000e+00, v10;
	v18 =	vld.idx.msk [tilespmem:v3+s7+$0x0], $0xffff;
	v10 =	vadd.s32 s31, v0  }
0x26d: {  	v22 =	vsub.f32 v20, v6;
	v19 =	vld.idx.msk [tilespmem:v4+s7+$0x0], $0xffff;
	v16 =	vand.u32 $0x7F, v10;
	v10 =	vadd.s32 s21, v0  }
0x26e: {  	v21 =	vld.idx.msk [tilespmem:v13+s29+$0x0], $0xffff;
	v8 =	vmul.f32 v8, v14;
	v14 =	vand.u32 $0x7F, v10;
	v10 =	vor.u32 v2, v16  }
0x26f: {  	v20 =	vld.idx.msk [tilespmem:v9+s29+$0x0], $0xffff;
	s31 =	simm.s32 $0x6;
	v9 =	vor.u32 v2, v14  }
0x270: {  	s1 =	simm.s32 $0x5;
	v25 =	vadd.s32 s31, v0;
	s21 =	simm.s32 $0x8;
	v24 =	vmul.f32 v22, v8;
	v22 =	vld.idx.msk [tilespmem:v12+s29+$0x0], $0xffff;
	v23 =	vmul.f32 v23, v8  }
.LBB2_24:
0x271: {  	p0 =	slt.u32 s21, $0x7C;
	v26 =	vadd.s32 s1, v0;
	v18 =	vsub.f32 v18, v6;
	v27 =	vld.idx.msk [tilespmem:v13+s30+$0x0], $0xffff;
	v13 =	vand.u32 $0x7F, v25  }
0x272: {  	v19 =	vsub.f32 v19, v6;
	v25 =	vor.u32 v2, v13;
	v28 =	vld.idx.msk [tilespmem:v12+s30+$0x0], $0xffff;
	v12 =	vand.u32 $0x7F, v26  }
0x273: {  	v15 =	vmul.f32 v24, v15;
	v26 =	vld.idx.msk [tilespmem:v10+s7+$0x0], $0xffff;
	v29 =	vor.u32 v2, v12;
	v18 =	vmul.f32 v18, v8  }
0x274: {  	v19 =	vmul.f32 v19, v8;
	v20 =	vmul.f32 v23, v20;
	v24 =	vld.idx.msk [tilespmem:v9+s7+$0x0], $0xffff  }
0x275: {  	v23 =	vadd.f32 v15, v11;
	v11 =	vld.idx.msk [tilespmem:v16+s30+$0x0], $0xffff;
	v21 =	vmul.f32 v18, v21  }
0x276: {  	v18 =	vadd.s32 s21, v0;
	v22 =	vmul.f32 v19, v22;
	v17 =	vadd.f32 v20, v17;
	v15 =	vld.idx.msk [tilespmem:v16+s29+$0x0], $0xffff  }
0x277: {  	v16 =	vand.u32 $0x7F, v18;
	v18 =	vld.idx.msk [tilespmem:v25+s7+$0x0], $0xffff;
	[tilespmem:v5+s7+$0x0] =	vst.idx.msk $0xffff, v23;
	v20 =	vadd.f32 v21, v27;
	v5 =	vmov v10  }
.Ltmp10:
0x278: {  	s1 =	sadd.s32 $0x3, s21;
	v10 =	vor.u32 v2, v16;
	v21 =	vadd.f32 v22, v28;
	v19 =	vld.idx.msk [tilespmem:v29+s7+$0x0], $0xffff;
	[tilespmem:v7+s7+$0x0] =	vst.idx.msk $0xffff, v17;
	(pc) =	sbr.rel @p0 .LBB2_24-.Ltmp10, $4  }
0x279: {  	v27 =	vadd.s32 s1, v0;
	v22 =	vsub.f32 v26, v6;
	v17 =	vld.idx.msk [tilespmem:v14+s30+$0x0], $0xffff;
	[tilespmem:v3+s7+$0x0] =	vst.idx.msk $0xffff, v20;
	v3 =	vmov v25  }
0x27a: {  	v23 =	vsub.f32 v24, v6;
	v20 =	vld.idx.msk [tilespmem:v14+s29+$0x0], $0xffff;
	v14 =	vand.u32 $0x7F, v27;
	[tilespmem:v4+s7+$0x0] =	vst.idx.msk $0xffff, v21;
	v4 =	vmov v29  }
0x27b: {  	s31 =	sadd.s32 $0x2, s21;
	v7 =	vmov v9;
	v21 =	vld.idx.msk [tilespmem:v13+s29+$0x0], $0xffff;
	v9 =	vor.u32 v2, v14  }
0x27c: {  	s1 =	sadd.s32 $0x1, s21;
	s21 =	sadd.s32 $0x4, s21;
	v25 =	vadd.s32 s31, v0;
	v24 =	vmul.f32 v22, v8;
	v23 =	vmul.f32 v23, v8;
	v22 =	vld.idx.msk [tilespmem:v12+s29+$0x0], $0xffff  }
0x27d: {  	_ =	sdelay $0x3  }
0x27e: {  	v26 =	vadd.s32 s1, v0;
	v25 =	vand.u32 $0x7F, v25;
	v13 =	vld.idx.msk [tilespmem:v13+s30+$0x0], $0xffff  }
0x27f: {  	v12 =	vld.idx.msk [tilespmem:v12+s30+$0x0], $0xffff;
	v26 =	vand.u32 $0x7F, v26;
	v27 =	vor.u32 v2, v25  }
0x280: {  	v28 =	vld.idx.msk [tilespmem:v10+s7+$0x0], $0xffff;
	v2 =	vor.u32 v2, v26  }
0x281: {  	v29 =	vld.idx.msk [tilespmem:v9+s7+$0x0], $0xffff  }
0x282: {  	v30 =	vld.idx.msk [tilespmem:v16+s30+$0x0], $0xffff  }
0x283: {  	v18 =	vsub.f32 v18, v6;
	v44 =	vld.idx.msk [tilespmem:v16+s29+$0x0], $0xffff  }
0x284: {  	v19 =	vsub.f32 v19, v6;
	v31 =	vld.idx.msk [tilespmem:v27+s7+$0x0], $0xffff  }
0x285: {  	v15 =	vmul.f32 v24, v15;
	v18 =	vmul.f32 v18, v8;
	v45 =	vld.idx.msk [tilespmem:v2+s7+$0x0], $0xffff  }
0x286: {  	v46 =	vld.idx.msk [tilespmem:v14+s30+$0x0], $0xffff;
	v19 =	vmul.f32 v19, v8;
	v20 =	vmul.f32 v23, v20  }
0x287: {  	v49 =	vld.idx.msk [tilespmem:v14+s29+$0x0], $0xffff;
	v11 =	vadd.f32 v15, v11;
	v47 =	vmul.f32 v18, v21;
	v48 =	vsub.f32 v28, v6  }
0x288: {  	v19 =	vmul.f32 v19, v22;
	v17 =	vadd.f32 v20, v17;
	v50 =	vsub.f32 v29, v6;
	v51 =	vld.idx.msk [tilespmem:v25+s29+$0x0], $0xffff  }
0x289: {  	[tilespmem:v5+s7+$0x0] =	vst.idx.msk $0xffff, v11;
	v53 =	vld.idx.msk [tilespmem:v26+s29+$0x0], $0xffff;
	v52 =	vmul.f32 v48, v8;
	v54 =	vsub.f32 v31, v6  }
0x28a: {  	v56 =	vld.idx.msk [tilespmem:v25+s30+$0x0], $0xffff;
	v13 =	vadd.f32 v47, v13;
	v55 =	vmul.f32 v50, v8;
	v57 =	vsub.f32 v45, v6  }
0x28b: {  	v12 =	vadd.f32 v19, v12;
	v58 =	vld.idx.msk [tilespmem:v26+s30+$0x0], $0xffff;
	v5 =	vmul.f32 v52, v44;
	v59 =	vmul.f32 v54, v8  }
0x28c: {  	s20 =	sadd.s32 $0x1, s20;
	[tilespmem:v7+s7+$0x0] =	vst.idx.msk $0xffff, v17;
	v60 =	vmul.f32 v55, v49;
	v6 =	vmul.f32 v57, v8  }
0x28d: {  	p0 =	sne.s32 s20, $0x8;
	[tilespmem:v3+s7+$0x0] =	vst.idx.msk $0xffff, v13;
	v3 =	vadd.f32 v5, v30;
	v61 =	vmul.f32 v59, v51  }
.Ltmp11:
0x28e: {  	[tilespmem:v4+s7+$0x0] =	vst.idx.msk $0xffff, v12;
	v63 =	vadd.f32 v60, v46;
	v62 =	vmul.f32 v6, v53;
	(pc) =	sbr.rel @p0 .LBB2_21-.Ltmp11, $4  }
0x28f: {  	[tilespmem:v10+s7+$0x0] =	vst.idx.msk $0xffff, v3;
	v3 =	vadd.f32 v61, v56  }
0x290: {  	[tilespmem:v9+s7+$0x0] =	vst.idx.msk $0xffff, v63;
	v4 =	vadd.f32 v62, v58  }
0x291: {  	[tilespmem:v27+s7+$0x0] =	vst.idx.msk $0xffff, v3  }
0x292: {  	[tilespmem:v2+s7+$0x0] =	vst.idx.msk $0xffff, v4  }
0x293: {  	s1 =	rddreg [dreg:$0x10]  }
0x294: {  	s19 =	simm.s32 $0x0;
	s20 =	rddreg [dreg:$0x11];
	s1 =	sadd.s32 s17, s1  }
0x295: {  	[hbm4b:s1+s19] =	stream.linear.scatter [tilespmem:s19], [sflag:$0x7], $0x4000, $0x38;
	[tilespmem:$0x18900] =	vst v63  }
0x296: {  	s1 =	sadd.s32 s18, s20  }
0x297: {  	[tilespmem:s4], [sflag:$0x4] =	stream.linear.gather [hbm4b:s1+s19], $0x180, $0x38;
	[tilespmem:$0x18900] =	vst v63  }
0x298: {  	_ =	swait.ge [sflag:s16], $0x180  }
0x299: {  	[sflag:s16] =	ssyncset.done $0x0  }
0x29a: {  	[sflag:s16] =	ssyncadd.s32 $0xFFFFFE80  }
0x29b: {  	_ =	swait.ge [sflag:s5], $0x4000  }
0x29c: {  	[sflag:s5] =	ssyncset.done $0x0  }
0x29d: {  	s21 =	simm.s32 $0x18400;
	[sflag:s5] =	ssyncadd.s32 $0xFFFFC000  }
0x29e: {  	[tilespmem:s22], [sflag:$0x3] =	stream.indirect.gather [hbm4b:s0+s3], $0x80, s21, s3, $0xb8;
	[tilespmem:$0x18900] =	vst v63  }
0x29f: {  	s31 =	simm.s32 $0x18480  }
0x2a0: {  	[tilespmem:s24], [sflag:$0x3] =	stream.indirect.gather [hbm4b:s8+s3], $0x80, s31, s3, $0xb8;
	[tilespmem:$0x18900] =	vst v63  }
0x2a1: {  	_ =	swait.ge [sflag:s25], $0x4000  }
0x2a2: {  	[sflag:s25] =	ssyncset.done $0x0  }
0x2a3: {  	[sflag:s25] =	ssyncadd.s32 $0xFFFFC000  }
0x2a4: {  	_ =	swait.ge [sflag:s25], $0x4000  }
0x2a5: {  	[sflag:s25] =	ssyncset.done $0x0  }
0x2a6: {  	s20 =	simm.s32 $0x0;
	[sflag:s25] =	ssyncadd.s32 $0xFFFFC000  }
.LBB2_27:
0x2a7: {  	s1 =	sshll.u32 s20, $0x4  }
0x2a8: {  	v2 =	vld [tilespmem:s1+$0x18300];
	_ =	sdelay $0x3  }
0x2a9: {  	v4 =	vadd.s32 s19, v0;
	v3 =	vmov s1  }
0x2aa: {  	v4 =	vand.u32 $0x7F, v4;
	v3 =	vshll.u32 v3, $0x7;
	v6 =	vshll.u32 v2, $0x7  }
0x2ab: {  	s21 =	simm.s32 $0x3;
	v2 =	vor.u32 v1, v3;
	v5 =	vor.u32 v6, v4  }
0x2ac: {  	s31 =	simm.s32 $0x2;
	v7 =	vadd.s32 s21, v0;
	v3 =	vor.u32 v2, v4  }
0x2ad: {  	v7 =	vand.u32 $0x7F, v7;
	v4 =	vadd.s32 s31, v0  }
0x2ae: {  	v29 =	vor.u32 v2, v7;
	v4 =	vand.u32 $0x7F, v4  }
0x2af: {  	s31 =	simm.s32 $0x1;
	v8 =	vor.u32 v6, v4  }
0x2b0: {  	v9 =	vadd.s32 s31, v0;
	v16 =	vor.u32 v2, v4;
	v10 =	vld.idx.msk [tilespmem:v5+s26+$0x0], $0xffff  }
0x2b1: {  	s21 =	simm.s32 $0x4;
	v9 =	vand.u32 $0x7F, v9;
	v5 =	vld.idx.msk [tilespmem:v3+s12+$0x0], $0xffff  }
0x2b2: {  	v4 =	vadd.s32 s21, v0;
	v15 =	vor.u32 v2, v9;
	v11 =	vld.idx.msk [tilespmem:v3+s14+$0x0], $0xffff  }
0x2b3: {  	v4 =	vand.u32 $0x7F, v4;
	v14 =	vld.idx.msk [tilespmem:v29+s12+$0x0], $0xffff  }
0x2b4: {  	v17 =	vor.u32 v6, v4;
	v4 =	vor.u32 v2, v4;
	v13 =	vld.idx.msk [tilespmem:v8+s26+$0x0], $0xffff  }
0x2b5: {  	v12 =	vld.idx.msk [tilespmem:v16+s12+$0x0], $0xffff  }
0x2b6: {  	v8 =	vor.u32 v6, v9;
	v20 =	vld.idx.msk [tilespmem:v16+s14+$0x0], $0xffff  }
0x2b7: {  	v9 =	vld.idx.msk [tilespmem:v15+s12+$0x0], $0xffff  }
0x2b8: {  	v7 =	vor.u32 v6, v7;
	v18 =	vld.idx.msk [tilespmem:v15+s14+$0x0], $0xffff  }
0x2b9: {  	s21 =	simm.s32 $0x7;
	v28 =	vld.idx.msk [tilespmem:v4+s12+$0x0], $0xffff  }
0x2ba: {  	s31 =	simm.s32 $0x6;
	v21 =	vadd.s32 s21, v0;
	v30 =	vld.idx.msk [tilespmem:v4+s14+$0x0], $0xffff  }
0x2bb: {  	v19 =	vadd.s32 s31, v0;
	s31 =	simm.s32 $0x5;
	v21 =	vand.u32 $0x7F, v21;
	v25 =	vadd.f32 v11, v5;
	v23 =	vld.idx.msk [tilespmem:v8+s26+$0x0], $0xffff  }
0x2bc: {  	v22 =	vadd.s32 s31, v0;
	v5 =	vor.u32 v2, v21;
	v8 =	vand.u32 $0x7F, v19;
	v19 =	vld.idx.msk [tilespmem:v29+s14+$0x0], $0xffff  }
0x2bd: {  	v26 =	vld.idx.msk [tilespmem:v7+s26+$0x0], $0xffff;
	v24 =	vor.u32 v6, v8;
	v7 =	vor.u32 v2, v8;
	v8 =	vadd.f32 v10, v25  }
0x2be: {  	v22 =	vand.u32 $0x7F, v22;
	v10 =	vadd.f32 v18, v9;
	v18 =	vadd.f32 v20, v12  }
0x2bf: {  	v11 =	vld.idx.msk [tilespmem:v17+s26+$0x0], $0xffff;
	v17 =	vimm.f32 $0.0e+00;
	v9 =	vor.u32 v2, v22  }
0x2c0: {  	s21 =	simm.s32 $0x8;
	v28 =	vadd.f32 v30, v28;
	v25 =	vmul.f32 v8, v8;
	v27 =	vadd.f32 v13, v18  }
0x2c1: {  	v20 =	vadd.s32 s21, v0;
	v10 =	vadd.f32 v23, v10;
	v18 =	vadd.f32 v19, v14  }
0x2c2: {  	s31 =	simm.s32 $0xB;
	v22 =	vor.u32 v6, v22;
	v13 =	vld.idx.msk [tilespmem:v5+s12+$0x0], $0xffff;
	v19 =	vadd.f32 v8, v17;
	v17 =	vadd.f32 v25, v17  }
0x2c3: {  	v32 =	vadd.s32 s31, v0;
	v25 =	vand.u32 $0x7F, v20;
	[tilespmem:v16+s12+$0x0] =	vst.idx.msk $0xffff, v27;
	v12 =	vld.idx.msk [tilespmem:v24+s26+$0x0], $0xffff;
	v23 =	vmul.f32 v10, v10  }
0x2c4: {  	v14 =	vld.idx.msk [tilespmem:v7+s12+$0x0], $0xffff;
	[tilespmem:v15+s12+$0x0] =	vst.idx.msk $0xffff, v10;
	v31 =	vadd.f32 v26, v18;
	v10 =	vadd.f32 v10, v19  }
0x2c5: {  	v24 =	vor.u32 v6, v21;
	v15 =	vld.idx.msk [tilespmem:v9+s12+$0x0], $0xffff;
	v19 =	vadd.f32 v23, v17;
	v23 =	vmul.f32 v27, v27  }
0x2c6: {  	s31 =	simm.s32 $0xA;
	v18 =	vor.u32 v6, v25;
	v17 =	vld.idx.msk [tilespmem:v9+s14+$0x0], $0xffff;
	v21 =	vadd.f32 v27, v10;
	v33 =	vmul.f32 v31, v31  }
0x2c7: {  	s21 =	simm.s32 $0x9;
	v20 =	vld.idx.msk [tilespmem:v7+s14+$0x0], $0xffff;
	v10 =	vor.u32 v2, v25;
	v25 =	vadd.s32 s31, v0;
	v19 =	vadd.f32 v23, v19  }
0x2c8: {  	v16 =	vand.u32 $0x7F, v32;
	v26 =	vadd.s32 s21, v0;
	[tilespmem:v29+s12+$0x0] =	vst.idx.msk $0xffff, v31;
	v27 =	vand.u32 $0x7F, v25;
	v23 =	vld.idx.msk [tilespmem:v22+s26+$0x0], $0xffff  }
0x2c9: {  	s21 =	simm.s32 $0xC;
	v22 =	vld.idx.msk [tilespmem:v5+s14+$0x0], $0xffff;
	v21 =	vadd.f32 v31, v21;
	v25 =	vor.u32 v6, v27;
	v19 =	vadd.f32 v33, v19  }
.LBB2_28:
0x2ca: {  	p0 =	slt.u32 s21, $0x7C;
	v26 =	vand.u32 $0x7F, v26;
	v24 =	vld.idx.msk [tilespmem:v24+s26+$0x0], $0xffff;
	[tilespmem:v3+s12+$0x0] =	vst.idx.msk $0xffff, v8;
	v29 =	vmov v5;
	v5 =	vor.u32 v2, v16  }
0x2cb: {  	v30 =	vor.u32 v2, v27;
	v15 =	vadd.f32 v17, v15;
	v8 =	vadd.f32 v11, v28;
	v11 =	vld.idx.msk [tilespmem:v18+s26+$0x0], $0xffff  }
0x2cc: {  	v3 =	vmovc v4;
	v4 =	vmov v10;
	v17 =	vor.u32 v2, v26;
	v14 =	vadd.f32 v20, v14;
	v28 =	vld.idx.msk [tilespmem:v10+s12+$0x0], $0xffff  }
0x2cd: {  	v18 =	vadd.s32 s21, v0;
	v20 =	vadd.f32 v23, v15;
	v31 =	vld.idx.msk [tilespmem:v10+s14+$0x0], $0xffff;
	v10 =	vmul.f32 v8, v8  }
0x2ce: {  	v23 =	vor.u32 v6, v26;
	v27 =	vadd.f32 v12, v14;
	v15 =	vadd.f32 v22, v13;
	v12 =	vld.idx.msk [tilespmem:v25+s26+$0x0], $0xffff  }
0x2cf: {  	v21 =	vadd.f32 v8, v21;
	v13 =	vld.idx.msk [tilespmem:v5+s12+$0x0], $0xffff;
	v10 =	vadd.f32 v10, v19;
	v19 =	vmul.f32 v20, v20  }
0x2d0: {  	v22 =	vand.u32 $0x7F, v18;
	v32 =	vadd.f32 v24, v15;
	v14 =	vld.idx.msk [tilespmem:v30+s12+$0x0], $0xffff;
	[tilespmem:v9+s12+$0x0] =	vst.idx.msk $0xffff, v20;
	v9 =	vmov v17  }
0x2d1: {  	s1 =	sadd.s32 $0x3, s21;
	v21 =	vadd.f32 v20, v21;
	v15 =	vld.idx.msk [tilespmem:v17+s12+$0x0], $0xffff;
	v10 =	vadd.f32 v19, v10;
	v19 =	vmul.f32 v27, v27  }
.Ltmp12:
0x2d2: {  	v33 =	vadd.s32 s1, v0;
	v18 =	vor.u32 v6, v22;
	v24 =	vor.u32 v6, v16;
	v17 =	vld.idx.msk [tilespmem:v17+s14+$0x0], $0xffff;
	(pc) =	sbr.rel @p0 .LBB2_28-.Ltmp12, $4  }
0x2d3: {  	s31 =	sadd.s32 $0x2, s21;
	s1 =	sadd.s32 $0x1, s21;
	v16 =	vadd.f32 v27, v21;
	v25 =	vmul.f32 v32, v32;
	v20 =	vld.idx.msk [tilespmem:v30+s14+$0x0], $0xffff;
	v19 =	vadd.f32 v19, v10  }
0x2d4: {  	v26 =	vadd.s32 s1, v0;
	v21 =	vadd.s32 s31, v0;
	v10 =	vor.u32 v2, v22;
	v23 =	vld.idx.msk [tilespmem:v23+s26+$0x0], $0xffff;
	[tilespmem:v7+s12+$0x0] =	vst.idx.msk $0xffff, v27  }
0x2d5: {  	v27 =	vand.u32 $0x7F, v21;
	v21 =	vadd.f32 v32, v16;
	v7 =	vmovc v30;
	v22 =	vld.idx.msk [tilespmem:v5+s14+$0x0], $0xffff;
	v19 =	vadd.f32 v25, v19  }
0x2d6: {  	s21 =	sadd.s32 $0x4, s21;
	v28 =	vadd.f32 v31, v28;
	v16 =	vand.u32 $0x7F, v33;
	v25 =	vor.u32 v6, v27;
	[tilespmem:v29+s12+$0x0] =	vst.idx.msk $0xffff, v32  }
0x2d7: {  	_ =	sdelay $0x3  }
0x2d8: {  	v29 =	vor.u32 v2, v16;
	v24 =	vld.idx.msk [tilespmem:v24+s26+$0x0], $0xffff  }
0x2d9: {  	v26 =	vand.u32 $0x7F, v26;
	v18 =	vld.idx.msk [tilespmem:v18+s26+$0x0], $0xffff;
	v27 =	vor.u32 v2, v27  }
0x2da: {  	v30 =	vld.idx.msk [tilespmem:v10+s12+$0x0], $0xffff;
	v31 =	vor.u32 v2, v26  }
0x2db: {  	v62 =	vld.idx.msk [tilespmem:v10+s14+$0x0], $0xffff;
	v15 =	vadd.f32 v17, v15  }
0x2dc: {  	v17 =	vld.idx.msk [tilespmem:v25+s26+$0x0], $0xffff;
	v11 =	vadd.f32 v11, v28;
	v14 =	vadd.f32 v20, v14  }
0x2dd: {  	v20 =	vor.u32 v6, v26;
	v25 =	vld.idx.msk [tilespmem:v29+s12+$0x0], $0xffff  }
0x2de: {  	v15 =	vadd.f32 v23, v15;
	v23 =	vmul.f32 v11, v11;
	v12 =	vadd.f32 v12, v14;
	v14 =	vld.idx.msk [tilespmem:v27+s12+$0x0], $0xffff  }
0x2df: {  	v13 =	vadd.f32 v22, v13;
	v21 =	vadd.f32 v11, v21;
	v22 =	vld.idx.msk [tilespmem:v31+s12+$0x0], $0xffff  }
0x2e0: {  	v6 =	vor.u32 v6, v16;
	v19 =	vadd.f32 v23, v19;
	v23 =	vmul.f32 v15, v15;
	v16 =	vld.idx.msk [tilespmem:v31+s14+$0x0], $0xffff  }
0x2e1: {  	v13 =	vadd.f32 v24, v13;
	v21 =	vadd.f32 v15, v21;
	v24 =	vld.idx.msk [tilespmem:v27+s14+$0x0], $0xffff  }
0x2e2: {  	v26 =	vadd.f32 v62, v30;
	v20 =	vld.idx.msk [tilespmem:v20+s26+$0x0], $0xffff;
	v19 =	vadd.f32 v23, v19;
	v23 =	vmul.f32 v12, v12  }
0x2e3: {  	v63 =	vld.idx.msk [tilespmem:v29+s14+$0x0], $0xffff;
	v21 =	vadd.f32 v12, v21  }
0x2e4: {  	v18 =	vadd.f32 v18, v26;
	v19 =	vadd.f32 v23, v19;
	v23 =	vmul.f32 v13, v13  }
0x2e5: {  	v6 =	vld.idx.msk [tilespmem:v6+s26+$0x0], $0xffff;
	v21 =	vadd.f32 v13, v21;
	v16 =	vadd.f32 v16, v22  }
0x2e6: {  	v14 =	vadd.f32 v24, v14;
	v19 =	vadd.f32 v23, v19  }
0x2e7: {  	v22 =	vmul.f32 v18, v18;
	v16 =	vadd.f32 v20, v16;
	v20 =	vadd.f32 v18, v21  }
0x2e8: {  	v14 =	vadd.f32 v17, v14;
	v17 =	vadd.f32 v63, v25  }
0x2e9: {  	v19 =	vadd.f32 v22, v19;
	v21 =	vmul.f32 v16, v16;
	v20 =	vadd.f32 v16, v20  }
0x2ea: {  	v17 =	vadd.f32 v6, v17  }
0x2eb: {  	v6 =	vadd.f32 v21, v19;
	v19 =	vmul.f32 v14, v14;
	v20 =	vadd.f32 v14, v20;
	_ =	sdelay $0x1  }
0x2ec: {  	v6 =	vadd.f32 v19, v6;
	v19 =	vmul.f32 v17, v17;
	v20 =	vadd.f32 v17, v20;
	_ =	sdelay $0x1  }
0x2ed: {  	v19 =	vadd.f32 v19, v6;
	v6 =	vmul.f32 $7.812500000e-03, v20;
	_ =	sdelay $0x1  }
0x2ee: {  	v19 =	vmul.f32 $7.812500000e-03, v19;
	v20 =	vmul.f32 v6, v6;
	_ =	sdelay $0x1  }
0x2ef: {  	v19 =	vsub.f32 v19, v20;
	_ =	sdelay $0x1  }
0x2f0: {  	v19 =	vadd.f32 $9.999999960e-13, v19;
	_ =	sdelay $0x1  }
0x2f1: {  	v20 =	vshra.s32 v19, $0x1;
	v19 =	vmul.f32 $5.000000000e-01, v19  }
0x2f2: {  	v20 =	vsub.s32 $0x5F3759DF, v20  }
0x2f3: {  	v21 =	vmul.f32 v20, v19;
	_ =	sdelay $0x1  }
0x2f4: {  	v21 =	vmul.f32 v20, v21;
	_ =	sdelay $0x1  }
0x2f5: {  	v21 =	vsub.f32 $1.500000000e+00, v21;
	_ =	sdelay $0x1  }
0x2f6: {  	[tilespmem:v3+s12+$0x0] =	vst.idx.msk $0xffff, v8;
	s1 =	simm.s32 $0x0;
	v20 =	vmul.f32 v20, v21  }
0x2f7: {  	s21 =	simm.s32 $0x3;
	[tilespmem:v7+s12+$0x0] =	vst.idx.msk $0xffff, v12;
	v7 =	vadd.s32 s1, v0  }
0x2f8: {  	[tilespmem:v4+s12+$0x0] =	vst.idx.msk $0xffff, v11;
	v8 =	vand.u32 $0x7F, v7;
	v7 =	vadd.s32 s21, v0;
	v3 =	vmul.f32 v20, v19  }
0x2f9: {  	[tilespmem:v9+s12+$0x0] =	vst.idx.msk $0xffff, v15;
	v9 =	vand.u32 $0x7F, v7  }
0x2fa: {  	[tilespmem:v5+s12+$0x0] =	vst.idx.msk $0xffff, v13;
	v7 =	vor.u32 v2, v9;
	v3 =	vmul.f32 v3, v20  }
0x2fb: {  	v5 =	vor.u32 v2, v8;
	[tilespmem:v10+s12+$0x0] =	vst.idx.msk $0xffff, v18  }
0x2fc: {  	s31 =	simm.s32 $0x2;
	[tilespmem:v27+s12+$0x0] =	vst.idx.msk $0xffff, v14;
	v3 =	vsub.f32 $1.500000000e+00, v3  }
0x2fd: {  	v4 =	vadd.s32 s31, v0;
	s21 =	simm.s32 $0x1;
	[tilespmem:v31+s12+$0x0] =	vst.idx.msk $0xffff, v16  }
0x2fe: {  	v13 =	vand.u32 $0x7F, v4;
	[tilespmem:v29+s12+$0x0] =	vst.idx.msk $0xffff, v17;
	v14 =	vmul.f32 v3, v20;
	v3 =	vadd.s32 s21, v0  }
0x2ff: {  	v21 =	vld.idx.msk [tilespmem:v7+s12+$0x0], $0xffff;
	v12 =	vand.u32 $0x7F, v3;
	v3 =	vor.u32 v2, v13  }
0x300: {  	v20 =	vld.idx.msk [tilespmem:v5+s12+$0x0], $0xffff;
	v10 =	vmul.f32 v14, v19;
	v4 =	vor.u32 v2, v12  }
0x301: {  	v11 =	vld.idx.msk [tilespmem:v8+s30+$0x0], $0xffff  }
0x302: {  	v15 =	vld.idx.msk [tilespmem:v8+s29+$0x0], $0xffff;
	v10 =	vmul.f32 v10, v14  }
0x303: {  	s31 =	simm.s32 $0x4;
	v17 =	vld.idx.msk [tilespmem:v9+s30+$0x0], $0xffff  }
0x304: {  	v23 =	vsub.f32 v21, v6;
	s21 =	simm.s32 $0x7;
	v8 =	vsub.f32 $1.500000000e+00, v10;
	v18 =	vld.idx.msk [tilespmem:v3+s12+$0x0], $0xffff;
	v10 =	vadd.s32 s31, v0  }
0x305: {  	v22 =	vsub.f32 v20, v6;
	v19 =	vld.idx.msk [tilespmem:v4+s12+$0x0], $0xffff;
	v16 =	vand.u32 $0x7F, v10;
	v10 =	vadd.s32 s21, v0  }
0x306: {  	v21 =	vld.idx.msk [tilespmem:v13+s29+$0x0], $0xffff;
	v8 =	vmul.f32 v8, v14;
	v14 =	vand.u32 $0x7F, v10;
	v10 =	vor.u32 v2, v16  }
0x307: {  	v20 =	vld.idx.msk [tilespmem:v9+s29+$0x0], $0xffff;
	s31 =	simm.s32 $0x6;
	v9 =	vor.u32 v2, v14  }
0x308: {  	s1 =	simm.s32 $0x5;
	v25 =	vadd.s32 s31, v0;
	s21 =	simm.s32 $0x8;
	v24 =	vmul.f32 v22, v8;
	v22 =	vld.idx.msk [tilespmem:v12+s29+$0x0], $0xffff;
	v23 =	vmul.f32 v23, v8  }
.LBB2_30:
0x309: {  	p0 =	slt.u32 s21, $0x7C;
	v26 =	vadd.s32 s1, v0;
	v18 =	vsub.f32 v18, v6;
	v27 =	vld.idx.msk [tilespmem:v13+s30+$0x0], $0xffff;
	v13 =	vand.u32 $0x7F, v25  }
0x30a: {  	v19 =	vsub.f32 v19, v6;
	v25 =	vor.u32 v2, v13;
	v28 =	vld.idx.msk [tilespmem:v12+s30+$0x0], $0xffff;
	v12 =	vand.u32 $0x7F, v26  }
0x30b: {  	v15 =	vmul.f32 v24, v15;
	v26 =	vld.idx.msk [tilespmem:v10+s12+$0x0], $0xffff;
	v29 =	vor.u32 v2, v12;
	v18 =	vmul.f32 v18, v8  }
0x30c: {  	v19 =	vmul.f32 v19, v8;
	v20 =	vmul.f32 v23, v20;
	v24 =	vld.idx.msk [tilespmem:v9+s12+$0x0], $0xffff  }
0x30d: {  	v23 =	vadd.f32 v15, v11;
	v11 =	vld.idx.msk [tilespmem:v16+s30+$0x0], $0xffff;
	v21 =	vmul.f32 v18, v21  }
0x30e: {  	v18 =	vadd.s32 s21, v0;
	v22 =	vmul.f32 v19, v22;
	v17 =	vadd.f32 v20, v17;
	v15 =	vld.idx.msk [tilespmem:v16+s29+$0x0], $0xffff  }
0x30f: {  	v16 =	vand.u32 $0x7F, v18;
	v18 =	vld.idx.msk [tilespmem:v25+s12+$0x0], $0xffff;
	[tilespmem:v5+s12+$0x0] =	vst.idx.msk $0xffff, v23;
	v20 =	vadd.f32 v21, v27;
	v5 =	vmov v10  }
.Ltmp13:
0x310: {  	s1 =	sadd.s32 $0x3, s21;
	v10 =	vor.u32 v2, v16;
	v21 =	vadd.f32 v22, v28;
	v19 =	vld.idx.msk [tilespmem:v29+s12+$0x0], $0xffff;
	[tilespmem:v7+s12+$0x0] =	vst.idx.msk $0xffff, v17;
	(pc) =	sbr.rel @p0 .LBB2_30-.Ltmp13, $4  }
0x311: {  	v27 =	vadd.s32 s1, v0;
	v22 =	vsub.f32 v26, v6;
	v17 =	vld.idx.msk [tilespmem:v14+s30+$0x0], $0xffff;
	[tilespmem:v3+s12+$0x0] =	vst.idx.msk $0xffff, v20;
	v3 =	vmov v25  }
0x312: {  	v23 =	vsub.f32 v24, v6;
	v20 =	vld.idx.msk [tilespmem:v14+s29+$0x0], $0xffff;
	v14 =	vand.u32 $0x7F, v27;
	[tilespmem:v4+s12+$0x0] =	vst.idx.msk $0xffff, v21;
	v4 =	vmov v29  }
0x313: {  	s31 =	sadd.s32 $0x2, s21;
	v7 =	vmov v9;
	v21 =	vld.idx.msk [tilespmem:v13+s29+$0x0], $0xffff;
	v9 =	vor.u32 v2, v14  }
0x314: {  	s1 =	sadd.s32 $0x1, s21;
	s21 =	sadd.s32 $0x4, s21;
	v25 =	vadd.s32 s31, v0;
	v24 =	vmul.f32 v22, v8;
	v23 =	vmul.f32 v23, v8;
	v22 =	vld.idx.msk [tilespmem:v12+s29+$0x0], $0xffff  }
0x315: {  	_ =	sdelay $0x3  }
0x316: {  	v26 =	vadd.s32 s1, v0;
	v25 =	vand.u32 $0x7F, v25;
	v13 =	vld.idx.msk [tilespmem:v13+s30+$0x0], $0xffff  }
0x317: {  	v12 =	vld.idx.msk [tilespmem:v12+s30+$0x0], $0xffff;
	v26 =	vand.u32 $0x7F, v26;
	v27 =	vor.u32 v2, v25  }
0x318: {  	v28 =	vld.idx.msk [tilespmem:v10+s12+$0x0], $0xffff;
	v2 =	vor.u32 v2, v26  }
0x319: {  	v29 =	vld.idx.msk [tilespmem:v9+s12+$0x0], $0xffff  }
0x31a: {  	v30 =	vld.idx.msk [tilespmem:v16+s30+$0x0], $0xffff  }
0x31b: {  	v18 =	vsub.f32 v18, v6;
	v44 =	vld.idx.msk [tilespmem:v16+s29+$0x0], $0xffff  }
0x31c: {  	v19 =	vsub.f32 v19, v6;
	v31 =	vld.idx.msk [tilespmem:v27+s12+$0x0], $0xffff  }
0x31d: {  	v15 =	vmul.f32 v24, v15;
	v18 =	vmul.f32 v18, v8;
	v45 =	vld.idx.msk [tilespmem:v2+s12+$0x0], $0xffff  }
0x31e: {  	v46 =	vld.idx.msk [tilespmem:v14+s30+$0x0], $0xffff;
	v19 =	vmul.f32 v19, v8;
	v20 =	vmul.f32 v23, v20  }
0x31f: {  	v49 =	vld.idx.msk [tilespmem:v14+s29+$0x0], $0xffff;
	v11 =	vadd.f32 v15, v11;
	v47 =	vmul.f32 v18, v21;
	v48 =	vsub.f32 v28, v6  }
0x320: {  	v19 =	vmul.f32 v19, v22;
	v17 =	vadd.f32 v20, v17;
	v50 =	vsub.f32 v29, v6;
	v51 =	vld.idx.msk [tilespmem:v25+s29+$0x0], $0xffff  }
0x321: {  	[tilespmem:v5+s12+$0x0] =	vst.idx.msk $0xffff, v11;
	v53 =	vld.idx.msk [tilespmem:v26+s29+$0x0], $0xffff;
	v52 =	vmul.f32 v48, v8;
	v54 =	vsub.f32 v31, v6  }
0x322: {  	v56 =	vld.idx.msk [tilespmem:v25+s30+$0x0], $0xffff;
	v13 =	vadd.f32 v47, v13;
	v55 =	vmul.f32 v50, v8;
	v57 =	vsub.f32 v45, v6  }
0x323: {  	v12 =	vadd.f32 v19, v12;
	v58 =	vld.idx.msk [tilespmem:v26+s30+$0x0], $0xffff;
	v5 =	vmul.f32 v52, v44;
	v59 =	vmul.f32 v54, v8  }
0x324: {  	s20 =	sadd.s32 $0x1, s20;
	[tilespmem:v7+s12+$0x0] =	vst.idx.msk $0xffff, v17;
	v60 =	vmul.f32 v55, v49;
	v6 =	vmul.f32 v57, v8  }
0x325: {  	p0 =	sne.s32 s20, $0x8;
	[tilespmem:v3+s12+$0x0] =	vst.idx.msk $0xffff, v13;
	v3 =	vadd.f32 v5, v30;
	v61 =	vmul.f32 v59, v51  }
.Ltmp14:
0x326: {  	[tilespmem:v4+s12+$0x0] =	vst.idx.msk $0xffff, v12;
	v63 =	vadd.f32 v60, v46;
	v62 =	vmul.f32 v6, v53;
	(pc) =	sbr.rel @p0 .LBB2_27-.Ltmp14, $4  }
0x327: {  	[tilespmem:v10+s12+$0x0] =	vst.idx.msk $0xffff, v3;
	v3 =	vadd.f32 v61, v56  }
0x328: {  	[tilespmem:v9+s12+$0x0] =	vst.idx.msk $0xffff, v63;
	v4 =	vadd.f32 v62, v58  }
0x329: {  	[tilespmem:v27+s12+$0x0] =	vst.idx.msk $0xffff, v3  }
0x32a: {  	[tilespmem:v2+s12+$0x0] =	vst.idx.msk $0xffff, v4  }
0x32b: {  	s10 =	sadd.s32 $0x1, s10  }
0x32c: {  	p0 =	sne.s32 s10, $0x13  }
.Ltmp15:
0x32d: {  	s1 =	rddreg [dreg:$0x12];
	(pc) =	sbr.rel @p0 .LBB2_14-.Ltmp15, $4  }
0x32e: {  	s31 =	rddreg [dreg:$0x13];
	s1 =	sadd.s32 s17, s1  }
0x32f: {  	[hbm4b:s1+s7] =	stream.linear.scatter [tilespmem:s12], [sflag:$0x8], $0x4000, $0x38;
	[tilespmem:$0x18900] =	vst v63  }
0x330: {  	s20 =	simm.s32 $0x18200;
	s1 =	sadd.s32 s18, s31  }
0x331: {  	[tilespmem:s20], [sflag:$0x5] =	stream.linear.gather [hbm4b:s1+s7], $0x180, $0x38;
	[tilespmem:$0x18900] =	vst v63  }
0x332: {  	_ =	swait.ge [sflag:s2], $0x180  }
0x333: {  	[sflag:s2] =	ssyncset.done $0x0  }
0x334: {  	[sflag:s2] =	ssyncadd.s32 $0xFFFFFE80  }
0x335: {  	_ =	swait.ge [sflag:s28], $0x4000  }
0x336: {  	[sflag:s28] =	ssyncset.done $0x0  }
0x337: {  	s10 =	simm.s32 $0x0;
	[sflag:s28] =	ssyncadd.s32 $0xFFFFC000  }
0x338: {  	[tilespmem:s10], [sflag:$0x1] =	stream.indirect.gather [hbm4b:s0+s3], $0x80, s4, s3, $0xb8;
	[tilespmem:$0x18900] =	vst v63  }
0x339: {  	s1 =	simm.s32 $0x18080  }
0x33a: {  	[tilespmem:s9], [sflag:$0x1] =	stream.indirect.gather [hbm4b:s8+s3], $0x80, s1, s3, $0xb8;
	[tilespmem:$0x18900] =	vst v63  }
0x33b: {  	_ =	swait.ge [sflag:s6], $0x4000  }
0x33c: {  	[sflag:s6] =	ssyncset.done $0x0  }
0x33d: {  	[sflag:s6] =	ssyncadd.s32 $0xFFFFC000  }
0x33e: {  	_ =	swait.ge [sflag:s6], $0x4000  }
0x33f: {  	[sflag:s6] =	ssyncset.done $0x0  }
0x340: {  	s13 =	simm.s32 $0x0;
	s4 =	rddreg [dreg:$0x18];
	[sflag:s6] =	ssyncadd.s32 $0xFFFFC000  }
.LBB2_34:
0x341: {  	s1 =	sshll.u32 s13, $0x4  }
0x342: {  	v2 =	vld [tilespmem:s1+$0x18500];
	_ =	sdelay $0x3  }
0x343: {  	v4 =	vadd.s32 s10, v0;
	v3 =	vmov s1  }
0x344: {  	v4 =	vand.u32 $0x7F, v4;
	v3 =	vshll.u32 v3, $0x7;
	v6 =	vshll.u32 v2, $0x7  }
0x345: {  	s17 =	simm.s32 $0x3;
	v2 =	vor.u32 v1, v3;
	v5 =	vor.u32 v6, v4  }
0x346: {  	v7 =	vadd.s32 s17, v0;
	s17 =	simm.s32 $0x1;
	v3 =	vor.u32 v2, v4  }
0x347: {  	s31 =	simm.s32 $0x2;
	v7 =	vand.u32 $0x7F, v7;
	v9 =	vadd.s32 s17, v0  }
0x348: {  	v9 =	vand.u32 $0x7F, v9;
	v4 =	vadd.s32 s31, v0;
	v29 =	vor.u32 v2, v7  }
0x349: {  	v15 =	vor.u32 v2, v9;
	v4 =	vand.u32 $0x7F, v4  }
0x34a: {  	v8 =	vor.u32 v6, v4;
	v10 =	vld.idx.msk [tilespmem:v5+s26+$0x0], $0xffff  }
0x34b: {  	s18 =	simm.s32 $0x4;
	v16 =	vor.u32 v2, v4;
	v5 =	vld.idx.msk [tilespmem:v3+s22+$0x0], $0xffff  }
0x34c: {  	v4 =	vadd.s32 s18, v0;
	v11 =	vld.idx.msk [tilespmem:v3+s24+$0x0], $0xffff  }
0x34d: {  	v4 =	vand.u32 $0x7F, v4;
	v14 =	vld.idx.msk [tilespmem:v29+s22+$0x0], $0xffff  }
0x34e: {  	v17 =	vor.u32 v6, v4;
	v4 =	vor.u32 v2, v4;
	v18 =	vld.idx.msk [tilespmem:v15+s24+$0x0], $0xffff  }
0x34f: {  	v13 =	vld.idx.msk [tilespmem:v8+s26+$0x0], $0xffff  }
0x350: {  	v8 =	vor.u32 v6, v9;
	v12 =	vld.idx.msk [tilespmem:v16+s22+$0x0], $0xffff  }
0x351: {  	v9 =	vld.idx.msk [tilespmem:v15+s22+$0x0], $0xffff  }
0x352: {  	v7 =	vor.u32 v6, v7;
	v20 =	vld.idx.msk [tilespmem:v16+s24+$0x0], $0xffff  }
0x353: {  	s21 =	simm.s32 $0x7;
	v28 =	vld.idx.msk [tilespmem:v4+s22+$0x0], $0xffff  }
0x354: {  	s19 =	simm.s32 $0x6;
	v21 =	vadd.s32 s21, v0;
	v30 =	vld.idx.msk [tilespmem:v4+s24+$0x0], $0xffff  }
0x355: {  	v19 =	vadd.s32 s19, v0;
	v21 =	vand.u32 $0x7F, v21;
	s31 =	simm.s32 $0x5;
	v25 =	vadd.f32 v11, v5;
	v23 =	vld.idx.msk [tilespmem:v8+s26+$0x0], $0xffff  }
0x356: {  	v22 =	vadd.s32 s31, v0;
	v5 =	vor.u32 v2, v21;
	v8 =	vand.u32 $0x7F, v19;
	v19 =	vld.idx.msk [tilespmem:v29+s24+$0x0], $0xffff  }
0x357: {  	v26 =	vld.idx.msk [tilespmem:v7+s26+$0x0], $0xffff;
	v24 =	vor.u32 v6, v8;
	v7 =	vor.u32 v2, v8;
	v8 =	vadd.f32 v10, v25  }
0x358: {  	v22 =	vand.u32 $0x7F, v22;
	v10 =	vadd.f32 v18, v9;
	v18 =	vadd.f32 v20, v12  }
0x359: {  	v11 =	vld.idx.msk [tilespmem:v17+s26+$0x0], $0xffff;
	v17 =	vimm.f32 $0.0e+00;
	v9 =	vor.u32 v2, v22  }
0x35a: {  	s18 =	simm.s32 $0x8;
	v28 =	vadd.f32 v30, v28;
	v25 =	vmul.f32 v8, v8;
	v27 =	vadd.f32 v13, v18  }
0x35b: {  	v20 =	vadd.s32 s18, v0;
	v10 =	vadd.f32 v23, v10;
	v18 =	vadd.f32 v19, v14  }
0x35c: {  	s19 =	simm.s32 $0xB;
	v22 =	vor.u32 v6, v22;
	v13 =	vld.idx.msk [tilespmem:v5+s22+$0x0], $0xffff;
	v19 =	vadd.f32 v8, v17;
	v17 =	vadd.f32 v25, v17  }
0x35d: {  	v32 =	vadd.s32 s19, v0;
	v25 =	vand.u32 $0x7F, v20;
	[tilespmem:v16+s22+$0x0] =	vst.idx.msk $0xffff, v27;
	v12 =	vld.idx.msk [tilespmem:v24+s26+$0x0], $0xffff;
	v23 =	vmul.f32 v10, v10  }
0x35e: {  	v14 =	vld.idx.msk [tilespmem:v7+s22+$0x0], $0xffff;
	[tilespmem:v15+s22+$0x0] =	vst.idx.msk $0xffff, v10;
	v31 =	vadd.f32 v26, v18;
	v10 =	vadd.f32 v10, v19  }
0x35f: {  	v24 =	vor.u32 v6, v21;
	v15 =	vld.idx.msk [tilespmem:v9+s22+$0x0], $0xffff;
	v19 =	vadd.f32 v23, v17;
	v23 =	vmul.f32 v27, v27  }
0x360: {  	s31 =	simm.s32 $0xA;
	v18 =	vor.u32 v6, v25;
	v17 =	vld.idx.msk [tilespmem:v9+s24+$0x0], $0xffff;
	v21 =	vadd.f32 v27, v10;
	v33 =	vmul.f32 v31, v31  }
0x361: {  	s21 =	simm.s32 $0x9;
	v20 =	vld.idx.msk [tilespmem:v7+s24+$0x0], $0xffff;
	v10 =	vor.u32 v2, v25;
	v25 =	vadd.s32 s31, v0;
	v19 =	vadd.f32 v23, v19  }
0x362: {  	v16 =	vand.u32 $0x7F, v32;
	v26 =	vadd.s32 s21, v0;
	[tilespmem:v29+s22+$0x0] =	vst.idx.msk $0xffff, v31;
	v27 =	vand.u32 $0x7F, v25;
	v23 =	vld.idx.msk [tilespmem:v22+s26+$0x0], $0xffff  }
0x363: {  	s17 =	simm.s32 $0xC;
	v22 =	vld.idx.msk [tilespmem:v5+s24+$0x0], $0xffff;
	v21 =	vadd.f32 v31, v21;
	v25 =	vor.u32 v6, v27;
	v19 =	vadd.f32 v33, v19  }
.LBB2_35:
0x364: {  	p0 =	slt.u32 s17, $0x7C;
	v26 =	vand.u32 $0x7F, v26;
	v24 =	vld.idx.msk [tilespmem:v24+s26+$0x0], $0xffff;
	[tilespmem:v3+s22+$0x0] =	vst.idx.msk $0xffff, v8;
	v29 =	vmov v5;
	v5 =	vor.u32 v2, v16  }
0x365: {  	v30 =	vor.u32 v2, v27;
	v15 =	vadd.f32 v17, v15;
	v8 =	vadd.f32 v11, v28;
	v11 =	vld.idx.msk [tilespmem:v18+s26+$0x0], $0xffff  }
0x366: {  	v3 =	vmovc v4;
	v4 =	vmov v10;
	v17 =	vor.u32 v2, v26;
	v14 =	vadd.f32 v20, v14;
	v28 =	vld.idx.msk [tilespmem:v10+s22+$0x0], $0xffff  }
0x367: {  	v18 =	vadd.s32 s17, v0;
	v20 =	vadd.f32 v23, v15;
	v31 =	vld.idx.msk [tilespmem:v10+s24+$0x0], $0xffff;
	v10 =	vmul.f32 v8, v8  }
0x368: {  	v23 =	vor.u32 v6, v26;
	v27 =	vadd.f32 v12, v14;
	v15 =	vadd.f32 v22, v13;
	v12 =	vld.idx.msk [tilespmem:v25+s26+$0x0], $0xffff  }
0x369: {  	v21 =	vadd.f32 v8, v21;
	v13 =	vld.idx.msk [tilespmem:v5+s22+$0x0], $0xffff;
	v10 =	vadd.f32 v10, v19;
	v19 =	vmul.f32 v20, v20  }
0x36a: {  	v22 =	vand.u32 $0x7F, v18;
	v32 =	vadd.f32 v24, v15;
	v14 =	vld.idx.msk [tilespmem:v30+s22+$0x0], $0xffff;
	[tilespmem:v9+s22+$0x0] =	vst.idx.msk $0xffff, v20;
	v9 =	vmov v17  }
0x36b: {  	s1 =	sadd.s32 $0x3, s17;
	v21 =	vadd.f32 v20, v21;
	v15 =	vld.idx.msk [tilespmem:v17+s22+$0x0], $0xffff;
	v10 =	vadd.f32 v19, v10;
	v19 =	vmul.f32 v27, v27  }
.Ltmp16:
0x36c: {  	v33 =	vadd.s32 s1, v0;
	v18 =	vor.u32 v6, v22;
	v24 =	vor.u32 v6, v16;
	v17 =	vld.idx.msk [tilespmem:v17+s24+$0x0], $0xffff;
	(pc) =	sbr.rel @p0 .LBB2_35-.Ltmp16, $4  }
0x36d: {  	s18 =	sadd.s32 $0x2, s17;
	s1 =	sadd.s32 $0x1, s17;
	v16 =	vadd.f32 v27, v21;
	v25 =	vmul.f32 v32, v32;
	v20 =	vld.idx.msk [tilespmem:v30+s24+$0x0], $0xffff;
	v19 =	vadd.f32 v19, v10  }
0x36e: {  	v26 =	vadd.s32 s1, v0;
	v21 =	vadd.s32 s18, v0;
	v10 =	vor.u32 v2, v22;
	v23 =	vld.idx.msk [tilespmem:v23+s26+$0x0], $0xffff;
	[tilespmem:v7+s22+$0x0] =	vst.idx.msk $0xffff, v27  }
0x36f: {  	v27 =	vand.u32 $0x7F, v21;
	v21 =	vadd.f32 v32, v16;
	v7 =	vmovc v30;
	v22 =	vld.idx.msk [tilespmem:v5+s24+$0x0], $0xffff;
	v19 =	vadd.f32 v25, v19  }
0x370: {  	s17 =	sadd.s32 $0x4, s17;
	v28 =	vadd.f32 v31, v28;
	v16 =	vand.u32 $0x7F, v33;
	v25 =	vor.u32 v6, v27;
	[tilespmem:v29+s22+$0x0] =	vst.idx.msk $0xffff, v32  }
0x371: {  	_ =	sdelay $0x3  }
0x372: {  	v29 =	vor.u32 v2, v16;
	v24 =	vld.idx.msk [tilespmem:v24+s26+$0x0], $0xffff  }
0x373: {  	v26 =	vand.u32 $0x7F, v26;
	v18 =	vld.idx.msk [tilespmem:v18+s26+$0x0], $0xffff;
	v27 =	vor.u32 v2, v27  }
0x374: {  	v30 =	vld.idx.msk [tilespmem:v10+s22+$0x0], $0xffff;
	v31 =	vor.u32 v2, v26  }
0x375: {  	v62 =	vld.idx.msk [tilespmem:v10+s24+$0x0], $0xffff;
	v15 =	vadd.f32 v17, v15  }
0x376: {  	v17 =	vld.idx.msk [tilespmem:v25+s26+$0x0], $0xffff;
	v11 =	vadd.f32 v11, v28;
	v14 =	vadd.f32 v20, v14  }
0x377: {  	v20 =	vor.u32 v6, v26;
	v25 =	vld.idx.msk [tilespmem:v29+s22+$0x0], $0xffff  }
0x378: {  	v15 =	vadd.f32 v23, v15;
	v23 =	vmul.f32 v11, v11;
	v12 =	vadd.f32 v12, v14;
	v14 =	vld.idx.msk [tilespmem:v27+s22+$0x0], $0xffff  }
0x379: {  	v13 =	vadd.f32 v22, v13;
	v21 =	vadd.f32 v11, v21;
	v22 =	vld.idx.msk [tilespmem:v31+s22+$0x0], $0xffff  }
0x37a: {  	v6 =	vor.u32 v6, v16;
	v19 =	vadd.f32 v23, v19;
	v23 =	vmul.f32 v15, v15;
	v16 =	vld.idx.msk [tilespmem:v31+s24+$0x0], $0xffff  }
0x37b: {  	v13 =	vadd.f32 v24, v13;
	v21 =	vadd.f32 v15, v21;
	v24 =	vld.idx.msk [tilespmem:v27+s24+$0x0], $0xffff  }
0x37c: {  	v26 =	vadd.f32 v62, v30;
	v20 =	vld.idx.msk [tilespmem:v20+s26+$0x0], $0xffff;
	v19 =	vadd.f32 v23, v19;
	v23 =	vmul.f32 v12, v12  }
0x37d: {  	v63 =	vld.idx.msk [tilespmem:v29+s24+$0x0], $0xffff;
	v21 =	vadd.f32 v12, v21  }
0x37e: {  	v18 =	vadd.f32 v18, v26;
	v19 =	vadd.f32 v23, v19;
	v23 =	vmul.f32 v13, v13  }
0x37f: {  	v6 =	vld.idx.msk [tilespmem:v6+s26+$0x0], $0xffff;
	v21 =	vadd.f32 v13, v21;
	v16 =	vadd.f32 v16, v22  }
0x380: {  	v14 =	vadd.f32 v24, v14;
	v19 =	vadd.f32 v23, v19  }
0x381: {  	v22 =	vmul.f32 v18, v18;
	v16 =	vadd.f32 v20, v16;
	v20 =	vadd.f32 v18, v21  }
0x382: {  	v14 =	vadd.f32 v17, v14;
	v17 =	vadd.f32 v63, v25  }
0x383: {  	v19 =	vadd.f32 v22, v19;
	v21 =	vmul.f32 v16, v16;
	v20 =	vadd.f32 v16, v20  }
0x384: {  	v17 =	vadd.f32 v6, v17  }
0x385: {  	v6 =	vadd.f32 v21, v19;
	v19 =	vmul.f32 v14, v14;
	v20 =	vadd.f32 v14, v20;
	_ =	sdelay $0x1  }
0x386: {  	v6 =	vadd.f32 v19, v6;
	v19 =	vmul.f32 v17, v17;
	v20 =	vadd.f32 v17, v20;
	_ =	sdelay $0x1  }
0x387: {  	v19 =	vadd.f32 v19, v6;
	v6 =	vmul.f32 $7.812500000e-03, v20;
	_ =	sdelay $0x1  }
0x388: {  	v19 =	vmul.f32 $7.812500000e-03, v19;
	v20 =	vmul.f32 v6, v6;
	_ =	sdelay $0x1  }
0x389: {  	v19 =	vsub.f32 v19, v20;
	_ =	sdelay $0x1  }
0x38a: {  	v19 =	vadd.f32 $9.999999960e-13, v19;
	_ =	sdelay $0x1  }
0x38b: {  	v20 =	vshra.s32 v19, $0x1;
	v19 =	vmul.f32 $5.000000000e-01, v19  }
0x38c: {  	v20 =	vsub.s32 $0x5F3759DF, v20  }
0x38d: {  	v21 =	vmul.f32 v20, v19;
	_ =	sdelay $0x1  }
0x38e: {  	v21 =	vmul.f32 v20, v21;
	_ =	sdelay $0x1  }
0x38f: {  	v21 =	vsub.f32 $1.500000000e+00, v21;
	_ =	sdelay $0x1  }
0x390: {  	[tilespmem:v3+s22+$0x0] =	vst.idx.msk $0xffff, v8;
	s1 =	simm.s32 $0x0;
	v20 =	vmul.f32 v20, v21  }
0x391: {  	s17 =	simm.s32 $0x3;
	[tilespmem:v7+s22+$0x0] =	vst.idx.msk $0xffff, v12;
	v7 =	vadd.s32 s1, v0  }
0x392: {  	[tilespmem:v4+s22+$0x0] =	vst.idx.msk $0xffff, v11;
	v8 =	vand.u32 $0x7F, v7;
	v7 =	vadd.s32 s17, v0;
	v3 =	vmul.f32 v20, v19  }
0x393: {  	[tilespmem:v9+s22+$0x0] =	vst.idx.msk $0xffff, v15;
	v9 =	vand.u32 $0x7F, v7  }
0x394: {  	[tilespmem:v5+s22+$0x0] =	vst.idx.msk $0xffff, v13;
	v7 =	vor.u32 v2, v9;
	v3 =	vmul.f32 v3, v20  }
0x395: {  	v5 =	vor.u32 v2, v8;
	[tilespmem:v10+s22+$0x0] =	vst.idx.msk $0xffff, v18  }
0x396: {  	s18 =	simm.s32 $0x2;
	[tilespmem:v27+s22+$0x0] =	vst.idx.msk $0xffff, v14;
	v3 =	vsub.f32 $1.500000000e+00, v3  }
0x397: {  	v4 =	vadd.s32 s18, v0;
	s17 =	simm.s32 $0x1;
	[tilespmem:v31+s22+$0x0] =	vst.idx.msk $0xffff, v16  }
0x398: {  	v13 =	vand.u32 $0x7F, v4;
	[tilespmem:v29+s22+$0x0] =	vst.idx.msk $0xffff, v17;
	v14 =	vmul.f32 v3, v20;
	v3 =	vadd.s32 s17, v0  }
0x399: {  	v21 =	vld.idx.msk [tilespmem:v7+s22+$0x0], $0xffff;
	v12 =	vand.u32 $0x7F, v3;
	v3 =	vor.u32 v2, v13  }
0x39a: {  	v20 =	vld.idx.msk [tilespmem:v5+s22+$0x0], $0xffff;
	v10 =	vmul.f32 v14, v19;
	v4 =	vor.u32 v2, v12  }
0x39b: {  	v11 =	vld.idx.msk [tilespmem:v8+s30+$0x0], $0xffff  }
0x39c: {  	v15 =	vld.idx.msk [tilespmem:v8+s29+$0x0], $0xffff;
	v10 =	vmul.f32 v10, v14  }
0x39d: {  	s19 =	simm.s32 $0x4;
	v17 =	vld.idx.msk [tilespmem:v9+s30+$0x0], $0xffff  }
0x39e: {  	s21 =	simm.s32 $0x7;
	v23 =	vsub.f32 v21, v6;
	v8 =	vsub.f32 $1.500000000e+00, v10;
	v18 =	vld.idx.msk [tilespmem:v3+s22+$0x0], $0xffff;
	v10 =	vadd.s32 s19, v0  }
0x39f: {  	v22 =	vsub.f32 v20, v6;
	v19 =	vld.idx.msk [tilespmem:v4+s22+$0x0], $0xffff;
	v16 =	vand.u32 $0x7F, v10;
	v10 =	vadd.s32 s21, v0  }
0x3a0: {  	v21 =	vld.idx.msk [tilespmem:v13+s29+$0x0], $0xffff;
	v8 =	vmul.f32 v8, v14;
	v14 =	vand.u32 $0x7F, v10;
	v10 =	vor.u32 v2, v16  }
0x3a1: {  	s31 =	simm.s32 $0x6;
	v20 =	vld.idx.msk [tilespmem:v9+s29+$0x0], $0xffff;
	v9 =	vor.u32 v2, v14  }
0x3a2: {  	s1 =	simm.s32 $0x5;
	v25 =	vadd.s32 s31, v0;
	s17 =	simm.s32 $0x8;
	v24 =	vmul.f32 v22, v8;
	v22 =	vld.idx.msk [tilespmem:v12+s29+$0x0], $0xffff;
	v23 =	vmul.f32 v23, v8  }
.LBB2_37:
0x3a3: {  	p0 =	slt.u32 s17, $0x7C;
	v26 =	vadd.s32 s1, v0;
	v18 =	vsub.f32 v18, v6;
	v27 =	vld.idx.msk [tilespmem:v13+s30+$0x0], $0xffff;
	v13 =	vand.u32 $0x7F, v25  }
0x3a4: {  	v19 =	vsub.f32 v19, v6;
	v25 =	vor.u32 v2, v13;
	v28 =	vld.idx.msk [tilespmem:v12+s30+$0x0], $0xffff;
	v12 =	vand.u32 $0x7F, v26  }
0x3a5: {  	v15 =	vmul.f32 v24, v15;
	v26 =	vld.idx.msk [tilespmem:v10+s22+$0x0], $0xffff;
	v29 =	vor.u32 v2, v12;
	v18 =	vmul.f32 v18, v8  }
0x3a6: {  	v19 =	vmul.f32 v19, v8;
	v20 =	vmul.f32 v23, v20;
	v24 =	vld.idx.msk [tilespmem:v9+s22+$0x0], $0xffff  }
0x3a7: {  	v23 =	vadd.f32 v15, v11;
	v11 =	vld.idx.msk [tilespmem:v16+s30+$0x0], $0xffff;
	v21 =	vmul.f32 v18, v21  }
0x3a8: {  	v18 =	vadd.s32 s17, v0;
	v22 =	vmul.f32 v19, v22;
	v17 =	vadd.f32 v20, v17;
	v15 =	vld.idx.msk [tilespmem:v16+s29+$0x0], $0xffff  }
0x3a9: {  	v16 =	vand.u32 $0x7F, v18;
	v18 =	vld.idx.msk [tilespmem:v25+s22+$0x0], $0xffff;
	[tilespmem:v5+s22+$0x0] =	vst.idx.msk $0xffff, v23;
	v20 =	vadd.f32 v21, v27;
	v5 =	vmov v10  }
.Ltmp17:
0x3aa: {  	s1 =	sadd.s32 $0x3, s17;
	v10 =	vor.u32 v2, v16;
	v21 =	vadd.f32 v22, v28;
	v19 =	vld.idx.msk [tilespmem:v29+s22+$0x0], $0xffff;
	[tilespmem:v7+s22+$0x0] =	vst.idx.msk $0xffff, v17;
	(pc) =	sbr.rel @p0 .LBB2_37-.Ltmp17, $4  }
0x3ab: {  	v27 =	vadd.s32 s1, v0;
	v22 =	vsub.f32 v26, v6;
	v17 =	vld.idx.msk [tilespmem:v14+s30+$0x0], $0xffff;
	[tilespmem:v3+s22+$0x0] =	vst.idx.msk $0xffff, v20;
	v3 =	vmov v25  }
0x3ac: {  	v23 =	vsub.f32 v24, v6;
	v20 =	vld.idx.msk [tilespmem:v14+s29+$0x0], $0xffff;
	v14 =	vand.u32 $0x7F, v27;
	[tilespmem:v4+s22+$0x0] =	vst.idx.msk $0xffff, v21;
	v4 =	vmov v29  }
0x3ad: {  	s18 =	sadd.s32 $0x2, s17;
	v7 =	vmov v9;
	v21 =	vld.idx.msk [tilespmem:v13+s29+$0x0], $0xffff;
	v9 =	vor.u32 v2, v14  }
0x3ae: {  	s1 =	sadd.s32 $0x1, s17;
	s17 =	sadd.s32 $0x4, s17;
	v25 =	vadd.s32 s18, v0;
	v24 =	vmul.f32 v22, v8;
	v23 =	vmul.f32 v23, v8;
	v22 =	vld.idx.msk [tilespmem:v12+s29+$0x0], $0xffff  }
0x3af: {  	_ =	sdelay $0x3  }
0x3b0: {  	v26 =	vadd.s32 s1, v0;
	v25 =	vand.u32 $0x7F, v25;
	v13 =	vld.idx.msk [tilespmem:v13+s30+$0x0], $0xffff  }
0x3b1: {  	v12 =	vld.idx.msk [tilespmem:v12+s30+$0x0], $0xffff;
	v26 =	vand.u32 $0x7F, v26;
	v27 =	vor.u32 v2, v25  }
0x3b2: {  	v28 =	vld.idx.msk [tilespmem:v10+s22+$0x0], $0xffff;
	v2 =	vor.u32 v2, v26  }
0x3b3: {  	v29 =	vld.idx.msk [tilespmem:v9+s22+$0x0], $0xffff  }
0x3b4: {  	v30 =	vld.idx.msk [tilespmem:v16+s30+$0x0], $0xffff  }
0x3b5: {  	v18 =	vsub.f32 v18, v6;
	v44 =	vld.idx.msk [tilespmem:v16+s29+$0x0], $0xffff  }
0x3b6: {  	v19 =	vsub.f32 v19, v6;
	v31 =	vld.idx.msk [tilespmem:v27+s22+$0x0], $0xffff  }
0x3b7: {  	v15 =	vmul.f32 v24, v15;
	v18 =	vmul.f32 v18, v8;
	v45 =	vld.idx.msk [tilespmem:v2+s22+$0x0], $0xffff  }
0x3b8: {  	v46 =	vld.idx.msk [tilespmem:v14+s30+$0x0], $0xffff;
	v19 =	vmul.f32 v19, v8;
	v20 =	vmul.f32 v23, v20  }
0x3b9: {  	v49 =	vld.idx.msk [tilespmem:v14+s29+$0x0], $0xffff;
	v11 =	vadd.f32 v15, v11;
	v47 =	vmul.f32 v18, v21;
	v48 =	vsub.f32 v28, v6  }
0x3ba: {  	v19 =	vmul.f32 v19, v22;
	v17 =	vadd.f32 v20, v17;
	v50 =	vsub.f32 v29, v6;
	v51 =	vld.idx.msk [tilespmem:v25+s29+$0x0], $0xffff  }
0x3bb: {  	[tilespmem:v5+s22+$0x0] =	vst.idx.msk $0xffff, v11;
	v53 =	vld.idx.msk [tilespmem:v26+s29+$0x0], $0xffff;
	v52 =	vmul.f32 v48, v8;
	v54 =	vsub.f32 v31, v6  }
0x3bc: {  	v56 =	vld.idx.msk [tilespmem:v25+s30+$0x0], $0xffff;
	v13 =	vadd.f32 v47, v13;
	v55 =	vmul.f32 v50, v8;
	v57 =	vsub.f32 v45, v6  }
0x3bd: {  	v12 =	vadd.f32 v19, v12;
	v58 =	vld.idx.msk [tilespmem:v26+s30+$0x0], $0xffff;
	v5 =	vmul.f32 v52, v44;
	v59 =	vmul.f32 v54, v8  }
0x3be: {  	s13 =	sadd.s32 $0x1, s13;
	[tilespmem:v7+s22+$0x0] =	vst.idx.msk $0xffff, v17;
	v60 =	vmul.f32 v55, v49;
	v6 =	vmul.f32 v57, v8  }
0x3bf: {  	p0 =	sne.s32 s13, $0x8;
	[tilespmem:v3+s22+$0x0] =	vst.idx.msk $0xffff, v13;
	v3 =	vadd.f32 v5, v30;
	v61 =	vmul.f32 v59, v51  }
.Ltmp18:
0x3c0: {  	[tilespmem:v4+s22+$0x0] =	vst.idx.msk $0xffff, v12;
	v63 =	vadd.f32 v60, v46;
	v62 =	vmul.f32 v6, v53;
	(pc) =	sbr.rel @p0 .LBB2_34-.Ltmp18, $4  }
0x3c1: {  	[tilespmem:v10+s22+$0x0] =	vst.idx.msk $0xffff, v3;
	v3 =	vadd.f32 v61, v56  }
0x3c2: {  	[tilespmem:v9+s22+$0x0] =	vst.idx.msk $0xffff, v63;
	v4 =	vadd.f32 v62, v58  }
0x3c3: {  	[tilespmem:v27+s22+$0x0] =	vst.idx.msk $0xffff, v3  }
0x3c4: {  	[tilespmem:v2+s22+$0x0] =	vst.idx.msk $0xffff, v4  }
0x3c5: {  	s10 =	simm.s32 $0x0;
	s1 =	rddreg [dreg:$0x14]  }
0x3c6: {  	[hbm4b:s1+s10] =	stream.linear.scatter [tilespmem:s22], [sflag:$0x9], $0x4000, $0x38;
	[tilespmem:$0x18900] =	vst v63  }
0x3c7: {  	_ =	swait.ge [sflag:s11], $0x180  }
0x3c8: {  	[sflag:s11] =	ssyncset.done $0x0  }
0x3c9: {  	[sflag:s11] =	ssyncadd.s32 $0xFFFFFE80  }
0x3ca: {  	_ =	swait.ge [sflag:s23], $0x4000  }
0x3cb: {  	[sflag:s23] =	ssyncset.done $0x0  }
0x3cc: {  	[sflag:s23] =	ssyncadd.s32 $0xFFFFC000  }
0x3cd: {  	[tilespmem:s12], [sflag:$0x2] =	stream.indirect.gather [hbm4b:s0+s3], $0x80, s20, s3, $0xb8;
	[tilespmem:$0x18900] =	vst v63  }
0x3ce: {  	s31 =	simm.s32 $0x18280  }
0x3cf: {  	[tilespmem:s14], [sflag:$0x2] =	stream.indirect.gather [hbm4b:s8+s3], $0x80, s31, s3, $0xb8;
	[tilespmem:$0x18900] =	vst v63  }
0x3d0: {  	_ =	swait.ge [sflag:s15], $0x4000  }
0x3d1: {  	[sflag:s15] =	ssyncset.done $0x0  }
0x3d2: {  	[sflag:s15] =	ssyncadd.s32 $0xFFFFC000  }
0x3d3: {  	_ =	swait.ge [sflag:s15], $0x4000  }
0x3d4: {  	[sflag:s15] =	ssyncset.done $0x0  }
0x3d5: {  	s13 =	simm.s32 $0x0;
	[sflag:s15] =	ssyncadd.s32 $0xFFFFC000  }
.LBB2_40:
0x3d6: {  	s1 =	sshll.u32 s13, $0x4  }
0x3d7: {  	v2 =	vld [tilespmem:s1+$0x18100];
	_ =	sdelay $0x3  }
0x3d8: {  	v4 =	vadd.s32 s10, v0;
	v3 =	vmov s1  }
0x3d9: {  	v4 =	vand.u32 $0x7F, v4;
	v3 =	vshll.u32 v3, $0x7;
	v6 =	vshll.u32 v2, $0x7  }
0x3da: {  	s17 =	simm.s32 $0x3;
	v2 =	vor.u32 v1, v3;
	v5 =	vor.u32 v6, v4  }
0x3db: {  	v7 =	vadd.s32 s17, v0;
	s17 =	simm.s32 $0x1;
	v3 =	vor.u32 v2, v4  }
0x3dc: {  	s31 =	simm.s32 $0x2;
	v7 =	vand.u32 $0x7F, v7;
	v9 =	vadd.s32 s17, v0  }
0x3dd: {  	v9 =	vand.u32 $0x7F, v9;
	v4 =	vadd.s32 s31, v0;
	v29 =	vor.u32 v2, v7  }
0x3de: {  	v15 =	vor.u32 v2, v9;
	v4 =	vand.u32 $0x7F, v4  }
0x3df: {  	v8 =	vor.u32 v6, v4;
	v10 =	vld.idx.msk [tilespmem:v5+s26+$0x0], $0xffff  }
0x3e0: {  	s18 =	simm.s32 $0x4;
	v16 =	vor.u32 v2, v4;
	v5 =	vld.idx.msk [tilespmem:v3+s7+$0x0], $0xffff  }
0x3e1: {  	v4 =	vadd.s32 s18, v0;
	v11 =	vld.idx.msk [tilespmem:v3+s9+$0x0], $0xffff  }
0x3e2: {  	v4 =	vand.u32 $0x7F, v4;
	v14 =	vld.idx.msk [tilespmem:v29+s7+$0x0], $0xffff  }
0x3e3: {  	v17 =	vor.u32 v6, v4;
	v4 =	vor.u32 v2, v4;
	v18 =	vld.idx.msk [tilespmem:v15+s9+$0x0], $0xffff  }
0x3e4: {  	v13 =	vld.idx.msk [tilespmem:v8+s26+$0x0], $0xffff  }
0x3e5: {  	v8 =	vor.u32 v6, v9;
	v12 =	vld.idx.msk [tilespmem:v16+s7+$0x0], $0xffff  }
0x3e6: {  	v9 =	vld.idx.msk [tilespmem:v15+s7+$0x0], $0xffff  }
0x3e7: {  	v7 =	vor.u32 v6, v7;
	v20 =	vld.idx.msk [tilespmem:v16+s9+$0x0], $0xffff  }
0x3e8: {  	s21 =	simm.s32 $0x7;
	v28 =	vld.idx.msk [tilespmem:v4+s7+$0x0], $0xffff  }
0x3e9: {  	s19 =	simm.s32 $0x6;
	v21 =	vadd.s32 s21, v0;
	v30 =	vld.idx.msk [tilespmem:v4+s9+$0x0], $0xffff  }
0x3ea: {  	v19 =	vadd.s32 s19, v0;
	v21 =	vand.u32 $0x7F, v21;
	s31 =	simm.s32 $0x5;
	v25 =	vadd.f32 v11, v5;
	v23 =	vld.idx.msk [tilespmem:v8+s26+$0x0], $0xffff  }
0x3eb: {  	v22 =	vadd.s32 s31, v0;
	v5 =	vor.u32 v2, v21;
	v8 =	vand.u32 $0x7F, v19;
	v19 =	vld.idx.msk [tilespmem:v29+s9+$0x0], $0xffff  }
0x3ec: {  	v26 =	vld.idx.msk [tilespmem:v7+s26+$0x0], $0xffff;
	v24 =	vor.u32 v6, v8;
	v7 =	vor.u32 v2, v8;
	v8 =	vadd.f32 v10, v25  }
0x3ed: {  	v22 =	vand.u32 $0x7F, v22;
	v10 =	vadd.f32 v18, v9;
	v18 =	vadd.f32 v20, v12  }
0x3ee: {  	v11 =	vld.idx.msk [tilespmem:v17+s26+$0x0], $0xffff;
	v17 =	vimm.f32 $0.0e+00;
	v9 =	vor.u32 v2, v22  }
0x3ef: {  	s18 =	simm.s32 $0x8;
	v28 =	vadd.f32 v30, v28;
	v25 =	vmul.f32 v8, v8;
	v27 =	vadd.f32 v13, v18  }
0x3f0: {  	v20 =	vadd.s32 s18, v0;
	v10 =	vadd.f32 v23, v10;
	v18 =	vadd.f32 v19, v14  }
0x3f1: {  	s19 =	simm.s32 $0xB;
	v22 =	vor.u32 v6, v22;
	v13 =	vld.idx.msk [tilespmem:v5+s7+$0x0], $0xffff;
	v19 =	vadd.f32 v8, v17;
	v17 =	vadd.f32 v25, v17  }
0x3f2: {  	v32 =	vadd.s32 s19, v0;
	v25 =	vand.u32 $0x7F, v20;
	[tilespmem:v16+s7+$0x0] =	vst.idx.msk $0xffff, v27;
	v12 =	vld.idx.msk [tilespmem:v24+s26+$0x0], $0xffff;
	v23 =	vmul.f32 v10, v10  }
0x3f3: {  	v14 =	vld.idx.msk [tilespmem:v7+s7+$0x0], $0xffff;
	[tilespmem:v15+s7+$0x0] =	vst.idx.msk $0xffff, v10;
	v31 =	vadd.f32 v26, v18;
	v10 =	vadd.f32 v10, v19  }
0x3f4: {  	v24 =	vor.u32 v6, v21;
	v15 =	vld.idx.msk [tilespmem:v9+s7+$0x0], $0xffff;
	v19 =	vadd.f32 v23, v17;
	v23 =	vmul.f32 v27, v27  }
0x3f5: {  	s31 =	simm.s32 $0xA;
	v18 =	vor.u32 v6, v25;
	v17 =	vld.idx.msk [tilespmem:v9+s9+$0x0], $0xffff;
	v21 =	vadd.f32 v27, v10;
	v33 =	vmul.f32 v31, v31  }
0x3f6: {  	s21 =	simm.s32 $0x9;
	v20 =	vld.idx.msk [tilespmem:v7+s9+$0x0], $0xffff;
	v10 =	vor.u32 v2, v25;
	v25 =	vadd.s32 s31, v0;
	v19 =	vadd.f32 v23, v19  }
0x3f7: {  	v16 =	vand.u32 $0x7F, v32;
	v26 =	vadd.s32 s21, v0;
	[tilespmem:v29+s7+$0x0] =	vst.idx.msk $0xffff, v31;
	v27 =	vand.u32 $0x7F, v25;
	v23 =	vld.idx.msk [tilespmem:v22+s26+$0x0], $0xffff  }
0x3f8: {  	s17 =	simm.s32 $0xC;
	v22 =	vld.idx.msk [tilespmem:v5+s9+$0x0], $0xffff;
	v21 =	vadd.f32 v31, v21;
	v25 =	vor.u32 v6, v27;
	v19 =	vadd.f32 v33, v19  }
.LBB2_41:
0x3f9: {  	p0 =	slt.u32 s17, $0x7C;
	v26 =	vand.u32 $0x7F, v26;
	v24 =	vld.idx.msk [tilespmem:v24+s26+$0x0], $0xffff;
	[tilespmem:v3+s7+$0x0] =	vst.idx.msk $0xffff, v8;
	v29 =	vmov v5;
	v5 =	vor.u32 v2, v16  }
0x3fa: {  	v30 =	vor.u32 v2, v27;
	v15 =	vadd.f32 v17, v15;
	v8 =	vadd.f32 v11, v28;
	v11 =	vld.idx.msk [tilespmem:v18+s26+$0x0], $0xffff  }
0x3fb: {  	v3 =	vmovc v4;
	v4 =	vmov v10;
	v17 =	vor.u32 v2, v26;
	v14 =	vadd.f32 v20, v14;
	v28 =	vld.idx.msk [tilespmem:v10+s7+$0x0], $0xffff  }
0x3fc: {  	v18 =	vadd.s32 s17, v0;
	v20 =	vadd.f32 v23, v15;
	v31 =	vld.idx.msk [tilespmem:v10+s9+$0x0], $0xffff;
	v10 =	vmul.f32 v8, v8  }
0x3fd: {  	v23 =	vor.u32 v6, v26;
	v27 =	vadd.f32 v12, v14;
	v15 =	vadd.f32 v22, v13;
	v12 =	vld.idx.msk [tilespmem:v25+s26+$0x0], $0xffff  }
0x3fe: {  	v21 =	vadd.f32 v8, v21;
	v13 =	vld.idx.msk [tilespmem:v5+s7+$0x0], $0xffff;
	v10 =	vadd.f32 v10, v19;
	v19 =	vmul.f32 v20, v20  }
0x3ff: {  	v22 =	vand.u32 $0x7F, v18;
	v32 =	vadd.f32 v24, v15;
	v14 =	vld.idx.msk [tilespmem:v30+s7+$0x0], $0xffff;
	[tilespmem:v9+s7+$0x0] =	vst.idx.msk $0xffff, v20;
	v9 =	vmov v17  }
0x400: {  	s1 =	sadd.s32 $0x3, s17;
	v21 =	vadd.f32 v20, v21;
	v15 =	vld.idx.msk [tilespmem:v17+s7+$0x0], $0xffff;
	v10 =	vadd.f32 v19, v10;
	v19 =	vmul.f32 v27, v27  }
.Ltmp19:
0x401: {  	v33 =	vadd.s32 s1, v0;
	v18 =	vor.u32 v6, v22;
	v24 =	vor.u32 v6, v16;
	v17 =	vld.idx.msk [tilespmem:v17+s9+$0x0], $0xffff;
	(pc) =	sbr.rel @p0 .LBB2_41-.Ltmp19, $4  }
0x402: {  	s18 =	sadd.s32 $0x2, s17;
	s1 =	sadd.s32 $0x1, s17;
	v16 =	vadd.f32 v27, v21;
	v25 =	vmul.f32 v32, v32;
	v20 =	vld.idx.msk [tilespmem:v30+s9+$0x0], $0xffff;
	v19 =	vadd.f32 v19, v10  }
0x403: {  	v26 =	vadd.s32 s1, v0;
	v21 =	vadd.s32 s18, v0;
	v10 =	vor.u32 v2, v22;
	v23 =	vld.idx.msk [tilespmem:v23+s26+$0x0], $0xffff;
	[tilespmem:v7+s7+$0x0] =	vst.idx.msk $0xffff, v27  }
0x404: {  	v27 =	vand.u32 $0x7F, v21;
	v21 =	vadd.f32 v32, v16;
	v7 =	vmovc v30;
	v22 =	vld.idx.msk [tilespmem:v5+s9+$0x0], $0xffff;
	v19 =	vadd.f32 v25, v19  }
0x405: {  	s17 =	sadd.s32 $0x4, s17;
	v28 =	vadd.f32 v31, v28;
	v16 =	vand.u32 $0x7F, v33;
	v25 =	vor.u32 v6, v27;
	[tilespmem:v29+s7+$0x0] =	vst.idx.msk $0xffff, v32  }
0x406: {  	_ =	sdelay $0x3  }
0x407: {  	v29 =	vor.u32 v2, v16;
	v24 =	vld.idx.msk [tilespmem:v24+s26+$0x0], $0xffff  }
0x408: {  	v26 =	vand.u32 $0x7F, v26;
	v18 =	vld.idx.msk [tilespmem:v18+s26+$0x0], $0xffff;
	v27 =	vor.u32 v2, v27  }
0x409: {  	v30 =	vld.idx.msk [tilespmem:v10+s7+$0x0], $0xffff;
	v31 =	vor.u32 v2, v26  }
0x40a: {  	v62 =	vld.idx.msk [tilespmem:v10+s9+$0x0], $0xffff;
	v15 =	vadd.f32 v17, v15  }
0x40b: {  	v17 =	vld.idx.msk [tilespmem:v25+s26+$0x0], $0xffff;
	v11 =	vadd.f32 v11, v28;
	v14 =	vadd.f32 v20, v14  }
0x40c: {  	v20 =	vor.u32 v6, v26;
	v25 =	vld.idx.msk [tilespmem:v29+s7+$0x0], $0xffff  }
0x40d: {  	v15 =	vadd.f32 v23, v15;
	v23 =	vmul.f32 v11, v11;
	v12 =	vadd.f32 v12, v14;
	v14 =	vld.idx.msk [tilespmem:v27+s7+$0x0], $0xffff  }
0x40e: {  	v13 =	vadd.f32 v22, v13;
	v21 =	vadd.f32 v11, v21;
	v22 =	vld.idx.msk [tilespmem:v31+s7+$0x0], $0xffff  }
0x40f: {  	v6 =	vor.u32 v6, v16;
	v19 =	vadd.f32 v23, v19;
	v23 =	vmul.f32 v15, v15;
	v16 =	vld.idx.msk [tilespmem:v31+s9+$0x0], $0xffff  }
0x410: {  	v13 =	vadd.f32 v24, v13;
	v21 =	vadd.f32 v15, v21;
	v24 =	vld.idx.msk [tilespmem:v27+s9+$0x0], $0xffff  }
0x411: {  	v26 =	vadd.f32 v62, v30;
	v20 =	vld.idx.msk [tilespmem:v20+s26+$0x0], $0xffff;
	v19 =	vadd.f32 v23, v19;
	v23 =	vmul.f32 v12, v12  }
0x412: {  	v63 =	vld.idx.msk [tilespmem:v29+s9+$0x0], $0xffff;
	v21 =	vadd.f32 v12, v21  }
0x413: {  	v18 =	vadd.f32 v18, v26;
	v19 =	vadd.f32 v23, v19;
	v23 =	vmul.f32 v13, v13  }
0x414: {  	v6 =	vld.idx.msk [tilespmem:v6+s26+$0x0], $0xffff;
	v21 =	vadd.f32 v13, v21;
	v16 =	vadd.f32 v16, v22  }
0x415: {  	v14 =	vadd.f32 v24, v14;
	v19 =	vadd.f32 v23, v19  }
0x416: {  	v22 =	vmul.f32 v18, v18;
	v16 =	vadd.f32 v20, v16;
	v20 =	vadd.f32 v18, v21  }
0x417: {  	v14 =	vadd.f32 v17, v14;
	v17 =	vadd.f32 v63, v25  }
0x418: {  	v19 =	vadd.f32 v22, v19;
	v21 =	vmul.f32 v16, v16;
	v20 =	vadd.f32 v16, v20  }
0x419: {  	v17 =	vadd.f32 v6, v17  }
0x41a: {  	v6 =	vadd.f32 v21, v19;
	v19 =	vmul.f32 v14, v14;
	v20 =	vadd.f32 v14, v20;
	_ =	sdelay $0x1  }
0x41b: {  	v6 =	vadd.f32 v19, v6;
	v19 =	vmul.f32 v17, v17;
	v20 =	vadd.f32 v17, v20;
	_ =	sdelay $0x1  }
0x41c: {  	v19 =	vadd.f32 v19, v6;
	v6 =	vmul.f32 $7.812500000e-03, v20;
	_ =	sdelay $0x1  }
0x41d: {  	v19 =	vmul.f32 $7.812500000e-03, v19;
	v20 =	vmul.f32 v6, v6;
	_ =	sdelay $0x1  }
0x41e: {  	v19 =	vsub.f32 v19, v20;
	_ =	sdelay $0x1  }
0x41f: {  	v19 =	vadd.f32 $9.999999960e-13, v19;
	_ =	sdelay $0x1  }
0x420: {  	v20 =	vshra.s32 v19, $0x1;
	v19 =	vmul.f32 $5.000000000e-01, v19  }
0x421: {  	v20 =	vsub.s32 $0x5F3759DF, v20  }
0x422: {  	v21 =	vmul.f32 v20, v19;
	_ =	sdelay $0x1  }
0x423: {  	v21 =	vmul.f32 v20, v21;
	_ =	sdelay $0x1  }
0x424: {  	v21 =	vsub.f32 $1.500000000e+00, v21;
	_ =	sdelay $0x1  }
0x425: {  	[tilespmem:v3+s7+$0x0] =	vst.idx.msk $0xffff, v8;
	s1 =	simm.s32 $0x0;
	v20 =	vmul.f32 v20, v21  }
0x426: {  	s17 =	simm.s32 $0x3;
	[tilespmem:v7+s7+$0x0] =	vst.idx.msk $0xffff, v12;
	v7 =	vadd.s32 s1, v0  }
0x427: {  	[tilespmem:v4+s7+$0x0] =	vst.idx.msk $0xffff, v11;
	v8 =	vand.u32 $0x7F, v7;
	v7 =	vadd.s32 s17, v0;
	v3 =	vmul.f32 v20, v19  }
0x428: {  	[tilespmem:v9+s7+$0x0] =	vst.idx.msk $0xffff, v15;
	v9 =	vand.u32 $0x7F, v7  }
0x429: {  	[tilespmem:v5+s7+$0x0] =	vst.idx.msk $0xffff, v13;
	v7 =	vor.u32 v2, v9;
	v3 =	vmul.f32 v3, v20  }
0x42a: {  	v5 =	vor.u32 v2, v8;
	[tilespmem:v10+s7+$0x0] =	vst.idx.msk $0xffff, v18  }
0x42b: {  	s18 =	simm.s32 $0x2;
	[tilespmem:v27+s7+$0x0] =	vst.idx.msk $0xffff, v14;
	v3 =	vsub.f32 $1.500000000e+00, v3  }
0x42c: {  	v4 =	vadd.s32 s18, v0;
	s17 =	simm.s32 $0x1;
	[tilespmem:v31+s7+$0x0] =	vst.idx.msk $0xffff, v16  }
0x42d: {  	v13 =	vand.u32 $0x7F, v4;
	[tilespmem:v29+s7+$0x0] =	vst.idx.msk $0xffff, v17;
	v14 =	vmul.f32 v3, v20;
	v3 =	vadd.s32 s17, v0  }
0x42e: {  	v21 =	vld.idx.msk [tilespmem:v7+s7+$0x0], $0xffff;
	v12 =	vand.u32 $0x7F, v3;
	v3 =	vor.u32 v2, v13  }
0x42f: {  	v20 =	vld.idx.msk [tilespmem:v5+s7+$0x0], $0xffff;
	v10 =	vmul.f32 v14, v19;
	v4 =	vor.u32 v2, v12  }
0x430: {  	v11 =	vld.idx.msk [tilespmem:v8+s30+$0x0], $0xffff  }
0x431: {  	v15 =	vld.idx.msk [tilespmem:v8+s29+$0x0], $0xffff;
	v10 =	vmul.f32 v10, v14  }
0x432: {  	s19 =	simm.s32 $0x4;
	v17 =	vld.idx.msk [tilespmem:v9+s30+$0x0], $0xffff  }
0x433: {  	s21 =	simm.s32 $0x7;
	v23 =	vsub.f32 v21, v6;
	v8 =	vsub.f32 $1.500000000e+00, v10;
	v18 =	vld.idx.msk [tilespmem:v3+s7+$0x0], $0xffff;
	v10 =	vadd.s32 s19, v0  }
0x434: {  	v22 =	vsub.f32 v20, v6;
	v19 =	vld.idx.msk [tilespmem:v4+s7+$0x0], $0xffff;
	v16 =	vand.u32 $0x7F, v10;
	v10 =	vadd.s32 s21, v0  }
0x435: {  	v21 =	vld.idx.msk [tilespmem:v13+s29+$0x0], $0xffff;
	v8 =	vmul.f32 v8, v14;
	v14 =	vand.u32 $0x7F, v10;
	v10 =	vor.u32 v2, v16  }
0x436: {  	s31 =	simm.s32 $0x6;
	v20 =	vld.idx.msk [tilespmem:v9+s29+$0x0], $0xffff;
	v9 =	vor.u32 v2, v14  }
0x437: {  	s1 =	simm.s32 $0x5;
	v25 =	vadd.s32 s31, v0;
	s17 =	simm.s32 $0x8;
	v24 =	vmul.f32 v22, v8;
	v22 =	vld.idx.msk [tilespmem:v12+s29+$0x0], $0xffff;
	v23 =	vmul.f32 v23, v8  }
.LBB2_43:
0x438: {  	p0 =	slt.u32 s17, $0x7C;
	v26 =	vadd.s32 s1, v0;
	v18 =	vsub.f32 v18, v6;
	v27 =	vld.idx.msk [tilespmem:v13+s30+$0x0], $0xffff;
	v13 =	vand.u32 $0x7F, v25  }
0x439: {  	v19 =	vsub.f32 v19, v6;
	v25 =	vor.u32 v2, v13;
	v28 =	vld.idx.msk [tilespmem:v12+s30+$0x0], $0xffff;
	v12 =	vand.u32 $0x7F, v26  }
0x43a: {  	v15 =	vmul.f32 v24, v15;
	v26 =	vld.idx.msk [tilespmem:v10+s7+$0x0], $0xffff;
	v29 =	vor.u32 v2, v12;
	v18 =	vmul.f32 v18, v8  }
0x43b: {  	v19 =	vmul.f32 v19, v8;
	v20 =	vmul.f32 v23, v20;
	v24 =	vld.idx.msk [tilespmem:v9+s7+$0x0], $0xffff  }
0x43c: {  	v23 =	vadd.f32 v15, v11;
	v11 =	vld.idx.msk [tilespmem:v16+s30+$0x0], $0xffff;
	v21 =	vmul.f32 v18, v21  }
0x43d: {  	v18 =	vadd.s32 s17, v0;
	v22 =	vmul.f32 v19, v22;
	v17 =	vadd.f32 v20, v17;
	v15 =	vld.idx.msk [tilespmem:v16+s29+$0x0], $0xffff  }
0x43e: {  	v16 =	vand.u32 $0x7F, v18;
	v18 =	vld.idx.msk [tilespmem:v25+s7+$0x0], $0xffff;
	[tilespmem:v5+s7+$0x0] =	vst.idx.msk $0xffff, v23;
	v20 =	vadd.f32 v21, v27;
	v5 =	vmov v10  }
.Ltmp20:
0x43f: {  	s1 =	sadd.s32 $0x3, s17;
	v10 =	vor.u32 v2, v16;
	v21 =	vadd.f32 v22, v28;
	v19 =	vld.idx.msk [tilespmem:v29+s7+$0x0], $0xffff;
	[tilespmem:v7+s7+$0x0] =	vst.idx.msk $0xffff, v17;
	(pc) =	sbr.rel @p0 .LBB2_43-.Ltmp20, $4  }
0x440: {  	v27 =	vadd.s32 s1, v0;
	v22 =	vsub.f32 v26, v6;
	v17 =	vld.idx.msk [tilespmem:v14+s30+$0x0], $0xffff;
	[tilespmem:v3+s7+$0x0] =	vst.idx.msk $0xffff, v20;
	v3 =	vmov v25  }
0x441: {  	v23 =	vsub.f32 v24, v6;
	v20 =	vld.idx.msk [tilespmem:v14+s29+$0x0], $0xffff;
	v14 =	vand.u32 $0x7F, v27;
	[tilespmem:v4+s7+$0x0] =	vst.idx.msk $0xffff, v21;
	v4 =	vmov v29  }
0x442: {  	s18 =	sadd.s32 $0x2, s17;
	v7 =	vmov v9;
	v21 =	vld.idx.msk [tilespmem:v13+s29+$0x0], $0xffff;
	v9 =	vor.u32 v2, v14  }
0x443: {  	s1 =	sadd.s32 $0x1, s17;
	s17 =	sadd.s32 $0x4, s17;
	v25 =	vadd.s32 s18, v0;
	v24 =	vmul.f32 v22, v8;
	v23 =	vmul.f32 v23, v8;
	v22 =	vld.idx.msk [tilespmem:v12+s29+$0x0], $0xffff  }
0x444: {  	_ =	sdelay $0x3  }
0x445: {  	v26 =	vadd.s32 s1, v0;
	v25 =	vand.u32 $0x7F, v25;
	v13 =	vld.idx.msk [tilespmem:v13+s30+$0x0], $0xffff  }
0x446: {  	v12 =	vld.idx.msk [tilespmem:v12+s30+$0x0], $0xffff;
	v26 =	vand.u32 $0x7F, v26;
	v27 =	vor.u32 v2, v25  }
0x447: {  	v28 =	vld.idx.msk [tilespmem:v10+s7+$0x0], $0xffff;
	v2 =	vor.u32 v2, v26  }
0x448: {  	v29 =	vld.idx.msk [tilespmem:v9+s7+$0x0], $0xffff  }
0x449: {  	v30 =	vld.idx.msk [tilespmem:v16+s30+$0x0], $0xffff  }
0x44a: {  	v18 =	vsub.f32 v18, v6;
	v44 =	vld.idx.msk [tilespmem:v16+s29+$0x0], $0xffff  }
0x44b: {  	v19 =	vsub.f32 v19, v6;
	v31 =	vld.idx.msk [tilespmem:v27+s7+$0x0], $0xffff  }
0x44c: {  	v15 =	vmul.f32 v24, v15;
	v18 =	vmul.f32 v18, v8;
	v45 =	vld.idx.msk [tilespmem:v2+s7+$0x0], $0xffff  }
0x44d: {  	v46 =	vld.idx.msk [tilespmem:v14+s30+$0x0], $0xffff;
	v19 =	vmul.f32 v19, v8;
	v20 =	vmul.f32 v23, v20  }
0x44e: {  	v49 =	vld.idx.msk [tilespmem:v14+s29+$0x0], $0xffff;
	v11 =	vadd.f32 v15, v11;
	v47 =	vmul.f32 v18, v21;
	v48 =	vsub.f32 v28, v6  }
0x44f: {  	v19 =	vmul.f32 v19, v22;
	v17 =	vadd.f32 v20, v17;
	v50 =	vsub.f32 v29, v6;
	v51 =	vld.idx.msk [tilespmem:v25+s29+$0x0], $0xffff  }
0x450: {  	[tilespmem:v5+s7+$0x0] =	vst.idx.msk $0xffff, v11;
	v53 =	vld.idx.msk [tilespmem:v26+s29+$0x0], $0xffff;
	v52 =	vmul.f32 v48, v8;
	v54 =	vsub.f32 v31, v6  }
0x451: {  	v56 =	vld.idx.msk [tilespmem:v25+s30+$0x0], $0xffff;
	v13 =	vadd.f32 v47, v13;
	v55 =	vmul.f32 v50, v8;
	v57 =	vsub.f32 v45, v6  }
0x452: {  	v12 =	vadd.f32 v19, v12;
	v58 =	vld.idx.msk [tilespmem:v26+s30+$0x0], $0xffff;
	v5 =	vmul.f32 v52, v44;
	v59 =	vmul.f32 v54, v8  }
0x453: {  	s13 =	sadd.s32 $0x1, s13;
	[tilespmem:v7+s7+$0x0] =	vst.idx.msk $0xffff, v17;
	v60 =	vmul.f32 v55, v49;
	v6 =	vmul.f32 v57, v8  }
0x454: {  	p0 =	sne.s32 s13, $0x8;
	[tilespmem:v3+s7+$0x0] =	vst.idx.msk $0xffff, v13;
	v3 =	vadd.f32 v5, v30;
	v61 =	vmul.f32 v59, v51  }
.Ltmp21:
0x455: {  	[tilespmem:v4+s7+$0x0] =	vst.idx.msk $0xffff, v12;
	v63 =	vadd.f32 v60, v46;
	v62 =	vmul.f32 v6, v53;
	(pc) =	sbr.rel @p0 .LBB2_40-.Ltmp21, $4  }
0x456: {  	[tilespmem:v10+s7+$0x0] =	vst.idx.msk $0xffff, v3;
	v3 =	vadd.f32 v61, v56  }
0x457: {  	[tilespmem:v9+s7+$0x0] =	vst.idx.msk $0xffff, v63;
	v4 =	vadd.f32 v62, v58  }
0x458: {  	[tilespmem:v27+s7+$0x0] =	vst.idx.msk $0xffff, v3  }
0x459: {  	[tilespmem:v2+s7+$0x0] =	vst.idx.msk $0xffff, v4  }
0x45a: {  	s10 =	simm.s32 $0x0;
	s1 =	rddreg [dreg:$0x15]  }
0x45b: {  	[hbm4b:s1+s10] =	stream.linear.scatter [tilespmem:s10], [sflag:$0x7], $0x4000, $0x38;
	[tilespmem:$0x18900] =	vst v63  }
0x45c: {  	_ =	swait.ge [sflag:s25], $0x4000  }
0x45d: {  	[sflag:s25] =	ssyncset.done $0x0  }
0x45e: {  	[sflag:s25] =	ssyncadd.s32 $0xFFFFC000  }
0x45f: {  	_ =	swait.ge [sflag:s25], $0x4000  }
0x460: {  	[sflag:s25] =	ssyncset.done $0x0  }
0x461: {  	s13 =	simm.s32 $0x0;
	[sflag:s25] =	ssyncadd.s32 $0xFFFFC000  }
.LBB2_46:
0x462: {  	s1 =	sshll.u32 s13, $0x4  }
0x463: {  	v2 =	vld [tilespmem:s1+$0x18300];
	_ =	sdelay $0x3  }
0x464: {  	v4 =	vadd.s32 s10, v0;
	v3 =	vmov s1  }
0x465: {  	v4 =	vand.u32 $0x7F, v4;
	v3 =	vshll.u32 v3, $0x7;
	v6 =	vshll.u32 v2, $0x7  }
0x466: {  	s17 =	simm.s32 $0x3;
	v2 =	vor.u32 v1, v3;
	v5 =	vor.u32 v6, v4  }
0x467: {  	v7 =	vadd.s32 s17, v0;
	s17 =	simm.s32 $0x1;
	v3 =	vor.u32 v2, v4  }
0x468: {  	s31 =	simm.s32 $0x2;
	v7 =	vand.u32 $0x7F, v7;
	v9 =	vadd.s32 s17, v0  }
0x469: {  	v9 =	vand.u32 $0x7F, v9;
	v4 =	vadd.s32 s31, v0;
	v29 =	vor.u32 v2, v7  }
0x46a: {  	v15 =	vor.u32 v2, v9;
	v4 =	vand.u32 $0x7F, v4  }
0x46b: {  	v8 =	vor.u32 v6, v4;
	v10 =	vld.idx.msk [tilespmem:v5+s26+$0x0], $0xffff  }
0x46c: {  	s18 =	simm.s32 $0x4;
	v16 =	vor.u32 v2, v4;
	v5 =	vld.idx.msk [tilespmem:v3+s12+$0x0], $0xffff  }
0x46d: {  	v4 =	vadd.s32 s18, v0;
	v11 =	vld.idx.msk [tilespmem:v3+s14+$0x0], $0xffff  }
0x46e: {  	v4 =	vand.u32 $0x7F, v4;
	v14 =	vld.idx.msk [tilespmem:v29+s12+$0x0], $0xffff  }
0x46f: {  	v17 =	vor.u32 v6, v4;
	v4 =	vor.u32 v2, v4;
	v18 =	vld.idx.msk [tilespmem:v15+s14+$0x0], $0xffff  }
0x470: {  	v13 =	vld.idx.msk [tilespmem:v8+s26+$0x0], $0xffff  }
0x471: {  	v8 =	vor.u32 v6, v9;
	v12 =	vld.idx.msk [tilespmem:v16+s12+$0x0], $0xffff  }
0x472: {  	v9 =	vld.idx.msk [tilespmem:v15+s12+$0x0], $0xffff  }
0x473: {  	v7 =	vor.u32 v6, v7;
	v20 =	vld.idx.msk [tilespmem:v16+s14+$0x0], $0xffff  }
0x474: {  	s21 =	simm.s32 $0x7;
	v28 =	vld.idx.msk [tilespmem:v4+s12+$0x0], $0xffff  }
0x475: {  	s19 =	simm.s32 $0x6;
	v21 =	vadd.s32 s21, v0;
	v30 =	vld.idx.msk [tilespmem:v4+s14+$0x0], $0xffff  }
0x476: {  	v19 =	vadd.s32 s19, v0;
	v21 =	vand.u32 $0x7F, v21;
	s31 =	simm.s32 $0x5;
	v25 =	vadd.f32 v11, v5;
	v23 =	vld.idx.msk [tilespmem:v8+s26+$0x0], $0xffff  }
0x477: {  	v22 =	vadd.s32 s31, v0;
	v5 =	vor.u32 v2, v21;
	v8 =	vand.u32 $0x7F, v19;
	v19 =	vld.idx.msk [tilespmem:v29+s14+$0x0], $0xffff  }
0x478: {  	v26 =	vld.idx.msk [tilespmem:v7+s26+$0x0], $0xffff;
	v24 =	vor.u32 v6, v8;
	v7 =	vor.u32 v2, v8;
	v8 =	vadd.f32 v10, v25  }
0x479: {  	v22 =	vand.u32 $0x7F, v22;
	v10 =	vadd.f32 v18, v9;
	v18 =	vadd.f32 v20, v12  }
0x47a: {  	v11 =	vld.idx.msk [tilespmem:v17+s26+$0x0], $0xffff;
	v17 =	vimm.f32 $0.0e+00;
	v9 =	vor.u32 v2, v22  }
0x47b: {  	s18 =	simm.s32 $0x8;
	v28 =	vadd.f32 v30, v28;
	v25 =	vmul.f32 v8, v8;
	v27 =	vadd.f32 v13, v18  }
0x47c: {  	v20 =	vadd.s32 s18, v0;
	v10 =	vadd.f32 v23, v10;
	v18 =	vadd.f32 v19, v14  }
0x47d: {  	s19 =	simm.s32 $0xB;
	v22 =	vor.u32 v6, v22;
	v13 =	vld.idx.msk [tilespmem:v5+s12+$0x0], $0xffff;
	v19 =	vadd.f32 v8, v17;
	v17 =	vadd.f32 v25, v17  }
0x47e: {  	v32 =	vadd.s32 s19, v0;
	v25 =	vand.u32 $0x7F, v20;
	[tilespmem:v16+s12+$0x0] =	vst.idx.msk $0xffff, v27;
	v12 =	vld.idx.msk [tilespmem:v24+s26+$0x0], $0xffff;
	v23 =	vmul.f32 v10, v10  }
0x47f: {  	v14 =	vld.idx.msk [tilespmem:v7+s12+$0x0], $0xffff;
	[tilespmem:v15+s12+$0x0] =	vst.idx.msk $0xffff, v10;
	v31 =	vadd.f32 v26, v18;
	v10 =	vadd.f32 v10, v19  }
0x480: {  	v24 =	vor.u32 v6, v21;
	v15 =	vld.idx.msk [tilespmem:v9+s12+$0x0], $0xffff;
	v19 =	vadd.f32 v23, v17;
	v23 =	vmul.f32 v27, v27  }
0x481: {  	s31 =	simm.s32 $0xA;
	v18 =	vor.u32 v6, v25;
	v17 =	vld.idx.msk [tilespmem:v9+s14+$0x0], $0xffff;
	v21 =	vadd.f32 v27, v10;
	v33 =	vmul.f32 v31, v31  }
0x482: {  	s21 =	simm.s32 $0x9;
	v20 =	vld.idx.msk [tilespmem:v7+s14+$0x0], $0xffff;
	v10 =	vor.u32 v2, v25;
	v25 =	vadd.s32 s31, v0;
	v19 =	vadd.f32 v23, v19  }
0x483: {  	v16 =	vand.u32 $0x7F, v32;
	v26 =	vadd.s32 s21, v0;
	[tilespmem:v29+s12+$0x0] =	vst.idx.msk $0xffff, v31;
	v27 =	vand.u32 $0x7F, v25;
	v23 =	vld.idx.msk [tilespmem:v22+s26+$0x0], $0xffff  }
0x484: {  	s17 =	simm.s32 $0xC;
	v22 =	vld.idx.msk [tilespmem:v5+s14+$0x0], $0xffff;
	v21 =	vadd.f32 v31, v21;
	v25 =	vor.u32 v6, v27;
	v19 =	vadd.f32 v33, v19  }
.LBB2_47:
0x485: {  	p0 =	slt.u32 s17, $0x7C;
	v26 =	vand.u32 $0x7F, v26;
	v24 =	vld.idx.msk [tilespmem:v24+s26+$0x0], $0xffff;
	[tilespmem:v3+s12+$0x0] =	vst.idx.msk $0xffff, v8;
	v29 =	vmov v5;
	v5 =	vor.u32 v2, v16  }
0x486: {  	v30 =	vor.u32 v2, v27;
	v15 =	vadd.f32 v17, v15;
	v8 =	vadd.f32 v11, v28;
	v11 =	vld.idx.msk [tilespmem:v18+s26+$0x0], $0xffff  }
0x487: {  	v3 =	vmovc v4;
	v4 =	vmov v10;
	v17 =	vor.u32 v2, v26;
	v14 =	vadd.f32 v20, v14;
	v28 =	vld.idx.msk [tilespmem:v10+s12+$0x0], $0xffff  }
0x488: {  	v18 =	vadd.s32 s17, v0;
	v20 =	vadd.f32 v23, v15;
	v31 =	vld.idx.msk [tilespmem:v10+s14+$0x0], $0xffff;
	v10 =	vmul.f32 v8, v8  }
0x489: {  	v23 =	vor.u32 v6, v26;
	v27 =	vadd.f32 v12, v14;
	v15 =	vadd.f32 v22, v13;
	v12 =	vld.idx.msk [tilespmem:v25+s26+$0x0], $0xffff  }
0x48a: {  	v21 =	vadd.f32 v8, v21;
	v13 =	vld.idx.msk [tilespmem:v5+s12+$0x0], $0xffff;
	v10 =	vadd.f32 v10, v19;
	v19 =	vmul.f32 v20, v20  }
0x48b: {  	v22 =	vand.u32 $0x7F, v18;
	v32 =	vadd.f32 v24, v15;
	v14 =	vld.idx.msk [tilespmem:v30+s12+$0x0], $0xffff;
	[tilespmem:v9+s12+$0x0] =	vst.idx.msk $0xffff, v20;
	v9 =	vmov v17  }
0x48c: {  	s1 =	sadd.s32 $0x3, s17;
	v21 =	vadd.f32 v20, v21;
	v15 =	vld.idx.msk [tilespmem:v17+s12+$0x0], $0xffff;
	v10 =	vadd.f32 v19, v10;
	v19 =	vmul.f32 v27, v27  }
.Ltmp22:
0x48d: {  	v33 =	vadd.s32 s1, v0;
	v18 =	vor.u32 v6, v22;
	v24 =	vor.u32 v6, v16;
	v17 =	vld.idx.msk [tilespmem:v17+s14+$0x0], $0xffff;
	(pc) =	sbr.rel @p0 .LBB2_47-.Ltmp22, $4  }
0x48e: {  	s18 =	sadd.s32 $0x2, s17;
	s1 =	sadd.s32 $0x1, s17;
	v16 =	vadd.f32 v27, v21;
	v25 =	vmul.f32 v32, v32;
	v20 =	vld.idx.msk [tilespmem:v30+s14+$0x0], $0xffff;
	v19 =	vadd.f32 v19, v10  }
0x48f: {  	v26 =	vadd.s32 s1, v0;
	v21 =	vadd.s32 s18, v0;
	v10 =	vor.u32 v2, v22;
	v23 =	vld.idx.msk [tilespmem:v23+s26+$0x0], $0xffff;
	[tilespmem:v7+s12+$0x0] =	vst.idx.msk $0xffff, v27  }
0x490: {  	v27 =	vand.u32 $0x7F, v21;
	v21 =	vadd.f32 v32, v16;
	v7 =	vmovc v30;
	v22 =	vld.idx.msk [tilespmem:v5+s14+$0x0], $0xffff;
	v19 =	vadd.f32 v25, v19  }
0x491: {  	s17 =	sadd.s32 $0x4, s17;
	v28 =	vadd.f32 v31, v28;
	v16 =	vand.u32 $0x7F, v33;
	v25 =	vor.u32 v6, v27;
	[tilespmem:v29+s12+$0x0] =	vst.idx.msk $0xffff, v32  }
0x492: {  	_ =	sdelay $0x3  }
0x493: {  	v29 =	vor.u32 v2, v16;
	v24 =	vld.idx.msk [tilespmem:v24+s26+$0x0], $0xffff  }
0x494: {  	v26 =	vand.u32 $0x7F, v26;
	v18 =	vld.idx.msk [tilespmem:v18+s26+$0x0], $0xffff;
	v27 =	vor.u32 v2, v27  }
0x495: {  	v30 =	vld.idx.msk [tilespmem:v10+s12+$0x0], $0xffff;
	v31 =	vor.u32 v2, v26  }
0x496: {  	v62 =	vld.idx.msk [tilespmem:v10+s14+$0x0], $0xffff;
	v15 =	vadd.f32 v17, v15  }
0x497: {  	v17 =	vld.idx.msk [tilespmem:v25+s26+$0x0], $0xffff;
	v11 =	vadd.f32 v11, v28;
	v14 =	vadd.f32 v20, v14  }
0x498: {  	v20 =	vor.u32 v6, v26;
	v25 =	vld.idx.msk [tilespmem:v29+s12+$0x0], $0xffff  }
0x499: {  	v15 =	vadd.f32 v23, v15;
	v23 =	vmul.f32 v11, v11;
	v12 =	vadd.f32 v12, v14;
	v14 =	vld.idx.msk [tilespmem:v27+s12+$0x0], $0xffff  }
0x49a: {  	v13 =	vadd.f32 v22, v13;
	v21 =	vadd.f32 v11, v21;
	v22 =	vld.idx.msk [tilespmem:v31+s12+$0x0], $0xffff  }
0x49b: {  	v6 =	vor.u32 v6, v16;
	v19 =	vadd.f32 v23, v19;
	v23 =	vmul.f32 v15, v15;
	v16 =	vld.idx.msk [tilespmem:v31+s14+$0x0], $0xffff  }
0x49c: {  	v13 =	vadd.f32 v24, v13;
	v21 =	vadd.f32 v15, v21;
	v24 =	vld.idx.msk [tilespmem:v27+s14+$0x0], $0xffff  }
0x49d: {  	v26 =	vadd.f32 v62, v30;
	v20 =	vld.idx.msk [tilespmem:v20+s26+$0x0], $0xffff;
	v19 =	vadd.f32 v23, v19;
	v23 =	vmul.f32 v12, v12  }
0x49e: {  	v63 =	vld.idx.msk [tilespmem:v29+s14+$0x0], $0xffff;
	v21 =	vadd.f32 v12, v21  }
0x49f: {  	v18 =	vadd.f32 v18, v26;
	v19 =	vadd.f32 v23, v19;
	v23 =	vmul.f32 v13, v13  }
0x4a0: {  	v6 =	vld.idx.msk [tilespmem:v6+s26+$0x0], $0xffff;
	v21 =	vadd.f32 v13, v21;
	v16 =	vadd.f32 v16, v22  }
0x4a1: {  	v14 =	vadd.f32 v24, v14;
	v19 =	vadd.f32 v23, v19  }
0x4a2: {  	v22 =	vmul.f32 v18, v18;
	v16 =	vadd.f32 v20, v16;
	v20 =	vadd.f32 v18, v21  }
0x4a3: {  	v14 =	vadd.f32 v17, v14;
	v17 =	vadd.f32 v63, v25  }
0x4a4: {  	v19 =	vadd.f32 v22, v19;
	v21 =	vmul.f32 v16, v16;
	v20 =	vadd.f32 v16, v20  }
0x4a5: {  	v17 =	vadd.f32 v6, v17  }
0x4a6: {  	v6 =	vadd.f32 v21, v19;
	v19 =	vmul.f32 v14, v14;
	v20 =	vadd.f32 v14, v20;
	_ =	sdelay $0x1  }
0x4a7: {  	v6 =	vadd.f32 v19, v6;
	v19 =	vmul.f32 v17, v17;
	v20 =	vadd.f32 v17, v20;
	_ =	sdelay $0x1  }
0x4a8: {  	v19 =	vadd.f32 v19, v6;
	v6 =	vmul.f32 $7.812500000e-03, v20;
	_ =	sdelay $0x1  }
0x4a9: {  	v19 =	vmul.f32 $7.812500000e-03, v19;
	v20 =	vmul.f32 v6, v6;
	_ =	sdelay $0x1  }
0x4aa: {  	v19 =	vsub.f32 v19, v20;
	_ =	sdelay $0x1  }
0x4ab: {  	v19 =	vadd.f32 $9.999999960e-13, v19;
	_ =	sdelay $0x1  }
0x4ac: {  	v20 =	vshra.s32 v19, $0x1;
	v19 =	vmul.f32 $5.000000000e-01, v19  }
0x4ad: {  	v20 =	vsub.s32 $0x5F3759DF, v20  }
0x4ae: {  	v21 =	vmul.f32 v20, v19;
	_ =	sdelay $0x1  }
0x4af: {  	v21 =	vmul.f32 v20, v21;
	_ =	sdelay $0x1  }
0x4b0: {  	v21 =	vsub.f32 $1.500000000e+00, v21;
	_ =	sdelay $0x1  }
0x4b1: {  	[tilespmem:v3+s12+$0x0] =	vst.idx.msk $0xffff, v8;
	s1 =	simm.s32 $0x0;
	v20 =	vmul.f32 v20, v21  }
0x4b2: {  	s17 =	simm.s32 $0x3;
	[tilespmem:v7+s12+$0x0] =	vst.idx.msk $0xffff, v12;
	v7 =	vadd.s32 s1, v0  }
0x4b3: {  	[tilespmem:v4+s12+$0x0] =	vst.idx.msk $0xffff, v11;
	v8 =	vand.u32 $0x7F, v7;
	v7 =	vadd.s32 s17, v0;
	v3 =	vmul.f32 v20, v19  }
0x4b4: {  	[tilespmem:v9+s12+$0x0] =	vst.idx.msk $0xffff, v15;
	v9 =	vand.u32 $0x7F, v7  }
0x4b5: {  	[tilespmem:v5+s12+$0x0] =	vst.idx.msk $0xffff, v13;
	v7 =	vor.u32 v2, v9;
	v3 =	vmul.f32 v3, v20  }
0x4b6: {  	v5 =	vor.u32 v2, v8;
	[tilespmem:v10+s12+$0x0] =	vst.idx.msk $0xffff, v18  }
0x4b7: {  	s18 =	simm.s32 $0x2;
	[tilespmem:v27+s12+$0x0] =	vst.idx.msk $0xffff, v14;
	v3 =	vsub.f32 $1.500000000e+00, v3  }
0x4b8: {  	v4 =	vadd.s32 s18, v0;
	s17 =	simm.s32 $0x1;
	[tilespmem:v31+s12+$0x0] =	vst.idx.msk $0xffff, v16  }
0x4b9: {  	v13 =	vand.u32 $0x7F, v4;
	[tilespmem:v29+s12+$0x0] =	vst.idx.msk $0xffff, v17;
	v14 =	vmul.f32 v3, v20;
	v3 =	vadd.s32 s17, v0  }
0x4ba: {  	v21 =	vld.idx.msk [tilespmem:v7+s12+$0x0], $0xffff;
	v12 =	vand.u32 $0x7F, v3;
	v3 =	vor.u32 v2, v13  }
0x4bb: {  	v20 =	vld.idx.msk [tilespmem:v5+s12+$0x0], $0xffff;
	v10 =	vmul.f32 v14, v19;
	v4 =	vor.u32 v2, v12  }
0x4bc: {  	v11 =	vld.idx.msk [tilespmem:v8+s30+$0x0], $0xffff  }
0x4bd: {  	v15 =	vld.idx.msk [tilespmem:v8+s29+$0x0], $0xffff;
	v10 =	vmul.f32 v10, v14  }
0x4be: {  	s19 =	simm.s32 $0x4;
	v17 =	vld.idx.msk [tilespmem:v9+s30+$0x0], $0xffff  }
0x4bf: {  	s21 =	simm.s32 $0x7;
	v23 =	vsub.f32 v21, v6;
	v8 =	vsub.f32 $1.500000000e+00, v10;
	v18 =	vld.idx.msk [tilespmem:v3+s12+$0x0], $0xffff;
	v10 =	vadd.s32 s19, v0  }
0x4c0: {  	v22 =	vsub.f32 v20, v6;
	v19 =	vld.idx.msk [tilespmem:v4+s12+$0x0], $0xffff;
	v16 =	vand.u32 $0x7F, v10;
	v10 =	vadd.s32 s21, v0  }
0x4c1: {  	v21 =	vld.idx.msk [tilespmem:v13+s29+$0x0], $0xffff;
	v8 =	vmul.f32 v8, v14;
	v14 =	vand.u32 $0x7F, v10;
	v10 =	vor.u32 v2, v16  }
0x4c2: {  	s31 =	simm.s32 $0x6;
	v20 =	vld.idx.msk [tilespmem:v9+s29+$0x0], $0xffff;
	v9 =	vor.u32 v2, v14  }
0x4c3: {  	s1 =	simm.s32 $0x5;
	v25 =	vadd.s32 s31, v0;
	s17 =	simm.s32 $0x8;
	v24 =	vmul.f32 v22, v8;
	v22 =	vld.idx.msk [tilespmem:v12+s29+$0x0], $0xffff;
	v23 =	vmul.f32 v23, v8  }
.LBB2_49:
0x4c4: {  	p0 =	slt.u32 s17, $0x7C;
	v26 =	vadd.s32 s1, v0;
	v18 =	vsub.f32 v18, v6;
	v27 =	vld.idx.msk [tilespmem:v13+s30+$0x0], $0xffff;
	v13 =	vand.u32 $0x7F, v25  }
0x4c5: {  	v19 =	vsub.f32 v19, v6;
	v25 =	vor.u32 v2, v13;
	v28 =	vld.idx.msk [tilespmem:v12+s30+$0x0], $0xffff;
	v12 =	vand.u32 $0x7F, v26  }
0x4c6: {  	v15 =	vmul.f32 v24, v15;
	v26 =	vld.idx.msk [tilespmem:v10+s12+$0x0], $0xffff;
	v29 =	vor.u32 v2, v12;
	v18 =	vmul.f32 v18, v8  }
0x4c7: {  	v19 =	vmul.f32 v19, v8;
	v20 =	vmul.f32 v23, v20;
	v24 =	vld.idx.msk [tilespmem:v9+s12+$0x0], $0xffff  }
0x4c8: {  	v23 =	vadd.f32 v15, v11;
	v11 =	vld.idx.msk [tilespmem:v16+s30+$0x0], $0xffff;
	v21 =	vmul.f32 v18, v21  }
0x4c9: {  	v18 =	vadd.s32 s17, v0;
	v22 =	vmul.f32 v19, v22;
	v17 =	vadd.f32 v20, v17;
	v15 =	vld.idx.msk [tilespmem:v16+s29+$0x0], $0xffff  }
0x4ca: {  	v16 =	vand.u32 $0x7F, v18;
	v18 =	vld.idx.msk [tilespmem:v25+s12+$0x0], $0xffff;
	[tilespmem:v5+s12+$0x0] =	vst.idx.msk $0xffff, v23;
	v20 =	vadd.f32 v21, v27;
	v5 =	vmov v10  }
.Ltmp23:
0x4cb: {  	s1 =	sadd.s32 $0x3, s17;
	v10 =	vor.u32 v2, v16;
	v21 =	vadd.f32 v22, v28;
	v19 =	vld.idx.msk [tilespmem:v29+s12+$0x0], $0xffff;
	[tilespmem:v7+s12+$0x0] =	vst.idx.msk $0xffff, v17;
	(pc) =	sbr.rel @p0 .LBB2_49-.Ltmp23, $4  }
0x4cc: {  	v27 =	vadd.s32 s1, v0;
	v22 =	vsub.f32 v26, v6;
	v17 =	vld.idx.msk [tilespmem:v14+s30+$0x0], $0xffff;
	[tilespmem:v3+s12+$0x0] =	vst.idx.msk $0xffff, v20;
	v3 =	vmov v25  }
0x4cd: {  	v23 =	vsub.f32 v24, v6;
	v20 =	vld.idx.msk [tilespmem:v14+s29+$0x0], $0xffff;
	v14 =	vand.u32 $0x7F, v27;
	[tilespmem:v4+s12+$0x0] =	vst.idx.msk $0xffff, v21;
	v4 =	vmov v29  }
0x4ce: {  	s18 =	sadd.s32 $0x2, s17;
	v7 =	vmov v9;
	v21 =	vld.idx.msk [tilespmem:v13+s29+$0x0], $0xffff;
	v9 =	vor.u32 v2, v14  }
0x4cf: {  	s1 =	sadd.s32 $0x1, s17;
	s17 =	sadd.s32 $0x4, s17;
	v25 =	vadd.s32 s18, v0;
	v24 =	vmul.f32 v22, v8;
	v23 =	vmul.f32 v23, v8;
	v22 =	vld.idx.msk [tilespmem:v12+s29+$0x0], $0xffff  }
0x4d0: {  	_ =	sdelay $0x3  }
0x4d1: {  	v26 =	vadd.s32 s1, v0;
	v25 =	vand.u32 $0x7F, v25;
	v13 =	vld.idx.msk [tilespmem:v13+s30+$0x0], $0xffff  }
0x4d2: {  	v12 =	vld.idx.msk [tilespmem:v12+s30+$0x0], $0xffff;
	v26 =	vand.u32 $0x7F, v26;
	v27 =	vor.u32 v2, v25  }
0x4d3: {  	v28 =	vld.idx.msk [tilespmem:v10+s12+$0x0], $0xffff;
	v2 =	vor.u32 v2, v26  }
0x4d4: {  	v29 =	vld.idx.msk [tilespmem:v9+s12+$0x0], $0xffff  }
0x4d5: {  	v30 =	vld.idx.msk [tilespmem:v16+s30+$0x0], $0xffff  }
0x4d6: {  	v18 =	vsub.f32 v18, v6;
	v44 =	vld.idx.msk [tilespmem:v16+s29+$0x0], $0xffff  }
0x4d7: {  	v19 =	vsub.f32 v19, v6;
	v31 =	vld.idx.msk [tilespmem:v27+s12+$0x0], $0xffff  }
0x4d8: {  	v15 =	vmul.f32 v24, v15;
	v18 =	vmul.f32 v18, v8;
	v45 =	vld.idx.msk [tilespmem:v2+s12+$0x0], $0xffff  }
0x4d9: {  	v46 =	vld.idx.msk [tilespmem:v14+s30+$0x0], $0xffff;
	v19 =	vmul.f32 v19, v8;
	v20 =	vmul.f32 v23, v20  }
0x4da: {  	v49 =	vld.idx.msk [tilespmem:v14+s29+$0x0], $0xffff;
	v11 =	vadd.f32 v15, v11;
	v47 =	vmul.f32 v18, v21;
	v48 =	vsub.f32 v28, v6  }
0x4db: {  	v19 =	vmul.f32 v19, v22;
	v17 =	vadd.f32 v20, v17;
	v50 =	vsub.f32 v29, v6;
	v51 =	vld.idx.msk [tilespmem:v25+s29+$0x0], $0xffff  }
0x4dc: {  	[tilespmem:v5+s12+$0x0] =	vst.idx.msk $0xffff, v11;
	v53 =	vld.idx.msk [tilespmem:v26+s29+$0x0], $0xffff;
	v52 =	vmul.f32 v48, v8;
	v54 =	vsub.f32 v31, v6  }
0x4dd: {  	v56 =	vld.idx.msk [tilespmem:v25+s30+$0x0], $0xffff;
	v13 =	vadd.f32 v47, v13;
	v55 =	vmul.f32 v50, v8;
	v57 =	vsub.f32 v45, v6  }
0x4de: {  	v12 =	vadd.f32 v19, v12;
	v58 =	vld.idx.msk [tilespmem:v26+s30+$0x0], $0xffff;
	v5 =	vmul.f32 v52, v44;
	v59 =	vmul.f32 v54, v8  }
0x4df: {  	s13 =	sadd.s32 $0x1, s13;
	[tilespmem:v7+s12+$0x0] =	vst.idx.msk $0xffff, v17;
	v60 =	vmul.f32 v55, v49;
	v6 =	vmul.f32 v57, v8  }
0x4e0: {  	p0 =	sne.s32 s13, $0x8;
	[tilespmem:v3+s12+$0x0] =	vst.idx.msk $0xffff, v13;
	v3 =	vadd.f32 v5, v30;
	v61 =	vmul.f32 v59, v51  }
.Ltmp24:
0x4e1: {  	[tilespmem:v4+s12+$0x0] =	vst.idx.msk $0xffff, v12;
	v63 =	vadd.f32 v60, v46;
	v62 =	vmul.f32 v6, v53;
	(pc) =	sbr.rel @p0 .LBB2_46-.Ltmp24, $4  }
0x4e2: {  	[tilespmem:v10+s12+$0x0] =	vst.idx.msk $0xffff, v3;
	v3 =	vadd.f32 v61, v56  }
0x4e3: {  	[tilespmem:v9+s12+$0x0] =	vst.idx.msk $0xffff, v63;
	v4 =	vadd.f32 v62, v58  }
0x4e4: {  	[tilespmem:v27+s12+$0x0] =	vst.idx.msk $0xffff, v3  }
0x4e5: {  	[tilespmem:v2+s12+$0x0] =	vst.idx.msk $0xffff, v4  }
0x4e6: {  	s1 =	rddreg [dreg:$0x16]  }
0x4e7: {  	[hbm4b:s1+s7] =	stream.linear.scatter [tilespmem:s12], [sflag:$0x8], $0x4000, $0x38;
	[tilespmem:$0x18900] =	vst v63  }
0x4e8: {  	_ =	swait.ge [sflag:s5], $0x4000  }
0x4e9: {  	[sflag:s5] =	ssyncset.done $0x0  }
0x4ea: {  	[sflag:s5] =	ssyncadd.s32 $0xFFFFC000  }
0x4eb: {  	_ =	swait.ge [sflag:s28], $0x4000  }
0x4ec: {  	[sflag:s28] =	ssyncset.done $0x0  }
0x4ed: {  	[sflag:s28] =	ssyncadd.s32 $0xFFFFC000  }
0x4ee: {  	_ =	swait.ge [sflag:s23], $0x4000  }
0x4ef: {  	s4 =	sadd.s32 $0x1, s4;
	s31 =	rddreg [dreg:$0x17]  }
0x4f0: {  	p0 =	sne.s32 s4, s31  }
.Ltmp25:
0x4f1: {  	_ = 	snop;
	(pc) =	sbr.rel @p0 .LBB2_1-.Ltmp25, $3  }
0x4f2: {  	_ =	sdelay $0x1  }
0x4f3: {  	[sflag:s23] =	ssyncset.done $0x0  }
0x4f4: {  	[sflag:s23] =	ssyncadd.s32 $0xFFFFC000  }
0x4f5: {  	_ =	sfence.sel $0x180000  }
0x4f6: {  	[bflag:$0x0] =	sbarrier.arrive $0xFFFF  }
0x4f7: {  	_ =	strace $0x90000047  }
0x4f8: {  	s0 =	stileid.u32;
	[bflag:$0x2] =	sbarrier.arrive $0xFFFF  }
0x4f9: {  	p0 =	sne.s32 s0, $0x0;
	s0 =	rddreg [dreg:$0x6]  }
0x4fa: {  	s0 =	sadd.s32 @!p0 $0x100000, s0  }
0x4fb: {  	[sflag:s0] =	ssyncadd.tile.s32 @!p0 $0x1;
	_ =	shalt  }
.Lfunc_end2:
_tile_overlayer_lowered:
.L_overlay_start_2:
0x4fc: {  	(tag) =	ssettag $0x2  }
0x4fd: {  	s0 =	rddreg [dreg:$0x0];
	s2 =	stileid.u32  }
0x4fe: {  	s1 =	rddreg [dreg:$0x1];
	p0 =	sne.s32 s2, $0x0  }
0x4ff: {  	s3 =	rddreg [dreg:$0x2];
	[bflag:$0x3] =	sbarrier.arrive $0xFFFF;
	s2 =	simm.s32 @!p0 $0x1C0A  }
0x500: {  	[timem:s3], [sflag:s2] =	dma.local @!p0 [hbm:s0], s1  }
0x501: {  	s0 =	simm.s32 @!p0 $0xA  }
0x502: {  	_ =	swait.ge @!p0 [sflag:s0], s1  }
0x503: {  	s1 =	ssub.s32 @!p0 $0x0, s1;
	[sflag:s0] =	ssyncset.done @!p0 $0x0  }
0x504: {  	[sflag:s0] =	ssyncadd.s32 @!p0 s1  }
0x505: {  	[bflag:$0x3] =	sbarrier.arrive $0xFFFF  }
0x506: {  	_ =	shalt  }

// kernel: sparse-core-data-format-call.cloned.1.call-start
scs
called_computation_lowered:
.L_overlay_start_0:
0x0: {  	s2 =	sld [smem:$0x3FD9]  }
0x1: {  	s3 =	sld [smem:$0x3FFE];
	_ =	sdelay $0x1  }
0x2: {  	s1 =	srdreg.scid  }
0x3: {  	s0 =	sand.u32 $0x1, s1  }
0x4: {  	s15 =	sshll.u32 s0, $0xA;
	s2 =	sadd.s32 s3, s2  }
0x5: {  	s2 =	sadd.s32 s2, s15  }
0x6: {  	[smem:$0x3FB0] =	sst s2  }
0x7: {  	_ = 	snop  }
0x8: {  	s2 =	sld [smem:$0x3FD0];
	_ =	sdelay $0x2  }
0x9: {  	s16 =	simm.s32 $0xA;
	s4 =	simm.s32 $0x10  }
0xa: {  	[smem:s4], [sflag:s16] =	dma.local [hbm:s2], $0x1  }
0xb: {  	_ =	swait.eq [sflag:s16], $0x1  }
0xc: {  	[sflag:s16] =	ssyncset.done $0x0  }
0xd: {  	[sflag:s16] =	ssyncadd.s32 $0xFFFFFFFF  }
0xe: {  	s17 =	sld [smem:$0x10];
	(tm) =	ssettm $0x1  }
0xf: {  	s18 =	sld [smem:$0x3FFB];
	_ =	sdelay $0x3  }
0x10: {  	_ =	strace s18  }
0x11: {  	s3 =	sld [smem:$0x3FFC];
	_ =	sdelay $0x3  }
0x12: {  	_ =	strace s3  }
0x13: {  	s3 =	sld [smem:$0x3FFD];
	_ =	sdelay $0x3  }
0x14: {  	_ =	strace s3  }
0x15: {  	_ =	strace $0x8FFFFFFF  }
0x16: {  	s19 =	sld [smem:$0x3FDB];
	_ =	sdelay $0x1  }
0x17: {  	s20 =	simm.s32 $_scs_section_size  }
0x18: {  	s5 =	simm.s32 $_size__tile_overlayer_lowered;
	s6 =	simm.s32 $_tile_overlayer_lowered  }
0x19: {  	s23 =	simm.s32 $0x1BFF;
	s22 =	sshll.u32 s6, $0x1;
	s3 =	sadd.s32 s20, s19  }
0x1a: {  	s7 =	simm.s32 $0x0;
	s21 =	sshll.u32 s5, $0x1;
	s5 =	sadd.s32 s22, s3  }
0x1b: {  	[timem:s7], [sflag:s23] =	dma.local [hbm:s5], s21  }
0x1c: {  	_ =	swait.ge [sflag:s23], s21  }
0x1d: {  	s4 =	ssub.s32 $0x0, s21;
	[sflag:s23] =	ssyncset.done $0x0  }
0x1e: {  	[sflag:s23] =	ssyncadd.s32 s4;
	_ =	sdelay $0x1  }
0x1f: {  	s24 =	simm.s32 $0x1B8B  }
0x20: {  	_ =	swait.ge [sflag:s24], $0x1  }
0x21: {  	[sflag:s24] =	ssyncset.done $0x0  }
0x22: {  	s26 =	simm.s32 $0x1B8E;
	s25 =	sld [smem:$0x3FFE];
	[sflag:s24] =	ssyncadd.s32 $0xFFFFFFFF  }
0x23: {  	s27 =	simm.s32 $execute0_lowered;
	[smem:$0x3FD2] =	sst s26  }
0x24: {  	s5 =	sshll.u32 s27, $0x1;
	_ =	strace $0x80000049;
	[dreg:$0x1] =	wrdreg $0xFFFFFFFF  }
0x25: {  	s28 =	simm.s32 $_size_execute0_lowered;
	s3 =	sadd.s32 s3, s5;
	[dreg:$0x0] =	wrdreg $0x0  }
0x26: {  	s5 =	sshll.u32 s28, $0x1;
	[dreg:$0x2] =	wrdreg s3  }
0x27: {  	[dreg:$0x3] =	wrdreg s5  }
0x28: {  	[dreg:$0x4] =	wrdreg $0xC0  }
0x29: {  	_ =	task [dreg:s7], $0x5FFFF  }
0x2a: {  	[dreg:$0x1] =	wrdreg $0xFFFFFFFF  }
0x2b: {  	[dreg:$0x0] =	wrdreg $0x60  }
0x2c: {  	[dreg:$0x2] =	wrdreg s25  }
0x2d: {  	[dreg:$0x3] =	wrdreg s17  }
0x2e: {  	[dreg:$0x4] =	wrdreg $0x9  }
0x2f: {  	_ =	task.clear_ibuf [dreg:s7], $0x5FFFF;
	_ =	strace $0x90000049  }
0x30: {  	s29 =	simm.s32 $0x9;
	_ =	strace $0x8000004B  }
0x31: {  	_ =	swait.ge [sflag:s29], $0x1  }
0x32: {  	[sflag:s29] =	ssyncadd.s32 $0xFFFFFFFF  }
0x33: {  	_ =	strace $0x9000004B  }
0x34: {  	_ =	sfence  }
0x35: {  	s30 =	sld [smem:$0x0];
	_ =	sdelay $0x2  }
0x36: {  	s31 =	sshll.u32 s1, $0xD;
	s1 =	sshrl.u32 s1, $0x2  }
0x37: {  	s3 =	sand.u32 $0x4000, s31;
	s1 =	sadd.s32 s1, s30  }
0x38: {  	s0 =	sor.u32 s3, s0;
	s1 =	sshll.u32 s1, $0x11  }
0x39: {  	s0 =	sor.u32 s1, s0  }
0x3a: {  	s0 =	sadd.s32 $0x8F2B, s0  }
0x3b: {  	[sflag:s0] =	ssyncadd.remote.s32 $0x1  }
0x3c: {  	_ =	sfence.sel $0xFFFF  }
0x3d: {  	[dreg:$0x0] =	wrdreg $0xFFFFFFFF;
	(pc) =	sbr.abs _section_cstart, $3  }
0x3e: {  	[dreg:$0x1] =	wrdreg $0xFFFFFFFF  }
0x3f: {  	_ =	task.clear_ibuf [dreg:s7], $0x2FFFF;
	_ =	strace $0x9FFFFFFF  }
0x40: {  	(tm) =	ssettm $0x7FFFFFFF  }
0x41: {  	_ =	shalt  }
tec
execute0_lowered:
.L_overlay_start_1:
0x0: {  	(tag) =	ssettag $0x1  }
0x1: {  	s0 =	srdreg.scid  }
0x2: {  	s1 =	sshll.u32 s0, $0x4  }
0x3: {  	s0 =	stileid.u32;
	s1 =	sand.u32 $0x10, s1  }
0x4: {  	s1 =	sor.u32 s0, s1  }
0x5: {  	s6 =	rddreg [dreg:$0x0];
	s4 =	simm.s32 $0x1;
	s2 =	sshll.u32 s1, $0x6  }
0x6: {  	s7 =	simm.s32 $0x2;
	s13 =	simm.s32 $0x0;
	s1 =	ssub.s32 $0x1000, s2  }
0x7: {  	s8 =	simm.s32 $0x2000;
	s9 =	simm.s32 $0x80000;
	s3 =	sand.u32 $0x7C0, s1  }
0x8: {  	s14 =	simm.s32 $0x0;
	s5 =	sshrl.u32 s1, $0xB;
	p0 =	sne.s32 s3, $0x0  }
.Ltmp0:
0x9: {  	s1 =	rddreg [dreg:$0x2];
	s4 =	simm.s32 @!p0 $0x0;
	(pc) =	sbr.rel .LBB1_1-.Ltmp0, $4  }
0xa: {  	s10 =	simm.s32 $0x0;
	s3 =	rddreg [dreg:$0x1];
	s5 =	sadd.s32 s4, s5  }
0xb: {  	_ =	strace $0x8000004A;
	s4 =	simm.s32 $0x1;
	s5 =	smul.u32 $0x1F, s5  }
0xc: {  	s12 =	simm.s32 $0x0;
	s6 =	sadd.s32 $0x23A00, s6;
	[sflag:s4] =	ssyncpa.u1 $0x0  }
0xd: {  	s11 =	smov.u32 s2;
	[sflag:s7] =	ssyncpa.u1 $0x0;
	s7 =	sadd.s32 $0x1, s5  }
.LBB1_7:
0xe: {  	s15 =	sadd.s32 $0x2, s10  }
0xf: {  	s13 =	sadd.s32 $0x800, s11;
	s17 =	smov.u32 s11;
	p1 =	sgt.s32 s15, $0x3D  }
0x10: {  	s17 =	smov.u32 @p1 s13  }
0x11: {  	s15 =	simm.s32 @p1 $0x0;
	p1 =	sgt.s32 s17, $0xFFF  }
0x12: {  	s17 =	smov.u32 @p1 s2;
	p1 =	sne.s32 s12, s7  }
.Ltmp1:
0x13: {  	p0 =	slt.u32 s12, $0x2;
	(pc) =	sbr.rel @!p1 .LBB1_8-.Ltmp1, $4  }
0x14: {  	s16 =	simm.s32 @!p0 $0x2  }
0x15: {  	s14 =	smov.u32 s11;
	_ =	swait.ge @!p0 [sflag:s16], $0x4000  }
0x16: {  	s13 =	smov.u32 s10;
	[sflag:s16] =	ssyncset.done @!p0 $0x0;
	s10 =	smov.u32 s15  }
0x17: {  	s12 =	sadd.s32 $0x1, s12;
	[sflag:s16] =	ssyncadd.s32 @!p0 $0xFFFFC000;
	s11 =	smov.u32 s17  }
.LBB1_1:
0x18: {  	p0 =	sge.u32 s12, s5  }
0x19: {  	s31 =	sadd.s32 $0xFFFFFFFF, s12;
	s15 =	sxor.u32 @!p0 $0xFFFFFFFF, s12  }
0x1a: {  	s16 =	sshll.u32 @!p0 s11, $0xA;
	s17 =	sshll.u32 @!p0 s10, $0x4;
	s18 =	simm.s32 @!p0 $0x2000  }
0x1b: {  	s15 =	sshll.u32 @!p0 s15, $0xE;
	s17 =	sand.u32 @!p0 $0x3F0, s17;
	s16 =	sadd.s32 @!p0 s6, s16  }
0x1c: {  	s15 =	sand.u32 @!p0 $0x4000, s15;
	s16 =	sadd.s32 @!p0 s17, s16;
	s17 =	simm.s32 @!p0 $0x100  }
0x1d: {  	[tilespmem:s15], [sflag:$0x1] =	stream.strided.gather @!p0 [hbm4b:s16+s17], $0x4000, s18, s17, $0x38;
	[tilespmem:$0x10000] =	vst v63  }
0x1e: {  	p0 =	sge.u32 s31, s5  }
.Ltmp2:
0x1f: {  	_ = 	snop;
	(pc) =	sbr.rel @p0 .LBB1_7-.Ltmp2, $1  }
0x20: {  	_ =	sdelay $0x3  }
0x21: {  	_ =	swait.ge [sflag:s4], $0x4000;
	s15 =	sshll.u32 s12, $0xE  }
0x22: {  	[sflag:s4] =	ssyncset.done $0x0;
	s16 =	sand.u32 $0x4000, s15  }
0x23: {  	s17 =	simm.s32 $0x0;
	[sflag:s4] =	ssyncadd.s32 $0xFFFFC000;
	s15 =	sor.u32 $0x8000, s16  }
.LBB1_3:
0x24: {  	s18 =	sshll.u32 s17, $0x8  }
0x25: {  	s18 =	sand.u32 $0x3FFFFF00, s18  }
0x26: {  	s19 =	sshll.u32 s17, $0x7;
	s18 =	sadd.s32 s18, s16  }
0x27: {  	s19 =	sand.u32 $0x3FFFFF80, s19;
	v0 =	vmov s18  }
0x28: {  	s19 =	sadd.s32 s19, s15  }
0x29: {  	p0 =	por $0x1, $0x1;
	v1 =	vmov s19;
	s18 =	simm.s32 $0x0  }
.LBB1_4:
0x2a: {  	s19 =	sshll.u32 s18, $0x7  }
0x2b: {  	s19 =	sand.u32 $0x3FFFFF80, s19  }
0x2c: {  	v2 =	vld.idx.msk [tilespmem:v0+s19+$0x0 ss:$0x1], $0xffff  }
0x2d: {  	v3 =	vld.idx.msk [tilespmem:v0+s19+$0x10 ss:$0x1], $0xffff  }
0x2e: {  	v4 =	vld.idx.msk [tilespmem:v0+s19+$0x20 ss:$0x1], $0xffff  }
0x2f: {  	s31 =	sshll.u32 s18, $0xD;
	v5 =	vld.idx.msk [tilespmem:v0+s19+$0x30 ss:$0x1], $0xffff  }
0x30: {  	s18 =	sand.u32 $0x3FFFE000, s31;
	v6 =	vld.idx.msk [tilespmem:v0+s19+$0x40 ss:$0x1], $0xffff  }
0x31: {  	v63 =	vld.idx.msk [tilespmem:v0+s19+$0x70 ss:$0x1], $0xffff;
	[tilespmem:v1+s18+$0x0 ss:$0x1] =	vst.idx.msk $0xffff, v2  }
0x32: {  	v2 =	vld.idx.msk [tilespmem:v0+s19+$0x50 ss:$0x1], $0xffff;
	[tilespmem:v1+s18+$0x10 ss:$0x1] =	vst.idx.msk $0xffff, v3  }
0x33: {  	p1 =	por p0, p0;
	v3 =	vld.idx.msk [tilespmem:v0+s19+$0x60 ss:$0x1], $0xffff;
	[tilespmem:v1+s18+$0x20 ss:$0x1] =	vst.idx.msk $0xffff, v4  }
.Ltmp3:
0x34: {  	[tilespmem:v1+s18+$0x30 ss:$0x1] =	vst.idx.msk $0xffff, v5;
	(pc) =	sbr.rel @p1 .LBB1_4-.Ltmp3, $4  }
0x35: {  	[tilespmem:v1+s18+$0x40 ss:$0x1] =	vst.idx.msk $0xffff, v6  }
0x36: {  	[tilespmem:v1+s18+$0x70 ss:$0x1] =	vst.idx.msk $0xffff, v63  }
0x37: {  	[tilespmem:v1+s18+$0x50 ss:$0x1] =	vst.idx.msk $0xffff, v2  }
0x38: {  	p0 =	por $0x0, $0x0;
	[tilespmem:v1+s18+$0x60 ss:$0x1] =	vst.idx.msk $0xffff, v3;
	s18 =	simm.s32 $0x1  }
0x39: {  	s17 =	sadd.s32 $0x1, s17  }
0x3a: {  	p0 =	sne.s32 s17, $0x40  }
.Ltmp4:
0x3b: {  	_ = 	snop;
	(pc) =	sbr.rel @p0 .LBB1_3-.Ltmp4, $1  }
0x3c: {  	_ =	sdelay $0x3  }
.Ltmp5:
0x3d: {  	s14 =	sshll.u32 s14, $0x4;
	(pc) =	sbr.rel .LBB1_7-.Ltmp5, $4  }
0x3e: {  	s14 =	sand.u32 $0xFFF0, s14  }
0x3f: {  	s13 =	sshll.u32 s13, $0x10;
	s14 =	sadd.s32 s3, s14  }
0x40: {  	s13 =	sadd.s32 s13, s14  }
0x41: {  	[hbm4b:s13+s8] =	stream.strided.scatter [tilespmem:s15], [sflag:$0x2], $0x4000, s9, s8, $0x38;
	[tilespmem:$0x10000] =	vst v63  }
.LBB1_8:
0x42: {  	_ =	sfence.sel $0x180000  }
0x43: {  	s2 =	simm.s32 $0x1;
	[bflag:$0x0] =	sbarrier.arrive $0xFFFF  }
0x44: {  	s31 =	simm.s32 $0x2;
	[sflag:s2] =	ssyncpa.u1 $0x1  }
0x45: {  	[sflag:s31] =	ssyncpa.u1 $0x1  }
0x46: {  	p0 =	sne.s32 s0, $0x0;
	_ =	strace $0x9000004A  }
0x47: {  	s0 =	sadd.s32 @!p0 $0x100000, s1;
	[bflag:$0x2] =	sbarrier.arrive $0xFFFF  }
0x48: {  	[sflag:s0] =	ssyncadd.tile.s32 @!p0 $0x1;
	_ =	shalt  }
.Lfunc_end1:
_tile_overlayer_lowered:
.L_overlay_start_2:
0x49: {  	(tag) =	ssettag $0x2  }
0x4a: {  	s0 =	rddreg [dreg:$0x0];
	s2 =	stileid.u32  }
0x4b: {  	s1 =	rddreg [dreg:$0x1];
	p0 =	sne.s32 s2, $0x0  }
0x4c: {  	s3 =	rddreg [dreg:$0x2];
	[bflag:$0x3] =	sbarrier.arrive $0xFFFF;
	s2 =	simm.s32 @!p0 $0x1C01  }
0x4d: {  	[timem:s3], [sflag:s2] =	dma.local @!p0 [hbm:s0], s1  }
0x4e: {  	s0 =	simm.s32 @!p0 $0x1  }
0x4f: {  	_ =	swait.ge @!p0 [sflag:s0], s1  }
0x50: {  	s1 =	ssub.s32 @!p0 $0x0, s1;
	[sflag:s0] =	ssyncset.done @!p0 $0x0  }
0x51: {  	[sflag:s0] =	ssyncadd.s32 @!p0 s1  }
0x52: {  	[bflag:$0x3] =	sbarrier.arrive $0xFFFF  }
0x53: {  	_ =	shalt  }

</sc_bundles>
